<compile_context>
chip_gen: v7x
topology: tpu7x:2x2x1
jax: 0.10.2.dev20260603
libtpu: 0.0.44.dev20260713+nightly
codegen_flags: <defaults>
</compile_context>

<pallas_src>
import functools

import jax
import jax.numpy as jnp
from jax import lax
from jax.experimental import pallas as pl
from jax.experimental.pallas import tpu as pltpu
from jax.experimental.pallas import tpu_sc as plsc

N = 10000
E = 160000
H = 32
NC = 2
NS = 16
NW = NC * NS
C = 40
CH_PER_W = E // (NW * C)
N_PAD = 10240
RPT = N_PAD // NS
ZR = 128

_mesh = plsc.VectorSubcoreMesh(
    core_axis_name="c", subcore_axis_name="s", num_cores=NC, num_subcores=NS
)


@functools.partial(
    pl.kernel,
    out_type=jax.ShapeDtypeStruct((NC * N_PAD * H // 128, 128), jnp.float32),
    mesh=_mesh,
    scratch_types=[
        pltpu.VMEM((C, 8, 128), jnp.float32),
        pltpu.VMEM((C, 8, 128), jnp.float32),
        pltpu.VMEM((C, 128), jnp.float32),
        pltpu.VMEM((C, 128), jnp.float32),
        pltpu.VMEM((C, H), jnp.float32),
        pltpu.VMEM((CH_PER_W, C), jnp.int32),
        pltpu.VMEM((C,), jnp.int32),
        pltpu.VMEM((C,), jnp.int32),
        pltpu.VMEM((64, H), jnp.float32),
        pltpu.VMEM((16, 128), jnp.float32),
        pltpu.VMEM_SHARED((N_PAD, H), jnp.float32),
        pltpu.SemaphoreType.DMA,
        pltpu.SemaphoreType.DMA,
        pltpu.SemaphoreType.DMA,
        pltpu.SemaphoreType.DMA,
        pltpu.SemaphoreType.DMA,
        pltpu.SemaphoreType.DMA,
    ],
    compiler_params=pltpu.CompilerParams(use_tc_tiling_on_sc=False),
)
def _sc_edge_kernel(feat_hbm, src_hbm, dst_hbm, w_hbm, out_hbm,
                    wbuf0, wbuf1, xr0, xr1, msg, sidx, didx0, didx1,
                    b_in, b_out, accum,
                    semw0, semw1, semg0, semg1, semd0, semd1):
    cid = lax.axis_index("c")
    sid = lax.axis_index("s")
    wid = sid * NC + cid
    zero16 = jnp.zeros((16,), jnp.float32)
    wbuf = (wbuf0, wbuf1)
    xr = (xr0, xr1)
    didx = (didx0, didx1)
    semw = (semw0, semw1)
    semg = (semg0, semg1)
    semd = (semd0, semd1)

    pltpu.sync_copy(src_hbm.at[pl.ds(wid * CH_PER_W, CH_PER_W), pl.ds(0, C)],
                    sidx)

    def start_chunk(k, b):
        base = (wid * CH_PER_W + k) * C
        pltpu.async_copy(w_hbm.at[pl.ds(base, C)], wbuf[b], semw[b])
        pltpu.async_copy(feat_hbm.at[sidx.at[k]], xr[b], semg[b])
        pltpu.async_copy(dst_hbm.at[wid * CH_PER_W + k, pl.ds(0, C)],
                         didx[b], semd[b])

    def wait_chunk(k, b):
        base = (wid * CH_PER_W + k) * C
        pltpu.make_async_copy(w_hbm.at[pl.ds(base, C)], wbuf[b], semw[b]).wait()
        pltpu.make_async_copy(feat_hbm.at[sidx.at[k]], xr[b], semg[b]).wait()

    def wait_didx(k, b):
        pltpu.make_async_copy(dst_hbm.at[wid * CH_PER_W + k, pl.ds(0, C)],
                              didx[b], semd[b]).wait()

    start_chunk(0, 0)

    def zrow(r, carry):
        msg[r, pl.ds(0, 16)] = zero16
        msg[r, pl.ds(16, 16)] = zero16
        return carry

    lax.fori_loop(0, C, zrow, 0)
    for q in range(RPT // C):
        pltpu.sync_copy(msg, accum.at[pl.ds(sid * RPT + q * C, C)])
    plsc.subcore_barrier()

    def compute_chunk(k, b):
        wb = wbuf[b]
        xb = xr[b]

        def edge_body(e, ecarry):
            a0 = zero16
            a1 = zero16
            a2 = zero16
            a3 = zero16
            x0 = xb[e, pl.ds(0, 16)]
            x1 = xb[e, pl.ds(16, 16)]
            for i in range(H):
                x = x0[i] if i < 16 else x1[i - 16]
                wlo = wb[e, i // 4, pl.ds((i % 4) * H, 16)]
                whi = wb[e, i // 4, pl.ds((i % 4) * H + 16, 16)]
                if i % 2 == 0:
                    a0 = a0 + x * wlo
                    a1 = a1 + x * whi
                else:
                    a2 = a2 + x * wlo
                    a3 = a3 + x * whi
            msg[e, pl.ds(0, 16)] = a0 + a2
            msg[e, pl.ds(16, 16)] = a1 + a3
            return ecarry

        lax.fori_loop(0, C, edge_body, 0)
        wait_didx(k, b)
        pltpu.sync_copy(msg, accum.at[didx[b]], add=True)

    def pair_body(k2, carry):
        for b in range(2):
            k = 2 * k2 + b
            start_chunk(k + 1, 1 - b)
            wait_chunk(k, b)
            compute_chunk(k, b)
        return carry

    lax.fori_loop(0, (CH_PER_W - 1) // 2, pair_body, 0)
    wait_chunk(CH_PER_W - 1, 0)
    compute_chunk(CH_PER_W - 1, 0)

    plsc.subcore_barrier()

    def repack(rr, carry):
        lo = b_in[rr, pl.ds(0, 16)]
        hi = b_in[rr, pl.ds(16, 16)]
        b_out[rr // 4, pl.ds((rr % 4) * H, 16)] = lo
        b_out[rr // 4, pl.ds((rr % 4) * H + 16, 16)] = hi
        return carry

    for q in range(RPT // 64):
        r0 = sid * RPT + q * 64
        pltpu.sync_copy(accum.at[pl.ds(r0, 64)], b_in)
        lax.fori_loop(0, 64, repack, 0)
        orow = (cid * N_PAD + r0) * H // 128
        pltpu.sync_copy(b_out, out_hbm.at[pl.ds(orow, 16)])


def _combine_body(f_ref, p_ref, o_ref):
    o_ref[...] = (f_ref[...] + p_ref[0] + p_ref[1]) * 0.5


_combine = pl.pallas_call(
    _combine_body,
    out_shape=jax.ShapeDtypeStruct((N * H // 128, 128), jnp.float32),
)


def kernel(feature, edge_index, edge_weight, W1, b1, W2, b2):
    src = jnp.pad(edge_index[0].reshape(E // C, C), ((0, 0), (0, 128 - C)))
    dst = jnp.pad(edge_index[1].reshape(E // C, C), ((0, 0), (0, 128 - C)))
    w3 = edge_weight.reshape(E, 8, 128)
    feat_p = jnp.pad(feature, ((0, 0), (0, 128 - H)))
    partial = _sc_edge_kernel(feat_p, src, dst, w3)
    p3 = partial.reshape(NC, N_PAD * H // 128, 128)[:, :N * H // 128, :]
    f2 = feature.reshape(N * H // 128, 128)
    out = _combine(f2, p3)
    return out.reshape(N, H)

# --- scband reference (transcript-rebuilt; emitter-appended) ---
"""Pipeline reference for scband-weighted-conv-24386824306930 (READ-ONLY COPY).

The authoritative reference and input builder live on the scoring server;
editing this copy changes nothing except your own understanding.
"""

import jax, jax.numpy as jnp
import numpy as np

N_NODES = 10000
N_EDGES = 160000
H = 32


def setup_inputs(seed: int = 0) -> dict:
    key = jax.random.key(seed)
    k1, k2, k3, k4, k5 = jax.random.split(key, 5)
    feature = jax.random.normal(k1, (N_NODES, H), dtype=jnp.float32)
    edge_index = jax.random.randint(k2, (2, N_EDGES), 0, N_NODES, dtype=jnp.int32)
    edge_weight = jax.random.normal(k3, (N_EDGES, H, H), dtype=jnp.float32) * 0.1
    # MLP([2h, 2h, h]) params: Linear(2h,2h) -> Tanh -> Linear(2h,h)
    W1 = jax.random.normal(k4, (2 * H, 2 * H), dtype=jnp.float32) * 0.05
    b1 = jnp.zeros((2 * H,), dtype=jnp.float32)
    W2 = jax.random.normal(k5, (H, 2 * H), dtype=jnp.float32) * 0.05
    b2 = jnp.zeros((H,), dtype=jnp.float32)
    return {
        "feature": feature,
        "edge_index": edge_index,
        "edge_weight": edge_weight,
        "W1": W1,
        "b1": b1,
        "W2": W2,
        "b2": b2,
    }


def reference(feature, edge_index, edge_weight, W1, b1, W2, b2):
    src = edge_index[0]
    dst = edge_index[1]
    # udf_u_mm_e: per-edge message = src_feature @ edge_weight matrix
    msg = jnp.einsum("ei,eij->ej", jnp.take(feature, src, axis=0), edge_weight)
    # dgl.function.sum('message', 'aggregate'): scatter-add by destination node
    aggregate = jax.ops.segment_sum(msg, dst, num_segments=N_NODES)
    # MLP branch (computed in the original module, then its result is overwritten)
    cat = jnp.concatenate([feature, aggregate], axis=-1)
    h1 = jnp.tanh(cat @ W1.T + b1)
    mlp_out = h1 @ W2.T + b2  # dead value, kept for faithfulness
    # the original forward overwrites output with the residual average
    output = (feature + aggregate) / 2.0
    return output

if __name__ == "__main__":
    import jax
    _d = setup_inputs()
    print(jax.jit(kernel)(*tuple(_d.values())))

</pallas_src>

<mosaic_0001>
#map = affine_map<(d0, d1) -> (0, 0)>
#map1 = affine_map<(d0, d1) -> (0, 0, 0)>
module attributes {stable_mosaic.version = 14 : i64} {
  func.func @_sc_edge_kernel(%arg0: i32, %arg1: i32, %arg2: memref<10000x128xf32, #tpu.memory_space<hbm>>, %arg3: memref<4000x128xi32, #tpu.memory_space<hbm>>, %arg4: memref<4000x128xi32, #tpu.memory_space<hbm>>, %arg5: memref<160000x8x128xf32, #tpu.memory_space<hbm>>, %arg6: memref<5120x128xf32, #tpu.memory_space<hbm>>, %arg7: memref<40x8x128xf32, #tpu.memory_space<vmem>>, %arg8: memref<40x8x128xf32, #tpu.memory_space<vmem>>, %arg9: memref<40x128xf32, #tpu.memory_space<vmem>>, %arg10: memref<40x128xf32, #tpu.memory_space<vmem>>, %arg11: memref<40x32xf32, #tpu.memory_space<vmem>>, %arg12: memref<125x40xi32, #tpu.memory_space<vmem>>, %arg13: memref<40xi32, #tpu.memory_space<vmem>>, %arg14: memref<40xi32, #tpu.memory_space<vmem>>, %arg15: memref<64x32xf32, #tpu.memory_space<vmem>>, %arg16: memref<16x128xf32, #tpu.memory_space<vmem>>, %arg17: memref<10240x32xf32, #tpu.memory_space<vmem_shared>>, %arg18: memref<!tpu.dma_semaphore, #tpu.memory_space<semaphore_mem>>, %arg19: memref<!tpu.dma_semaphore, #tpu.memory_space<semaphore_mem>>, %arg20: memref<!tpu.dma_semaphore, #tpu.memory_space<semaphore_mem>>, %arg21: memref<!tpu.dma_semaphore, #tpu.memory_space<semaphore_mem>>, %arg22: memref<!tpu.dma_semaphore, #tpu.memory_space<semaphore_mem>>, %arg23: memref<!tpu.dma_semaphore, #tpu.memory_space<semaphore_mem>>) attributes {dimension_semantics = [#tpu.dimension_semantics<core_parallel>, #tpu.dimension_semantics<subcore_parallel>], iteration_bounds = array<i64: 2, 16>, scalar_prefetch = 0 : i64, scratch_operands = 17 : i64, tpu.core_type = #tpu.core_type<sc_vector_subcore>, window_params = [{transform_indices = #map}, {transform_indices = #map}, {transform_indices = #map}, {transform_indices = #map1}, {transform_indices = #map}]} {
    %mul3A = arith.constant 2 : i32
    %mul3A_0 = arith.muli %arg1, %mul3A : i32
    %add3A = arith.addi %mul3A_0, %arg0 : i32
    %broadcast_in_dim3A = arith.constant 0.000000e+00 : f32
    %broadcast_in_dim3A_1 = vector.broadcast %broadcast_in_dim3A : f32 to vector<16xf32>
    %mul3A_2 = arith.constant 125 : i32
    %mul3A_3 = arith.muli %add3A, %mul3A_2 : i32
    "tpu.region"() ({
      %run_scoped3A = tpu.sem_alloc : memref<!tpu.dma_semaphore, #tpu.memory_space<semaphore_mem>>
      %dma_start3A_524 = arith.constant 0 : i32
      %dma_start3A_525 = tpu.memref_slice %arg3[%mul3A_3, %dma_start3A_524] : memref<4000x128xi32, #tpu.memory_space<hbm>> -> memref<125x40xi32, #tpu.memory_space<hbm>>
      %dma_start3A_526 = arith.constant 0 : i32
      %dma_start3A_527 = tpu.memref_slice %arg3[%mul3A_3, %dma_start3A_526] : memref<4000x128xi32, #tpu.memory_space<hbm>> -> memref<125x40xi32, #tpu.memory_space<hbm>>
      tpu.enqueue_dma source(%dma_start3A_527 : memref<125x40xi32, #tpu.memory_space<hbm>>) target(%arg12 : memref<125x40xi32, #tpu.memory_space<vmem>>) target_semaphore(%run_scoped3A : memref<!tpu.dma_semaphore, #tpu.memory_space<semaphore_mem>>)
      %dma_wait3A_528 = arith.constant 0 : i32
      %dma_wait3A_529 = tpu.memref_slice %arg3[%mul3A_3, %dma_wait3A_528] : memref<4000x128xi32, #tpu.memory_space<hbm>> -> memref<125x40xi32, #tpu.memory_space<hbm>>
      %dma_wait3A_530 = arith.constant 0 : i32
      %dma_wait3A_531 = tpu.memref_slice %arg3[%mul3A_3, %dma_wait3A_530] : memref<4000x128xi32, #tpu.memory_space<hbm>> -> memref<125x40xi32, #tpu.memory_space<hbm>>
      tpu.wait_dma2 semaphore(%run_scoped3A : memref<!tpu.dma_semaphore, #tpu.memory_space<semaphore_mem>>) src(%dma_wait3A_531 : memref<125x40xi32, #tpu.memory_space<hbm>>) dst(%arg12 : memref<125x40xi32, #tpu.memory_space<vmem>>)
      tpu.yield
    }) : () -> ()
    %mul3A_4 = arith.constant 125 : i32
    %mul3A_5 = arith.muli %add3A, %mul3A_4 : i32
    %add3A_6 = arith.constant 0 : i32
    %add3A_7 = arith.addi %mul3A_5, %add3A_6 : i32
    %mul3A_8 = arith.constant 40 : i32
    %mul3A_9 = arith.muli %add3A_7, %mul3A_8 : i32
    %dma_start3A = arith.constant 0 : i32
    %dma_start3A_10 = arith.constant 0 : i32
    %dma_start3A_11 = tpu.memref_slice %arg5[%mul3A_9, %dma_start3A, %dma_start3A_10] : memref<160000x8x128xf32, #tpu.memory_space<hbm>> -> memref<40x8x128xf32, #tpu.memory_space<hbm>>
    %dma_start3A_12 = arith.constant 0 : i32
    %dma_start3A_13 = arith.constant 0 : i32
    %dma_start3A_14 = tpu.memref_slice %arg5[%mul3A_9, %dma_start3A_12, %dma_start3A_13] : memref<160000x8x128xf32, #tpu.memory_space<hbm>> -> memref<40x8x128xf32, #tpu.memory_space<hbm>>
    tpu.enqueue_dma source(%dma_start3A_14 : memref<40x8x128xf32, #tpu.memory_space<hbm>>) target(%arg7 : memref<40x8x128xf32, #tpu.memory_space<vmem>>) target_semaphore(%arg18 : memref<!tpu.dma_semaphore, #tpu.memory_space<semaphore_mem>>)
    %dma_start3A_15 = arith.constant 0 : i32
    %dma_start3A_16 = arith.constant 0 : i32
    %dma_start3A_17 = tpu.memref_slice %arg12[%dma_start3A_15, %dma_start3A_16] : memref<125x40xi32, #tpu.memory_space<vmem>> -> memref<1x40xi32, #tpu.memory_space<vmem>>
    %dma_start3A_18 = tpu.memref_squeeze %dma_start3A_17 : memref<1x40xi32, #tpu.memory_space<vmem>> -> memref<40xi32, #tpu.memory_space<vmem>>
    %dma_start3A_19 = arith.constant 0 : i32
    %dma_start3A_20 = arith.constant 0 : i32
    %dma_start3A_21 = tpu.memref_slice %arg2[%dma_start3A_19, %dma_start3A_20] : memref<10000x128xf32, #tpu.memory_space<hbm>> -> memref<10000x128xf32, #tpu.memory_space<hbm>>
    tpu.enqueue_indirect_dma source(%dma_start3A_21 : memref<10000x128xf32, #tpu.memory_space<hbm>>) target(%arg9 : memref<40x128xf32, #tpu.memory_space<vmem>>) offsets(%dma_start3A_18 : memref<40xi32, #tpu.memory_space<vmem>>) semaphore(%arg20 : memref<!tpu.dma_semaphore, #tpu.memory_space<semaphore_mem>>)
    %mul3A_22 = arith.constant 125 : i32
    %mul3A_23 = arith.muli %add3A, %mul3A_22 : i32
    %add3A_24 = arith.constant 0 : i32
    %add3A_25 = arith.addi %mul3A_23, %add3A_24 : i32
    %dma_start3A_26 = arith.constant 0 : i32
    %dma_start3A_27 = tpu.memref_slice %arg4[%add3A_25, %dma_start3A_26] : memref<4000x128xi32, #tpu.memory_space<hbm>> -> memref<1x40xi32, #tpu.memory_space<hbm>>
    %dma_start3A_28 = tpu.memref_squeeze %dma_start3A_27 : memref<1x40xi32, #tpu.memory_space<hbm>> -> memref<40xi32, #tpu.memory_space<hbm>>
    %dma_start3A_29 = arith.constant 0 : i32
    %dma_start3A_30 = tpu.memref_slice %arg4[%add3A_25, %dma_start3A_29] : memref<4000x128xi32, #tpu.memory_space<hbm>> -> memref<1x40xi32, #tpu.memory_space<hbm>>
    %dma_start3A_31 = tpu.memref_squeeze %dma_start3A_30 : memref<1x40xi32, #tpu.memory_space<hbm>> -> memref<40xi32, #tpu.memory_space<hbm>>
    tpu.enqueue_dma source(%dma_start3A_31 : memref<40xi32, #tpu.memory_space<hbm>>) target(%arg13 : memref<40xi32, #tpu.memory_space<vmem>>) target_semaphore(%arg22 : memref<!tpu.dma_semaphore, #tpu.memory_space<semaphore_mem>>)
    %scan3A = arith.constant 0 : i32
    %scan3A_32 = arith.constant 0 : i32
    %scan3A_33 = arith.constant 40 : i32
    %scan3A_34 = arith.addi %scan3A_32, %scan3A_33 : i32
    %scan3A_35 = arith.constant 1 : i32
    scf.for %scan3A_524 = %scan3A_32 to %scan3A_34 step %scan3A_35  : i32 {
      %swap3A = arith.index_cast %scan3A_524 : i32 to index
      %swap3A_525 = arith.constant 0 : index
      %swap3A_526 = tpu.vector_load %arg11[%swap3A, %swap3A_525] {strides = array<i32>} : memref<40x32xf32, #tpu.memory_space<vmem>>, vector<1x16xf32>,
      %swap3A_527 = vector.shape_cast %swap3A_526 : vector<1x16xf32> to vector<16xf32>
      %swap3A_528 = vector.shape_cast %broadcast_in_dim3A_1 : vector<16xf32> to vector<1x16xf32>
      tpu.vector_store %arg11[%swap3A, %swap3A_525], %swap3A_528 {strides = array<i32>} : memref<40x32xf32, #tpu.memory_space<vmem>>, vector<1x16xf32>,
      %swap3A_529 = arith.index_cast %scan3A_524 : i32 to index
      %swap3A_530 = arith.constant 16 : index
      %swap3A_531 = tpu.vector_load %arg11[%swap3A_529, %swap3A_530] {strides = array<i32>} : memref<40x32xf32, #tpu.memory_space<vmem>>, vector<1x16xf32>,
      %swap3A_532 = vector.shape_cast %swap3A_531 : vector<1x16xf32> to vector<16xf32>
      %swap3A_533 = vector.shape_cast %broadcast_in_dim3A_1 : vector<16xf32> to vector<1x16xf32>
      tpu.vector_store %arg11[%swap3A_529, %swap3A_530], %swap3A_533 {strides = array<i32>} : memref<40x32xf32, #tpu.memory_space<vmem>>, vector<1x16xf32>,
    }
    %scan3A_36 = arith.constant 40 : i32
    %mul3A_37 = arith.constant 640 : i32
    %mul3A_38 = arith.muli %arg1, %mul3A_37 : i32
    %add3A_39 = arith.constant 0 : i32
    %add3A_40 = arith.addi %mul3A_38, %add3A_39 : i32
    "tpu.region"() ({
      %run_scoped3A = tpu.sem_alloc : memref<!tpu.dma_semaphore, #tpu.memory_space<semaphore_mem>>
      %dma_start3A_524 = arith.constant 0 : i32
      %dma_start3A_525 = tpu.memref_slice %arg17[%add3A_40, %dma_start3A_524] : memref<10240x32xf32, #tpu.memory_space<vmem_shared>> -> memref<40x32xf32, #tpu.memory_space<vmem_shared>>
      %dma_start3A_526 = arith.constant 0 : i32
      %dma_start3A_527 = tpu.memref_slice %arg17[%add3A_40, %dma_start3A_526] : memref<10240x32xf32, #tpu.memory_space<vmem_shared>> -> memref<40x32xf32, #tpu.memory_space<vmem_shared>>
      tpu.enqueue_dma source(%arg11 : memref<40x32xf32, #tpu.memory_space<vmem>>) target(%dma_start3A_527 : memref<40x32xf32, #tpu.memory_space<vmem_shared>>) target_semaphore(%run_scoped3A : memref<!tpu.dma_semaphore, #tpu.memory_space<semaphore_mem>>)
      %dma_wait3A_528 = arith.constant 0 : i32
      %dma_wait3A_529 = tpu.memref_slice %arg17[%add3A_40, %dma_wait3A_528] : memref<10240x32xf32, #tpu.memory_space<vmem_shared>> -> memref<40x32xf32, #tpu.memory_space<vmem_shared>>
      %dma_wait3A_530 = arith.constant 0 : i32
      %dma_wait3A_531 = tpu.memref_slice %arg17[%add3A_40, %dma_wait3A_530] : memref<10240x32xf32, #tpu.memory_space<vmem_shared>> -> memref<40x32xf32, #tpu.memory_space<vmem_shared>>
      tpu.wait_dma2 semaphore(%run_scoped3A : memref<!tpu.dma_semaphore, #tpu.memory_space<semaphore_mem>>) src(%arg11 : memref<40x32xf32, #tpu.memory_space<vmem>>) dst(%dma_wait3A_531 : memref<40x32xf32, #tpu.memory_space<vmem_shared>>)
      tpu.yield
    }) : () -> ()
    %mul3A_41 = arith.constant 640 : i32
    %mul3A_42 = arith.muli %arg1, %mul3A_41 : i32
    %add3A_43 = arith.constant 40 : i32
    %add3A_44 = arith.addi %mul3A_42, %add3A_43 : i32
    "tpu.region"() ({
      %run_scoped3A = tpu.sem_alloc : memref<!tpu.dma_semaphore, #tpu.memory_space<semaphore_mem>>
      %dma_start3A_524 = arith.constant 0 : i32
      %dma_start3A_525 = tpu.memref_slice %arg17[%add3A_44, %dma_start3A_524] : memref<10240x32xf32, #tpu.memory_space<vmem_shared>> -> memref<40x32xf32, #tpu.memory_space<vmem_shared>>
      %dma_start3A_526 = arith.constant 0 : i32
      %dma_start3A_527 = tpu.memref_slice %arg17[%add3A_44, %dma_start3A_526] : memref<10240x32xf32, #tpu.memory_space<vmem_shared>> -> memref<40x32xf32, #tpu.memory_space<vmem_shared>>
      tpu.enqueue_dma source(%arg11 : memref<40x32xf32, #tpu.memory_space<vmem>>) target(%dma_start3A_527 : memref<40x32xf32, #tpu.memory_space<vmem_shared>>) target_semaphore(%run_scoped3A : memref<!tpu.dma_semaphore, #tpu.memory_space<semaphore_mem>>)
      %dma_wait3A_528 = arith.constant 0 : i32
      %dma_wait3A_529 = tpu.memref_slice %arg17[%add3A_44, %dma_wait3A_528] : memref<10240x32xf32, #tpu.memory_space<vmem_shared>> -> memref<40x32xf32, #tpu.memory_space<vmem_shared>>
      %dma_wait3A_530 = arith.constant 0 : i32
      %dma_wait3A_531 = tpu.memref_slice %arg17[%add3A_44, %dma_wait3A_530] : memref<10240x32xf32, #tpu.memory_space<vmem_shared>> -> memref<40x32xf32, #tpu.memory_space<vmem_shared>>
      tpu.wait_dma2 semaphore(%run_scoped3A : memref<!tpu.dma_semaphore, #tpu.memory_space<semaphore_mem>>) src(%arg11 : memref<40x32xf32, #tpu.memory_space<vmem>>) dst(%dma_wait3A_531 : memref<40x32xf32, #tpu.memory_space<vmem_shared>>)
      tpu.yield
    }) : () -> ()
    %mul3A_45 = arith.constant 640 : i32
    %mul3A_46 = arith.muli %arg1, %mul3A_45 : i32
    %add3A_47 = arith.constant 80 : i32
    %add3A_48 = arith.addi %mul3A_46, %add3A_47 : i32
    "tpu.region"() ({
      %run_scoped3A = tpu.sem_alloc : memref<!tpu.dma_semaphore, #tpu.memory_space<semaphore_mem>>
      %dma_start3A_524 = arith.constant 0 : i32
      %dma_start3A_525 = tpu.memref_slice %arg17[%add3A_48, %dma_start3A_524] : memref<10240x32xf32, #tpu.memory_space<vmem_shared>> -> memref<40x32xf32, #tpu.memory_space<vmem_shared>>
      %dma_start3A_526 = arith.constant 0 : i32
      %dma_start3A_527 = tpu.memref_slice %arg17[%add3A_48, %dma_start3A_526] : memref<10240x32xf32, #tpu.memory_space<vmem_shared>> -> memref<40x32xf32, #tpu.memory_space<vmem_shared>>
      tpu.enqueue_dma source(%arg11 : memref<40x32xf32, #tpu.memory_space<vmem>>) target(%dma_start3A_527 : memref<40x32xf32, #tpu.memory_space<vmem_shared>>) target_semaphore(%run_scoped3A : memref<!tpu.dma_semaphore, #tpu.memory_space<semaphore_mem>>)
      %dma_wait3A_528 = arith.constant 0 : i32
      %dma_wait3A_529 = tpu.memref_slice %arg17[%add3A_48, %dma_wait3A_528] : memref<10240x32xf32, #tpu.memory_space<vmem_shared>> -> memref<40x32xf32, #tpu.memory_space<vmem_shared>>
      %dma_wait3A_530 = arith.constant 0 : i32
      %dma_wait3A_531 = tpu.memref_slice %arg17[%add3A_48, %dma_wait3A_530] : memref<10240x32xf32, #tpu.memory_space<vmem_shared>> -> memref<40x32xf32, #tpu.memory_space<vmem_shared>>
      tpu.wait_dma2 semaphore(%run_scoped3A : memref<!tpu.dma_semaphore, #tpu.memory_space<semaphore_mem>>) src(%arg11 : memref<40x32xf32, #tpu.memory_space<vmem>>) dst(%dma_wait3A_531 : memref<40x32xf32, #tpu.memory_space<vmem_shared>>)
      tpu.yield
    }) : () -> ()
    %mul3A_49 = arith.constant 640 : i32
    %mul3A_50 = arith.muli %arg1, %mul3A_49 : i32
    %add3A_51 = arith.constant 120 : i32
    %add3A_52 = arith.addi %mul3A_50, %add3A_51 : i32
    "tpu.region"() ({
      %run_scoped3A = tpu.sem_alloc : memref<!tpu.dma_semaphore, #tpu.memory_space<semaphore_mem>>
      %dma_start3A_524 = arith.constant 0 : i32
      %dma_start3A_525 = tpu.memref_slice %arg17[%add3A_52, %dma_start3A_524] : memref<10240x32xf32, #tpu.memory_space<vmem_shared>> -> memref<40x32xf32, #tpu.memory_space<vmem_shared>>
      %dma_start3A_526 = arith.constant 0 : i32
      %dma_start3A_527 = tpu.memref_slice %arg17[%add3A_52, %dma_start3A_526] : memref<10240x32xf32, #tpu.memory_space<vmem_shared>> -> memref<40x32xf32, #tpu.memory_space<vmem_shared>>
      tpu.enqueue_dma source(%arg11 : memref<40x32xf32, #tpu.memory_space<vmem>>) target(%dma_start3A_527 : memref<40x32xf32, #tpu.memory_space<vmem_shared>>) target_semaphore(%run_scoped3A : memref<!tpu.dma_semaphore, #tpu.memory_space<semaphore_mem>>)
      %dma_wait3A_528 = arith.constant 0 : i32
      %dma_wait3A_529 = tpu.memref_slice %arg17[%add3A_52, %dma_wait3A_528] : memref<10240x32xf32, #tpu.memory_space<vmem_shared>> -> memref<40x32xf32, #tpu.memory_space<vmem_shared>>
      %dma_wait3A_530 = arith.constant 0 : i32
      %dma_wait3A_531 = tpu.memref_slice %arg17[%add3A_52, %dma_wait3A_530] : memref<10240x32xf32, #tpu.memory_space<vmem_shared>> -> memref<40x32xf32, #tpu.memory_space<vmem_shared>>
      tpu.wait_dma2 semaphore(%run_scoped3A : memref<!tpu.dma_semaphore, #tpu.memory_space<semaphore_mem>>) src(%arg11 : memref<40x32xf32, #tpu.memory_space<vmem>>) dst(%dma_wait3A_531 : memref<40x32xf32, #tpu.memory_space<vmem_shared>>)
      tpu.yield
    }) : () -> ()
    %mul3A_53 = arith.constant 640 : i32
    %mul3A_54 = arith.muli %arg1, %mul3A_53 : i32
    %add3A_55 = arith.constant 160 : i32
    %add3A_56 = arith.addi %mul3A_54, %add3A_55 : i32
    "tpu.region"() ({
      %run_scoped3A = tpu.sem_alloc : memref<!tpu.dma_semaphore, #tpu.memory_space<semaphore_mem>>
      %dma_start3A_524 = arith.constant 0 : i32
      %dma_start3A_525 = tpu.memref_slice %arg17[%add3A_56, %dma_start3A_524] : memref<10240x32xf32, #tpu.memory_space<vmem_shared>> -> memref<40x32xf32, #tpu.memory_space<vmem_shared>>
      %dma_start3A_526 = arith.constant 0 : i32
      %dma_start3A_527 = tpu.memref_slice %arg17[%add3A_56, %dma_start3A_526] : memref<10240x32xf32, #tpu.memory_space<vmem_shared>> -> memref<40x32xf32, #tpu.memory_space<vmem_shared>>
      tpu.enqueue_dma source(%arg11 : memref<40x32xf32, #tpu.memory_space<vmem>>) target(%dma_start3A_527 : memref<40x32xf32, #tpu.memory_space<vmem_shared>>) target_semaphore(%run_scoped3A : memref<!tpu.dma_semaphore, #tpu.memory_space<semaphore_mem>>)
      %dma_wait3A_528 = arith.constant 0 : i32
      %dma_wait3A_529 = tpu.memref_slice %arg17[%add3A_56, %dma_wait3A_528] : memref<10240x32xf32, #tpu.memory_space<vmem_shared>> -> memref<40x32xf32, #tpu.memory_space<vmem_shared>>
      %dma_wait3A_530 = arith.constant 0 : i32
      %dma_wait3A_531 = tpu.memref_slice %arg17[%add3A_56, %dma_wait3A_530] : memref<10240x32xf32, #tpu.memory_space<vmem_shared>> -> memref<40x32xf32, #tpu.memory_space<vmem_shared>>
      tpu.wait_dma2 semaphore(%run_scoped3A : memref<!tpu.dma_semaphore, #tpu.memory_space<semaphore_mem>>) src(%arg11 : memref<40x32xf32, #tpu.memory_space<vmem>>) dst(%dma_wait3A_531 : memref<40x32xf32, #tpu.memory_space<vmem_shared>>)
      tpu.yield
    }) : () -> ()
    %mul3A_57 = arith.constant 640 : i32
    %mul3A_58 = arith.muli %arg1, %mul3A_57 : i32
    %add3A_59 = arith.constant 200 : i32
    %add3A_60 = arith.addi %mul3A_58, %add3A_59 : i32
    "tpu.region"() ({
      %run_scoped3A = tpu.sem_alloc : memref<!tpu.dma_semaphore, #tpu.memory_space<semaphore_mem>>
      %dma_start3A_524 = arith.constant 0 : i32
      %dma_start3A_525 = tpu.memref_slice %arg17[%add3A_60, %dma_start3A_524] : memref<10240x32xf32, #tpu.memory_space<vmem_shared>> -> memref<40x32xf32, #tpu.memory_space<vmem_shared>>
      %dma_start3A_526 = arith.constant 0 : i32
      %dma_start3A_527 = tpu.memref_slice %arg17[%add3A_60, %dma_start3A_526] : memref<10240x32xf32, #tpu.memory_space<vmem_shared>> -> memref<40x32xf32, #tpu.memory_space<vmem_shared>>
      tpu.enqueue_dma source(%arg11 : memref<40x32xf32, #tpu.memory_space<vmem>>) target(%dma_start3A_527 : memref<40x32xf32, #tpu.memory_space<vmem_shared>>) target_semaphore(%run_scoped3A : memref<!tpu.dma_semaphore, #tpu.memory_space<semaphore_mem>>)
      %dma_wait3A_528 = arith.constant 0 : i32
      %dma_wait3A_529 = tpu.memref_slice %arg17[%add3A_60, %dma_wait3A_528] : memref<10240x32xf32, #tpu.memory_space<vmem_shared>> -> memref<40x32xf32, #tpu.memory_space<vmem_shared>>
      %dma_wait3A_530 = arith.constant 0 : i32
      %dma_wait3A_531 = tpu.memref_slice %arg17[%add3A_60, %dma_wait3A_530] : memref<10240x32xf32, #tpu.memory_space<vmem_shared>> -> memref<40x32xf32, #tpu.memory_space<vmem_shared>>
      tpu.wait_dma2 semaphore(%run_scoped3A : memref<!tpu.dma_semaphore, #tpu.memory_space<semaphore_mem>>) src(%arg11 : memref<40x32xf32, #tpu.memory_space<vmem>>) dst(%dma_wait3A_531 : memref<40x32xf32, #tpu.memory_space<vmem_shared>>)
      tpu.yield
    }) : () -> ()
    %mul3A_61 = arith.constant 640 : i32
    %mul3A_62 = arith.muli %arg1, %mul3A_61 : i32
    %add3A_63 = arith.constant 240 : i32
    %add3A_64 = arith.addi %mul3A_62, %add3A_63 : i32
    "tpu.region"() ({
      %run_scoped3A = tpu.sem_alloc : memref<!tpu.dma_semaphore, #tpu.memory_space<semaphore_mem>>
      %dma_start3A_524 = arith.constant 0 : i32
      %dma_start3A_525 = tpu.memref_slice %arg17[%add3A_64, %dma_start3A_524] : memref<10240x32xf32, #tpu.memory_space<vmem_shared>> -> memref<40x32xf32, #tpu.memory_space<vmem_shared>>
      %dma_start3A_526 = arith.constant 0 : i32
      %dma_start3A_527 = tpu.memref_slice %arg17[%add3A_64, %dma_start3A_526] : memref<10240x32xf32, #tpu.memory_space<vmem_shared>> -> memref<40x32xf32, #tpu.memory_space<vmem_shared>>
      tpu.enqueue_dma source(%arg11 : memref<40x32xf32, #tpu.memory_space<vmem>>) target(%dma_start3A_527 : memref<40x32xf32, #tpu.memory_space<vmem_shared>>) target_semaphore(%run_scoped3A : memref<!tpu.dma_semaphore, #tpu.memory_space<semaphore_mem>>)
      %dma_wait3A_528 = arith.constant 0 : i32
      %dma_wait3A_529 = tpu.memref_slice %arg17[%add3A_64, %dma_wait3A_528] : memref<10240x32xf32, #tpu.memory_space<vmem_shared>> -> memref<40x32xf32, #tpu.memory_space<vmem_shared>>
      %dma_wait3A_530 = arith.constant 0 : i32
      %dma_wait3A_531 = tpu.memref_slice %arg17[%add3A_64, %dma_wait3A_530] : memref<10240x32xf32, #tpu.memory_space<vmem_shared>> -> memref<40x32xf32, #tpu.memory_space<vmem_shared>>
      tpu.wait_dma2 semaphore(%run_scoped3A : memref<!tpu.dma_semaphore, #tpu.memory_space<semaphore_mem>>) src(%arg11 : memref<40x32xf32, #tpu.memory_space<vmem>>) dst(%dma_wait3A_531 : memref<40x32xf32, #tpu.memory_space<vmem_shared>>)
      tpu.yield
    }) : () -> ()
    %mul3A_65 = arith.constant 640 : i32
    %mul3A_66 = arith.muli %arg1, %mul3A_65 : i32
    %add3A_67 = arith.constant 280 : i32
    %add3A_68 = arith.addi %mul3A_66, %add3A_67 : i32
    "tpu.region"() ({
      %run_scoped3A = tpu.sem_alloc : memref<!tpu.dma_semaphore, #tpu.memory_space<semaphore_mem>>
      %dma_start3A_524 = arith.constant 0 : i32
      %dma_start3A_525 = tpu.memref_slice %arg17[%add3A_68, %dma_start3A_524] : memref<10240x32xf32, #tpu.memory_space<vmem_shared>> -> memref<40x32xf32, #tpu.memory_space<vmem_shared>>
      %dma_start3A_526 = arith.constant 0 : i32
      %dma_start3A_527 = tpu.memref_slice %arg17[%add3A_68, %dma_start3A_526] : memref<10240x32xf32, #tpu.memory_space<vmem_shared>> -> memref<40x32xf32, #tpu.memory_space<vmem_shared>>
      tpu.enqueue_dma source(%arg11 : memref<40x32xf32, #tpu.memory_space<vmem>>) target(%dma_start3A_527 : memref<40x32xf32, #tpu.memory_space<vmem_shared>>) target_semaphore(%run_scoped3A : memref<!tpu.dma_semaphore, #tpu.memory_space<semaphore_mem>>)
      %dma_wait3A_528 = arith.constant 0 : i32
      %dma_wait3A_529 = tpu.memref_slice %arg17[%add3A_68, %dma_wait3A_528] : memref<10240x32xf32, #tpu.memory_space<vmem_shared>> -> memref<40x32xf32, #tpu.memory_space<vmem_shared>>
      %dma_wait3A_530 = arith.constant 0 : i32
      %dma_wait3A_531 = tpu.memref_slice %arg17[%add3A_68, %dma_wait3A_530] : memref<10240x32xf32, #tpu.memory_space<vmem_shared>> -> memref<40x32xf32, #tpu.memory_space<vmem_shared>>
      tpu.wait_dma2 semaphore(%run_scoped3A : memref<!tpu.dma_semaphore, #tpu.memory_space<semaphore_mem>>) src(%arg11 : memref<40x32xf32, #tpu.memory_space<vmem>>) dst(%dma_wait3A_531 : memref<40x32xf32, #tpu.memory_space<vmem_shared>>)
      tpu.yield
    }) : () -> ()
    %mul3A_69 = arith.constant 640 : i32
    %mul3A_70 = arith.muli %arg1, %mul3A_69 : i32
    %add3A_71 = arith.constant 320 : i32
    %add3A_72 = arith.addi %mul3A_70, %add3A_71 : i32
    "tpu.region"() ({
      %run_scoped3A = tpu.sem_alloc : memref<!tpu.dma_semaphore, #tpu.memory_space<semaphore_mem>>
      %dma_start3A_524 = arith.constant 0 : i32
      %dma_start3A_525 = tpu.memref_slice %arg17[%add3A_72, %dma_start3A_524] : memref<10240x32xf32, #tpu.memory_space<vmem_shared>> -> memref<40x32xf32, #tpu.memory_space<vmem_shared>>
      %dma_start3A_526 = arith.constant 0 : i32
      %dma_start3A_527 = tpu.memref_slice %arg17[%add3A_72, %dma_start3A_526] : memref<10240x32xf32, #tpu.memory_space<vmem_shared>> -> memref<40x32xf32, #tpu.memory_space<vmem_shared>>
      tpu.enqueue_dma source(%arg11 : memref<40x32xf32, #tpu.memory_space<vmem>>) target(%dma_start3A_527 : memref<40x32xf32, #tpu.memory_space<vmem_shared>>) target_semaphore(%run_scoped3A : memref<!tpu.dma_semaphore, #tpu.memory_space<semaphore_mem>>)
      %dma_wait3A_528 = arith.constant 0 : i32
      %dma_wait3A_529 = tpu.memref_slice %arg17[%add3A_72, %dma_wait3A_528] : memref<10240x32xf32, #tpu.memory_space<vmem_shared>> -> memref<40x32xf32, #tpu.memory_space<vmem_shared>>
      %dma_wait3A_530 = arith.constant 0 : i32
      %dma_wait3A_531 = tpu.memref_slice %arg17[%add3A_72, %dma_wait3A_530] : memref<10240x32xf32, #tpu.memory_space<vmem_shared>> -> memref<40x32xf32, #tpu.memory_space<vmem_shared>>
      tpu.wait_dma2 semaphore(%run_scoped3A : memref<!tpu.dma_semaphore, #tpu.memory_space<semaphore_mem>>) src(%arg11 : memref<40x32xf32, #tpu.memory_space<vmem>>) dst(%dma_wait3A_531 : memref<40x32xf32, #tpu.memory_space<vmem_shared>>)
      tpu.yield
    }) : () -> ()
    %mul3A_73 = arith.constant 640 : i32
    %mul3A_74 = arith.muli %arg1, %mul3A_73 : i32
    %add3A_75 = arith.constant 360 : i32
    %add3A_76 = arith.addi %mul3A_74, %add3A_75 : i32
    "tpu.region"() ({
      %run_scoped3A = tpu.sem_alloc : memref<!tpu.dma_semaphore, #tpu.memory_space<semaphore_mem>>
      %dma_start3A_524 = arith.constant 0 : i32
      %dma_start3A_525 = tpu.memref_slice %arg17[%add3A_76, %dma_start3A_524] : memref<10240x32xf32, #tpu.memory_space<vmem_shared>> -> memref<40x32xf32, #tpu.memory_space<vmem_shared>>
      %dma_start3A_526 = arith.constant 0 : i32
      %dma_start3A_527 = tpu.memref_slice %arg17[%add3A_76, %dma_start3A_526] : memref<10240x32xf32, #tpu.memory_space<vmem_shared>> -> memref<40x32xf32, #tpu.memory_space<vmem_shared>>
      tpu.enqueue_dma source(%arg11 : memref<40x32xf32, #tpu.memory_space<vmem>>) target(%dma_start3A_527 : memref<40x32xf32, #tpu.memory_space<vmem_shared>>) target_semaphore(%run_scoped3A : memref<!tpu.dma_semaphore, #tpu.memory_space<semaphore_mem>>)
      %dma_wait3A_528 = arith.constant 0 : i32
      %dma_wait3A_529 = tpu.memref_slice %arg17[%add3A_76, %dma_wait3A_528] : memref<10240x32xf32, #tpu.memory_space<vmem_shared>> -> memref<40x32xf32, #tpu.memory_space<vmem_shared>>
      %dma_wait3A_530 = arith.constant 0 : i32
      %dma_wait3A_531 = tpu.memref_slice %arg17[%add3A_76, %dma_wait3A_530] : memref<10240x32xf32, #tpu.memory_space<vmem_shared>> -> memref<40x32xf32, #tpu.memory_space<vmem_shared>>
      tpu.wait_dma2 semaphore(%run_scoped3A : memref<!tpu.dma_semaphore, #tpu.memory_space<semaphore_mem>>) src(%arg11 : memref<40x32xf32, #tpu.memory_space<vmem>>) dst(%dma_wait3A_531 : memref<40x32xf32, #tpu.memory_space<vmem_shared>>)
      tpu.yield
    }) : () -> ()
    %mul3A_77 = arith.constant 640 : i32
    %mul3A_78 = arith.muli %arg1, %mul3A_77 : i32
    %add3A_79 = arith.constant 400 : i32
    %add3A_80 = arith.addi %mul3A_78, %add3A_79 : i32
    "tpu.region"() ({
      %run_scoped3A = tpu.sem_alloc : memref<!tpu.dma_semaphore, #tpu.memory_space<semaphore_mem>>
      %dma_start3A_524 = arith.constant 0 : i32
      %dma_start3A_525 = tpu.memref_slice %arg17[%add3A_80, %dma_start3A_524] : memref<10240x32xf32, #tpu.memory_space<vmem_shared>> -> memref<40x32xf32, #tpu.memory_space<vmem_shared>>
      %dma_start3A_526 = arith.constant 0 : i32
      %dma_start3A_527 = tpu.memref_slice %arg17[%add3A_80, %dma_start3A_526] : memref<10240x32xf32, #tpu.memory_space<vmem_shared>> -> memref<40x32xf32, #tpu.memory_space<vmem_shared>>
      tpu.enqueue_dma source(%arg11 : memref<40x32xf32, #tpu.memory_space<vmem>>) target(%dma_start3A_527 : memref<40x32xf32, #tpu.memory_space<vmem_shared>>) target_semaphore(%run_scoped3A : memref<!tpu.dma_semaphore, #tpu.memory_space<semaphore_mem>>)
      %dma_wait3A_528 = arith.constant 0 : i32
      %dma_wait3A_529 = tpu.memref_slice %arg17[%add3A_80, %dma_wait3A_528] : memref<10240x32xf32, #tpu.memory_space<vmem_shared>> -> memref<40x32xf32, #tpu.memory_space<vmem_shared>>
      %dma_wait3A_530 = arith.constant 0 : i32
      %dma_wait3A_531 = tpu.memref_slice %arg17[%add3A_80, %dma_wait3A_530] : memref<10240x32xf32, #tpu.memory_space<vmem_shared>> -> memref<40x32xf32, #tpu.memory_space<vmem_shared>>
      tpu.wait_dma2 semaphore(%run_scoped3A : memref<!tpu.dma_semaphore, #tpu.memory_space<semaphore_mem>>) src(%arg11 : memref<40x32xf32, #tpu.memory_space<vmem>>) dst(%dma_wait3A_531 : memref<40x32xf32, #tpu.memory_space<vmem_shared>>)
      tpu.yield
    }) : () -> ()
    %mul3A_81 = arith.constant 640 : i32
    %mul3A_82 = arith.muli %arg1, %mul3A_81 : i32
    %add3A_83 = arith.constant 440 : i32
    %add3A_84 = arith.addi %mul3A_82, %add3A_83 : i32
    "tpu.region"() ({
      %run_scoped3A = tpu.sem_alloc : memref<!tpu.dma_semaphore, #tpu.memory_space<semaphore_mem>>
      %dma_start3A_524 = arith.constant 0 : i32
      %dma_start3A_525 = tpu.memref_slice %arg17[%add3A_84, %dma_start3A_524] : memref<10240x32xf32, #tpu.memory_space<vmem_shared>> -> memref<40x32xf32, #tpu.memory_space<vmem_shared>>
      %dma_start3A_526 = arith.constant 0 : i32
      %dma_start3A_527 = tpu.memref_slice %arg17[%add3A_84, %dma_start3A_526] : memref<10240x32xf32, #tpu.memory_space<vmem_shared>> -> memref<40x32xf32, #tpu.memory_space<vmem_shared>>
      tpu.enqueue_dma source(%arg11 : memref<40x32xf32, #tpu.memory_space<vmem>>) target(%dma_start3A_527 : memref<40x32xf32, #tpu.memory_space<vmem_shared>>) target_semaphore(%run_scoped3A : memref<!tpu.dma_semaphore, #tpu.memory_space<semaphore_mem>>)
      %dma_wait3A_528 = arith.constant 0 : i32
      %dma_wait3A_529 = tpu.memref_slice %arg17[%add3A_84, %dma_wait3A_528] : memref<10240x32xf32, #tpu.memory_space<vmem_shared>> -> memref<40x32xf32, #tpu.memory_space<vmem_shared>>
      %dma_wait3A_530 = arith.constant 0 : i32
      %dma_wait3A_531 = tpu.memref_slice %arg17[%add3A_84, %dma_wait3A_530] : memref<10240x32xf32, #tpu.memory_space<vmem_shared>> -> memref<40x32xf32, #tpu.memory_space<vmem_shared>>
      tpu.wait_dma2 semaphore(%run_scoped3A : memref<!tpu.dma_semaphore, #tpu.memory_space<semaphore_mem>>) src(%arg11 : memref<40x32xf32, #tpu.memory_space<vmem>>) dst(%dma_wait3A_531 : memref<40x32xf32, #tpu.memory_space<vmem_shared>>)
      tpu.yield
    }) : () -> ()
    %mul3A_85 = arith.constant 640 : i32
    %mul3A_86 = arith.muli %arg1, %mul3A_85 : i32
    %add3A_87 = arith.constant 480 : i32
    %add3A_88 = arith.addi %mul3A_86, %add3A_87 : i32
    "tpu.region"() ({
      %run_scoped3A = tpu.sem_alloc : memref<!tpu.dma_semaphore, #tpu.memory_space<semaphore_mem>>
      %dma_start3A_524 = arith.constant 0 : i32
      %dma_start3A_525 = tpu.memref_slice %arg17[%add3A_88, %dma_start3A_524] : memref<10240x32xf32, #tpu.memory_space<vmem_shared>> -> memref<40x32xf32, #tpu.memory_space<vmem_shared>>
      %dma_start3A_526 = arith.constant 0 : i32
      %dma_start3A_527 = tpu.memref_slice %arg17[%add3A_88, %dma_start3A_526] : memref<10240x32xf32, #tpu.memory_space<vmem_shared>> -> memref<40x32xf32, #tpu.memory_space<vmem_shared>>
      tpu.enqueue_dma source(%arg11 : memref<40x32xf32, #tpu.memory_space<vmem>>) target(%dma_start3A_527 : memref<40x32xf32, #tpu.memory_space<vmem_shared>>) target_semaphore(%run_scoped3A : memref<!tpu.dma_semaphore, #tpu.memory_space<semaphore_mem>>)
      %dma_wait3A_528 = arith.constant 0 : i32
      %dma_wait3A_529 = tpu.memref_slice %arg17[%add3A_88, %dma_wait3A_528] : memref<10240x32xf32, #tpu.memory_space<vmem_shared>> -> memref<40x32xf32, #tpu.memory_space<vmem_shared>>
      %dma_wait3A_530 = arith.constant 0 : i32
      %dma_wait3A_531 = tpu.memref_slice %arg17[%add3A_88, %dma_wait3A_530] : memref<10240x32xf32, #tpu.memory_space<vmem_shared>> -> memref<40x32xf32, #tpu.memory_space<vmem_shared>>
      tpu.wait_dma2 semaphore(%run_scoped3A : memref<!tpu.dma_semaphore, #tpu.memory_space<semaphore_mem>>) src(%arg11 : memref<40x32xf32, #tpu.memory_space<vmem>>) dst(%dma_wait3A_531 : memref<40x32xf32, #tpu.memory_space<vmem_shared>>)
      tpu.yield
    }) : () -> ()
    %mul3A_89 = arith.constant 640 : i32
    %mul3A_90 = arith.muli %arg1, %mul3A_89 : i32
    %add3A_91 = arith.constant 520 : i32
    %add3A_92 = arith.addi %mul3A_90, %add3A_91 : i32
    "tpu.region"() ({
      %run_scoped3A = tpu.sem_alloc : memref<!tpu.dma_semaphore, #tpu.memory_space<semaphore_mem>>
      %dma_start3A_524 = arith.constant 0 : i32
      %dma_start3A_525 = tpu.memref_slice %arg17[%add3A_92, %dma_start3A_524] : memref<10240x32xf32, #tpu.memory_space<vmem_shared>> -> memref<40x32xf32, #tpu.memory_space<vmem_shared>>
      %dma_start3A_526 = arith.constant 0 : i32
      %dma_start3A_527 = tpu.memref_slice %arg17[%add3A_92, %dma_start3A_526] : memref<10240x32xf32, #tpu.memory_space<vmem_shared>> -> memref<40x32xf32, #tpu.memory_space<vmem_shared>>
      tpu.enqueue_dma source(%arg11 : memref<40x32xf32, #tpu.memory_space<vmem>>) target(%dma_start3A_527 : memref<40x32xf32, #tpu.memory_space<vmem_shared>>) target_semaphore(%run_scoped3A : memref<!tpu.dma_semaphore, #tpu.memory_space<semaphore_mem>>)
      %dma_wait3A_528 = arith.constant 0 : i32
      %dma_wait3A_529 = tpu.memref_slice %arg17[%add3A_92, %dma_wait3A_528] : memref<10240x32xf32, #tpu.memory_space<vmem_shared>> -> memref<40x32xf32, #tpu.memory_space<vmem_shared>>
      %dma_wait3A_530 = arith.constant 0 : i32
      %dma_wait3A_531 = tpu.memref_slice %arg17[%add3A_92, %dma_wait3A_530] : memref<10240x32xf32, #tpu.memory_space<vmem_shared>> -> memref<40x32xf32, #tpu.memory_space<vmem_shared>>
      tpu.wait_dma2 semaphore(%run_scoped3A : memref<!tpu.dma_semaphore, #tpu.memory_space<semaphore_mem>>) src(%arg11 : memref<40x32xf32, #tpu.memory_space<vmem>>) dst(%dma_wait3A_531 : memref<40x32xf32, #tpu.memory_space<vmem_shared>>)
      tpu.yield
    }) : () -> ()
    %mul3A_93 = arith.constant 640 : i32
    %mul3A_94 = arith.muli %arg1, %mul3A_93 : i32
    %add3A_95 = arith.constant 560 : i32
    %add3A_96 = arith.addi %mul3A_94, %add3A_95 : i32
    "tpu.region"() ({
      %run_scoped3A = tpu.sem_alloc : memref<!tpu.dma_semaphore, #tpu.memory_space<semaphore_mem>>
      %dma_start3A_524 = arith.constant 0 : i32
      %dma_start3A_525 = tpu.memref_slice %arg17[%add3A_96, %dma_start3A_524] : memref<10240x32xf32, #tpu.memory_space<vmem_shared>> -> memref<40x32xf32, #tpu.memory_space<vmem_shared>>
      %dma_start3A_526 = arith.constant 0 : i32
      %dma_start3A_527 = tpu.memref_slice %arg17[%add3A_96, %dma_start3A_526] : memref<10240x32xf32, #tpu.memory_space<vmem_shared>> -> memref<40x32xf32, #tpu.memory_space<vmem_shared>>
      tpu.enqueue_dma source(%arg11 : memref<40x32xf32, #tpu.memory_space<vmem>>) target(%dma_start3A_527 : memref<40x32xf32, #tpu.memory_space<vmem_shared>>) target_semaphore(%run_scoped3A : memref<!tpu.dma_semaphore, #tpu.memory_space<semaphore_mem>>)
      %dma_wait3A_528 = arith.constant 0 : i32
      %dma_wait3A_529 = tpu.memref_slice %arg17[%add3A_96, %dma_wait3A_528] : memref<10240x32xf32, #tpu.memory_space<vmem_shared>> -> memref<40x32xf32, #tpu.memory_space<vmem_shared>>
      %dma_wait3A_530 = arith.constant 0 : i32
      %dma_wait3A_531 = tpu.memref_slice %arg17[%add3A_96, %dma_wait3A_530] : memref<10240x32xf32, #tpu.memory_space<vmem_shared>> -> memref<40x32xf32, #tpu.memory_space<vmem_shared>>
      tpu.wait_dma2 semaphore(%run_scoped3A : memref<!tpu.dma_semaphore, #tpu.memory_space<semaphore_mem>>) src(%arg11 : memref<40x32xf32, #tpu.memory_space<vmem>>) dst(%dma_wait3A_531 : memref<40x32xf32, #tpu.memory_space<vmem_shared>>)
      tpu.yield
    }) : () -> ()
    %mul3A_97 = arith.constant 640 : i32
    %mul3A_98 = arith.muli %arg1, %mul3A_97 : i32
    %add3A_99 = arith.constant 600 : i32
    %add3A_100 = arith.addi %mul3A_98, %add3A_99 : i32
    "tpu.region"() ({
      %run_scoped3A = tpu.sem_alloc : memref<!tpu.dma_semaphore, #tpu.memory_space<semaphore_mem>>
      %dma_start3A_524 = arith.constant 0 : i32
      %dma_start3A_525 = tpu.memref_slice %arg17[%add3A_100, %dma_start3A_524] : memref<10240x32xf32, #tpu.memory_space<vmem_shared>> -> memref<40x32xf32, #tpu.memory_space<vmem_shared>>
      %dma_start3A_526 = arith.constant 0 : i32
      %dma_start3A_527 = tpu.memref_slice %arg17[%add3A_100, %dma_start3A_526] : memref<10240x32xf32, #tpu.memory_space<vmem_shared>> -> memref<40x32xf32, #tpu.memory_space<vmem_shared>>
      tpu.enqueue_dma source(%arg11 : memref<40x32xf32, #tpu.memory_space<vmem>>) target(%dma_start3A_527 : memref<40x32xf32, #tpu.memory_space<vmem_shared>>) target_semaphore(%run_scoped3A : memref<!tpu.dma_semaphore, #tpu.memory_space<semaphore_mem>>)
      %dma_wait3A_528 = arith.constant 0 : i32
      %dma_wait3A_529 = tpu.memref_slice %arg17[%add3A_100, %dma_wait3A_528] : memref<10240x32xf32, #tpu.memory_space<vmem_shared>> -> memref<40x32xf32, #tpu.memory_space<vmem_shared>>
      %dma_wait3A_530 = arith.constant 0 : i32
      %dma_wait3A_531 = tpu.memref_slice %arg17[%add3A_100, %dma_wait3A_530] : memref<10240x32xf32, #tpu.memory_space<vmem_shared>> -> memref<40x32xf32, #tpu.memory_space<vmem_shared>>
      tpu.wait_dma2 semaphore(%run_scoped3A : memref<!tpu.dma_semaphore, #tpu.memory_space<semaphore_mem>>) src(%arg11 : memref<40x32xf32, #tpu.memory_space<vmem>>) dst(%dma_wait3A_531 : memref<40x32xf32, #tpu.memory_space<vmem_shared>>)
      tpu.yield
    }) : () -> ()
    %barrier3A = arith.constant 0 : index
    tpu.barrier barrier_id(%barrier3A)
    %scan3A_101 = arith.constant 0 : i32
    %scan3A_102 = arith.constant 0 : i32
    %scan3A_103 = arith.constant 62 : i32
    %scan3A_104 = arith.addi %scan3A_102, %scan3A_103 : i32
    %scan3A_105 = arith.constant 1 : i32
    scf.for %scan3A_524 = %scan3A_102 to %scan3A_104 step %scan3A_105  : i32 {
      %mul3A_525 = arith.constant 2 : i32
      %mul3A_526 = arith.muli %mul3A_525, %scan3A_524 : i32
      %add3A_527 = arith.constant 0 : i32
      %add3A_528 = arith.addi %mul3A_526, %add3A_527 : i32
      %add3A_529 = arith.constant 1 : i32
      %add3A_530 = arith.addi %add3A_528, %add3A_529 : i32
      %mul3A_531 = arith.constant 125 : i32
      %mul3A_532 = arith.muli %add3A, %mul3A_531 : i32
      %add3A_533 = arith.addi %mul3A_532, %add3A_530 : i32
      %mul3A_534 = arith.constant 40 : i32
      %mul3A_535 = arith.muli %add3A_533, %mul3A_534 : i32
      %dma_start3A_536 = arith.constant 0 : i32
      %dma_start3A_537 = arith.constant 0 : i32
      %dma_start3A_538 = tpu.memref_slice %arg5[%mul3A_535, %dma_start3A_536, %dma_start3A_537] : memref<160000x8x128xf32, #tpu.memory_space<hbm>> -> memref<40x8x128xf32, #tpu.memory_space<hbm>>
      %dma_start3A_539 = arith.constant 0 : i32
      %dma_start3A_540 = arith.constant 0 : i32
      %dma_start3A_541 = tpu.memref_slice %arg5[%mul3A_535, %dma_start3A_539, %dma_start3A_540] : memref<160000x8x128xf32, #tpu.memory_space<hbm>> -> memref<40x8x128xf32, #tpu.memory_space<hbm>>
      tpu.enqueue_dma source(%dma_start3A_541 : memref<40x8x128xf32, #tpu.memory_space<hbm>>) target(%arg8 : memref<40x8x128xf32, #tpu.memory_space<vmem>>) target_semaphore(%arg19 : memref<!tpu.dma_semaphore, #tpu.memory_space<semaphore_mem>>)
      %dma_start3A_542 = arith.constant 0 : i32
      %dma_start3A_543 = tpu.memref_slice %arg12[%add3A_530, %dma_start3A_542] : memref<125x40xi32, #tpu.memory_space<vmem>> -> memref<1x40xi32, #tpu.memory_space<vmem>>
      %dma_start3A_544 = tpu.memref_squeeze %dma_start3A_543 : memref<1x40xi32, #tpu.memory_space<vmem>> -> memref<40xi32, #tpu.memory_space<vmem>>
      %dma_start3A_545 = arith.constant 0 : i32
      %dma_start3A_546 = arith.constant 0 : i32
      %dma_start3A_547 = tpu.memref_slice %arg2[%dma_start3A_545, %dma_start3A_546] : memref<10000x128xf32, #tpu.memory_space<hbm>> -> memref<10000x128xf32, #tpu.memory_space<hbm>>
      tpu.enqueue_indirect_dma source(%dma_start3A_547 : memref<10000x128xf32, #tpu.memory_space<hbm>>) target(%arg10 : memref<40x128xf32, #tpu.memory_space<vmem>>) offsets(%dma_start3A_544 : memref<40xi32, #tpu.memory_space<vmem>>) semaphore(%arg21 : memref<!tpu.dma_semaphore, #tpu.memory_space<semaphore_mem>>)
      %mul3A_548 = arith.constant 125 : i32
      %mul3A_549 = arith.muli %add3A, %mul3A_548 : i32
      %add3A_550 = arith.addi %mul3A_549, %add3A_530 : i32
      %dma_start3A_551 = arith.constant 0 : i32
      %dma_start3A_552 = tpu.memref_slice %arg4[%add3A_550, %dma_start3A_551] : memref<4000x128xi32, #tpu.memory_space<hbm>> -> memref<1x40xi32, #tpu.memory_space<hbm>>
      %dma_start3A_553 = tpu.memref_squeeze %dma_start3A_552 : memref<1x40xi32, #tpu.memory_space<hbm>> -> memref<40xi32, #tpu.memory_space<hbm>>
      %dma_start3A_554 = arith.constant 0 : i32
      %dma_start3A_555 = tpu.memref_slice %arg4[%add3A_550, %dma_start3A_554] : memref<4000x128xi32, #tpu.memory_space<hbm>> -> memref<1x40xi32, #tpu.memory_space<hbm>>
      %dma_start3A_556 = tpu.memref_squeeze %dma_start3A_555 : memref<1x40xi32, #tpu.memory_space<hbm>> -> memref<40xi32, #tpu.memory_space<hbm>>
      tpu.enqueue_dma source(%dma_start3A_556 : memref<40xi32, #tpu.memory_space<hbm>>) target(%arg14 : memref<40xi32, #tpu.memory_space<vmem>>) target_semaphore(%arg23 : memref<!tpu.dma_semaphore, #tpu.memory_space<semaphore_mem>>)
      %mul3A_557 = arith.constant 125 : i32
      %mul3A_558 = arith.muli %add3A, %mul3A_557 : i32
      %add3A_559 = arith.addi %mul3A_558, %add3A_528 : i32
      %mul3A_560 = arith.constant 40 : i32
      %mul3A_561 = arith.muli %add3A_559, %mul3A_560 : i32
      %dma_wait3A_562 = arith.constant 0 : i32
      %dma_wait3A_563 = arith.constant 0 : i32
      %dma_wait3A_564 = tpu.memref_slice %arg5[%mul3A_561, %dma_wait3A_562, %dma_wait3A_563] : memref<160000x8x128xf32, #tpu.memory_space<hbm>> -> memref<40x8x128xf32, #tpu.memory_space<hbm>>
      %dma_wait3A_565 = arith.constant 0 : i32
      %dma_wait3A_566 = arith.constant 0 : i32
      %dma_wait3A_567 = tpu.memref_slice %arg5[%mul3A_561, %dma_wait3A_565, %dma_wait3A_566] : memref<160000x8x128xf32, #tpu.memory_space<hbm>> -> memref<40x8x128xf32, #tpu.memory_space<hbm>>
      tpu.wait_dma2 semaphore(%arg18 : memref<!tpu.dma_semaphore, #tpu.memory_space<semaphore_mem>>) src(%dma_wait3A_567 : memref<40x8x128xf32, #tpu.memory_space<hbm>>) dst(%arg7 : memref<40x8x128xf32, #tpu.memory_space<vmem>>)
      %dma_wait3A_568 = arith.constant 0 : i32
      %dma_wait3A_569 = tpu.memref_slice %arg12[%add3A_528, %dma_wait3A_568] : memref<125x40xi32, #tpu.memory_space<vmem>> -> memref<1x40xi32, #tpu.memory_space<vmem>>
      %dma_wait3A_570 = tpu.memref_squeeze %dma_wait3A_569 : memref<1x40xi32, #tpu.memory_space<vmem>> -> memref<40xi32, #tpu.memory_space<vmem>>
      %dma_wait3A_571 = arith.constant 0 : i32
      %dma_wait3A_572 = arith.constant 0 : i32
      %dma_wait3A_573 = tpu.memref_slice %arg2[%dma_wait3A_571, %dma_wait3A_572] : memref<10000x128xf32, #tpu.memory_space<hbm>> -> memref<10000x128xf32, #tpu.memory_space<hbm>>
      tpu.wait_indirect_dma semaphore(%arg20 : memref<!tpu.dma_semaphore, #tpu.memory_space<semaphore_mem>>) src(%dma_wait3A_573 : memref<10000x128xf32, #tpu.memory_space<hbm>>) dst(%arg9 : memref<40x128xf32, #tpu.memory_space<vmem>>)
      %scan3A_574 = arith.constant 0 : i32
      %scan3A_575 = arith.constant 0 : i32
      %scan3A_576 = arith.constant 40 : i32
      %scan3A_577 = arith.addi %scan3A_575, %scan3A_576 : i32
      %scan3A_578 = arith.constant 1 : i32
      scf.for %scan3A_653 = %scan3A_575 to %scan3A_577 step %scan3A_578  : i32 {
        %get3A = arith.index_cast %scan3A_653 : i32 to index
        %get3A_654 = arith.constant 0 : index
        %get3A_655 = tpu.vector_load %arg9[%get3A, %get3A_654] {strides = array<i32>} : memref<40x128xf32, #tpu.memory_space<vmem>>, vector<1x16xf32>,
        %get3A_656 = vector.shape_cast %get3A_655 : vector<1x16xf32> to vector<16xf32>
        %get3A_657 = arith.index_cast %scan3A_653 : i32 to index
        %get3A_658 = arith.constant 16 : index
        %get3A_659 = tpu.vector_load %arg9[%get3A_657, %get3A_658] {strides = array<i32>} : memref<40x128xf32, #tpu.memory_space<vmem>>, vector<1x16xf32>,
        %get3A_660 = vector.shape_cast %get3A_659 : vector<1x16xf32> to vector<16xf32>
        %slice3A = vector.extract_strided_slice %get3A_656 {offsets = [0], sizes = [1], strides = [1]} : vector<16xf32> to vector<1xf32>
        %squeeze3A = vector.extract %slice3A[0] : f32 from vector<1xf32>
        %get3A_661 = arith.constant 0 : i32
        %get3A_662 = arith.index_cast %scan3A_653 : i32 to index
        %get3A_663 = arith.index_cast %get3A_661 : i32 to index
        %get3A_664 = arith.constant 0 : index
        %get3A_665 = tpu.vector_load %arg7[%get3A_662, %get3A_663, %get3A_664] {strides = array<i32>} : memref<40x8x128xf32, #tpu.memory_space<vmem>>, vector<1x1x16xf32>,
        %get3A_666 = vector.shape_cast %get3A_665 : vector<1x1x16xf32> to vector<16xf32>
        %get3A_667 = arith.constant 0 : i32
        %get3A_668 = arith.index_cast %scan3A_653 : i32 to index
        %get3A_669 = arith.index_cast %get3A_667 : i32 to index
        %get3A_670 = arith.constant 16 : index
        %get3A_671 = tpu.vector_load %arg7[%get3A_668, %get3A_669, %get3A_670] {strides = array<i32>} : memref<40x8x128xf32, #tpu.memory_space<vmem>>, vector<1x1x16xf32>,
        %get3A_672 = vector.shape_cast %get3A_671 : vector<1x1x16xf32> to vector<16xf32>
        %mul3A_673 = vector.broadcast %squeeze3A : f32 to vector<16xf32>
        %mul3A_674 = arith.mulf %mul3A_673, %get3A_666 : vector<16xf32>
        %add3A_675 = arith.addf %broadcast_in_dim3A_1, %mul3A_674 : vector<16xf32>
        %mul3A_676 = vector.broadcast %squeeze3A : f32 to vector<16xf32>
        %mul3A_677 = arith.mulf %mul3A_676, %get3A_672 : vector<16xf32>
        %add3A_678 = arith.addf %broadcast_in_dim3A_1, %mul3A_677 : vector<16xf32>
        %slice3A_679 = vector.extract_strided_slice %get3A_656 {offsets = [1], sizes = [1], strides = [1]} : vector<16xf32> to vector<1xf32>
        %squeeze3A_680 = vector.extract %slice3A_679[0] : f32 from vector<1xf32>
        %get3A_681 = arith.constant 0 : i32
        %get3A_682 = arith.index_cast %scan3A_653 : i32 to index
        %get3A_683 = arith.index_cast %get3A_681 : i32 to index
        %get3A_684 = arith.constant 32 : index
        %get3A_685 = tpu.vector_load %arg7[%get3A_682, %get3A_683, %get3A_684] {strides = array<i32>} : memref<40x8x128xf32, #tpu.memory_space<vmem>>, vector<1x1x16xf32>,
        %get3A_686 = vector.shape_cast %get3A_685 : vector<1x1x16xf32> to vector<16xf32>
        %get3A_687 = arith.constant 0 : i32
        %get3A_688 = arith.index_cast %scan3A_653 : i32 to index
        %get3A_689 = arith.index_cast %get3A_687 : i32 to index
        %get3A_690 = arith.constant 48 : index
        %get3A_691 = tpu.vector_load %arg7[%get3A_688, %get3A_689, %get3A_690] {strides = array<i32>} : memref<40x8x128xf32, #tpu.memory_space<vmem>>, vector<1x1x16xf32>,
        %get3A_692 = vector.shape_cast %get3A_691 : vector<1x1x16xf32> to vector<16xf32>
        %mul3A_693 = vector.broadcast %squeeze3A_680 : f32 to vector<16xf32>
        %mul3A_694 = arith.mulf %mul3A_693, %get3A_686 : vector<16xf32>
        %add3A_695 = arith.addf %broadcast_in_dim3A_1, %mul3A_694 : vector<16xf32>
        %mul3A_696 = vector.broadcast %squeeze3A_680 : f32 to vector<16xf32>
        %mul3A_697 = arith.mulf %mul3A_696, %get3A_692 : vector<16xf32>
        %add3A_698 = arith.addf %broadcast_in_dim3A_1, %mul3A_697 : vector<16xf32>
        %slice3A_699 = vector.extract_strided_slice %get3A_656 {offsets = [2], sizes = [1], strides = [1]} : vector<16xf32> to vector<1xf32>
        %squeeze3A_700 = vector.extract %slice3A_699[0] : f32 from vector<1xf32>
        %get3A_701 = arith.constant 0 : i32
        %get3A_702 = arith.index_cast %scan3A_653 : i32 to index
        %get3A_703 = arith.index_cast %get3A_701 : i32 to index
        %get3A_704 = arith.constant 64 : index
        %get3A_705 = tpu.vector_load %arg7[%get3A_702, %get3A_703, %get3A_704] {strides = array<i32>} : memref<40x8x128xf32, #tpu.memory_space<vmem>>, vector<1x1x16xf32>,
        %get3A_706 = vector.shape_cast %get3A_705 : vector<1x1x16xf32> to vector<16xf32>
        %get3A_707 = arith.constant 0 : i32
        %get3A_708 = arith.index_cast %scan3A_653 : i32 to index
        %get3A_709 = arith.index_cast %get3A_707 : i32 to index
        %get3A_710 = arith.constant 80 : index
        %get3A_711 = tpu.vector_load %arg7[%get3A_708, %get3A_709, %get3A_710] {strides = array<i32>} : memref<40x8x128xf32, #tpu.memory_space<vmem>>, vector<1x1x16xf32>,
        %get3A_712 = vector.shape_cast %get3A_711 : vector<1x1x16xf32> to vector<16xf32>
        %mul3A_713 = vector.broadcast %squeeze3A_700 : f32 to vector<16xf32>
        %mul3A_714 = arith.mulf %mul3A_713, %get3A_706 : vector<16xf32>
        %add3A_715 = arith.addf %add3A_675, %mul3A_714 : vector<16xf32>
        %mul3A_716 = vector.broadcast %squeeze3A_700 : f32 to vector<16xf32>
        %mul3A_717 = arith.mulf %mul3A_716, %get3A_712 : vector<16xf32>
        %add3A_718 = arith.addf %add3A_678, %mul3A_717 : vector<16xf32>
        %slice3A_719 = vector.extract_strided_slice %get3A_656 {offsets = [3], sizes = [1], strides = [1]} : vector<16xf32> to vector<1xf32>
        %squeeze3A_720 = vector.extract %slice3A_719[0] : f32 from vector<1xf32>
        %get3A_721 = arith.constant 0 : i32
        %get3A_722 = arith.index_cast %scan3A_653 : i32 to index
        %get3A_723 = arith.index_cast %get3A_721 : i32 to index
        %get3A_724 = arith.constant 96 : index
        %get3A_725 = tpu.vector_load %arg7[%get3A_722, %get3A_723, %get3A_724] {strides = array<i32>} : memref<40x8x128xf32, #tpu.memory_space<vmem>>, vector<1x1x16xf32>,
        %get3A_726 = vector.shape_cast %get3A_725 : vector<1x1x16xf32> to vector<16xf32>
        %get3A_727 = arith.constant 0 : i32
        %get3A_728 = arith.index_cast %scan3A_653 : i32 to index
        %get3A_729 = arith.index_cast %get3A_727 : i32 to index
        %get3A_730 = arith.constant 112 : index
        %get3A_731 = tpu.vector_load %arg7[%get3A_728, %get3A_729, %get3A_730] {strides = array<i32>} : memref<40x8x128xf32, #tpu.memory_space<vmem>>, vector<1x1x16xf32>,
        %get3A_732 = vector.shape_cast %get3A_731 : vector<1x1x16xf32> to vector<16xf32>
        %mul3A_733 = vector.broadcast %squeeze3A_720 : f32 to vector<16xf32>
        %mul3A_734 = arith.mulf %mul3A_733, %get3A_726 : vector<16xf32>
        %add3A_735 = arith.addf %add3A_695, %mul3A_734 : vector<16xf32>
        %mul3A_736 = vector.broadcast %squeeze3A_720 : f32 to vector<16xf32>
        %mul3A_737 = arith.mulf %mul3A_736, %get3A_732 : vector<16xf32>
        %add3A_738 = arith.addf %add3A_698, %mul3A_737 : vector<16xf32>
        %slice3A_739 = vector.extract_strided_slice %get3A_656 {offsets = [4], sizes = [1], strides = [1]} : vector<16xf32> to vector<1xf32>
        %squeeze3A_740 = vector.extract %slice3A_739[0] : f32 from vector<1xf32>
        %get3A_741 = arith.constant 1 : i32
        %get3A_742 = arith.index_cast %scan3A_653 : i32 to index
        %get3A_743 = arith.index_cast %get3A_741 : i32 to index
        %get3A_744 = arith.constant 0 : index
        %get3A_745 = tpu.vector_load %arg7[%get3A_742, %get3A_743, %get3A_744] {strides = array<i32>} : memref<40x8x128xf32, #tpu.memory_space<vmem>>, vector<1x1x16xf32>,
        %get3A_746 = vector.shape_cast %get3A_745 : vector<1x1x16xf32> to vector<16xf32>
        %get3A_747 = arith.constant 1 : i32
        %get3A_748 = arith.index_cast %scan3A_653 : i32 to index
        %get3A_749 = arith.index_cast %get3A_747 : i32 to index
        %get3A_750 = arith.constant 16 : index
        %get3A_751 = tpu.vector_load %arg7[%get3A_748, %get3A_749, %get3A_750] {strides = array<i32>} : memref<40x8x128xf32, #tpu.memory_space<vmem>>, vector<1x1x16xf32>,
        %get3A_752 = vector.shape_cast %get3A_751 : vector<1x1x16xf32> to vector<16xf32>
        %mul3A_753 = vector.broadcast %squeeze3A_740 : f32 to vector<16xf32>
        %mul3A_754 = arith.mulf %mul3A_753, %get3A_746 : vector<16xf32>
        %add3A_755 = arith.addf %add3A_715, %mul3A_754 : vector<16xf32>
        %mul3A_756 = vector.broadcast %squeeze3A_740 : f32 to vector<16xf32>
        %mul3A_757 = arith.mulf %mul3A_756, %get3A_752 : vector<16xf32>
        %add3A_758 = arith.addf %add3A_718, %mul3A_757 : vector<16xf32>
        %slice3A_759 = vector.extract_strided_slice %get3A_656 {offsets = [5], sizes = [1], strides = [1]} : vector<16xf32> to vector<1xf32>
        %squeeze3A_760 = vector.extract %slice3A_759[0] : f32 from vector<1xf32>
        %get3A_761 = arith.constant 1 : i32
        %get3A_762 = arith.index_cast %scan3A_653 : i32 to index
        %get3A_763 = arith.index_cast %get3A_761 : i32 to index
        %get3A_764 = arith.constant 32 : index
        %get3A_765 = tpu.vector_load %arg7[%get3A_762, %get3A_763, %get3A_764] {strides = array<i32>} : memref<40x8x128xf32, #tpu.memory_space<vmem>>, vector<1x1x16xf32>,
        %get3A_766 = vector.shape_cast %get3A_765 : vector<1x1x16xf32> to vector<16xf32>
        %get3A_767 = arith.constant 1 : i32
        %get3A_768 = arith.index_cast %scan3A_653 : i32 to index
        %get3A_769 = arith.index_cast %get3A_767 : i32 to index
        %get3A_770 = arith.constant 48 : index
        %get3A_771 = tpu.vector_load %arg7[%get3A_768, %get3A_769, %get3A_770] {strides = array<i32>} : memref<40x8x128xf32, #tpu.memory_space<vmem>>, vector<1x1x16xf32>,
        %get3A_772 = vector.shape_cast %get3A_771 : vector<1x1x16xf32> to vector<16xf32>
        %mul3A_773 = vector.broadcast %squeeze3A_760 : f32 to vector<16xf32>
        %mul3A_774 = arith.mulf %mul3A_773, %get3A_766 : vector<16xf32>
        %add3A_775 = arith.addf %add3A_735, %mul3A_774 : vector<16xf32>
        %mul3A_776 = vector.broadcast %squeeze3A_760 : f32 to vector<16xf32>
        %mul3A_777 = arith.mulf %mul3A_776, %get3A_772 : vector<16xf32>
        %add3A_778 = arith.addf %add3A_738, %mul3A_777 : vector<16xf32>
        %slice3A_779 = vector.extract_strided_slice %get3A_656 {offsets = [6], sizes = [1], strides = [1]} : vector<16xf32> to vector<1xf32>
        %squeeze3A_780 = vector.extract %slice3A_779[0] : f32 from vector<1xf32>
        %get3A_781 = arith.constant 1 : i32
        %get3A_782 = arith.index_cast %scan3A_653 : i32 to index
        %get3A_783 = arith.index_cast %get3A_781 : i32 to index
        %get3A_784 = arith.constant 64 : index
        %get3A_785 = tpu.vector_load %arg7[%get3A_782, %get3A_783, %get3A_784] {strides = array<i32>} : memref<40x8x128xf32, #tpu.memory_space<vmem>>, vector<1x1x16xf32>,
        %get3A_786 = vector.shape_cast %get3A_785 : vector<1x1x16xf32> to vector<16xf32>
        %get3A_787 = arith.constant 1 : i32
        %get3A_788 = arith.index_cast %scan3A_653 : i32 to index
        %get3A_789 = arith.index_cast %get3A_787 : i32 to index
        %get3A_790 = arith.constant 80 : index
        %get3A_791 = tpu.vector_load %arg7[%get3A_788, %get3A_789, %get3A_790] {strides = array<i32>} : memref<40x8x128xf32, #tpu.memory_space<vmem>>, vector<1x1x16xf32>,
        %get3A_792 = vector.shape_cast %get3A_791 : vector<1x1x16xf32> to vector<16xf32>
        %mul3A_793 = vector.broadcast %squeeze3A_780 : f32 to vector<16xf32>
        %mul3A_794 = arith.mulf %mul3A_793, %get3A_786 : vector<16xf32>
        %add3A_795 = arith.addf %add3A_755, %mul3A_794 : vector<16xf32>
        %mul3A_796 = vector.broadcast %squeeze3A_780 : f32 to vector<16xf32>
        %mul3A_797 = arith.mulf %mul3A_796, %get3A_792 : vector<16xf32>
        %add3A_798 = arith.addf %add3A_758, %mul3A_797 : vector<16xf32>
        %slice3A_799 = vector.extract_strided_slice %get3A_656 {offsets = [7], sizes = [1], strides = [1]} : vector<16xf32> to vector<1xf32>
        %squeeze3A_800 = vector.extract %slice3A_799[0] : f32 from vector<1xf32>
        %get3A_801 = arith.constant 1 : i32
        %get3A_802 = arith.index_cast %scan3A_653 : i32 to index
        %get3A_803 = arith.index_cast %get3A_801 : i32 to index
        %get3A_804 = arith.constant 96 : index
        %get3A_805 = tpu.vector_load %arg7[%get3A_802, %get3A_803, %get3A_804] {strides = array<i32>} : memref<40x8x128xf32, #tpu.memory_space<vmem>>, vector<1x1x16xf32>,
        %get3A_806 = vector.shape_cast %get3A_805 : vector<1x1x16xf32> to vector<16xf32>
        %get3A_807 = arith.constant 1 : i32
        %get3A_808 = arith.index_cast %scan3A_653 : i32 to index
        %get3A_809 = arith.index_cast %get3A_807 : i32 to index
        %get3A_810 = arith.constant 112 : index
        %get3A_811 = tpu.vector_load %arg7[%get3A_808, %get3A_809, %get3A_810] {strides = array<i32>} : memref<40x8x128xf32, #tpu.memory_space<vmem>>, vector<1x1x16xf32>,
        %get3A_812 = vector.shape_cast %get3A_811 : vector<1x1x16xf32> to vector<16xf32>
        %mul3A_813 = vector.broadcast %squeeze3A_800 : f32 to vector<16xf32>
        %mul3A_814 = arith.mulf %mul3A_813, %get3A_806 : vector<16xf32>
        %add3A_815 = arith.addf %add3A_775, %mul3A_814 : vector<16xf32>
        %mul3A_816 = vector.broadcast %squeeze3A_800 : f32 to vector<16xf32>
        %mul3A_817 = arith.mulf %mul3A_816, %get3A_812 : vector<16xf32>
        %add3A_818 = arith.addf %add3A_778, %mul3A_817 : vector<16xf32>
        %slice3A_819 = vector.extract_strided_slice %get3A_656 {offsets = [8], sizes = [1], strides = [1]} : vector<16xf32> to vector<1xf32>
        %squeeze3A_820 = vector.extract %slice3A_819[0] : f32 from vector<1xf32>
        %get3A_821 = arith.constant 2 : i32
        %get3A_822 = arith.index_cast %scan3A_653 : i32 to index
        %get3A_823 = arith.index_cast %get3A_821 : i32 to index
        %get3A_824 = arith.constant 0 : index
        %get3A_825 = tpu.vector_load %arg7[%get3A_822, %get3A_823, %get3A_824] {strides = array<i32>} : memref<40x8x128xf32, #tpu.memory_space<vmem>>, vector<1x1x16xf32>,
        %get3A_826 = vector.shape_cast %get3A_825 : vector<1x1x16xf32> to vector<16xf32>
        %get3A_827 = arith.constant 2 : i32
        %get3A_828 = arith.index_cast %scan3A_653 : i32 to index
        %get3A_829 = arith.index_cast %get3A_827 : i32 to index
        %get3A_830 = arith.constant 16 : index
        %get3A_831 = tpu.vector_load %arg7[%get3A_828, %get3A_829, %get3A_830] {strides = array<i32>} : memref<40x8x128xf32, #tpu.memory_space<vmem>>, vector<1x1x16xf32>,
        %get3A_832 = vector.shape_cast %get3A_831 : vector<1x1x16xf32> to vector<16xf32>
        %mul3A_833 = vector.broadcast %squeeze3A_820 : f32 to vector<16xf32>
        %mul3A_834 = arith.mulf %mul3A_833, %get3A_826 : vector<16xf32>
        %add3A_835 = arith.addf %add3A_795, %mul3A_834 : vector<16xf32>
        %mul3A_836 = vector.broadcast %squeeze3A_820 : f32 to vector<16xf32>
        %mul3A_837 = arith.mulf %mul3A_836, %get3A_832 : vector<16xf32>
        %add3A_838 = arith.addf %add3A_798, %mul3A_837 : vector<16xf32>
        %slice3A_839 = vector.extract_strided_slice %get3A_656 {offsets = [9], sizes = [1], strides = [1]} : vector<16xf32> to vector<1xf32>
        %squeeze3A_840 = vector.extract %slice3A_839[0] : f32 from vector<1xf32>
        %get3A_841 = arith.constant 2 : i32
        %get3A_842 = arith.index_cast %scan3A_653 : i32 to index
        %get3A_843 = arith.index_cast %get3A_841 : i32 to index
        %get3A_844 = arith.constant 32 : index
        %get3A_845 = tpu.vector_load %arg7[%get3A_842, %get3A_843, %get3A_844] {strides = array<i32>} : memref<40x8x128xf32, #tpu.memory_space<vmem>>, vector<1x1x16xf32>,
        %get3A_846 = vector.shape_cast %get3A_845 : vector<1x1x16xf32> to vector<16xf32>
        %get3A_847 = arith.constant 2 : i32
        %get3A_848 = arith.index_cast %scan3A_653 : i32 to index
        %get3A_849 = arith.index_cast %get3A_847 : i32 to index
        %get3A_850 = arith.constant 48 : index
        %get3A_851 = tpu.vector_load %arg7[%get3A_848, %get3A_849, %get3A_850] {strides = array<i32>} : memref<40x8x128xf32, #tpu.memory_space<vmem>>, vector<1x1x16xf32>,
        %get3A_852 = vector.shape_cast %get3A_851 : vector<1x1x16xf32> to vector<16xf32>
        %mul3A_853 = vector.broadcast %squeeze3A_840 : f32 to vector<16xf32>
        %mul3A_854 = arith.mulf %mul3A_853, %get3A_846 : vector<16xf32>
        %add3A_855 = arith.addf %add3A_815, %mul3A_854 : vector<16xf32>
        %mul3A_856 = vector.broadcast %squeeze3A_840 : f32 to vector<16xf32>
        %mul3A_857 = arith.mulf %mul3A_856, %get3A_852 : vector<16xf32>
        %add3A_858 = arith.addf %add3A_818, %mul3A_857 : vector<16xf32>
        %slice3A_859 = vector.extract_strided_slice %get3A_656 {offsets = [10], sizes = [1], strides = [1]} : vector<16xf32> to vector<1xf32>
        %squeeze3A_860 = vector.extract %slice3A_859[0] : f32 from vector<1xf32>
        %get3A_861 = arith.constant 2 : i32
        %get3A_862 = arith.index_cast %scan3A_653 : i32 to index
        %get3A_863 = arith.index_cast %get3A_861 : i32 to index
        %get3A_864 = arith.constant 64 : index
        %get3A_865 = tpu.vector_load %arg7[%get3A_862, %get3A_863, %get3A_864] {strides = array<i32>} : memref<40x8x128xf32, #tpu.memory_space<vmem>>, vector<1x1x16xf32>,
        %get3A_866 = vector.shape_cast %get3A_865 : vector<1x1x16xf32> to vector<16xf32>
        %get3A_867 = arith.constant 2 : i32
        %get3A_868 = arith.index_cast %scan3A_653 : i32 to index
        %get3A_869 = arith.index_cast %get3A_867 : i32 to index
        %get3A_870 = arith.constant 80 : index
        %get3A_871 = tpu.vector_load %arg7[%get3A_868, %get3A_869, %get3A_870] {strides = array<i32>} : memref<40x8x128xf32, #tpu.memory_space<vmem>>, vector<1x1x16xf32>,
        %get3A_872 = vector.shape_cast %get3A_871 : vector<1x1x16xf32> to vector<16xf32>
        %mul3A_873 = vector.broadcast %squeeze3A_860 : f32 to vector<16xf32>
        %mul3A_874 = arith.mulf %mul3A_873, %get3A_866 : vector<16xf32>
        %add3A_875 = arith.addf %add3A_835, %mul3A_874 : vector<16xf32>
        %mul3A_876 = vector.broadcast %squeeze3A_860 : f32 to vector<16xf32>
        %mul3A_877 = arith.mulf %mul3A_876, %get3A_872 : vector<16xf32>
        %add3A_878 = arith.addf %add3A_838, %mul3A_877 : vector<16xf32>
        %slice3A_879 = vector.extract_strided_slice %get3A_656 {offsets = [11], sizes = [1], strides = [1]} : vector<16xf32> to vector<1xf32>
        %squeeze3A_880 = vector.extract %slice3A_879[0] : f32 from vector<1xf32>
        %get3A_881 = arith.constant 2 : i32
        %get3A_882 = arith.index_cast %scan3A_653 : i32 to index
        %get3A_883 = arith.index_cast %get3A_881 : i32 to index
        %get3A_884 = arith.constant 96 : index
        %get3A_885 = tpu.vector_load %arg7[%get3A_882, %get3A_883, %get3A_884] {strides = array<i32>} : memref<40x8x128xf32, #tpu.memory_space<vmem>>, vector<1x1x16xf32>,
        %get3A_886 = vector.shape_cast %get3A_885 : vector<1x1x16xf32> to vector<16xf32>
        %get3A_887 = arith.constant 2 : i32
        %get3A_888 = arith.index_cast %scan3A_653 : i32 to index
        %get3A_889 = arith.index_cast %get3A_887 : i32 to index
        %get3A_890 = arith.constant 112 : index
        %get3A_891 = tpu.vector_load %arg7[%get3A_888, %get3A_889, %get3A_890] {strides = array<i32>} : memref<40x8x128xf32, #tpu.memory_space<vmem>>, vector<1x1x16xf32>,
        %get3A_892 = vector.shape_cast %get3A_891 : vector<1x1x16xf32> to vector<16xf32>
        %mul3A_893 = vector.broadcast %squeeze3A_880 : f32 to vector<16xf32>
        %mul3A_894 = arith.mulf %mul3A_893, %get3A_886 : vector<16xf32>
        %add3A_895 = arith.addf %add3A_855, %mul3A_894 : vector<16xf32>
        %mul3A_896 = vector.broadcast %squeeze3A_880 : f32 to vector<16xf32>
        %mul3A_897 = arith.mulf %mul3A_896, %get3A_892 : vector<16xf32>
        %add3A_898 = arith.addf %add3A_858, %mul3A_897 : vector<16xf32>
        %slice3A_899 = vector.extract_strided_slice %get3A_656 {offsets = [12], sizes = [1], strides = [1]} : vector<16xf32> to vector<1xf32>
        %squeeze3A_900 = vector.extract %slice3A_899[0] : f32 from vector<1xf32>
        %get3A_901 = arith.constant 3 : i32
        %get3A_902 = arith.index_cast %scan3A_653 : i32 to index
        %get3A_903 = arith.index_cast %get3A_901 : i32 to index
        %get3A_904 = arith.constant 0 : index
        %get3A_905 = tpu.vector_load %arg7[%get3A_902, %get3A_903, %get3A_904] {strides = array<i32>} : memref<40x8x128xf32, #tpu.memory_space<vmem>>, vector<1x1x16xf32>,
        %get3A_906 = vector.shape_cast %get3A_905 : vector<1x1x16xf32> to vector<16xf32>
        %get3A_907 = arith.constant 3 : i32
        %get3A_908 = arith.index_cast %scan3A_653 : i32 to index
        %get3A_909 = arith.index_cast %get3A_907 : i32 to index
        %get3A_910 = arith.constant 16 : index
        %get3A_911 = tpu.vector_load %arg7[%get3A_908, %get3A_909, %get3A_910] {strides = array<i32>} : memref<40x8x128xf32, #tpu.memory_space<vmem>>, vector<1x1x16xf32>,
        %get3A_912 = vector.shape_cast %get3A_911 : vector<1x1x16xf32> to vector<16xf32>
        %mul3A_913 = vector.broadcast %squeeze3A_900 : f32 to vector<16xf32>
        %mul3A_914 = arith.mulf %mul3A_913, %get3A_906 : vector<16xf32>
        %add3A_915 = arith.addf %add3A_875, %mul3A_914 : vector<16xf32>
        %mul3A_916 = vector.broadcast %squeeze3A_900 : f32 to vector<16xf32>
        %mul3A_917 = arith.mulf %mul3A_916, %get3A_912 : vector<16xf32>
        %add3A_918 = arith.addf %add3A_878, %mul3A_917 : vector<16xf32>
        %slice3A_919 = vector.extract_strided_slice %get3A_656 {offsets = [13], sizes = [1], strides = [1]} : vector<16xf32> to vector<1xf32>
        %squeeze3A_920 = vector.extract %slice3A_919[0] : f32 from vector<1xf32>
        %get3A_921 = arith.constant 3 : i32
        %get3A_922 = arith.index_cast %scan3A_653 : i32 to index
        %get3A_923 = arith.index_cast %get3A_921 : i32 to index
        %get3A_924 = arith.constant 32 : index
        %get3A_925 = tpu.vector_load %arg7[%get3A_922, %get3A_923, %get3A_924] {strides = array<i32>} : memref<40x8x128xf32, #tpu.memory_space<vmem>>, vector<1x1x16xf32>,
        %get3A_926 = vector.shape_cast %get3A_925 : vector<1x1x16xf32> to vector<16xf32>
        %get3A_927 = arith.constant 3 : i32
        %get3A_928 = arith.index_cast %scan3A_653 : i32 to index
        %get3A_929 = arith.index_cast %get3A_927 : i32 to index
        %get3A_930 = arith.constant 48 : index
        %get3A_931 = tpu.vector_load %arg7[%get3A_928, %get3A_929, %get3A_930] {strides = array<i32>} : memref<40x8x128xf32, #tpu.memory_space<vmem>>, vector<1x1x16xf32>,
        %get3A_932 = vector.shape_cast %get3A_931 : vector<1x1x16xf32> to vector<16xf32>
        %mul3A_933 = vector.broadcast %squeeze3A_920 : f32 to vector<16xf32>
        %mul3A_934 = arith.mulf %mul3A_933, %get3A_926 : vector<16xf32>
        %add3A_935 = arith.addf %add3A_895, %mul3A_934 : vector<16xf32>
        %mul3A_936 = vector.broadcast %squeeze3A_920 : f32 to vector<16xf32>
        %mul3A_937 = arith.mulf %mul3A_936, %get3A_932 : vector<16xf32>
        %add3A_938 = arith.addf %add3A_898, %mul3A_937 : vector<16xf32>
        %slice3A_939 = vector.extract_strided_slice %get3A_656 {offsets = [14], sizes = [1], strides = [1]} : vector<16xf32> to vector<1xf32>
        %squeeze3A_940 = vector.extract %slice3A_939[0] : f32 from vector<1xf32>
        %get3A_941 = arith.constant 3 : i32
        %get3A_942 = arith.index_cast %scan3A_653 : i32 to index
        %get3A_943 = arith.index_cast %get3A_941 : i32 to index
        %get3A_944 = arith.constant 64 : index
        %get3A_945 = tpu.vector_load %arg7[%get3A_942, %get3A_943, %get3A_944] {strides = array<i32>} : memref<40x8x128xf32, #tpu.memory_space<vmem>>, vector<1x1x16xf32>,
        %get3A_946 = vector.shape_cast %get3A_945 : vector<1x1x16xf32> to vector<16xf32>
        %get3A_947 = arith.constant 3 : i32
        %get3A_948 = arith.index_cast %scan3A_653 : i32 to index
        %get3A_949 = arith.index_cast %get3A_947 : i32 to index
        %get3A_950 = arith.constant 80 : index
        %get3A_951 = tpu.vector_load %arg7[%get3A_948, %get3A_949, %get3A_950] {strides = array<i32>} : memref<40x8x128xf32, #tpu.memory_space<vmem>>, vector<1x1x16xf32>,
        %get3A_952 = vector.shape_cast %get3A_951 : vector<1x1x16xf32> to vector<16xf32>
        %mul3A_953 = vector.broadcast %squeeze3A_940 : f32 to vector<16xf32>
        %mul3A_954 = arith.mulf %mul3A_953, %get3A_946 : vector<16xf32>
        %add3A_955 = arith.addf %add3A_915, %mul3A_954 : vector<16xf32>
        %mul3A_956 = vector.broadcast %squeeze3A_940 : f32 to vector<16xf32>
        %mul3A_957 = arith.mulf %mul3A_956, %get3A_952 : vector<16xf32>
        %add3A_958 = arith.addf %add3A_918, %mul3A_957 : vector<16xf32>
        %slice3A_959 = vector.extract_strided_slice %get3A_656 {offsets = [15], sizes = [1], strides = [1]} : vector<16xf32> to vector<1xf32>
        %squeeze3A_960 = vector.extract %slice3A_959[0] : f32 from vector<1xf32>
        %get3A_961 = arith.constant 3 : i32
        %get3A_962 = arith.index_cast %scan3A_653 : i32 to index
        %get3A_963 = arith.index_cast %get3A_961 : i32 to index
        %get3A_964 = arith.constant 96 : index
        %get3A_965 = tpu.vector_load %arg7[%get3A_962, %get3A_963, %get3A_964] {strides = array<i32>} : memref<40x8x128xf32, #tpu.memory_space<vmem>>, vector<1x1x16xf32>,
        %get3A_966 = vector.shape_cast %get3A_965 : vector<1x1x16xf32> to vector<16xf32>
        %get3A_967 = arith.constant 3 : i32
        %get3A_968 = arith.index_cast %scan3A_653 : i32 to index
        %get3A_969 = arith.index_cast %get3A_967 : i32 to index
        %get3A_970 = arith.constant 112 : index
        %get3A_971 = tpu.vector_load %arg7[%get3A_968, %get3A_969, %get3A_970] {strides = array<i32>} : memref<40x8x128xf32, #tpu.memory_space<vmem>>, vector<1x1x16xf32>,
        %get3A_972 = vector.shape_cast %get3A_971 : vector<1x1x16xf32> to vector<16xf32>
        %mul3A_973 = vector.broadcast %squeeze3A_960 : f32 to vector<16xf32>
        %mul3A_974 = arith.mulf %mul3A_973, %get3A_966 : vector<16xf32>
        %add3A_975 = arith.addf %add3A_935, %mul3A_974 : vector<16xf32>
        %mul3A_976 = vector.broadcast %squeeze3A_960 : f32 to vector<16xf32>
        %mul3A_977 = arith.mulf %mul3A_976, %get3A_972 : vector<16xf32>
        %add3A_978 = arith.addf %add3A_938, %mul3A_977 : vector<16xf32>
        %slice3A_979 = vector.extract_strided_slice %get3A_660 {offsets = [0], sizes = [1], strides = [1]} : vector<16xf32> to vector<1xf32>
        %squeeze3A_980 = vector.extract %slice3A_979[0] : f32 from vector<1xf32>
        %get3A_981 = arith.constant 4 : i32
        %get3A_982 = arith.index_cast %scan3A_653 : i32 to index
        %get3A_983 = arith.index_cast %get3A_981 : i32 to index
        %get3A_984 = arith.constant 0 : index
        %get3A_985 = tpu.vector_load %arg7[%get3A_982, %get3A_983, %get3A_984] {strides = array<i32>} : memref<40x8x128xf32, #tpu.memory_space<vmem>>, vector<1x1x16xf32>,
        %get3A_986 = vector.shape_cast %get3A_985 : vector<1x1x16xf32> to vector<16xf32>
        %get3A_987 = arith.constant 4 : i32
        %get3A_988 = arith.index_cast %scan3A_653 : i32 to index
        %get3A_989 = arith.index_cast %get3A_987 : i32 to index
        %get3A_990 = arith.constant 16 : index
        %get3A_991 = tpu.vector_load %arg7[%get3A_988, %get3A_989, %get3A_990] {strides = array<i32>} : memref<40x8x128xf32, #tpu.memory_space<vmem>>, vector<1x1x16xf32>,
        %get3A_992 = vector.shape_cast %get3A_991 : vector<1x1x16xf32> to vector<16xf32>
        %mul3A_993 = vector.broadcast %squeeze3A_980 : f32 to vector<16xf32>
        %mul3A_994 = arith.mulf %mul3A_993, %get3A_986 : vector<16xf32>
        %add3A_995 = arith.addf %add3A_955, %mul3A_994 : vector<16xf32>
        %mul3A_996 = vector.broadcast %squeeze3A_980 : f32 to vector<16xf32>
        %mul3A_997 = arith.mulf %mul3A_996, %get3A_992 : vector<16xf32>
        %add3A_998 = arith.addf %add3A_958, %mul3A_997 : vector<16xf32>
        %slice3A_999 = vector.extract_strided_slice %get3A_660 {offsets = [1], sizes = [1], strides = [1]} : vector<16xf32> to vector<1xf32>
        %squeeze3A_1000 = vector.extract %slice3A_999[0] : f32 from vector<1xf32>
        %get3A_1001 = arith.constant 4 : i32
        %get3A_1002 = arith.index_cast %scan3A_653 : i32 to index
        %get3A_1003 = arith.index_cast %get3A_1001 : i32 to index
        %get3A_1004 = arith.constant 32 : index
        %get3A_1005 = tpu.vector_load %arg7[%get3A_1002, %get3A_1003, %get3A_1004] {strides = array<i32>} : memref<40x8x128xf32, #tpu.memory_space<vmem>>, vector<1x1x16xf32>,
        %get3A_1006 = vector.shape_cast %get3A_1005 : vector<1x1x16xf32> to vector<16xf32>
        %get3A_1007 = arith.constant 4 : i32
        %get3A_1008 = arith.index_cast %scan3A_653 : i32 to index
        %get3A_1009 = arith.index_cast %get3A_1007 : i32 to index
        %get3A_1010 = arith.constant 48 : index
        %get3A_1011 = tpu.vector_load %arg7[%get3A_1008, %get3A_1009, %get3A_1010] {strides = array<i32>} : memref<40x8x128xf32, #tpu.memory_space<vmem>>, vector<1x1x16xf32>,
        %get3A_1012 = vector.shape_cast %get3A_1011 : vector<1x1x16xf32> to vector<16xf32>
        %mul3A_1013 = vector.broadcast %squeeze3A_1000 : f32 to vector<16xf32>
        %mul3A_1014 = arith.mulf %mul3A_1013, %get3A_1006 : vector<16xf32>
        %add3A_1015 = arith.addf %add3A_975, %mul3A_1014 : vector<16xf32>
        %mul3A_1016 = vector.broadcast %squeeze3A_1000 : f32 to vector<16xf32>
        %mul3A_1017 = arith.mulf %mul3A_1016, %get3A_1012 : vector<16xf32>
        %add3A_1018 = arith.addf %add3A_978, %mul3A_1017 : vector<16xf32>
        %slice3A_1019 = vector.extract_strided_slice %get3A_660 {offsets = [2], sizes = [1], strides = [1]} : vector<16xf32> to vector<1xf32>
        %squeeze3A_1020 = vector.extract %slice3A_1019[0] : f32 from vector<1xf32>
        %get3A_1021 = arith.constant 4 : i32
        %get3A_1022 = arith.index_cast %scan3A_653 : i32 to index
        %get3A_1023 = arith.index_cast %get3A_1021 : i32 to index
        %get3A_1024 = arith.constant 64 : index
        %get3A_1025 = tpu.vector_load %arg7[%get3A_1022, %get3A_1023, %get3A_1024] {strides = array<i32>} : memref<40x8x128xf32, #tpu.memory_space<vmem>>, vector<1x1x16xf32>,
        %get3A_1026 = vector.shape_cast %get3A_1025 : vector<1x1x16xf32> to vector<16xf32>
        %get3A_1027 = arith.constant 4 : i32
        %get3A_1028 = arith.index_cast %scan3A_653 : i32 to index
        %get3A_1029 = arith.index_cast %get3A_1027 : i32 to index
        %get3A_1030 = arith.constant 80 : index
        %get3A_1031 = tpu.vector_load %arg7[%get3A_1028, %get3A_1029, %get3A_1030] {strides = array<i32>} : memref<40x8x128xf32, #tpu.memory_space<vmem>>, vector<1x1x16xf32>,
        %get3A_1032 = vector.shape_cast %get3A_1031 : vector<1x1x16xf32> to vector<16xf32>
        %mul3A_1033 = vector.broadcast %squeeze3A_1020 : f32 to vector<16xf32>
        %mul3A_1034 = arith.mulf %mul3A_1033, %get3A_1026 : vector<16xf32>
        %add3A_1035 = arith.addf %add3A_995, %mul3A_1034 : vector<16xf32>
        %mul3A_1036 = vector.broadcast %squeeze3A_1020 : f32 to vector<16xf32>
        %mul3A_1037 = arith.mulf %mul3A_1036, %get3A_1032 : vector<16xf32>
        %add3A_1038 = arith.addf %add3A_998, %mul3A_1037 : vector<16xf32>
        %slice3A_1039 = vector.extract_strided_slice %get3A_660 {offsets = [3], sizes = [1], strides = [1]} : vector<16xf32> to vector<1xf32>
        %squeeze3A_1040 = vector.extract %slice3A_1039[0] : f32 from vector<1xf32>
        %get3A_1041 = arith.constant 4 : i32
        %get3A_1042 = arith.index_cast %scan3A_653 : i32 to index
        %get3A_1043 = arith.index_cast %get3A_1041 : i32 to index
        %get3A_1044 = arith.constant 96 : index
        %get3A_1045 = tpu.vector_load %arg7[%get3A_1042, %get3A_1043, %get3A_1044] {strides = array<i32>} : memref<40x8x128xf32, #tpu.memory_space<vmem>>, vector<1x1x16xf32>,
        %get3A_1046 = vector.shape_cast %get3A_1045 : vector<1x1x16xf32> to vector<16xf32>
        %get3A_1047 = arith.constant 4 : i32
        %get3A_1048 = arith.index_cast %scan3A_653 : i32 to index
        %get3A_1049 = arith.index_cast %get3A_1047 : i32 to index
        %get3A_1050 = arith.constant 112 : index
        %get3A_1051 = tpu.vector_load %arg7[%get3A_1048, %get3A_1049, %get3A_1050] {strides = array<i32>} : memref<40x8x128xf32, #tpu.memory_space<vmem>>, vector<1x1x16xf32>,
        %get3A_1052 = vector.shape_cast %get3A_1051 : vector<1x1x16xf32> to vector<16xf32>
        %mul3A_1053 = vector.broadcast %squeeze3A_1040 : f32 to vector<16xf32>
        %mul3A_1054 = arith.mulf %mul3A_1053, %get3A_1046 : vector<16xf32>
        %add3A_1055 = arith.addf %add3A_1015, %mul3A_1054 : vector<16xf32>
        %mul3A_1056 = vector.broadcast %squeeze3A_1040 : f32 to vector<16xf32>
        %mul3A_1057 = arith.mulf %mul3A_1056, %get3A_1052 : vector<16xf32>
        %add3A_1058 = arith.addf %add3A_1018, %mul3A_1057 : vector<16xf32>
        %slice3A_1059 = vector.extract_strided_slice %get3A_660 {offsets = [4], sizes = [1], strides = [1]} : vector<16xf32> to vector<1xf32>
        %squeeze3A_1060 = vector.extract %slice3A_1059[0] : f32 from vector<1xf32>
        %get3A_1061 = arith.constant 5 : i32
        %get3A_1062 = arith.index_cast %scan3A_653 : i32 to index
        %get3A_1063 = arith.index_cast %get3A_1061 : i32 to index
        %get3A_1064 = arith.constant 0 : index
        %get3A_1065 = tpu.vector_load %arg7[%get3A_1062, %get3A_1063, %get3A_1064] {strides = array<i32>} : memref<40x8x128xf32, #tpu.memory_space<vmem>>, vector<1x1x16xf32>,
        %get3A_1066 = vector.shape_cast %get3A_1065 : vector<1x1x16xf32> to vector<16xf32>
        %get3A_1067 = arith.constant 5 : i32
        %get3A_1068 = arith.index_cast %scan3A_653 : i32 to index
        %get3A_1069 = arith.index_cast %get3A_1067 : i32 to index
        %get3A_1070 = arith.constant 16 : index
        %get3A_1071 = tpu.vector_load %arg7[%get3A_1068, %get3A_1069, %get3A_1070] {strides = array<i32>} : memref<40x8x128xf32, #tpu.memory_space<vmem>>, vector<1x1x16xf32>,
        %get3A_1072 = vector.shape_cast %get3A_1071 : vector<1x1x16xf32> to vector<16xf32>
        %mul3A_1073 = vector.broadcast %squeeze3A_1060 : f32 to vector<16xf32>
        %mul3A_1074 = arith.mulf %mul3A_1073, %get3A_1066 : vector<16xf32>
        %add3A_1075 = arith.addf %add3A_1035, %mul3A_1074 : vector<16xf32>
        %mul3A_1076 = vector.broadcast %squeeze3A_1060 : f32 to vector<16xf32>
        %mul3A_1077 = arith.mulf %mul3A_1076, %get3A_1072 : vector<16xf32>
        %add3A_1078 = arith.addf %add3A_1038, %mul3A_1077 : vector<16xf32>
        %slice3A_1079 = vector.extract_strided_slice %get3A_660 {offsets = [5], sizes = [1], strides = [1]} : vector<16xf32> to vector<1xf32>
        %squeeze3A_1080 = vector.extract %slice3A_1079[0] : f32 from vector<1xf32>
        %get3A_1081 = arith.constant 5 : i32
        %get3A_1082 = arith.index_cast %scan3A_653 : i32 to index
        %get3A_1083 = arith.index_cast %get3A_1081 : i32 to index
        %get3A_1084 = arith.constant 32 : index
        %get3A_1085 = tpu.vector_load %arg7[%get3A_1082, %get3A_1083, %get3A_1084] {strides = array<i32>} : memref<40x8x128xf32, #tpu.memory_space<vmem>>, vector<1x1x16xf32>,
        %get3A_1086 = vector.shape_cast %get3A_1085 : vector<1x1x16xf32> to vector<16xf32>
        %get3A_1087 = arith.constant 5 : i32
        %get3A_1088 = arith.index_cast %scan3A_653 : i32 to index
        %get3A_1089 = arith.index_cast %get3A_1087 : i32 to index
        %get3A_1090 = arith.constant 48 : index
        %get3A_1091 = tpu.vector_load %arg7[%get3A_1088, %get3A_1089, %get3A_1090] {strides = array<i32>} : memref<40x8x128xf32, #tpu.memory_space<vmem>>, vector<1x1x16xf32>,
        %get3A_1092 = vector.shape_cast %get3A_1091 : vector<1x1x16xf32> to vector<16xf32>
        %mul3A_1093 = vector.broadcast %squeeze3A_1080 : f32 to vector<16xf32>
        %mul3A_1094 = arith.mulf %mul3A_1093, %get3A_1086 : vector<16xf32>
        %add3A_1095 = arith.addf %add3A_1055, %mul3A_1094 : vector<16xf32>
        %mul3A_1096 = vector.broadcast %squeeze3A_1080 : f32 to vector<16xf32>
        %mul3A_1097 = arith.mulf %mul3A_1096, %get3A_1092 : vector<16xf32>
        %add3A_1098 = arith.addf %add3A_1058, %mul3A_1097 : vector<16xf32>
        %slice3A_1099 = vector.extract_strided_slice %get3A_660 {offsets = [6], sizes = [1], strides = [1]} : vector<16xf32> to vector<1xf32>
        %squeeze3A_1100 = vector.extract %slice3A_1099[0] : f32 from vector<1xf32>
        %get3A_1101 = arith.constant 5 : i32
        %get3A_1102 = arith.index_cast %scan3A_653 : i32 to index
        %get3A_1103 = arith.index_cast %get3A_1101 : i32 to index
        %get3A_1104 = arith.constant 64 : index
        %get3A_1105 = tpu.vector_load %arg7[%get3A_1102, %get3A_1103, %get3A_1104] {strides = array<i32>} : memref<40x8x128xf32, #tpu.memory_space<vmem>>, vector<1x1x16xf32>,
        %get3A_1106 = vector.shape_cast %get3A_1105 : vector<1x1x16xf32> to vector<16xf32>
        %get3A_1107 = arith.constant 5 : i32
        %get3A_1108 = arith.index_cast %scan3A_653 : i32 to index
        %get3A_1109 = arith.index_cast %get3A_1107 : i32 to index
        %get3A_1110 = arith.constant 80 : index
        %get3A_1111 = tpu.vector_load %arg7[%get3A_1108, %get3A_1109, %get3A_1110] {strides = array<i32>} : memref<40x8x128xf32, #tpu.memory_space<vmem>>, vector<1x1x16xf32>,
        %get3A_1112 = vector.shape_cast %get3A_1111 : vector<1x1x16xf32> to vector<16xf32>
        %mul3A_1113 = vector.broadcast %squeeze3A_1100 : f32 to vector<16xf32>
        %mul3A_1114 = arith.mulf %mul3A_1113, %get3A_1106 : vector<16xf32>
        %add3A_1115 = arith.addf %add3A_1075, %mul3A_1114 : vector<16xf32>
        %mul3A_1116 = vector.broadcast %squeeze3A_1100 : f32 to vector<16xf32>
        %mul3A_1117 = arith.mulf %mul3A_1116, %get3A_1112 : vector<16xf32>
        %add3A_1118 = arith.addf %add3A_1078, %mul3A_1117 : vector<16xf32>
        %slice3A_1119 = vector.extract_strided_slice %get3A_660 {offsets = [7], sizes = [1], strides = [1]} : vector<16xf32> to vector<1xf32>
        %squeeze3A_1120 = vector.extract %slice3A_1119[0] : f32 from vector<1xf32>
        %get3A_1121 = arith.constant 5 : i32
        %get3A_1122 = arith.index_cast %scan3A_653 : i32 to index
        %get3A_1123 = arith.index_cast %get3A_1121 : i32 to index
        %get3A_1124 = arith.constant 96 : index
        %get3A_1125 = tpu.vector_load %arg7[%get3A_1122, %get3A_1123, %get3A_1124] {strides = array<i32>} : memref<40x8x128xf32, #tpu.memory_space<vmem>>, vector<1x1x16xf32>,
        %get3A_1126 = vector.shape_cast %get3A_1125 : vector<1x1x16xf32> to vector<16xf32>
        %get3A_1127 = arith.constant 5 : i32
        %get3A_1128 = arith.index_cast %scan3A_653 : i32 to index
        %get3A_1129 = arith.index_cast %get3A_1127 : i32 to index
        %get3A_1130 = arith.constant 112 : index
        %get3A_1131 = tpu.vector_load %arg7[%get3A_1128, %get3A_1129, %get3A_1130] {strides = array<i32>} : memref<40x8x128xf32, #tpu.memory_space<vmem>>, vector<1x1x16xf32>,
        %get3A_1132 = vector.shape_cast %get3A_1131 : vector<1x1x16xf32> to vector<16xf32>
        %mul3A_1133 = vector.broadcast %squeeze3A_1120 : f32 to vector<16xf32>
        %mul3A_1134 = arith.mulf %mul3A_1133, %get3A_1126 : vector<16xf32>
        %add3A_1135 = arith.addf %add3A_1095, %mul3A_1134 : vector<16xf32>
        %mul3A_1136 = vector.broadcast %squeeze3A_1120 : f32 to vector<16xf32>
        %mul3A_1137 = arith.mulf %mul3A_1136, %get3A_1132 : vector<16xf32>
        %add3A_1138 = arith.addf %add3A_1098, %mul3A_1137 : vector<16xf32>
        %slice3A_1139 = vector.extract_strided_slice %get3A_660 {offsets = [8], sizes = [1], strides = [1]} : vector<16xf32> to vector<1xf32>
        %squeeze3A_1140 = vector.extract %slice3A_1139[0] : f32 from vector<1xf32>
        %get3A_1141 = arith.constant 6 : i32
        %get3A_1142 = arith.index_cast %scan3A_653 : i32 to index
        %get3A_1143 = arith.index_cast %get3A_1141 : i32 to index
        %get3A_1144 = arith.constant 0 : index
        %get3A_1145 = tpu.vector_load %arg7[%get3A_1142, %get3A_1143, %get3A_1144] {strides = array<i32>} : memref<40x8x128xf32, #tpu.memory_space<vmem>>, vector<1x1x16xf32>,
        %get3A_1146 = vector.shape_cast %get3A_1145 : vector<1x1x16xf32> to vector<16xf32>
        %get3A_1147 = arith.constant 6 : i32
        %get3A_1148 = arith.index_cast %scan3A_653 : i32 to index
        %get3A_1149 = arith.index_cast %get3A_1147 : i32 to index
        %get3A_1150 = arith.constant 16 : index
        %get3A_1151 = tpu.vector_load %arg7[%get3A_1148, %get3A_1149, %get3A_1150] {strides = array<i32>} : memref<40x8x128xf32, #tpu.memory_space<vmem>>, vector<1x1x16xf32>,
        %get3A_1152 = vector.shape_cast %get3A_1151 : vector<1x1x16xf32> to vector<16xf32>
        %mul3A_1153 = vector.broadcast %squeeze3A_1140 : f32 to vector<16xf32>
        %mul3A_1154 = arith.mulf %mul3A_1153, %get3A_1146 : vector<16xf32>
        %add3A_1155 = arith.addf %add3A_1115, %mul3A_1154 : vector<16xf32>
        %mul3A_1156 = vector.broadcast %squeeze3A_1140 : f32 to vector<16xf32>
        %mul3A_1157 = arith.mulf %mul3A_1156, %get3A_1152 : vector<16xf32>
        %add3A_1158 = arith.addf %add3A_1118, %mul3A_1157 : vector<16xf32>
        %slice3A_1159 = vector.extract_strided_slice %get3A_660 {offsets = [9], sizes = [1], strides = [1]} : vector<16xf32> to vector<1xf32>
        %squeeze3A_1160 = vector.extract %slice3A_1159[0] : f32 from vector<1xf32>
        %get3A_1161 = arith.constant 6 : i32
        %get3A_1162 = arith.index_cast %scan3A_653 : i32 to index
        %get3A_1163 = arith.index_cast %get3A_1161 : i32 to index
        %get3A_1164 = arith.constant 32 : index
        %get3A_1165 = tpu.vector_load %arg7[%get3A_1162, %get3A_1163, %get3A_1164] {strides = array<i32>} : memref<40x8x128xf32, #tpu.memory_space<vmem>>, vector<1x1x16xf32>,
        %get3A_1166 = vector.shape_cast %get3A_1165 : vector<1x1x16xf32> to vector<16xf32>
        %get3A_1167 = arith.constant 6 : i32
        %get3A_1168 = arith.index_cast %scan3A_653 : i32 to index
        %get3A_1169 = arith.index_cast %get3A_1167 : i32 to index
        %get3A_1170 = arith.constant 48 : index
        %get3A_1171 = tpu.vector_load %arg7[%get3A_1168, %get3A_1169, %get3A_1170] {strides = array<i32>} : memref<40x8x128xf32, #tpu.memory_space<vmem>>, vector<1x1x16xf32>,
        %get3A_1172 = vector.shape_cast %get3A_1171 : vector<1x1x16xf32> to vector<16xf32>
        %mul3A_1173 = vector.broadcast %squeeze3A_1160 : f32 to vector<16xf32>
        %mul3A_1174 = arith.mulf %mul3A_1173, %get3A_1166 : vector<16xf32>
        %add3A_1175 = arith.addf %add3A_1135, %mul3A_1174 : vector<16xf32>
        %mul3A_1176 = vector.broadcast %squeeze3A_1160 : f32 to vector<16xf32>
        %mul3A_1177 = arith.mulf %mul3A_1176, %get3A_1172 : vector<16xf32>
        %add3A_1178 = arith.addf %add3A_1138, %mul3A_1177 : vector<16xf32>
        %slice3A_1179 = vector.extract_strided_slice %get3A_660 {offsets = [10], sizes = [1], strides = [1]} : vector<16xf32> to vector<1xf32>
        %squeeze3A_1180 = vector.extract %slice3A_1179[0] : f32 from vector<1xf32>
        %get3A_1181 = arith.constant 6 : i32
        %get3A_1182 = arith.index_cast %scan3A_653 : i32 to index
        %get3A_1183 = arith.index_cast %get3A_1181 : i32 to index
        %get3A_1184 = arith.constant 64 : index
        %get3A_1185 = tpu.vector_load %arg7[%get3A_1182, %get3A_1183, %get3A_1184] {strides = array<i32>} : memref<40x8x128xf32, #tpu.memory_space<vmem>>, vector<1x1x16xf32>,
        %get3A_1186 = vector.shape_cast %get3A_1185 : vector<1x1x16xf32> to vector<16xf32>
        %get3A_1187 = arith.constant 6 : i32
        %get3A_1188 = arith.index_cast %scan3A_653 : i32 to index
        %get3A_1189 = arith.index_cast %get3A_1187 : i32 to index
        %get3A_1190 = arith.constant 80 : index
        %get3A_1191 = tpu.vector_load %arg7[%get3A_1188, %get3A_1189, %get3A_1190] {strides = array<i32>} : memref<40x8x128xf32, #tpu.memory_space<vmem>>, vector<1x1x16xf32>,
        %get3A_1192 = vector.shape_cast %get3A_1191 : vector<1x1x16xf32> to vector<16xf32>
        %mul3A_1193 = vector.broadcast %squeeze3A_1180 : f32 to vector<16xf32>
        %mul3A_1194 = arith.mulf %mul3A_1193, %get3A_1186 : vector<16xf32>
        %add3A_1195 = arith.addf %add3A_1155, %mul3A_1194 : vector<16xf32>
        %mul3A_1196 = vector.broadcast %squeeze3A_1180 : f32 to vector<16xf32>
        %mul3A_1197 = arith.mulf %mul3A_1196, %get3A_1192 : vector<16xf32>
        %add3A_1198 = arith.addf %add3A_1158, %mul3A_1197 : vector<16xf32>
        %slice3A_1199 = vector.extract_strided_slice %get3A_660 {offsets = [11], sizes = [1], strides = [1]} : vector<16xf32> to vector<1xf32>
        %squeeze3A_1200 = vector.extract %slice3A_1199[0] : f32 from vector<1xf32>
        %get3A_1201 = arith.constant 6 : i32
        %get3A_1202 = arith.index_cast %scan3A_653 : i32 to index
        %get3A_1203 = arith.index_cast %get3A_1201 : i32 to index
        %get3A_1204 = arith.constant 96 : index
        %get3A_1205 = tpu.vector_load %arg7[%get3A_1202, %get3A_1203, %get3A_1204] {strides = array<i32>} : memref<40x8x128xf32, #tpu.memory_space<vmem>>, vector<1x1x16xf32>,
        %get3A_1206 = vector.shape_cast %get3A_1205 : vector<1x1x16xf32> to vector<16xf32>
        %get3A_1207 = arith.constant 6 : i32
        %get3A_1208 = arith.index_cast %scan3A_653 : i32 to index
        %get3A_1209 = arith.index_cast %get3A_1207 : i32 to index
        %get3A_1210 = arith.constant 112 : index
        %get3A_1211 = tpu.vector_load %arg7[%get3A_1208, %get3A_1209, %get3A_1210] {strides = array<i32>} : memref<40x8x128xf32, #tpu.memory_space<vmem>>, vector<1x1x16xf32>,
        %get3A_1212 = vector.shape_cast %get3A_1211 : vector<1x1x16xf32> to vector<16xf32>
        %mul3A_1213 = vector.broadcast %squeeze3A_1200 : f32 to vector<16xf32>
        %mul3A_1214 = arith.mulf %mul3A_1213, %get3A_1206 : vector<16xf32>
        %add3A_1215 = arith.addf %add3A_1175, %mul3A_1214 : vector<16xf32>
        %mul3A_1216 = vector.broadcast %squeeze3A_1200 : f32 to vector<16xf32>
        %mul3A_1217 = arith.mulf %mul3A_1216, %get3A_1212 : vector<16xf32>
        %add3A_1218 = arith.addf %add3A_1178, %mul3A_1217 : vector<16xf32>
        %slice3A_1219 = vector.extract_strided_slice %get3A_660 {offsets = [12], sizes = [1], strides = [1]} : vector<16xf32> to vector<1xf32>
        %squeeze3A_1220 = vector.extract %slice3A_1219[0] : f32 from vector<1xf32>
        %get3A_1221 = arith.constant 7 : i32
        %get3A_1222 = arith.index_cast %scan3A_653 : i32 to index
        %get3A_1223 = arith.index_cast %get3A_1221 : i32 to index
        %get3A_1224 = arith.constant 0 : index
        %get3A_1225 = tpu.vector_load %arg7[%get3A_1222, %get3A_1223, %get3A_1224] {strides = array<i32>} : memref<40x8x128xf32, #tpu.memory_space<vmem>>, vector<1x1x16xf32>,
        %get3A_1226 = vector.shape_cast %get3A_1225 : vector<1x1x16xf32> to vector<16xf32>
        %get3A_1227 = arith.constant 7 : i32
        %get3A_1228 = arith.index_cast %scan3A_653 : i32 to index
        %get3A_1229 = arith.index_cast %get3A_1227 : i32 to index
        %get3A_1230 = arith.constant 16 : index
        %get3A_1231 = tpu.vector_load %arg7[%get3A_1228, %get3A_1229, %get3A_1230] {strides = array<i32>} : memref<40x8x128xf32, #tpu.memory_space<vmem>>, vector<1x1x16xf32>,
        %get3A_1232 = vector.shape_cast %get3A_1231 : vector<1x1x16xf32> to vector<16xf32>
        %mul3A_1233 = vector.broadcast %squeeze3A_1220 : f32 to vector<16xf32>
        %mul3A_1234 = arith.mulf %mul3A_1233, %get3A_1226 : vector<16xf32>
        %add3A_1235 = arith.addf %add3A_1195, %mul3A_1234 : vector<16xf32>
        %mul3A_1236 = vector.broadcast %squeeze3A_1220 : f32 to vector<16xf32>
        %mul3A_1237 = arith.mulf %mul3A_1236, %get3A_1232 : vector<16xf32>
        %add3A_1238 = arith.addf %add3A_1198, %mul3A_1237 : vector<16xf32>
        %slice3A_1239 = vector.extract_strided_slice %get3A_660 {offsets = [13], sizes = [1], strides = [1]} : vector<16xf32> to vector<1xf32>
        %squeeze3A_1240 = vector.extract %slice3A_1239[0] : f32 from vector<1xf32>
        %get3A_1241 = arith.constant 7 : i32
        %get3A_1242 = arith.index_cast %scan3A_653 : i32 to index
        %get3A_1243 = arith.index_cast %get3A_1241 : i32 to index
        %get3A_1244 = arith.constant 32 : index
        %get3A_1245 = tpu.vector_load %arg7[%get3A_1242, %get3A_1243, %get3A_1244] {strides = array<i32>} : memref<40x8x128xf32, #tpu.memory_space<vmem>>, vector<1x1x16xf32>,
        %get3A_1246 = vector.shape_cast %get3A_1245 : vector<1x1x16xf32> to vector<16xf32>
        %get3A_1247 = arith.constant 7 : i32
        %get3A_1248 = arith.index_cast %scan3A_653 : i32 to index
        %get3A_1249 = arith.index_cast %get3A_1247 : i32 to index
        %get3A_1250 = arith.constant 48 : index
        %get3A_1251 = tpu.vector_load %arg7[%get3A_1248, %get3A_1249, %get3A_1250] {strides = array<i32>} : memref<40x8x128xf32, #tpu.memory_space<vmem>>, vector<1x1x16xf32>,
        %get3A_1252 = vector.shape_cast %get3A_1251 : vector<1x1x16xf32> to vector<16xf32>
        %mul3A_1253 = vector.broadcast %squeeze3A_1240 : f32 to vector<16xf32>
        %mul3A_1254 = arith.mulf %mul3A_1253, %get3A_1246 : vector<16xf32>
        %add3A_1255 = arith.addf %add3A_1215, %mul3A_1254 : vector<16xf32>
        %mul3A_1256 = vector.broadcast %squeeze3A_1240 : f32 to vector<16xf32>
        %mul3A_1257 = arith.mulf %mul3A_1256, %get3A_1252 : vector<16xf32>
        %add3A_1258 = arith.addf %add3A_1218, %mul3A_1257 : vector<16xf32>
        %slice3A_1259 = vector.extract_strided_slice %get3A_660 {offsets = [14], sizes = [1], strides = [1]} : vector<16xf32> to vector<1xf32>
        %squeeze3A_1260 = vector.extract %slice3A_1259[0] : f32 from vector<1xf32>
        %get3A_1261 = arith.constant 7 : i32
        %get3A_1262 = arith.index_cast %scan3A_653 : i32 to index
        %get3A_1263 = arith.index_cast %get3A_1261 : i32 to index
        %get3A_1264 = arith.constant 64 : index
        %get3A_1265 = tpu.vector_load %arg7[%get3A_1262, %get3A_1263, %get3A_1264] {strides = array<i32>} : memref<40x8x128xf32, #tpu.memory_space<vmem>>, vector<1x1x16xf32>,
        %get3A_1266 = vector.shape_cast %get3A_1265 : vector<1x1x16xf32> to vector<16xf32>
        %get3A_1267 = arith.constant 7 : i32
        %get3A_1268 = arith.index_cast %scan3A_653 : i32 to index
        %get3A_1269 = arith.index_cast %get3A_1267 : i32 to index
        %get3A_1270 = arith.constant 80 : index
        %get3A_1271 = tpu.vector_load %arg7[%get3A_1268, %get3A_1269, %get3A_1270] {strides = array<i32>} : memref<40x8x128xf32, #tpu.memory_space<vmem>>, vector<1x1x16xf32>,
        %get3A_1272 = vector.shape_cast %get3A_1271 : vector<1x1x16xf32> to vector<16xf32>
        %mul3A_1273 = vector.broadcast %squeeze3A_1260 : f32 to vector<16xf32>
        %mul3A_1274 = arith.mulf %mul3A_1273, %get3A_1266 : vector<16xf32>
        %add3A_1275 = arith.addf %add3A_1235, %mul3A_1274 : vector<16xf32>
        %mul3A_1276 = vector.broadcast %squeeze3A_1260 : f32 to vector<16xf32>
        %mul3A_1277 = arith.mulf %mul3A_1276, %get3A_1272 : vector<16xf32>
        %add3A_1278 = arith.addf %add3A_1238, %mul3A_1277 : vector<16xf32>
        %slice3A_1279 = vector.extract_strided_slice %get3A_660 {offsets = [15], sizes = [1], strides = [1]} : vector<16xf32> to vector<1xf32>
        %squeeze3A_1280 = vector.extract %slice3A_1279[0] : f32 from vector<1xf32>
        %get3A_1281 = arith.constant 7 : i32
        %get3A_1282 = arith.index_cast %scan3A_653 : i32 to index
        %get3A_1283 = arith.index_cast %get3A_1281 : i32 to index
        %get3A_1284 = arith.constant 96 : index
        %get3A_1285 = tpu.vector_load %arg7[%get3A_1282, %get3A_1283, %get3A_1284] {strides = array<i32>} : memref<40x8x128xf32, #tpu.memory_space<vmem>>, vector<1x1x16xf32>,
        %get3A_1286 = vector.shape_cast %get3A_1285 : vector<1x1x16xf32> to vector<16xf32>
        %get3A_1287 = arith.constant 7 : i32
        %get3A_1288 = arith.index_cast %scan3A_653 : i32 to index
        %get3A_1289 = arith.index_cast %get3A_1287 : i32 to index
        %get3A_1290 = arith.constant 112 : index
        %get3A_1291 = tpu.vector_load %arg7[%get3A_1288, %get3A_1289, %get3A_1290] {strides = array<i32>} : memref<40x8x128xf32, #tpu.memory_space<vmem>>, vector<1x1x16xf32>,
        %get3A_1292 = vector.shape_cast %get3A_1291 : vector<1x1x16xf32> to vector<16xf32>
        %mul3A_1293 = vector.broadcast %squeeze3A_1280 : f32 to vector<16xf32>
        %mul3A_1294 = arith.mulf %mul3A_1293, %get3A_1286 : vector<16xf32>
        %add3A_1295 = arith.addf %add3A_1255, %mul3A_1294 : vector<16xf32>
        %mul3A_1296 = vector.broadcast %squeeze3A_1280 : f32 to vector<16xf32>
        %mul3A_1297 = arith.mulf %mul3A_1296, %get3A_1292 : vector<16xf32>
        %add3A_1298 = arith.addf %add3A_1258, %mul3A_1297 : vector<16xf32>
        %add3A_1299 = arith.addf %add3A_1275, %add3A_1295 : vector<16xf32>
        %swap3A = arith.index_cast %scan3A_653 : i32 to index
        %swap3A_1300 = arith.constant 0 : index
        %swap3A_1301 = tpu.vector_load %arg11[%swap3A, %swap3A_1300] {strides = array<i32>} : memref<40x32xf32, #tpu.memory_space<vmem>>, vector<1x16xf32>,
        %swap3A_1302 = vector.shape_cast %swap3A_1301 : vector<1x16xf32> to vector<16xf32>
        %swap3A_1303 = vector.shape_cast %add3A_1299 : vector<16xf32> to vector<1x16xf32>
        tpu.vector_store %arg11[%swap3A, %swap3A_1300], %swap3A_1303 {strides = array<i32>} : memref<40x32xf32, #tpu.memory_space<vmem>>, vector<1x16xf32>,
        %add3A_1304 = arith.addf %add3A_1278, %add3A_1298 : vector<16xf32>
        %swap3A_1305 = arith.index_cast %scan3A_653 : i32 to index
        %swap3A_1306 = arith.constant 16 : index
        %swap3A_1307 = tpu.vector_load %arg11[%swap3A_1305, %swap3A_1306] {strides = array<i32>} : memref<40x32xf32, #tpu.memory_space<vmem>>, vector<1x16xf32>,
        %swap3A_1308 = vector.shape_cast %swap3A_1307 : vector<1x16xf32> to vector<16xf32>
        %swap3A_1309 = vector.shape_cast %add3A_1304 : vector<16xf32> to vector<1x16xf32>
        tpu.vector_store %arg11[%swap3A_1305, %swap3A_1306], %swap3A_1309 {strides = array<i32>} : memref<40x32xf32, #tpu.memory_space<vmem>>, vector<1x16xf32>,
      }
      %scan3A_579 = arith.constant 40 : i32
      %mul3A_580 = arith.constant 125 : i32
      %mul3A_581 = arith.muli %add3A, %mul3A_580 : i32
      %add3A_582 = arith.addi %mul3A_581, %add3A_528 : i32
      %dma_wait3A_583 = arith.constant 0 : i32
      %dma_wait3A_584 = tpu.memref_slice %arg4[%add3A_582, %dma_wait3A_583] : memref<4000x128xi32, #tpu.memory_space<hbm>> -> memref<1x40xi32, #tpu.memory_space<hbm>>
      %dma_wait3A_585 = tpu.memref_squeeze %dma_wait3A_584 : memref<1x40xi32, #tpu.memory_space<hbm>> -> memref<40xi32, #tpu.memory_space<hbm>>
      %dma_wait3A_586 = arith.constant 0 : i32
      %dma_wait3A_587 = tpu.memref_slice %arg4[%add3A_582, %dma_wait3A_586] : memref<4000x128xi32, #tpu.memory_space<hbm>> -> memref<1x40xi32, #tpu.memory_space<hbm>>
      %dma_wait3A_588 = tpu.memref_squeeze %dma_wait3A_587 : memref<1x40xi32, #tpu.memory_space<hbm>> -> memref<40xi32, #tpu.memory_space<hbm>>
      tpu.wait_dma2 semaphore(%arg22 : memref<!tpu.dma_semaphore, #tpu.memory_space<semaphore_mem>>) src(%dma_wait3A_588 : memref<40xi32, #tpu.memory_space<hbm>>) dst(%arg13 : memref<40xi32, #tpu.memory_space<vmem>>)
      "tpu.region"() ({
        %run_scoped3A = tpu.sem_alloc : memref<!tpu.dma_semaphore, #tpu.memory_space<semaphore_mem>>
        %dma_start3A_653 = arith.constant 0 : i32
        %dma_start3A_654 = arith.constant 0 : i32
        %dma_start3A_655 = tpu.memref_slice %arg17[%dma_start3A_653, %dma_start3A_654] : memref<10240x32xf32, #tpu.memory_space<vmem_shared>> -> memref<10240x32xf32, #tpu.memory_space<vmem_shared>>
        tpu.enqueue_indirect_dma source(%arg11 : memref<40x32xf32, #tpu.memory_space<vmem>>) target(%dma_start3A_655 : memref<10240x32xf32, #tpu.memory_space<vmem_shared>>) offsets(%arg13 : memref<40xi32, #tpu.memory_space<vmem>>) semaphore(%run_scoped3A : memref<!tpu.dma_semaphore, #tpu.memory_space<semaphore_mem>>) {add = true}
        %dma_wait3A_656 = arith.constant 0 : i32
        %dma_wait3A_657 = arith.constant 0 : i32
        %dma_wait3A_658 = tpu.memref_slice %arg17[%dma_wait3A_656, %dma_wait3A_657] : memref<10240x32xf32, #tpu.memory_space<vmem_shared>> -> memref<10240x32xf32, #tpu.memory_space<vmem_shared>>
        tpu.wait_indirect_dma semaphore(%run_scoped3A : memref<!tpu.dma_semaphore, #tpu.memory_space<semaphore_mem>>) src(%arg11 : memref<40x32xf32, #tpu.memory_space<vmem>>) dst(%dma_wait3A_658 : memref<10240x32xf32, #tpu.memory_space<vmem_shared>>)
        tpu.yield
      }) : () -> ()
      %mul3A_589 = arith.constant 2 : i32
      %mul3A_590 = arith.muli %mul3A_589, %scan3A_524 : i32
      %add3A_591 = arith.constant 1 : i32
      %add3A_592 = arith.addi %mul3A_590, %add3A_591 : i32
      %add3A_593 = arith.constant 1 : i32
      %add3A_594 = arith.addi %add3A_592, %add3A_593 : i32
      %mul3A_595 = arith.constant 125 : i32
      %mul3A_596 = arith.muli %add3A, %mul3A_595 : i32
      %add3A_597 = arith.addi %mul3A_596, %add3A_594 : i32
      %mul3A_598 = arith.constant 40 : i32
      %mul3A_599 = arith.muli %add3A_597, %mul3A_598 : i32
      %dma_start3A_600 = arith.constant 0 : i32
      %dma_start3A_601 = arith.constant 0 : i32
      %dma_start3A_602 = tpu.memref_slice %arg5[%mul3A_599, %dma_start3A_600, %dma_start3A_601] : memref<160000x8x128xf32, #tpu.memory_space<hbm>> -> memref<40x8x128xf32, #tpu.memory_space<hbm>>
      %dma_start3A_603 = arith.constant 0 : i32
      %dma_start3A_604 = arith.constant 0 : i32
      %dma_start3A_605 = tpu.memref_slice %arg5[%mul3A_599, %dma_start3A_603, %dma_start3A_604] : memref<160000x8x128xf32, #tpu.memory_space<hbm>> -> memref<40x8x128xf32, #tpu.memory_space<hbm>>
      tpu.enqueue_dma source(%dma_start3A_605 : memref<40x8x128xf32, #tpu.memory_space<hbm>>) target(%arg7 : memref<40x8x128xf32, #tpu.memory_space<vmem>>) target_semaphore(%arg18 : memref<!tpu.dma_semaphore, #tpu.memory_space<semaphore_mem>>)
      %dma_start3A_606 = arith.constant 0 : i32
      %dma_start3A_607 = tpu.memref_slice %arg12[%add3A_594, %dma_start3A_606] : memref<125x40xi32, #tpu.memory_space<vmem>> -> memref<1x40xi32, #tpu.memory_space<vmem>>
      %dma_start3A_608 = tpu.memref_squeeze %dma_start3A_607 : memref<1x40xi32, #tpu.memory_space<vmem>> -> memref<40xi32, #tpu.memory_space<vmem>>
      %dma_start3A_609 = arith.constant 0 : i32
      %dma_start3A_610 = arith.constant 0 : i32
      %dma_start3A_611 = tpu.memref_slice %arg2[%dma_start3A_609, %dma_start3A_610] : memref<10000x128xf32, #tpu.memory_space<hbm>> -> memref<10000x128xf32, #tpu.memory_space<hbm>>
      tpu.enqueue_indirect_dma source(%dma_start3A_611 : memref<10000x128xf32, #tpu.memory_space<hbm>>) target(%arg9 : memref<40x128xf32, #tpu.memory_space<vmem>>) offsets(%dma_start3A_608 : memref<40xi32, #tpu.memory_space<vmem>>) semaphore(%arg20 : memref<!tpu.dma_semaphore, #tpu.memory_space<semaphore_mem>>)
      %mul3A_612 = arith.constant 125 : i32
      %mul3A_613 = arith.muli %add3A, %mul3A_612 : i32
      %add3A_614 = arith.addi %mul3A_613, %add3A_594 : i32
      %dma_start3A_615 = arith.constant 0 : i32
      %dma_start3A_616 = tpu.memref_slice %arg4[%add3A_614, %dma_start3A_615] : memref<4000x128xi32, #tpu.memory_space<hbm>> -> memref<1x40xi32, #tpu.memory_space<hbm>>
      %dma_start3A_617 = tpu.memref_squeeze %dma_start3A_616 : memref<1x40xi32, #tpu.memory_space<hbm>> -> memref<40xi32, #tpu.memory_space<hbm>>
      %dma_start3A_618 = arith.constant 0 : i32
      %dma_start3A_619 = tpu.memref_slice %arg4[%add3A_614, %dma_start3A_618] : memref<4000x128xi32, #tpu.memory_space<hbm>> -> memref<1x40xi32, #tpu.memory_space<hbm>>
      %dma_start3A_620 = tpu.memref_squeeze %dma_start3A_619 : memref<1x40xi32, #tpu.memory_space<hbm>> -> memref<40xi32, #tpu.memory_space<hbm>>
      tpu.enqueue_dma source(%dma_start3A_620 : memref<40xi32, #tpu.memory_space<hbm>>) target(%arg13 : memref<40xi32, #tpu.memory_space<vmem>>) target_semaphore(%arg22 : memref<!tpu.dma_semaphore, #tpu.memory_space<semaphore_mem>>)
      %mul3A_621 = arith.constant 125 : i32
      %mul3A_622 = arith.muli %add3A, %mul3A_621 : i32
      %add3A_623 = arith.addi %mul3A_622, %add3A_592 : i32
      %mul3A_624 = arith.constant 40 : i32
      %mul3A_625 = arith.muli %add3A_623, %mul3A_624 : i32
      %dma_wait3A_626 = arith.constant 0 : i32
      %dma_wait3A_627 = arith.constant 0 : i32
      %dma_wait3A_628 = tpu.memref_slice %arg5[%mul3A_625, %dma_wait3A_626, %dma_wait3A_627] : memref<160000x8x128xf32, #tpu.memory_space<hbm>> -> memref<40x8x128xf32, #tpu.memory_space<hbm>>
      %dma_wait3A_629 = arith.constant 0 : i32
      %dma_wait3A_630 = arith.constant 0 : i32
      %dma_wait3A_631 = tpu.memref_slice %arg5[%mul3A_625, %dma_wait3A_629, %dma_wait3A_630] : memref<160000x8x128xf32, #tpu.memory_space<hbm>> -> memref<40x8x128xf32, #tpu.memory_space<hbm>>
      tpu.wait_dma2 semaphore(%arg19 : memref<!tpu.dma_semaphore, #tpu.memory_space<semaphore_mem>>) src(%dma_wait3A_631 : memref<40x8x128xf32, #tpu.memory_space<hbm>>) dst(%arg8 : memref<40x8x128xf32, #tpu.memory_space<vmem>>)
      %dma_wait3A_632 = arith.constant 0 : i32
      %dma_wait3A_633 = tpu.memref_slice %arg12[%add3A_592, %dma_wait3A_632] : memref<125x40xi32, #tpu.memory_space<vmem>> -> memref<1x40xi32, #tpu.memory_space<vmem>>
      %dma_wait3A_634 = tpu.memref_squeeze %dma_wait3A_633 : memref<1x40xi32, #tpu.memory_space<vmem>> -> memref<40xi32, #tpu.memory_space<vmem>>
      %dma_wait3A_635 = arith.constant 0 : i32
      %dma_wait3A_636 = arith.constant 0 : i32
      %dma_wait3A_637 = tpu.memref_slice %arg2[%dma_wait3A_635, %dma_wait3A_636] : memref<10000x128xf32, #tpu.memory_space<hbm>> -> memref<10000x128xf32, #tpu.memory_space<hbm>>
      tpu.wait_indirect_dma semaphore(%arg21 : memref<!tpu.dma_semaphore, #tpu.memory_space<semaphore_mem>>) src(%dma_wait3A_637 : memref<10000x128xf32, #tpu.memory_space<hbm>>) dst(%arg10 : memref<40x128xf32, #tpu.memory_space<vmem>>)
      %scan3A_638 = arith.constant 0 : i32
      %scan3A_639 = arith.constant 0 : i32
      %scan3A_640 = arith.constant 40 : i32
      %scan3A_641 = arith.addi %scan3A_639, %scan3A_640 : i32
      %scan3A_642 = arith.constant 1 : i32
      scf.for %scan3A_653 = %scan3A_639 to %scan3A_641 step %scan3A_642  : i32 {
        %get3A = arith.index_cast %scan3A_653 : i32 to index
        %get3A_654 = arith.constant 0 : index
        %get3A_655 = tpu.vector_load %arg10[%get3A, %get3A_654] {strides = array<i32>} : memref<40x128xf32, #tpu.memory_space<vmem>>, vector<1x16xf32>,
        %get3A_656 = vector.shape_cast %get3A_655 : vector<1x16xf32> to vector<16xf32>
        %get3A_657 = arith.index_cast %scan3A_653 : i32 to index
        %get3A_658 = arith.constant 16 : index
        %get3A_659 = tpu.vector_load %arg10[%get3A_657, %get3A_658] {strides = array<i32>} : memref<40x128xf32, #tpu.memory_space<vmem>>, vector<1x16xf32>,
        %get3A_660 = vector.shape_cast %get3A_659 : vector<1x16xf32> to vector<16xf32>
        %slice3A = vector.extract_strided_slice %get3A_656 {offsets = [0], sizes = [1], strides = [1]} : vector<16xf32> to vector<1xf32>
        %squeeze3A = vector.extract %slice3A[0] : f32 from vector<1xf32>
        %get3A_661 = arith.constant 0 : i32
        %get3A_662 = arith.index_cast %scan3A_653 : i32 to index
        %get3A_663 = arith.index_cast %get3A_661 : i32 to index
        %get3A_664 = arith.constant 0 : index
        %get3A_665 = tpu.vector_load %arg8[%get3A_662, %get3A_663, %get3A_664] {strides = array<i32>} : memref<40x8x128xf32, #tpu.memory_space<vmem>>, vector<1x1x16xf32>,
        %get3A_666 = vector.shape_cast %get3A_665 : vector<1x1x16xf32> to vector<16xf32>
        %get3A_667 = arith.constant 0 : i32
        %get3A_668 = arith.index_cast %scan3A_653 : i32 to index
        %get3A_669 = arith.index_cast %get3A_667 : i32 to index
        %get3A_670 = arith.constant 16 : index
        %get3A_671 = tpu.vector_load %arg8[%get3A_668, %get3A_669, %get3A_670] {strides = array<i32>} : memref<40x8x128xf32, #tpu.memory_space<vmem>>, vector<1x1x16xf32>,
        %get3A_672 = vector.shape_cast %get3A_671 : vector<1x1x16xf32> to vector<16xf32>
        %mul3A_673 = vector.broadcast %squeeze3A : f32 to vector<16xf32>
        %mul3A_674 = arith.mulf %mul3A_673, %get3A_666 : vector<16xf32>
        %add3A_675 = arith.addf %broadcast_in_dim3A_1, %mul3A_674 : vector<16xf32>
        %mul3A_676 = vector.broadcast %squeeze3A : f32 to vector<16xf32>
        %mul3A_677 = arith.mulf %mul3A_676, %get3A_672 : vector<16xf32>
        %add3A_678 = arith.addf %broadcast_in_dim3A_1, %mul3A_677 : vector<16xf32>
        %slice3A_679 = vector.extract_strided_slice %get3A_656 {offsets = [1], sizes = [1], strides = [1]} : vector<16xf32> to vector<1xf32>
        %squeeze3A_680 = vector.extract %slice3A_679[0] : f32 from vector<1xf32>
        %get3A_681 = arith.constant 0 : i32
        %get3A_682 = arith.index_cast %scan3A_653 : i32 to index
        %get3A_683 = arith.index_cast %get3A_681 : i32 to index
        %get3A_684 = arith.constant 32 : index
        %get3A_685 = tpu.vector_load %arg8[%get3A_682, %get3A_683, %get3A_684] {strides = array<i32>} : memref<40x8x128xf32, #tpu.memory_space<vmem>>, vector<1x1x16xf32>,
        %get3A_686 = vector.shape_cast %get3A_685 : vector<1x1x16xf32> to vector<16xf32>
        %get3A_687 = arith.constant 0 : i32
        %get3A_688 = arith.index_cast %scan3A_653 : i32 to index
        %get3A_689 = arith.index_cast %get3A_687 : i32 to index
        %get3A_690 = arith.constant 48 : index
        %get3A_691 = tpu.vector_load %arg8[%get3A_688, %get3A_689, %get3A_690] {strides = array<i32>} : memref<40x8x128xf32, #tpu.memory_space<vmem>>, vector<1x1x16xf32>,
        %get3A_692 = vector.shape_cast %get3A_691 : vector<1x1x16xf32> to vector<16xf32>
        %mul3A_693 = vector.broadcast %squeeze3A_680 : f32 to vector<16xf32>
        %mul3A_694 = arith.mulf %mul3A_693, %get3A_686 : vector<16xf32>
        %add3A_695 = arith.addf %broadcast_in_dim3A_1, %mul3A_694 : vector<16xf32>
        %mul3A_696 = vector.broadcast %squeeze3A_680 : f32 to vector<16xf32>
        %mul3A_697 = arith.mulf %mul3A_696, %get3A_692 : vector<16xf32>
        %add3A_698 = arith.addf %broadcast_in_dim3A_1, %mul3A_697 : vector<16xf32>
        %slice3A_699 = vector.extract_strided_slice %get3A_656 {offsets = [2], sizes = [1], strides = [1]} : vector<16xf32> to vector<1xf32>
        %squeeze3A_700 = vector.extract %slice3A_699[0] : f32 from vector<1xf32>
        %get3A_701 = arith.constant 0 : i32
        %get3A_702 = arith.index_cast %scan3A_653 : i32 to index
        %get3A_703 = arith.index_cast %get3A_701 : i32 to index
        %get3A_704 = arith.constant 64 : index
        %get3A_705 = tpu.vector_load %arg8[%get3A_702, %get3A_703, %get3A_704] {strides = array<i32>} : memref<40x8x128xf32, #tpu.memory_space<vmem>>, vector<1x1x16xf32>,
        %get3A_706 = vector.shape_cast %get3A_705 : vector<1x1x16xf32> to vector<16xf32>
        %get3A_707 = arith.constant 0 : i32
        %get3A_708 = arith.index_cast %scan3A_653 : i32 to index
        %get3A_709 = arith.index_cast %get3A_707 : i32 to index
        %get3A_710 = arith.constant 80 : index
        %get3A_711 = tpu.vector_load %arg8[%get3A_708, %get3A_709, %get3A_710] {strides = array<i32>} : memref<40x8x128xf32, #tpu.memory_space<vmem>>, vector<1x1x16xf32>,
        %get3A_712 = vector.shape_cast %get3A_711 : vector<1x1x16xf32> to vector<16xf32>
        %mul3A_713 = vector.broadcast %squeeze3A_700 : f32 to vector<16xf32>
        %mul3A_714 = arith.mulf %mul3A_713, %get3A_706 : vector<16xf32>
        %add3A_715 = arith.addf %add3A_675, %mul3A_714 : vector<16xf32>
        %mul3A_716 = vector.broadcast %squeeze3A_700 : f32 to vector<16xf32>
        %mul3A_717 = arith.mulf %mul3A_716, %get3A_712 : vector<16xf32>
        %add3A_718 = arith.addf %add3A_678, %mul3A_717 : vector<16xf32>
        %slice3A_719 = vector.extract_strided_slice %get3A_656 {offsets = [3], sizes = [1], strides = [1]} : vector<16xf32> to vector<1xf32>
        %squeeze3A_720 = vector.extract %slice3A_719[0] : f32 from vector<1xf32>
        %get3A_721 = arith.constant 0 : i32
        %get3A_722 = arith.index_cast %scan3A_653 : i32 to index
        %get3A_723 = arith.index_cast %get3A_721 : i32 to index
        %get3A_724 = arith.constant 96 : index
        %get3A_725 = tpu.vector_load %arg8[%get3A_722, %get3A_723, %get3A_724] {strides = array<i32>} : memref<40x8x128xf32, #tpu.memory_space<vmem>>, vector<1x1x16xf32>,
        %get3A_726 = vector.shape_cast %get3A_725 : vector<1x1x16xf32> to vector<16xf32>
        %get3A_727 = arith.constant 0 : i32
        %get3A_728 = arith.index_cast %scan3A_653 : i32 to index
        %get3A_729 = arith.index_cast %get3A_727 : i32 to index
        %get3A_730 = arith.constant 112 : index
        %get3A_731 = tpu.vector_load %arg8[%get3A_728, %get3A_729, %get3A_730] {strides = array<i32>} : memref<40x8x128xf32, #tpu.memory_space<vmem>>, vector<1x1x16xf32>,
        %get3A_732 = vector.shape_cast %get3A_731 : vector<1x1x16xf32> to vector<16xf32>
        %mul3A_733 = vector.broadcast %squeeze3A_720 : f32 to vector<16xf32>
        %mul3A_734 = arith.mulf %mul3A_733, %get3A_726 : vector<16xf32>
        %add3A_735 = arith.addf %add3A_695, %mul3A_734 : vector<16xf32>
        %mul3A_736 = vector.broadcast %squeeze3A_720 : f32 to vector<16xf32>
        %mul3A_737 = arith.mulf %mul3A_736, %get3A_732 : vector<16xf32>
        %add3A_738 = arith.addf %add3A_698, %mul3A_737 : vector<16xf32>
        %slice3A_739 = vector.extract_strided_slice %get3A_656 {offsets = [4], sizes = [1], strides = [1]} : vector<16xf32> to vector<1xf32>
        %squeeze3A_740 = vector.extract %slice3A_739[0] : f32 from vector<1xf32>
        %get3A_741 = arith.constant 1 : i32
        %get3A_742 = arith.index_cast %scan3A_653 : i32 to index
        %get3A_743 = arith.index_cast %get3A_741 : i32 to index
        %get3A_744 = arith.constant 0 : index
        %get3A_745 = tpu.vector_load %arg8[%get3A_742, %get3A_743, %get3A_744] {strides = array<i32>} : memref<40x8x128xf32, #tpu.memory_space<vmem>>, vector<1x1x16xf32>,
        %get3A_746 = vector.shape_cast %get3A_745 : vector<1x1x16xf32> to vector<16xf32>
        %get3A_747 = arith.constant 1 : i32
        %get3A_748 = arith.index_cast %scan3A_653 : i32 to index
        %get3A_749 = arith.index_cast %get3A_747 : i32 to index
        %get3A_750 = arith.constant 16 : index
        %get3A_751 = tpu.vector_load %arg8[%get3A_748, %get3A_749, %get3A_750] {strides = array<i32>} : memref<40x8x128xf32, #tpu.memory_space<vmem>>, vector<1x1x16xf32>,
        %get3A_752 = vector.shape_cast %get3A_751 : vector<1x1x16xf32> to vector<16xf32>
        %mul3A_753 = vector.broadcast %squeeze3A_740 : f32 to vector<16xf32>
        %mul3A_754 = arith.mulf %mul3A_753, %get3A_746 : vector<16xf32>
        %add3A_755 = arith.addf %add3A_715, %mul3A_754 : vector<16xf32>
        %mul3A_756 = vector.broadcast %squeeze3A_740 : f32 to vector<16xf32>
        %mul3A_757 = arith.mulf %mul3A_756, %get3A_752 : vector<16xf32>
        %add3A_758 = arith.addf %add3A_718, %mul3A_757 : vector<16xf32>
        %slice3A_759 = vector.extract_strided_slice %get3A_656 {offsets = [5], sizes = [1], strides = [1]} : vector<16xf32> to vector<1xf32>
        %squeeze3A_760 = vector.extract %slice3A_759[0] : f32 from vector<1xf32>
        %get3A_761 = arith.constant 1 : i32
        %get3A_762 = arith.index_cast %scan3A_653 : i32 to index
        %get3A_763 = arith.index_cast %get3A_761 : i32 to index
        %get3A_764 = arith.constant 32 : index
        %get3A_765 = tpu.vector_load %arg8[%get3A_762, %get3A_763, %get3A_764] {strides = array<i32>} : memref<40x8x128xf32, #tpu.memory_space<vmem>>, vector<1x1x16xf32>,
        %get3A_766 = vector.shape_cast %get3A_765 : vector<1x1x16xf32> to vector<16xf32>
        %get3A_767 = arith.constant 1 : i32
        %get3A_768 = arith.index_cast %scan3A_653 : i32 to index
        %get3A_769 = arith.index_cast %get3A_767 : i32 to index
        %get3A_770 = arith.constant 48 : index
        %get3A_771 = tpu.vector_load %arg8[%get3A_768, %get3A_769, %get3A_770] {strides = array<i32>} : memref<40x8x128xf32, #tpu.memory_space<vmem>>, vector<1x1x16xf32>,
        %get3A_772 = vector.shape_cast %get3A_771 : vector<1x1x16xf32> to vector<16xf32>
        %mul3A_773 = vector.broadcast %squeeze3A_760 : f32 to vector<16xf32>
        %mul3A_774 = arith.mulf %mul3A_773, %get3A_766 : vector<16xf32>
        %add3A_775 = arith.addf %add3A_735, %mul3A_774 : vector<16xf32>
        %mul3A_776 = vector.broadcast %squeeze3A_760 : f32 to vector<16xf32>
        %mul3A_777 = arith.mulf %mul3A_776, %get3A_772 : vector<16xf32>
        %add3A_778 = arith.addf %add3A_738, %mul3A_777 : vector<16xf32>
        %slice3A_779 = vector.extract_strided_slice %get3A_656 {offsets = [6], sizes = [1], strides = [1]} : vector<16xf32> to vector<1xf32>
        %squeeze3A_780 = vector.extract %slice3A_779[0] : f32 from vector<1xf32>
        %get3A_781 = arith.constant 1 : i32
        %get3A_782 = arith.index_cast %scan3A_653 : i32 to index
        %get3A_783 = arith.index_cast %get3A_781 : i32 to index
        %get3A_784 = arith.constant 64 : index
        %get3A_785 = tpu.vector_load %arg8[%get3A_782, %get3A_783, %get3A_784] {strides = array<i32>} : memref<40x8x128xf32, #tpu.memory_space<vmem>>, vector<1x1x16xf32>,
        %get3A_786 = vector.shape_cast %get3A_785 : vector<1x1x16xf32> to vector<16xf32>
        %get3A_787 = arith.constant 1 : i32
        %get3A_788 = arith.index_cast %scan3A_653 : i32 to index
        %get3A_789 = arith.index_cast %get3A_787 : i32 to index
        %get3A_790 = arith.constant 80 : index
        %get3A_791 = tpu.vector_load %arg8[%get3A_788, %get3A_789, %get3A_790] {strides = array<i32>} : memref<40x8x128xf32, #tpu.memory_space<vmem>>, vector<1x1x16xf32>,
        %get3A_792 = vector.shape_cast %get3A_791 : vector<1x1x16xf32> to vector<16xf32>
        %mul3A_793 = vector.broadcast %squeeze3A_780 : f32 to vector<16xf32>
        %mul3A_794 = arith.mulf %mul3A_793, %get3A_786 : vector<16xf32>
        %add3A_795 = arith.addf %add3A_755, %mul3A_794 : vector<16xf32>
        %mul3A_796 = vector.broadcast %squeeze3A_780 : f32 to vector<16xf32>
        %mul3A_797 = arith.mulf %mul3A_796, %get3A_792 : vector<16xf32>
        %add3A_798 = arith.addf %add3A_758, %mul3A_797 : vector<16xf32>
        %slice3A_799 = vector.extract_strided_slice %get3A_656 {offsets = [7], sizes = [1], strides = [1]} : vector<16xf32> to vector<1xf32>
        %squeeze3A_800 = vector.extract %slice3A_799[0] : f32 from vector<1xf32>
        %get3A_801 = arith.constant 1 : i32
        %get3A_802 = arith.index_cast %scan3A_653 : i32 to index
        %get3A_803 = arith.index_cast %get3A_801 : i32 to index
        %get3A_804 = arith.constant 96 : index
        %get3A_805 = tpu.vector_load %arg8[%get3A_802, %get3A_803, %get3A_804] {strides = array<i32>} : memref<40x8x128xf32, #tpu.memory_space<vmem>>, vector<1x1x16xf32>,
        %get3A_806 = vector.shape_cast %get3A_805 : vector<1x1x16xf32> to vector<16xf32>
        %get3A_807 = arith.constant 1 : i32
        %get3A_808 = arith.index_cast %scan3A_653 : i32 to index
        %get3A_809 = arith.index_cast %get3A_807 : i32 to index
        %get3A_810 = arith.constant 112 : index
        %get3A_811 = tpu.vector_load %arg8[%get3A_808, %get3A_809, %get3A_810] {strides = array<i32>} : memref<40x8x128xf32, #tpu.memory_space<vmem>>, vector<1x1x16xf32>,
        %get3A_812 = vector.shape_cast %get3A_811 : vector<1x1x16xf32> to vector<16xf32>
        %mul3A_813 = vector.broadcast %squeeze3A_800 : f32 to vector<16xf32>
        %mul3A_814 = arith.mulf %mul3A_813, %get3A_806 : vector<16xf32>
        %add3A_815 = arith.addf %add3A_775, %mul3A_814 : vector<16xf32>
        %mul3A_816 = vector.broadcast %squeeze3A_800 : f32 to vector<16xf32>
        %mul3A_817 = arith.mulf %mul3A_816, %get3A_812 : vector<16xf32>
        %add3A_818 = arith.addf %add3A_778, %mul3A_817 : vector<16xf32>
        %slice3A_819 = vector.extract_strided_slice %get3A_656 {offsets = [8], sizes = [1], strides = [1]} : vector<16xf32> to vector<1xf32>
        %squeeze3A_820 = vector.extract %slice3A_819[0] : f32 from vector<1xf32>
        %get3A_821 = arith.constant 2 : i32
        %get3A_822 = arith.index_cast %scan3A_653 : i32 to index
        %get3A_823 = arith.index_cast %get3A_821 : i32 to index
        %get3A_824 = arith.constant 0 : index
        %get3A_825 = tpu.vector_load %arg8[%get3A_822, %get3A_823, %get3A_824] {strides = array<i32>} : memref<40x8x128xf32, #tpu.memory_space<vmem>>, vector<1x1x16xf32>,
        %get3A_826 = vector.shape_cast %get3A_825 : vector<1x1x16xf32> to vector<16xf32>
        %get3A_827 = arith.constant 2 : i32
        %get3A_828 = arith.index_cast %scan3A_653 : i32 to index
        %get3A_829 = arith.index_cast %get3A_827 : i32 to index
        %get3A_830 = arith.constant 16 : index
        %get3A_831 = tpu.vector_load %arg8[%get3A_828, %get3A_829, %get3A_830] {strides = array<i32>} : memref<40x8x128xf32, #tpu.memory_space<vmem>>, vector<1x1x16xf32>,
        %get3A_832 = vector.shape_cast %get3A_831 : vector<1x1x16xf32> to vector<16xf32>
        %mul3A_833 = vector.broadcast %squeeze3A_820 : f32 to vector<16xf32>
        %mul3A_834 = arith.mulf %mul3A_833, %get3A_826 : vector<16xf32>
        %add3A_835 = arith.addf %add3A_795, %mul3A_834 : vector<16xf32>
        %mul3A_836 = vector.broadcast %squeeze3A_820 : f32 to vector<16xf32>
        %mul3A_837 = arith.mulf %mul3A_836, %get3A_832 : vector<16xf32>
        %add3A_838 = arith.addf %add3A_798, %mul3A_837 : vector<16xf32>
        %slice3A_839 = vector.extract_strided_slice %get3A_656 {offsets = [9], sizes = [1], strides = [1]} : vector<16xf32> to vector<1xf32>
        %squeeze3A_840 = vector.extract %slice3A_839[0] : f32 from vector<1xf32>
        %get3A_841 = arith.constant 2 : i32
        %get3A_842 = arith.index_cast %scan3A_653 : i32 to index
        %get3A_843 = arith.index_cast %get3A_841 : i32 to index
        %get3A_844 = arith.constant 32 : index
        %get3A_845 = tpu.vector_load %arg8[%get3A_842, %get3A_843, %get3A_844] {strides = array<i32>} : memref<40x8x128xf32, #tpu.memory_space<vmem>>, vector<1x1x16xf32>,
        %get3A_846 = vector.shape_cast %get3A_845 : vector<1x1x16xf32> to vector<16xf32>
        %get3A_847 = arith.constant 2 : i32
        %get3A_848 = arith.index_cast %scan3A_653 : i32 to index
        %get3A_849 = arith.index_cast %get3A_847 : i32 to index
        %get3A_850 = arith.constant 48 : index
        %get3A_851 = tpu.vector_load %arg8[%get3A_848, %get3A_849, %get3A_850] {strides = array<i32>} : memref<40x8x128xf32, #tpu.memory_space<vmem>>, vector<1x1x16xf32>,
        %get3A_852 = vector.shape_cast %get3A_851 : vector<1x1x16xf32> to vector<16xf32>
        %mul3A_853 = vector.broadcast %squeeze3A_840 : f32 to vector<16xf32>
        %mul3A_854 = arith.mulf %mul3A_853, %get3A_846 : vector<16xf32>
        %add3A_855 = arith.addf %add3A_815, %mul3A_854 : vector<16xf32>
        %mul3A_856 = vector.broadcast %squeeze3A_840 : f32 to vector<16xf32>
        %mul3A_857 = arith.mulf %mul3A_856, %get3A_852 : vector<16xf32>
        %add3A_858 = arith.addf %add3A_818, %mul3A_857 : vector<16xf32>
        %slice3A_859 = vector.extract_strided_slice %get3A_656 {offsets = [10], sizes = [1], strides = [1]} : vector<16xf32> to vector<1xf32>
        %squeeze3A_860 = vector.extract %slice3A_859[0] : f32 from vector<1xf32>
        %get3A_861 = arith.constant 2 : i32
        %get3A_862 = arith.index_cast %scan3A_653 : i32 to index
        %get3A_863 = arith.index_cast %get3A_861 : i32 to index
        %get3A_864 = arith.constant 64 : index
        %get3A_865 = tpu.vector_load %arg8[%get3A_862, %get3A_863, %get3A_864] {strides = array<i32>} : memref<40x8x128xf32, #tpu.memory_space<vmem>>, vector<1x1x16xf32>,
        %get3A_866 = vector.shape_cast %get3A_865 : vector<1x1x16xf32> to vector<16xf32>
        %get3A_867 = arith.constant 2 : i32
        %get3A_868 = arith.index_cast %scan3A_653 : i32 to index
        %get3A_869 = arith.index_cast %get3A_867 : i32 to index
        %get3A_870 = arith.constant 80 : index
        %get3A_871 = tpu.vector_load %arg8[%get3A_868, %get3A_869, %get3A_870] {strides = array<i32>} : memref<40x8x128xf32, #tpu.memory_space<vmem>>, vector<1x1x16xf32>,
        %get3A_872 = vector.shape_cast %get3A_871 : vector<1x1x16xf32> to vector<16xf32>
        %mul3A_873 = vector.broadcast %squeeze3A_860 : f32 to vector<16xf32>
        %mul3A_874 = arith.mulf %mul3A_873, %get3A_866 : vector<16xf32>
        %add3A_875 = arith.addf %add3A_835, %mul3A_874 : vector<16xf32>
        %mul3A_876 = vector.broadcast %squeeze3A_860 : f32 to vector<16xf32>
        %mul3A_877 = arith.mulf %mul3A_876, %get3A_872 : vector<16xf32>
        %add3A_878 = arith.addf %add3A_838, %mul3A_877 : vector<16xf32>
        %slice3A_879 = vector.extract_strided_slice %get3A_656 {offsets = [11], sizes = [1], strides = [1]} : vector<16xf32> to vector<1xf32>
        %squeeze3A_880 = vector.extract %slice3A_879[0] : f32 from vector<1xf32>
        %get3A_881 = arith.constant 2 : i32
        %get3A_882 = arith.index_cast %scan3A_653 : i32 to index
        %get3A_883 = arith.index_cast %get3A_881 : i32 to index
        %get3A_884 = arith.constant 96 : index
        %get3A_885 = tpu.vector_load %arg8[%get3A_882, %get3A_883, %get3A_884] {strides = array<i32>} : memref<40x8x128xf32, #tpu.memory_space<vmem>>, vector<1x1x16xf32>,
        %get3A_886 = vector.shape_cast %get3A_885 : vector<1x1x16xf32> to vector<16xf32>
        %get3A_887 = arith.constant 2 : i32
        %get3A_888 = arith.index_cast %scan3A_653 : i32 to index
        %get3A_889 = arith.index_cast %get3A_887 : i32 to index
        %get3A_890 = arith.constant 112 : index
        %get3A_891 = tpu.vector_load %arg8[%get3A_888, %get3A_889, %get3A_890] {strides = array<i32>} : memref<40x8x128xf32, #tpu.memory_space<vmem>>, vector<1x1x16xf32>,
        %get3A_892 = vector.shape_cast %get3A_891 : vector<1x1x16xf32> to vector<16xf32>
        %mul3A_893 = vector.broadcast %squeeze3A_880 : f32 to vector<16xf32>
        %mul3A_894 = arith.mulf %mul3A_893, %get3A_886 : vector<16xf32>
        %add3A_895 = arith.addf %add3A_855, %mul3A_894 : vector<16xf32>
        %mul3A_896 = vector.broadcast %squeeze3A_880 : f32 to vector<16xf32>
        %mul3A_897 = arith.mulf %mul3A_896, %get3A_892 : vector<16xf32>
        %add3A_898 = arith.addf %add3A_858, %mul3A_897 : vector<16xf32>
        %slice3A_899 = vector.extract_strided_slice %get3A_656 {offsets = [12], sizes = [1], strides = [1]} : vector<16xf32> to vector<1xf32>
        %squeeze3A_900 = vector.extract %slice3A_899[0] : f32 from vector<1xf32>
        %get3A_901 = arith.constant 3 : i32
        %get3A_902 = arith.index_cast %scan3A_653 : i32 to index
        %get3A_903 = arith.index_cast %get3A_901 : i32 to index
        %get3A_904 = arith.constant 0 : index
        %get3A_905 = tpu.vector_load %arg8[%get3A_902, %get3A_903, %get3A_904] {strides = array<i32>} : memref<40x8x128xf32, #tpu.memory_space<vmem>>, vector<1x1x16xf32>,
        %get3A_906 = vector.shape_cast %get3A_905 : vector<1x1x16xf32> to vector<16xf32>
        %get3A_907 = arith.constant 3 : i32
        %get3A_908 = arith.index_cast %scan3A_653 : i32 to index
        %get3A_909 = arith.index_cast %get3A_907 : i32 to index
        %get3A_910 = arith.constant 16 : index
        %get3A_911 = tpu.vector_load %arg8[%get3A_908, %get3A_909, %get3A_910] {strides = array<i32>} : memref<40x8x128xf32, #tpu.memory_space<vmem>>, vector<1x1x16xf32>,
        %get3A_912 = vector.shape_cast %get3A_911 : vector<1x1x16xf32> to vector<16xf32>
        %mul3A_913 = vector.broadcast %squeeze3A_900 : f32 to vector<16xf32>
        %mul3A_914 = arith.mulf %mul3A_913, %get3A_906 : vector<16xf32>
        %add3A_915 = arith.addf %add3A_875, %mul3A_914 : vector<16xf32>
        %mul3A_916 = vector.broadcast %squeeze3A_900 : f32 to vector<16xf32>
        %mul3A_917 = arith.mulf %mul3A_916, %get3A_912 : vector<16xf32>
        %add3A_918 = arith.addf %add3A_878, %mul3A_917 : vector<16xf32>
        %slice3A_919 = vector.extract_strided_slice %get3A_656 {offsets = [13], sizes = [1], strides = [1]} : vector<16xf32> to vector<1xf32>
        %squeeze3A_920 = vector.extract %slice3A_919[0] : f32 from vector<1xf32>
        %get3A_921 = arith.constant 3 : i32
        %get3A_922 = arith.index_cast %scan3A_653 : i32 to index
        %get3A_923 = arith.index_cast %get3A_921 : i32 to index
        %get3A_924 = arith.constant 32 : index
        %get3A_925 = tpu.vector_load %arg8[%get3A_922, %get3A_923, %get3A_924] {strides = array<i32>} : memref<40x8x128xf32, #tpu.memory_space<vmem>>, vector<1x1x16xf32>,
        %get3A_926 = vector.shape_cast %get3A_925 : vector<1x1x16xf32> to vector<16xf32>
        %get3A_927 = arith.constant 3 : i32
        %get3A_928 = arith.index_cast %scan3A_653 : i32 to index
        %get3A_929 = arith.index_cast %get3A_927 : i32 to index
        %get3A_930 = arith.constant 48 : index
        %get3A_931 = tpu.vector_load %arg8[%get3A_928, %get3A_929, %get3A_930] {strides = array<i32>} : memref<40x8x128xf32, #tpu.memory_space<vmem>>, vector<1x1x16xf32>,
        %get3A_932 = vector.shape_cast %get3A_931 : vector<1x1x16xf32> to vector<16xf32>
        %mul3A_933 = vector.broadcast %squeeze3A_920 : f32 to vector<16xf32>
        %mul3A_934 = arith.mulf %mul3A_933, %get3A_926 : vector<16xf32>
        %add3A_935 = arith.addf %add3A_895, %mul3A_934 : vector<16xf32>
        %mul3A_936 = vector.broadcast %squeeze3A_920 : f32 to vector<16xf32>
        %mul3A_937 = arith.mulf %mul3A_936, %get3A_932 : vector<16xf32>
        %add3A_938 = arith.addf %add3A_898, %mul3A_937 : vector<16xf32>
        %slice3A_939 = vector.extract_strided_slice %get3A_656 {offsets = [14], sizes = [1], strides = [1]} : vector<16xf32> to vector<1xf32>
        %squeeze3A_940 = vector.extract %slice3A_939[0] : f32 from vector<1xf32>
        %get3A_941 = arith.constant 3 : i32
        %get3A_942 = arith.index_cast %scan3A_653 : i32 to index
        %get3A_943 = arith.index_cast %get3A_941 : i32 to index
        %get3A_944 = arith.constant 64 : index
        %get3A_945 = tpu.vector_load %arg8[%get3A_942, %get3A_943, %get3A_944] {strides = array<i32>} : memref<40x8x128xf32, #tpu.memory_space<vmem>>, vector<1x1x16xf32>,
        %get3A_946 = vector.shape_cast %get3A_945 : vector<1x1x16xf32> to vector<16xf32>
        %get3A_947 = arith.constant 3 : i32
        %get3A_948 = arith.index_cast %scan3A_653 : i32 to index
        %get3A_949 = arith.index_cast %get3A_947 : i32 to index
        %get3A_950 = arith.constant 80 : index
        %get3A_951 = tpu.vector_load %arg8[%get3A_948, %get3A_949, %get3A_950] {strides = array<i32>} : memref<40x8x128xf32, #tpu.memory_space<vmem>>, vector<1x1x16xf32>,
        %get3A_952 = vector.shape_cast %get3A_951 : vector<1x1x16xf32> to vector<16xf32>
        %mul3A_953 = vector.broadcast %squeeze3A_940 : f32 to vector<16xf32>
        %mul3A_954 = arith.mulf %mul3A_953, %get3A_946 : vector<16xf32>
        %add3A_955 = arith.addf %add3A_915, %mul3A_954 : vector<16xf32>
        %mul3A_956 = vector.broadcast %squeeze3A_940 : f32 to vector<16xf32>
        %mul3A_957 = arith.mulf %mul3A_956, %get3A_952 : vector<16xf32>
        %add3A_958 = arith.addf %add3A_918, %mul3A_957 : vector<16xf32>
        %slice3A_959 = vector.extract_strided_slice %get3A_656 {offsets = [15], sizes = [1], strides = [1]} : vector<16xf32> to vector<1xf32>
        %squeeze3A_960 = vector.extract %slice3A_959[0] : f32 from vector<1xf32>
        %get3A_961 = arith.constant 3 : i32
        %get3A_962 = arith.index_cast %scan3A_653 : i32 to index
        %get3A_963 = arith.index_cast %get3A_961 : i32 to index
        %get3A_964 = arith.constant 96 : index
        %get3A_965 = tpu.vector_load %arg8[%get3A_962, %get3A_963, %get3A_964] {strides = array<i32>} : memref<40x8x128xf32, #tpu.memory_space<vmem>>, vector<1x1x16xf32>,
        %get3A_966 = vector.shape_cast %get3A_965 : vector<1x1x16xf32> to vector<16xf32>
        %get3A_967 = arith.constant 3 : i32
        %get3A_968 = arith.index_cast %scan3A_653 : i32 to index
        %get3A_969 = arith.index_cast %get3A_967 : i32 to index
        %get3A_970 = arith.constant 112 : index
        %get3A_971 = tpu.vector_load %arg8[%get3A_968, %get3A_969, %get3A_970] {strides = array<i32>} : memref<40x8x128xf32, #tpu.memory_space<vmem>>, vector<1x1x16xf32>,
        %get3A_972 = vector.shape_cast %get3A_971 : vector<1x1x16xf32> to vector<16xf32>
        %mul3A_973 = vector.broadcast %squeeze3A_960 : f32 to vector<16xf32>
        %mul3A_974 = arith.mulf %mul3A_973, %get3A_966 : vector<16xf32>
        %add3A_975 = arith.addf %add3A_935, %mul3A_974 : vector<16xf32>
        %mul3A_976 = vector.broadcast %squeeze3A_960 : f32 to vector<16xf32>
        %mul3A_977 = arith.mulf %mul3A_976, %get3A_972 : vector<16xf32>
        %add3A_978 = arith.addf %add3A_938, %mul3A_977 : vector<16xf32>
        %slice3A_979 = vector.extract_strided_slice %get3A_660 {offsets = [0], sizes = [1], strides = [1]} : vector<16xf32> to vector<1xf32>
        %squeeze3A_980 = vector.extract %slice3A_979[0] : f32 from vector<1xf32>
        %get3A_981 = arith.constant 4 : i32
        %get3A_982 = arith.index_cast %scan3A_653 : i32 to index
        %get3A_983 = arith.index_cast %get3A_981 : i32 to index
        %get3A_984 = arith.constant 0 : index
        %get3A_985 = tpu.vector_load %arg8[%get3A_982, %get3A_983, %get3A_984] {strides = array<i32>} : memref<40x8x128xf32, #tpu.memory_space<vmem>>, vector<1x1x16xf32>,
        %get3A_986 = vector.shape_cast %get3A_985 : vector<1x1x16xf32> to vector<16xf32>
        %get3A_987 = arith.constant 4 : i32
        %get3A_988 = arith.index_cast %scan3A_653 : i32 to index
        %get3A_989 = arith.index_cast %get3A_987 : i32 to index
        %get3A_990 = arith.constant 16 : index
        %get3A_991 = tpu.vector_load %arg8[%get3A_988, %get3A_989, %get3A_990] {strides = array<i32>} : memref<40x8x128xf32, #tpu.memory_space<vmem>>, vector<1x1x16xf32>,
        %get3A_992 = vector.shape_cast %get3A_991 : vector<1x1x16xf32> to vector<16xf32>
        %mul3A_993 = vector.broadcast %squeeze3A_980 : f32 to vector<16xf32>
        %mul3A_994 = arith.mulf %mul3A_993, %get3A_986 : vector<16xf32>
        %add3A_995 = arith.addf %add3A_955, %mul3A_994 : vector<16xf32>
        %mul3A_996 = vector.broadcast %squeeze3A_980 : f32 to vector<16xf32>
        %mul3A_997 = arith.mulf %mul3A_996, %get3A_992 : vector<16xf32>
        %add3A_998 = arith.addf %add3A_958, %mul3A_997 : vector<16xf32>
        %slice3A_999 = vector.extract_strided_slice %get3A_660 {offsets = [1], sizes = [1], strides = [1]} : vector<16xf32> to vector<1xf32>
        %squeeze3A_1000 = vector.extract %slice3A_999[0] : f32 from vector<1xf32>
        %get3A_1001 = arith.constant 4 : i32
        %get3A_1002 = arith.index_cast %scan3A_653 : i32 to index
        %get3A_1003 = arith.index_cast %get3A_1001 : i32 to index
        %get3A_1004 = arith.constant 32 : index
        %get3A_1005 = tpu.vector_load %arg8[%get3A_1002, %get3A_1003, %get3A_1004] {strides = array<i32>} : memref<40x8x128xf32, #tpu.memory_space<vmem>>, vector<1x1x16xf32>,
        %get3A_1006 = vector.shape_cast %get3A_1005 : vector<1x1x16xf32> to vector<16xf32>
        %get3A_1007 = arith.constant 4 : i32
        %get3A_1008 = arith.index_cast %scan3A_653 : i32 to index
        %get3A_1009 = arith.index_cast %get3A_1007 : i32 to index
        %get3A_1010 = arith.constant 48 : index
        %get3A_1011 = tpu.vector_load %arg8[%get3A_1008, %get3A_1009, %get3A_1010] {strides = array<i32>} : memref<40x8x128xf32, #tpu.memory_space<vmem>>, vector<1x1x16xf32>,
        %get3A_1012 = vector.shape_cast %get3A_1011 : vector<1x1x16xf32> to vector<16xf32>
        %mul3A_1013 = vector.broadcast %squeeze3A_1000 : f32 to vector<16xf32>
        %mul3A_1014 = arith.mulf %mul3A_1013, %get3A_1006 : vector<16xf32>
        %add3A_1015 = arith.addf %add3A_975, %mul3A_1014 : vector<16xf32>
        %mul3A_1016 = vector.broadcast %squeeze3A_1000 : f32 to vector<16xf32>
        %mul3A_1017 = arith.mulf %mul3A_1016, %get3A_1012 : vector<16xf32>
        %add3A_1018 = arith.addf %add3A_978, %mul3A_1017 : vector<16xf32>
        %slice3A_1019 = vector.extract_strided_slice %get3A_660 {offsets = [2], sizes = [1], strides = [1]} : vector<16xf32> to vector<1xf32>
        %squeeze3A_1020 = vector.extract %slice3A_1019[0] : f32 from vector<1xf32>
        %get3A_1021 = arith.constant 4 : i32
        %get3A_1022 = arith.index_cast %scan3A_653 : i32 to index
        %get3A_1023 = arith.index_cast %get3A_1021 : i32 to index
        %get3A_1024 = arith.constant 64 : index
        %get3A_1025 = tpu.vector_load %arg8[%get3A_1022, %get3A_1023, %get3A_1024] {strides = array<i32>} : memref<40x8x128xf32, #tpu.memory_space<vmem>>, vector<1x1x16xf32>,
        %get3A_1026 = vector.shape_cast %get3A_1025 : vector<1x1x16xf32> to vector<16xf32>
        %get3A_1027 = arith.constant 4 : i32
        %get3A_1028 = arith.index_cast %scan3A_653 : i32 to index
        %get3A_1029 = arith.index_cast %get3A_1027 : i32 to index
        %get3A_1030 = arith.constant 80 : index
        %get3A_1031 = tpu.vector_load %arg8[%get3A_1028, %get3A_1029, %get3A_1030] {strides = array<i32>} : memref<40x8x128xf32, #tpu.memory_space<vmem>>, vector<1x1x16xf32>,
        %get3A_1032 = vector.shape_cast %get3A_1031 : vector<1x1x16xf32> to vector<16xf32>
        %mul3A_1033 = vector.broadcast %squeeze3A_1020 : f32 to vector<16xf32>
        %mul3A_1034 = arith.mulf %mul3A_1033, %get3A_1026 : vector<16xf32>
        %add3A_1035 = arith.addf %add3A_995, %mul3A_1034 : vector<16xf32>
        %mul3A_1036 = vector.broadcast %squeeze3A_1020 : f32 to vector<16xf32>
        %mul3A_1037 = arith.mulf %mul3A_1036, %get3A_1032 : vector<16xf32>
        %add3A_1038 = arith.addf %add3A_998, %mul3A_1037 : vector<16xf32>
        %slice3A_1039 = vector.extract_strided_slice %get3A_660 {offsets = [3], sizes = [1], strides = [1]} : vector<16xf32> to vector<1xf32>
        %squeeze3A_1040 = vector.extract %slice3A_1039[0] : f32 from vector<1xf32>
        %get3A_1041 = arith.constant 4 : i32
        %get3A_1042 = arith.index_cast %scan3A_653 : i32 to index
        %get3A_1043 = arith.index_cast %get3A_1041 : i32 to index
        %get3A_1044 = arith.constant 96 : index
        %get3A_1045 = tpu.vector_load %arg8[%get3A_1042, %get3A_1043, %get3A_1044] {strides = array<i32>} : memref<40x8x128xf32, #tpu.memory_space<vmem>>, vector<1x1x16xf32>,
        %get3A_1046 = vector.shape_cast %get3A_1045 : vector<1x1x16xf32> to vector<16xf32>
        %get3A_1047 = arith.constant 4 : i32
        %get3A_1048 = arith.index_cast %scan3A_653 : i32 to index
        %get3A_1049 = arith.index_cast %get3A_1047 : i32 to index
        %get3A_1050 = arith.constant 112 : index
        %get3A_1051 = tpu.vector_load %arg8[%get3A_1048, %get3A_1049, %get3A_1050] {strides = array<i32>} : memref<40x8x128xf32, #tpu.memory_space<vmem>>, vector<1x1x16xf32>,
        %get3A_1052 = vector.shape_cast %get3A_1051 : vector<1x1x16xf32> to vector<16xf32>
        %mul3A_1053 = vector.broadcast %squeeze3A_1040 : f32 to vector<16xf32>
        %mul3A_1054 = arith.mulf %mul3A_1053, %get3A_1046 : vector<16xf32>
        %add3A_1055 = arith.addf %add3A_1015, %mul3A_1054 : vector<16xf32>
        %mul3A_1056 = vector.broadcast %squeeze3A_1040 : f32 to vector<16xf32>
        %mul3A_1057 = arith.mulf %mul3A_1056, %get3A_1052 : vector<16xf32>
        %add3A_1058 = arith.addf %add3A_1018, %mul3A_1057 : vector<16xf32>
        %slice3A_1059 = vector.extract_strided_slice %get3A_660 {offsets = [4], sizes = [1], strides = [1]} : vector<16xf32> to vector<1xf32>
        %squeeze3A_1060 = vector.extract %slice3A_1059[0] : f32 from vector<1xf32>
        %get3A_1061 = arith.constant 5 : i32
        %get3A_1062 = arith.index_cast %scan3A_653 : i32 to index
        %get3A_1063 = arith.index_cast %get3A_1061 : i32 to index
        %get3A_1064 = arith.constant 0 : index
        %get3A_1065 = tpu.vector_load %arg8[%get3A_1062, %get3A_1063, %get3A_1064] {strides = array<i32>} : memref<40x8x128xf32, #tpu.memory_space<vmem>>, vector<1x1x16xf32>,
        %get3A_1066 = vector.shape_cast %get3A_1065 : vector<1x1x16xf32> to vector<16xf32>
        %get3A_1067 = arith.constant 5 : i32
        %get3A_1068 = arith.index_cast %scan3A_653 : i32 to index
        %get3A_1069 = arith.index_cast %get3A_1067 : i32 to index
        %get3A_1070 = arith.constant 16 : index
        %get3A_1071 = tpu.vector_load %arg8[%get3A_1068, %get3A_1069, %get3A_1070] {strides = array<i32>} : memref<40x8x128xf32, #tpu.memory_space<vmem>>, vector<1x1x16xf32>,
        %get3A_1072 = vector.shape_cast %get3A_1071 : vector<1x1x16xf32> to vector<16xf32>
        %mul3A_1073 = vector.broadcast %squeeze3A_1060 : f32 to vector<16xf32>
        %mul3A_1074 = arith.mulf %mul3A_1073, %get3A_1066 : vector<16xf32>
        %add3A_1075 = arith.addf %add3A_1035, %mul3A_1074 : vector<16xf32>
        %mul3A_1076 = vector.broadcast %squeeze3A_1060 : f32 to vector<16xf32>
        %mul3A_1077 = arith.mulf %mul3A_1076, %get3A_1072 : vector<16xf32>
        %add3A_1078 = arith.addf %add3A_1038, %mul3A_1077 : vector<16xf32>
        %slice3A_1079 = vector.extract_strided_slice %get3A_660 {offsets = [5], sizes = [1], strides = [1]} : vector<16xf32> to vector<1xf32>
        %squeeze3A_1080 = vector.extract %slice3A_1079[0] : f32 from vector<1xf32>
        %get3A_1081 = arith.constant 5 : i32
        %get3A_1082 = arith.index_cast %scan3A_653 : i32 to index
        %get3A_1083 = arith.index_cast %get3A_1081 : i32 to index
        %get3A_1084 = arith.constant 32 : index
        %get3A_1085 = tpu.vector_load %arg8[%get3A_1082, %get3A_1083, %get3A_1084] {strides = array<i32>} : memref<40x8x128xf32, #tpu.memory_space<vmem>>, vector<1x1x16xf32>,
        %get3A_1086 = vector.shape_cast %get3A_1085 : vector<1x1x16xf32> to vector<16xf32>
        %get3A_1087 = arith.constant 5 : i32
        %get3A_1088 = arith.index_cast %scan3A_653 : i32 to index
        %get3A_1089 = arith.index_cast %get3A_1087 : i32 to index
        %get3A_1090 = arith.constant 48 : index
        %get3A_1091 = tpu.vector_load %arg8[%get3A_1088, %get3A_1089, %get3A_1090] {strides = array<i32>} : memref<40x8x128xf32, #tpu.memory_space<vmem>>, vector<1x1x16xf32>,
        %get3A_1092 = vector.shape_cast %get3A_1091 : vector<1x1x16xf32> to vector<16xf32>
        %mul3A_1093 = vector.broadcast %squeeze3A_1080 : f32 to vector<16xf32>
        %mul3A_1094 = arith.mulf %mul3A_1093, %get3A_1086 : vector<16xf32>
        %add3A_1095 = arith.addf %add3A_1055, %mul3A_1094 : vector<16xf32>
        %mul3A_1096 = vector.broadcast %squeeze3A_1080 : f32 to vector<16xf32>
        %mul3A_1097 = arith.mulf %mul3A_1096, %get3A_1092 : vector<16xf32>
        %add3A_1098 = arith.addf %add3A_1058, %mul3A_1097 : vector<16xf32>
        %slice3A_1099 = vector.extract_strided_slice %get3A_660 {offsets = [6], sizes = [1], strides = [1]} : vector<16xf32> to vector<1xf32>
        %squeeze3A_1100 = vector.extract %slice3A_1099[0] : f32 from vector<1xf32>
        %get3A_1101 = arith.constant 5 : i32
        %get3A_1102 = arith.index_cast %scan3A_653 : i32 to index
        %get3A_1103 = arith.index_cast %get3A_1101 : i32 to index
        %get3A_1104 = arith.constant 64 : index
        %get3A_1105 = tpu.vector_load %arg8[%get3A_1102, %get3A_1103, %get3A_1104] {strides = array<i32>} : memref<40x8x128xf32, #tpu.memory_space<vmem>>, vector<1x1x16xf32>,
        %get3A_1106 = vector.shape_cast %get3A_1105 : vector<1x1x16xf32> to vector<16xf32>
        %get3A_1107 = arith.constant 5 : i32
        %get3A_1108 = arith.index_cast %scan3A_653 : i32 to index
        %get3A_1109 = arith.index_cast %get3A_1107 : i32 to index
        %get3A_1110 = arith.constant 80 : index
        %get3A_1111 = tpu.vector_load %arg8[%get3A_1108, %get3A_1109, %get3A_1110] {strides = array<i32>} : memref<40x8x128xf32, #tpu.memory_space<vmem>>, vector<1x1x16xf32>,
        %get3A_1112 = vector.shape_cast %get3A_1111 : vector<1x1x16xf32> to vector<16xf32>
        %mul3A_1113 = vector.broadcast %squeeze3A_1100 : f32 to vector<16xf32>
        %mul3A_1114 = arith.mulf %mul3A_1113, %get3A_1106 : vector<16xf32>
        %add3A_1115 = arith.addf %add3A_1075, %mul3A_1114 : vector<16xf32>
        %mul3A_1116 = vector.broadcast %squeeze3A_1100 : f32 to vector<16xf32>
        %mul3A_1117 = arith.mulf %mul3A_1116, %get3A_1112 : vector<16xf32>
        %add3A_1118 = arith.addf %add3A_1078, %mul3A_1117 : vector<16xf32>
        %slice3A_1119 = vector.extract_strided_slice %get3A_660 {offsets = [7], sizes = [1], strides = [1]} : vector<16xf32> to vector<1xf32>
        %squeeze3A_1120 = vector.extract %slice3A_1119[0] : f32 from vector<1xf32>
        %get3A_1121 = arith.constant 5 : i32
        %get3A_1122 = arith.index_cast %scan3A_653 : i32 to index
        %get3A_1123 = arith.index_cast %get3A_1121 : i32 to index
        %get3A_1124 = arith.constant 96 : index
        %get3A_1125 = tpu.vector_load %arg8[%get3A_1122, %get3A_1123, %get3A_1124] {strides = array<i32>} : memref<40x8x128xf32, #tpu.memory_space<vmem>>, vector<1x1x16xf32>,
        %get3A_1126 = vector.shape_cast %get3A_1125 : vector<1x1x16xf32> to vector<16xf32>
        %get3A_1127 = arith.constant 5 : i32
        %get3A_1128 = arith.index_cast %scan3A_653 : i32 to index
        %get3A_1129 = arith.index_cast %get3A_1127 : i32 to index
        %get3A_1130 = arith.constant 112 : index
        %get3A_1131 = tpu.vector_load %arg8[%get3A_1128, %get3A_1129, %get3A_1130] {strides = array<i32>} : memref<40x8x128xf32, #tpu.memory_space<vmem>>, vector<1x1x16xf32>,
        %get3A_1132 = vector.shape_cast %get3A_1131 : vector<1x1x16xf32> to vector<16xf32>
        %mul3A_1133 = vector.broadcast %squeeze3A_1120 : f32 to vector<16xf32>
        %mul3A_1134 = arith.mulf %mul3A_1133, %get3A_1126 : vector<16xf32>
        %add3A_1135 = arith.addf %add3A_1095, %mul3A_1134 : vector<16xf32>
        %mul3A_1136 = vector.broadcast %squeeze3A_1120 : f32 to vector<16xf32>
        %mul3A_1137 = arith.mulf %mul3A_1136, %get3A_1132 : vector<16xf32>
        %add3A_1138 = arith.addf %add3A_1098, %mul3A_1137 : vector<16xf32>
        %slice3A_1139 = vector.extract_strided_slice %get3A_660 {offsets = [8], sizes = [1], strides = [1]} : vector<16xf32> to vector<1xf32>
        %squeeze3A_1140 = vector.extract %slice3A_1139[0] : f32 from vector<1xf32>
        %get3A_1141 = arith.constant 6 : i32
        %get3A_1142 = arith.index_cast %scan3A_653 : i32 to index
        %get3A_1143 = arith.index_cast %get3A_1141 : i32 to index
        %get3A_1144 = arith.constant 0 : index
        %get3A_1145 = tpu.vector_load %arg8[%get3A_1142, %get3A_1143, %get3A_1144] {strides = array<i32>} : memref<40x8x128xf32, #tpu.memory_space<vmem>>, vector<1x1x16xf32>,
        %get3A_1146 = vector.shape_cast %get3A_1145 : vector<1x1x16xf32> to vector<16xf32>
        %get3A_1147 = arith.constant 6 : i32
        %get3A_1148 = arith.index_cast %scan3A_653 : i32 to index
        %get3A_1149 = arith.index_cast %get3A_1147 : i32 to index
        %get3A_1150 = arith.constant 16 : index
        %get3A_1151 = tpu.vector_load %arg8[%get3A_1148, %get3A_1149, %get3A_1150] {strides = array<i32>} : memref<40x8x128xf32, #tpu.memory_space<vmem>>, vector<1x1x16xf32>,
        %get3A_1152 = vector.shape_cast %get3A_1151 : vector<1x1x16xf32> to vector<16xf32>
        %mul3A_1153 = vector.broadcast %squeeze3A_1140 : f32 to vector<16xf32>
        %mul3A_1154 = arith.mulf %mul3A_1153, %get3A_1146 : vector<16xf32>
        %add3A_1155 = arith.addf %add3A_1115, %mul3A_1154 : vector<16xf32>
        %mul3A_1156 = vector.broadcast %squeeze3A_1140 : f32 to vector<16xf32>
        %mul3A_1157 = arith.mulf %mul3A_1156, %get3A_1152 : vector<16xf32>
        %add3A_1158 = arith.addf %add3A_1118, %mul3A_1157 : vector<16xf32>
        %slice3A_1159 = vector.extract_strided_slice %get3A_660 {offsets = [9], sizes = [1], strides = [1]} : vector<16xf32> to vector<1xf32>
        %squeeze3A_1160 = vector.extract %slice3A_1159[0] : f32 from vector<1xf32>
        %get3A_1161 = arith.constant 6 : i32
        %get3A_1162 = arith.index_cast %scan3A_653 : i32 to index
        %get3A_1163 = arith.index_cast %get3A_1161 : i32 to index
        %get3A_1164 = arith.constant 32 : index
        %get3A_1165 = tpu.vector_load %arg8[%get3A_1162, %get3A_1163, %get3A_1164] {strides = array<i32>} : memref<40x8x128xf32, #tpu.memory_space<vmem>>, vector<1x1x16xf32>,
        %get3A_1166 = vector.shape_cast %get3A_1165 : vector<1x1x16xf32> to vector<16xf32>
        %get3A_1167 = arith.constant 6 : i32
        %get3A_1168 = arith.index_cast %scan3A_653 : i32 to index
        %get3A_1169 = arith.index_cast %get3A_1167 : i32 to index
        %get3A_1170 = arith.constant 48 : index
        %get3A_1171 = tpu.vector_load %arg8[%get3A_1168, %get3A_1169, %get3A_1170] {strides = array<i32>} : memref<40x8x128xf32, #tpu.memory_space<vmem>>, vector<1x1x16xf32>,
        %get3A_1172 = vector.shape_cast %get3A_1171 : vector<1x1x16xf32> to vector<16xf32>
        %mul3A_1173 = vector.broadcast %squeeze3A_1160 : f32 to vector<16xf32>
        %mul3A_1174 = arith.mulf %mul3A_1173, %get3A_1166 : vector<16xf32>
        %add3A_1175 = arith.addf %add3A_1135, %mul3A_1174 : vector<16xf32>
        %mul3A_1176 = vector.broadcast %squeeze3A_1160 : f32 to vector<16xf32>
        %mul3A_1177 = arith.mulf %mul3A_1176, %get3A_1172 : vector<16xf32>
        %add3A_1178 = arith.addf %add3A_1138, %mul3A_1177 : vector<16xf32>
        %slice3A_1179 = vector.extract_strided_slice %get3A_660 {offsets = [10], sizes = [1], strides = [1]} : vector<16xf32> to vector<1xf32>
        %squeeze3A_1180 = vector.extract %slice3A_1179[0] : f32 from vector<1xf32>
        %get3A_1181 = arith.constant 6 : i32
        %get3A_1182 = arith.index_cast %scan3A_653 : i32 to index
        %get3A_1183 = arith.index_cast %get3A_1181 : i32 to index
        %get3A_1184 = arith.constant 64 : index
        %get3A_1185 = tpu.vector_load %arg8[%get3A_1182, %get3A_1183, %get3A_1184] {strides = array<i32>} : memref<40x8x128xf32, #tpu.memory_space<vmem>>, vector<1x1x16xf32>,
        %get3A_1186 = vector.shape_cast %get3A_1185 : vector<1x1x16xf32> to vector<16xf32>
        %get3A_1187 = arith.constant 6 : i32
        %get3A_1188 = arith.index_cast %scan3A_653 : i32 to index
        %get3A_1189 = arith.index_cast %get3A_1187 : i32 to index
        %get3A_1190 = arith.constant 80 : index
        %get3A_1191 = tpu.vector_load %arg8[%get3A_1188, %get3A_1189, %get3A_1190] {strides = array<i32>} : memref<40x8x128xf32, #tpu.memory_space<vmem>>, vector<1x1x16xf32>,
        %get3A_1192 = vector.shape_cast %get3A_1191 : vector<1x1x16xf32> to vector<16xf32>
        %mul3A_1193 = vector.broadcast %squeeze3A_1180 : f32 to vector<16xf32>
        %mul3A_1194 = arith.mulf %mul3A_1193, %get3A_1186 : vector<16xf32>
        %add3A_1195 = arith.addf %add3A_1155, %mul3A_1194 : vector<16xf32>
        %mul3A_1196 = vector.broadcast %squeeze3A_1180 : f32 to vector<16xf32>
        %mul3A_1197 = arith.mulf %mul3A_1196, %get3A_1192 : vector<16xf32>
        %add3A_1198 = arith.addf %add3A_1158, %mul3A_1197 : vector<16xf32>
        %slice3A_1199 = vector.extract_strided_slice %get3A_660 {offsets = [11], sizes = [1], strides = [1]} : vector<16xf32> to vector<1xf32>
        %squeeze3A_1200 = vector.extract %slice3A_1199[0] : f32 from vector<1xf32>
        %get3A_1201 = arith.constant 6 : i32
        %get3A_1202 = arith.index_cast %scan3A_653 : i32 to index
        %get3A_1203 = arith.index_cast %get3A_1201 : i32 to index
        %get3A_1204 = arith.constant 96 : index
        %get3A_1205 = tpu.vector_load %arg8[%get3A_1202, %get3A_1203, %get3A_1204] {strides = array<i32>} : memref<40x8x128xf32, #tpu.memory_space<vmem>>, vector<1x1x16xf32>,
        %get3A_1206 = vector.shape_cast %get3A_1205 : vector<1x1x16xf32> to vector<16xf32>
        %get3A_1207 = arith.constant 6 : i32
        %get3A_1208 = arith.index_cast %scan3A_653 : i32 to index
        %get3A_1209 = arith.index_cast %get3A_1207 : i32 to index
        %get3A_1210 = arith.constant 112 : index
        %get3A_1211 = tpu.vector_load %arg8[%get3A_1208, %get3A_1209, %get3A_1210] {strides = array<i32>} : memref<40x8x128xf32, #tpu.memory_space<vmem>>, vector<1x1x16xf32>,
        %get3A_1212 = vector.shape_cast %get3A_1211 : vector<1x1x16xf32> to vector<16xf32>
        %mul3A_1213 = vector.broadcast %squeeze3A_1200 : f32 to vector<16xf32>
        %mul3A_1214 = arith.mulf %mul3A_1213, %get3A_1206 : vector<16xf32>
        %add3A_1215 = arith.addf %add3A_1175, %mul3A_1214 : vector<16xf32>
        %mul3A_1216 = vector.broadcast %squeeze3A_1200 : f32 to vector<16xf32>
        %mul3A_1217 = arith.mulf %mul3A_1216, %get3A_1212 : vector<16xf32>
        %add3A_1218 = arith.addf %add3A_1178, %mul3A_1217 : vector<16xf32>
        %slice3A_1219 = vector.extract_strided_slice %get3A_660 {offsets = [12], sizes = [1], strides = [1]} : vector<16xf32> to vector<1xf32>
        %squeeze3A_1220 = vector.extract %slice3A_1219[0] : f32 from vector<1xf32>
        %get3A_1221 = arith.constant 7 : i32
        %get3A_1222 = arith.index_cast %scan3A_653 : i32 to index
        %get3A_1223 = arith.index_cast %get3A_1221 : i32 to index
        %get3A_1224 = arith.constant 0 : index
        %get3A_1225 = tpu.vector_load %arg8[%get3A_1222, %get3A_1223, %get3A_1224] {strides = array<i32>} : memref<40x8x128xf32, #tpu.memory_space<vmem>>, vector<1x1x16xf32>,
        %get3A_1226 = vector.shape_cast %get3A_1225 : vector<1x1x16xf32> to vector<16xf32>
        %get3A_1227 = arith.constant 7 : i32
        %get3A_1228 = arith.index_cast %scan3A_653 : i32 to index
        %get3A_1229 = arith.index_cast %get3A_1227 : i32 to index
        %get3A_1230 = arith.constant 16 : index
        %get3A_1231 = tpu.vector_load %arg8[%get3A_1228, %get3A_1229, %get3A_1230] {strides = array<i32>} : memref<40x8x128xf32, #tpu.memory_space<vmem>>, vector<1x1x16xf32>,
        %get3A_1232 = vector.shape_cast %get3A_1231 : vector<1x1x16xf32> to vector<16xf32>
        %mul3A_1233 = vector.broadcast %squeeze3A_1220 : f32 to vector<16xf32>
        %mul3A_1234 = arith.mulf %mul3A_1233, %get3A_1226 : vector<16xf32>
        %add3A_1235 = arith.addf %add3A_1195, %mul3A_1234 : vector<16xf32>
        %mul3A_1236 = vector.broadcast %squeeze3A_1220 : f32 to vector<16xf32>
        %mul3A_1237 = arith.mulf %mul3A_1236, %get3A_1232 : vector<16xf32>
        %add3A_1238 = arith.addf %add3A_1198, %mul3A_1237 : vector<16xf32>
        %slice3A_1239 = vector.extract_strided_slice %get3A_660 {offsets = [13], sizes = [1], strides = [1]} : vector<16xf32> to vector<1xf32>
        %squeeze3A_1240 = vector.extract %slice3A_1239[0] : f32 from vector<1xf32>
        %get3A_1241 = arith.constant 7 : i32
        %get3A_1242 = arith.index_cast %scan3A_653 : i32 to index
        %get3A_1243 = arith.index_cast %get3A_1241 : i32 to index
        %get3A_1244 = arith.constant 32 : index
        %get3A_1245 = tpu.vector_load %arg8[%get3A_1242, %get3A_1243, %get3A_1244] {strides = array<i32>} : memref<40x8x128xf32, #tpu.memory_space<vmem>>, vector<1x1x16xf32>,
        %get3A_1246 = vector.shape_cast %get3A_1245 : vector<1x1x16xf32> to vector<16xf32>
        %get3A_1247 = arith.constant 7 : i32
        %get3A_1248 = arith.index_cast %scan3A_653 : i32 to index
        %get3A_1249 = arith.index_cast %get3A_1247 : i32 to index
        %get3A_1250 = arith.constant 48 : index
        %get3A_1251 = tpu.vector_load %arg8[%get3A_1248, %get3A_1249, %get3A_1250] {strides = array<i32>} : memref<40x8x128xf32, #tpu.memory_space<vmem>>, vector<1x1x16xf32>,
        %get3A_1252 = vector.shape_cast %get3A_1251 : vector<1x1x16xf32> to vector<16xf32>
        %mul3A_1253 = vector.broadcast %squeeze3A_1240 : f32 to vector<16xf32>
        %mul3A_1254 = arith.mulf %mul3A_1253, %get3A_1246 : vector<16xf32>
        %add3A_1255 = arith.addf %add3A_1215, %mul3A_1254 : vector<16xf32>
        %mul3A_1256 = vector.broadcast %squeeze3A_1240 : f32 to vector<16xf32>
        %mul3A_1257 = arith.mulf %mul3A_1256, %get3A_1252 : vector<16xf32>
        %add3A_1258 = arith.addf %add3A_1218, %mul3A_1257 : vector<16xf32>
        %slice3A_1259 = vector.extract_strided_slice %get3A_660 {offsets = [14], sizes = [1], strides = [1]} : vector<16xf32> to vector<1xf32>
        %squeeze3A_1260 = vector.extract %slice3A_1259[0] : f32 from vector<1xf32>
        %get3A_1261 = arith.constant 7 : i32
        %get3A_1262 = arith.index_cast %scan3A_653 : i32 to index
        %get3A_1263 = arith.index_cast %get3A_1261 : i32 to index
        %get3A_1264 = arith.constant 64 : index
        %get3A_1265 = tpu.vector_load %arg8[%get3A_1262, %get3A_1263, %get3A_1264] {strides = array<i32>} : memref<40x8x128xf32, #tpu.memory_space<vmem>>, vector<1x1x16xf32>,
        %get3A_1266 = vector.shape_cast %get3A_1265 : vector<1x1x16xf32> to vector<16xf32>
        %get3A_1267 = arith.constant 7 : i32
        %get3A_1268 = arith.index_cast %scan3A_653 : i32 to index
        %get3A_1269 = arith.index_cast %get3A_1267 : i32 to index
        %get3A_1270 = arith.constant 80 : index
        %get3A_1271 = tpu.vector_load %arg8[%get3A_1268, %get3A_1269, %get3A_1270] {strides = array<i32>} : memref<40x8x128xf32, #tpu.memory_space<vmem>>, vector<1x1x16xf32>,
        %get3A_1272 = vector.shape_cast %get3A_1271 : vector<1x1x16xf32> to vector<16xf32>
        %mul3A_1273 = vector.broadcast %squeeze3A_1260 : f32 to vector<16xf32>
        %mul3A_1274 = arith.mulf %mul3A_1273, %get3A_1266 : vector<16xf32>
        %add3A_1275 = arith.addf %add3A_1235, %mul3A_1274 : vector<16xf32>
        %mul3A_1276 = vector.broadcast %squeeze3A_1260 : f32 to vector<16xf32>
        %mul3A_1277 = arith.mulf %mul3A_1276, %get3A_1272 : vector<16xf32>
        %add3A_1278 = arith.addf %add3A_1238, %mul3A_1277 : vector<16xf32>
        %slice3A_1279 = vector.extract_strided_slice %get3A_660 {offsets = [15], sizes = [1], strides = [1]} : vector<16xf32> to vector<1xf32>
        %squeeze3A_1280 = vector.extract %slice3A_1279[0] : f32 from vector<1xf32>
        %get3A_1281 = arith.constant 7 : i32
        %get3A_1282 = arith.index_cast %scan3A_653 : i32 to index
        %get3A_1283 = arith.index_cast %get3A_1281 : i32 to index
        %get3A_1284 = arith.constant 96 : index
        %get3A_1285 = tpu.vector_load %arg8[%get3A_1282, %get3A_1283, %get3A_1284] {strides = array<i32>} : memref<40x8x128xf32, #tpu.memory_space<vmem>>, vector<1x1x16xf32>,
        %get3A_1286 = vector.shape_cast %get3A_1285 : vector<1x1x16xf32> to vector<16xf32>
        %get3A_1287 = arith.constant 7 : i32
        %get3A_1288 = arith.index_cast %scan3A_653 : i32 to index
        %get3A_1289 = arith.index_cast %get3A_1287 : i32 to index
        %get3A_1290 = arith.constant 112 : index
        %get3A_1291 = tpu.vector_load %arg8[%get3A_1288, %get3A_1289, %get3A_1290] {strides = array<i32>} : memref<40x8x128xf32, #tpu.memory_space<vmem>>, vector<1x1x16xf32>,
        %get3A_1292 = vector.shape_cast %get3A_1291 : vector<1x1x16xf32> to vector<16xf32>
        %mul3A_1293 = vector.broadcast %squeeze3A_1280 : f32 to vector<16xf32>
        %mul3A_1294 = arith.mulf %mul3A_1293, %get3A_1286 : vector<16xf32>
        %add3A_1295 = arith.addf %add3A_1255, %mul3A_1294 : vector<16xf32>
        %mul3A_1296 = vector.broadcast %squeeze3A_1280 : f32 to vector<16xf32>
        %mul3A_1297 = arith.mulf %mul3A_1296, %get3A_1292 : vector<16xf32>
        %add3A_1298 = arith.addf %add3A_1258, %mul3A_1297 : vector<16xf32>
        %add3A_1299 = arith.addf %add3A_1275, %add3A_1295 : vector<16xf32>
        %swap3A = arith.index_cast %scan3A_653 : i32 to index
        %swap3A_1300 = arith.constant 0 : index
        %swap3A_1301 = tpu.vector_load %arg11[%swap3A, %swap3A_1300] {strides = array<i32>} : memref<40x32xf32, #tpu.memory_space<vmem>>, vector<1x16xf32>,
        %swap3A_1302 = vector.shape_cast %swap3A_1301 : vector<1x16xf32> to vector<16xf32>
        %swap3A_1303 = vector.shape_cast %add3A_1299 : vector<16xf32> to vector<1x16xf32>
        tpu.vector_store %arg11[%swap3A, %swap3A_1300], %swap3A_1303 {strides = array<i32>} : memref<40x32xf32, #tpu.memory_space<vmem>>, vector<1x16xf32>,
        %add3A_1304 = arith.addf %add3A_1278, %add3A_1298 : vector<16xf32>
        %swap3A_1305 = arith.index_cast %scan3A_653 : i32 to index
        %swap3A_1306 = arith.constant 16 : index
        %swap3A_1307 = tpu.vector_load %arg11[%swap3A_1305, %swap3A_1306] {strides = array<i32>} : memref<40x32xf32, #tpu.memory_space<vmem>>, vector<1x16xf32>,
        %swap3A_1308 = vector.shape_cast %swap3A_1307 : vector<1x16xf32> to vector<16xf32>
        %swap3A_1309 = vector.shape_cast %add3A_1304 : vector<16xf32> to vector<1x16xf32>
        tpu.vector_store %arg11[%swap3A_1305, %swap3A_1306], %swap3A_1309 {strides = array<i32>} : memref<40x32xf32, #tpu.memory_space<vmem>>, vector<1x16xf32>,
      }
      %scan3A_643 = arith.constant 40 : i32
      %mul3A_644 = arith.constant 125 : i32
      %mul3A_645 = arith.muli %add3A, %mul3A_644 : i32
      %add3A_646 = arith.addi %mul3A_645, %add3A_592 : i32
      %dma_wait3A_647 = arith.constant 0 : i32
      %dma_wait3A_648 = tpu.memref_slice %arg4[%add3A_646, %dma_wait3A_647] : memref<4000x128xi32, #tpu.memory_space<hbm>> -> memref<1x40xi32, #tpu.memory_space<hbm>>
      %dma_wait3A_649 = tpu.memref_squeeze %dma_wait3A_648 : memref<1x40xi32, #tpu.memory_space<hbm>> -> memref<40xi32, #tpu.memory_space<hbm>>
      %dma_wait3A_650 = arith.constant 0 : i32
      %dma_wait3A_651 = tpu.memref_slice %arg4[%add3A_646, %dma_wait3A_650] : memref<4000x128xi32, #tpu.memory_space<hbm>> -> memref<1x40xi32, #tpu.memory_space<hbm>>
      %dma_wait3A_652 = tpu.memref_squeeze %dma_wait3A_651 : memref<1x40xi32, #tpu.memory_space<hbm>> -> memref<40xi32, #tpu.memory_space<hbm>>
      tpu.wait_dma2 semaphore(%arg23 : memref<!tpu.dma_semaphore, #tpu.memory_space<semaphore_mem>>) src(%dma_wait3A_652 : memref<40xi32, #tpu.memory_space<hbm>>) dst(%arg14 : memref<40xi32, #tpu.memory_space<vmem>>)
      "tpu.region"() ({
        %run_scoped3A = tpu.sem_alloc : memref<!tpu.dma_semaphore, #tpu.memory_space<semaphore_mem>>
        %dma_start3A_653 = arith.constant 0 : i32
        %dma_start3A_654 = arith.constant 0 : i32
        %dma_start3A_655 = tpu.memref_slice %arg17[%dma_start3A_653, %dma_start3A_654] : memref<10240x32xf32, #tpu.memory_space<vmem_shared>> -> memref<10240x32xf32, #tpu.memory_space<vmem_shared>>
        tpu.enqueue_indirect_dma source(%arg11 : memref<40x32xf32, #tpu.memory_space<vmem>>) target(%dma_start3A_655 : memref<10240x32xf32, #tpu.memory_space<vmem_shared>>) offsets(%arg14 : memref<40xi32, #tpu.memory_space<vmem>>) semaphore(%run_scoped3A : memref<!tpu.dma_semaphore, #tpu.memory_space<semaphore_mem>>) {add = true}
        %dma_wait3A_656 = arith.constant 0 : i32
        %dma_wait3A_657 = arith.constant 0 : i32
        %dma_wait3A_658 = tpu.memref_slice %arg17[%dma_wait3A_656, %dma_wait3A_657] : memref<10240x32xf32, #tpu.memory_space<vmem_shared>> -> memref<10240x32xf32, #tpu.memory_space<vmem_shared>>
        tpu.wait_indirect_dma semaphore(%run_scoped3A : memref<!tpu.dma_semaphore, #tpu.memory_space<semaphore_mem>>) src(%arg11 : memref<40x32xf32, #tpu.memory_space<vmem>>) dst(%dma_wait3A_658 : memref<10240x32xf32, #tpu.memory_space<vmem_shared>>)
        tpu.yield
      }) : () -> ()
    }
    %scan3A_106 = arith.constant 62 : i32
    %mul3A_107 = arith.constant 125 : i32
    %mul3A_108 = arith.muli %add3A, %mul3A_107 : i32
    %add3A_109 = arith.constant 124 : i32
    %add3A_110 = arith.addi %mul3A_108, %add3A_109 : i32
    %mul3A_111 = arith.constant 40 : i32
    %mul3A_112 = arith.muli %add3A_110, %mul3A_111 : i32
    %dma_wait3A = arith.constant 0 : i32
    %dma_wait3A_113 = arith.constant 0 : i32
    %dma_wait3A_114 = tpu.memref_slice %arg5[%mul3A_112, %dma_wait3A, %dma_wait3A_113] : memref<160000x8x128xf32, #tpu.memory_space<hbm>> -> memref<40x8x128xf32, #tpu.memory_space<hbm>>
    %dma_wait3A_115 = arith.constant 0 : i32
    %dma_wait3A_116 = arith.constant 0 : i32
    %dma_wait3A_117 = tpu.memref_slice %arg5[%mul3A_112, %dma_wait3A_115, %dma_wait3A_116] : memref<160000x8x128xf32, #tpu.memory_space<hbm>> -> memref<40x8x128xf32, #tpu.memory_space<hbm>>
    tpu.wait_dma2 semaphore(%arg18 : memref<!tpu.dma_semaphore, #tpu.memory_space<semaphore_mem>>) src(%dma_wait3A_117 : memref<40x8x128xf32, #tpu.memory_space<hbm>>) dst(%arg7 : memref<40x8x128xf32, #tpu.memory_space<vmem>>)
    %dma_wait3A_118 = arith.constant 124 : i32
    %dma_wait3A_119 = arith.constant 0 : i32
    %dma_wait3A_120 = tpu.memref_slice %arg12[%dma_wait3A_118, %dma_wait3A_119] : memref<125x40xi32, #tpu.memory_space<vmem>> -> memref<1x40xi32, #tpu.memory_space<vmem>>
    %dma_wait3A_121 = tpu.memref_squeeze %dma_wait3A_120 : memref<1x40xi32, #tpu.memory_space<vmem>> -> memref<40xi32, #tpu.memory_space<vmem>>
    %dma_wait3A_122 = arith.constant 0 : i32
    %dma_wait3A_123 = arith.constant 0 : i32
    %dma_wait3A_124 = tpu.memref_slice %arg2[%dma_wait3A_122, %dma_wait3A_123] : memref<10000x128xf32, #tpu.memory_space<hbm>> -> memref<10000x128xf32, #tpu.memory_space<hbm>>
    tpu.wait_indirect_dma semaphore(%arg20 : memref<!tpu.dma_semaphore, #tpu.memory_space<semaphore_mem>>) src(%dma_wait3A_124 : memref<10000x128xf32, #tpu.memory_space<hbm>>) dst(%arg9 : memref<40x128xf32, #tpu.memory_space<vmem>>)
    %scan3A_125 = arith.constant 0 : i32
    %scan3A_126 = arith.constant 0 : i32
    %scan3A_127 = arith.constant 40 : i32
    %scan3A_128 = arith.addi %scan3A_126, %scan3A_127 : i32
    %scan3A_129 = arith.constant 1 : i32
    scf.for %scan3A_524 = %scan3A_126 to %scan3A_128 step %scan3A_129  : i32 {
      %get3A = arith.index_cast %scan3A_524 : i32 to index
      %get3A_525 = arith.constant 0 : index
      %get3A_526 = tpu.vector_load %arg9[%get3A, %get3A_525] {strides = array<i32>} : memref<40x128xf32, #tpu.memory_space<vmem>>, vector<1x16xf32>,
      %get3A_527 = vector.shape_cast %get3A_526 : vector<1x16xf32> to vector<16xf32>
      %get3A_528 = arith.index_cast %scan3A_524 : i32 to index
      %get3A_529 = arith.constant 16 : index
      %get3A_530 = tpu.vector_load %arg9[%get3A_528, %get3A_529] {strides = array<i32>} : memref<40x128xf32, #tpu.memory_space<vmem>>, vector<1x16xf32>,
      %get3A_531 = vector.shape_cast %get3A_530 : vector<1x16xf32> to vector<16xf32>
      %slice3A = vector.extract_strided_slice %get3A_527 {offsets = [0], sizes = [1], strides = [1]} : vector<16xf32> to vector<1xf32>
      %squeeze3A = vector.extract %slice3A[0] : f32 from vector<1xf32>
      %get3A_532 = arith.constant 0 : i32
      %get3A_533 = arith.index_cast %scan3A_524 : i32 to index
      %get3A_534 = arith.index_cast %get3A_532 : i32 to index
      %get3A_535 = arith.constant 0 : index
      %get3A_536 = tpu.vector_load %arg7[%get3A_533, %get3A_534, %get3A_535] {strides = array<i32>} : memref<40x8x128xf32, #tpu.memory_space<vmem>>, vector<1x1x16xf32>,
      %get3A_537 = vector.shape_cast %get3A_536 : vector<1x1x16xf32> to vector<16xf32>
      %get3A_538 = arith.constant 0 : i32
      %get3A_539 = arith.index_cast %scan3A_524 : i32 to index
      %get3A_540 = arith.index_cast %get3A_538 : i32 to index
      %get3A_541 = arith.constant 16 : index
      %get3A_542 = tpu.vector_load %arg7[%get3A_539, %get3A_540, %get3A_541] {strides = array<i32>} : memref<40x8x128xf32, #tpu.memory_space<vmem>>, vector<1x1x16xf32>,
      %get3A_543 = vector.shape_cast %get3A_542 : vector<1x1x16xf32> to vector<16xf32>
      %mul3A_544 = vector.broadcast %squeeze3A : f32 to vector<16xf32>
      %mul3A_545 = arith.mulf %mul3A_544, %get3A_537 : vector<16xf32>
      %add3A_546 = arith.addf %broadcast_in_dim3A_1, %mul3A_545 : vector<16xf32>
      %mul3A_547 = vector.broadcast %squeeze3A : f32 to vector<16xf32>
      %mul3A_548 = arith.mulf %mul3A_547, %get3A_543 : vector<16xf32>
      %add3A_549 = arith.addf %broadcast_in_dim3A_1, %mul3A_548 : vector<16xf32>
      %slice3A_550 = vector.extract_strided_slice %get3A_527 {offsets = [1], sizes = [1], strides = [1]} : vector<16xf32> to vector<1xf32>
      %squeeze3A_551 = vector.extract %slice3A_550[0] : f32 from vector<1xf32>
      %get3A_552 = arith.constant 0 : i32
      %get3A_553 = arith.index_cast %scan3A_524 : i32 to index
      %get3A_554 = arith.index_cast %get3A_552 : i32 to index
      %get3A_555 = arith.constant 32 : index
      %get3A_556 = tpu.vector_load %arg7[%get3A_553, %get3A_554, %get3A_555] {strides = array<i32>} : memref<40x8x128xf32, #tpu.memory_space<vmem>>, vector<1x1x16xf32>,
      %get3A_557 = vector.shape_cast %get3A_556 : vector<1x1x16xf32> to vector<16xf32>
      %get3A_558 = arith.constant 0 : i32
      %get3A_559 = arith.index_cast %scan3A_524 : i32 to index
      %get3A_560 = arith.index_cast %get3A_558 : i32 to index
      %get3A_561 = arith.constant 48 : index
      %get3A_562 = tpu.vector_load %arg7[%get3A_559, %get3A_560, %get3A_561] {strides = array<i32>} : memref<40x8x128xf32, #tpu.memory_space<vmem>>, vector<1x1x16xf32>,
      %get3A_563 = vector.shape_cast %get3A_562 : vector<1x1x16xf32> to vector<16xf32>
      %mul3A_564 = vector.broadcast %squeeze3A_551 : f32 to vector<16xf32>
      %mul3A_565 = arith.mulf %mul3A_564, %get3A_557 : vector<16xf32>
      %add3A_566 = arith.addf %broadcast_in_dim3A_1, %mul3A_565 : vector<16xf32>
      %mul3A_567 = vector.broadcast %squeeze3A_551 : f32 to vector<16xf32>
      %mul3A_568 = arith.mulf %mul3A_567, %get3A_563 : vector<16xf32>
      %add3A_569 = arith.addf %broadcast_in_dim3A_1, %mul3A_568 : vector<16xf32>
      %slice3A_570 = vector.extract_strided_slice %get3A_527 {offsets = [2], sizes = [1], strides = [1]} : vector<16xf32> to vector<1xf32>
      %squeeze3A_571 = vector.extract %slice3A_570[0] : f32 from vector<1xf32>
      %get3A_572 = arith.constant 0 : i32
      %get3A_573 = arith.index_cast %scan3A_524 : i32 to index
      %get3A_574 = arith.index_cast %get3A_572 : i32 to index
      %get3A_575 = arith.constant 64 : index
      %get3A_576 = tpu.vector_load %arg7[%get3A_573, %get3A_574, %get3A_575] {strides = array<i32>} : memref<40x8x128xf32, #tpu.memory_space<vmem>>, vector<1x1x16xf32>,
      %get3A_577 = vector.shape_cast %get3A_576 : vector<1x1x16xf32> to vector<16xf32>
      %get3A_578 = arith.constant 0 : i32
      %get3A_579 = arith.index_cast %scan3A_524 : i32 to index
      %get3A_580 = arith.index_cast %get3A_578 : i32 to index
      %get3A_581 = arith.constant 80 : index
      %get3A_582 = tpu.vector_load %arg7[%get3A_579, %get3A_580, %get3A_581] {strides = array<i32>} : memref<40x8x128xf32, #tpu.memory_space<vmem>>, vector<1x1x16xf32>,
      %get3A_583 = vector.shape_cast %get3A_582 : vector<1x1x16xf32> to vector<16xf32>
      %mul3A_584 = vector.broadcast %squeeze3A_571 : f32 to vector<16xf32>
      %mul3A_585 = arith.mulf %mul3A_584, %get3A_577 : vector<16xf32>
      %add3A_586 = arith.addf %add3A_546, %mul3A_585 : vector<16xf32>
      %mul3A_587 = vector.broadcast %squeeze3A_571 : f32 to vector<16xf32>
      %mul3A_588 = arith.mulf %mul3A_587, %get3A_583 : vector<16xf32>
      %add3A_589 = arith.addf %add3A_549, %mul3A_588 : vector<16xf32>
      %slice3A_590 = vector.extract_strided_slice %get3A_527 {offsets = [3], sizes = [1], strides = [1]} : vector<16xf32> to vector<1xf32>
      %squeeze3A_591 = vector.extract %slice3A_590[0] : f32 from vector<1xf32>
      %get3A_592 = arith.constant 0 : i32
      %get3A_593 = arith.index_cast %scan3A_524 : i32 to index
      %get3A_594 = arith.index_cast %get3A_592 : i32 to index
      %get3A_595 = arith.constant 96 : index
      %get3A_596 = tpu.vector_load %arg7[%get3A_593, %get3A_594, %get3A_595] {strides = array<i32>} : memref<40x8x128xf32, #tpu.memory_space<vmem>>, vector<1x1x16xf32>,
      %get3A_597 = vector.shape_cast %get3A_596 : vector<1x1x16xf32> to vector<16xf32>
      %get3A_598 = arith.constant 0 : i32
      %get3A_599 = arith.index_cast %scan3A_524 : i32 to index
      %get3A_600 = arith.index_cast %get3A_598 : i32 to index
      %get3A_601 = arith.constant 112 : index
      %get3A_602 = tpu.vector_load %arg7[%get3A_599, %get3A_600, %get3A_601] {strides = array<i32>} : memref<40x8x128xf32, #tpu.memory_space<vmem>>, vector<1x1x16xf32>,
      %get3A_603 = vector.shape_cast %get3A_602 : vector<1x1x16xf32> to vector<16xf32>
      %mul3A_604 = vector.broadcast %squeeze3A_591 : f32 to vector<16xf32>
      %mul3A_605 = arith.mulf %mul3A_604, %get3A_597 : vector<16xf32>
      %add3A_606 = arith.addf %add3A_566, %mul3A_605 : vector<16xf32>
      %mul3A_607 = vector.broadcast %squeeze3A_591 : f32 to vector<16xf32>
      %mul3A_608 = arith.mulf %mul3A_607, %get3A_603 : vector<16xf32>
      %add3A_609 = arith.addf %add3A_569, %mul3A_608 : vector<16xf32>
      %slice3A_610 = vector.extract_strided_slice %get3A_527 {offsets = [4], sizes = [1], strides = [1]} : vector<16xf32> to vector<1xf32>
      %squeeze3A_611 = vector.extract %slice3A_610[0] : f32 from vector<1xf32>
      %get3A_612 = arith.constant 1 : i32
      %get3A_613 = arith.index_cast %scan3A_524 : i32 to index
      %get3A_614 = arith.index_cast %get3A_612 : i32 to index
      %get3A_615 = arith.constant 0 : index
      %get3A_616 = tpu.vector_load %arg7[%get3A_613, %get3A_614, %get3A_615] {strides = array<i32>} : memref<40x8x128xf32, #tpu.memory_space<vmem>>, vector<1x1x16xf32>,
      %get3A_617 = vector.shape_cast %get3A_616 : vector<1x1x16xf32> to vector<16xf32>
      %get3A_618 = arith.constant 1 : i32
      %get3A_619 = arith.index_cast %scan3A_524 : i32 to index
      %get3A_620 = arith.index_cast %get3A_618 : i32 to index
      %get3A_621 = arith.constant 16 : index
      %get3A_622 = tpu.vector_load %arg7[%get3A_619, %get3A_620, %get3A_621] {strides = array<i32>} : memref<40x8x128xf32, #tpu.memory_space<vmem>>, vector<1x1x16xf32>,
      %get3A_623 = vector.shape_cast %get3A_622 : vector<1x1x16xf32> to vector<16xf32>
      %mul3A_624 = vector.broadcast %squeeze3A_611 : f32 to vector<16xf32>
      %mul3A_625 = arith.mulf %mul3A_624, %get3A_617 : vector<16xf32>
      %add3A_626 = arith.addf %add3A_586, %mul3A_625 : vector<16xf32>
      %mul3A_627 = vector.broadcast %squeeze3A_611 : f32 to vector<16xf32>
      %mul3A_628 = arith.mulf %mul3A_627, %get3A_623 : vector<16xf32>
      %add3A_629 = arith.addf %add3A_589, %mul3A_628 : vector<16xf32>
      %slice3A_630 = vector.extract_strided_slice %get3A_527 {offsets = [5], sizes = [1], strides = [1]} : vector<16xf32> to vector<1xf32>
      %squeeze3A_631 = vector.extract %slice3A_630[0] : f32 from vector<1xf32>
      %get3A_632 = arith.constant 1 : i32
      %get3A_633 = arith.index_cast %scan3A_524 : i32 to index
      %get3A_634 = arith.index_cast %get3A_632 : i32 to index
      %get3A_635 = arith.constant 32 : index
      %get3A_636 = tpu.vector_load %arg7[%get3A_633, %get3A_634, %get3A_635] {strides = array<i32>} : memref<40x8x128xf32, #tpu.memory_space<vmem>>, vector<1x1x16xf32>,
      %get3A_637 = vector.shape_cast %get3A_636 : vector<1x1x16xf32> to vector<16xf32>
      %get3A_638 = arith.constant 1 : i32
      %get3A_639 = arith.index_cast %scan3A_524 : i32 to index
      %get3A_640 = arith.index_cast %get3A_638 : i32 to index
      %get3A_641 = arith.constant 48 : index
      %get3A_642 = tpu.vector_load %arg7[%get3A_639, %get3A_640, %get3A_641] {strides = array<i32>} : memref<40x8x128xf32, #tpu.memory_space<vmem>>, vector<1x1x16xf32>,
      %get3A_643 = vector.shape_cast %get3A_642 : vector<1x1x16xf32> to vector<16xf32>
      %mul3A_644 = vector.broadcast %squeeze3A_631 : f32 to vector<16xf32>
      %mul3A_645 = arith.mulf %mul3A_644, %get3A_637 : vector<16xf32>
      %add3A_646 = arith.addf %add3A_606, %mul3A_645 : vector<16xf32>
      %mul3A_647 = vector.broadcast %squeeze3A_631 : f32 to vector<16xf32>
      %mul3A_648 = arith.mulf %mul3A_647, %get3A_643 : vector<16xf32>
      %add3A_649 = arith.addf %add3A_609, %mul3A_648 : vector<16xf32>
      %slice3A_650 = vector.extract_strided_slice %get3A_527 {offsets = [6], sizes = [1], strides = [1]} : vector<16xf32> to vector<1xf32>
      %squeeze3A_651 = vector.extract %slice3A_650[0] : f32 from vector<1xf32>
      %get3A_652 = arith.constant 1 : i32
      %get3A_653 = arith.index_cast %scan3A_524 : i32 to index
      %get3A_654 = arith.index_cast %get3A_652 : i32 to index
      %get3A_655 = arith.constant 64 : index
      %get3A_656 = tpu.vector_load %arg7[%get3A_653, %get3A_654, %get3A_655] {strides = array<i32>} : memref<40x8x128xf32, #tpu.memory_space<vmem>>, vector<1x1x16xf32>,
      %get3A_657 = vector.shape_cast %get3A_656 : vector<1x1x16xf32> to vector<16xf32>
      %get3A_658 = arith.constant 1 : i32
      %get3A_659 = arith.index_cast %scan3A_524 : i32 to index
      %get3A_660 = arith.index_cast %get3A_658 : i32 to index
      %get3A_661 = arith.constant 80 : index
      %get3A_662 = tpu.vector_load %arg7[%get3A_659, %get3A_660, %get3A_661] {strides = array<i32>} : memref<40x8x128xf32, #tpu.memory_space<vmem>>, vector<1x1x16xf32>,
      %get3A_663 = vector.shape_cast %get3A_662 : vector<1x1x16xf32> to vector<16xf32>
      %mul3A_664 = vector.broadcast %squeeze3A_651 : f32 to vector<16xf32>
      %mul3A_665 = arith.mulf %mul3A_664, %get3A_657 : vector<16xf32>
      %add3A_666 = arith.addf %add3A_626, %mul3A_665 : vector<16xf32>
      %mul3A_667 = vector.broadcast %squeeze3A_651 : f32 to vector<16xf32>
      %mul3A_668 = arith.mulf %mul3A_667, %get3A_663 : vector<16xf32>
      %add3A_669 = arith.addf %add3A_629, %mul3A_668 : vector<16xf32>
      %slice3A_670 = vector.extract_strided_slice %get3A_527 {offsets = [7], sizes = [1], strides = [1]} : vector<16xf32> to vector<1xf32>
      %squeeze3A_671 = vector.extract %slice3A_670[0] : f32 from vector<1xf32>
      %get3A_672 = arith.constant 1 : i32
      %get3A_673 = arith.index_cast %scan3A_524 : i32 to index
      %get3A_674 = arith.index_cast %get3A_672 : i32 to index
      %get3A_675 = arith.constant 96 : index
      %get3A_676 = tpu.vector_load %arg7[%get3A_673, %get3A_674, %get3A_675] {strides = array<i32>} : memref<40x8x128xf32, #tpu.memory_space<vmem>>, vector<1x1x16xf32>,
      %get3A_677 = vector.shape_cast %get3A_676 : vector<1x1x16xf32> to vector<16xf32>
      %get3A_678 = arith.constant 1 : i32
      %get3A_679 = arith.index_cast %scan3A_524 : i32 to index
      %get3A_680 = arith.index_cast %get3A_678 : i32 to index
      %get3A_681 = arith.constant 112 : index
      %get3A_682 = tpu.vector_load %arg7[%get3A_679, %get3A_680, %get3A_681] {strides = array<i32>} : memref<40x8x128xf32, #tpu.memory_space<vmem>>, vector<1x1x16xf32>,
      %get3A_683 = vector.shape_cast %get3A_682 : vector<1x1x16xf32> to vector<16xf32>
      %mul3A_684 = vector.broadcast %squeeze3A_671 : f32 to vector<16xf32>
      %mul3A_685 = arith.mulf %mul3A_684, %get3A_677 : vector<16xf32>
      %add3A_686 = arith.addf %add3A_646, %mul3A_685 : vector<16xf32>
      %mul3A_687 = vector.broadcast %squeeze3A_671 : f32 to vector<16xf32>
      %mul3A_688 = arith.mulf %mul3A_687, %get3A_683 : vector<16xf32>
      %add3A_689 = arith.addf %add3A_649, %mul3A_688 : vector<16xf32>
      %slice3A_690 = vector.extract_strided_slice %get3A_527 {offsets = [8], sizes = [1], strides = [1]} : vector<16xf32> to vector<1xf32>
      %squeeze3A_691 = vector.extract %slice3A_690[0] : f32 from vector<1xf32>
      %get3A_692 = arith.constant 2 : i32
      %get3A_693 = arith.index_cast %scan3A_524 : i32 to index
      %get3A_694 = arith.index_cast %get3A_692 : i32 to index
      %get3A_695 = arith.constant 0 : index
      %get3A_696 = tpu.vector_load %arg7[%get3A_693, %get3A_694, %get3A_695] {strides = array<i32>} : memref<40x8x128xf32, #tpu.memory_space<vmem>>, vector<1x1x16xf32>,
      %get3A_697 = vector.shape_cast %get3A_696 : vector<1x1x16xf32> to vector<16xf32>
      %get3A_698 = arith.constant 2 : i32
      %get3A_699 = arith.index_cast %scan3A_524 : i32 to index
      %get3A_700 = arith.index_cast %get3A_698 : i32 to index
      %get3A_701 = arith.constant 16 : index
      %get3A_702 = tpu.vector_load %arg7[%get3A_699, %get3A_700, %get3A_701] {strides = array<i32>} : memref<40x8x128xf32, #tpu.memory_space<vmem>>, vector<1x1x16xf32>,
      %get3A_703 = vector.shape_cast %get3A_702 : vector<1x1x16xf32> to vector<16xf32>
      %mul3A_704 = vector.broadcast %squeeze3A_691 : f32 to vector<16xf32>
      %mul3A_705 = arith.mulf %mul3A_704, %get3A_697 : vector<16xf32>
      %add3A_706 = arith.addf %add3A_666, %mul3A_705 : vector<16xf32>
      %mul3A_707 = vector.broadcast %squeeze3A_691 : f32 to vector<16xf32>
      %mul3A_708 = arith.mulf %mul3A_707, %get3A_703 : vector<16xf32>
      %add3A_709 = arith.addf %add3A_669, %mul3A_708 : vector<16xf32>
      %slice3A_710 = vector.extract_strided_slice %get3A_527 {offsets = [9], sizes = [1], strides = [1]} : vector<16xf32> to vector<1xf32>
      %squeeze3A_711 = vector.extract %slice3A_710[0] : f32 from vector<1xf32>
      %get3A_712 = arith.constant 2 : i32
      %get3A_713 = arith.index_cast %scan3A_524 : i32 to index
      %get3A_714 = arith.index_cast %get3A_712 : i32 to index
      %get3A_715 = arith.constant 32 : index
      %get3A_716 = tpu.vector_load %arg7[%get3A_713, %get3A_714, %get3A_715] {strides = array<i32>} : memref<40x8x128xf32, #tpu.memory_space<vmem>>, vector<1x1x16xf32>,
      %get3A_717 = vector.shape_cast %get3A_716 : vector<1x1x16xf32> to vector<16xf32>
      %get3A_718 = arith.constant 2 : i32
      %get3A_719 = arith.index_cast %scan3A_524 : i32 to index
      %get3A_720 = arith.index_cast %get3A_718 : i32 to index
      %get3A_721 = arith.constant 48 : index
      %get3A_722 = tpu.vector_load %arg7[%get3A_719, %get3A_720, %get3A_721] {strides = array<i32>} : memref<40x8x128xf32, #tpu.memory_space<vmem>>, vector<1x1x16xf32>,
      %get3A_723 = vector.shape_cast %get3A_722 : vector<1x1x16xf32> to vector<16xf32>
      %mul3A_724 = vector.broadcast %squeeze3A_711 : f32 to vector<16xf32>
      %mul3A_725 = arith.mulf %mul3A_724, %get3A_717 : vector<16xf32>
      %add3A_726 = arith.addf %add3A_686, %mul3A_725 : vector<16xf32>
      %mul3A_727 = vector.broadcast %squeeze3A_711 : f32 to vector<16xf32>
      %mul3A_728 = arith.mulf %mul3A_727, %get3A_723 : vector<16xf32>
      %add3A_729 = arith.addf %add3A_689, %mul3A_728 : vector<16xf32>
      %slice3A_730 = vector.extract_strided_slice %get3A_527 {offsets = [10], sizes = [1], strides = [1]} : vector<16xf32> to vector<1xf32>
      %squeeze3A_731 = vector.extract %slice3A_730[0] : f32 from vector<1xf32>
      %get3A_732 = arith.constant 2 : i32
      %get3A_733 = arith.index_cast %scan3A_524 : i32 to index
      %get3A_734 = arith.index_cast %get3A_732 : i32 to index
      %get3A_735 = arith.constant 64 : index
      %get3A_736 = tpu.vector_load %arg7[%get3A_733, %get3A_734, %get3A_735] {strides = array<i32>} : memref<40x8x128xf32, #tpu.memory_space<vmem>>, vector<1x1x16xf32>,
      %get3A_737 = vector.shape_cast %get3A_736 : vector<1x1x16xf32> to vector<16xf32>
      %get3A_738 = arith.constant 2 : i32
      %get3A_739 = arith.index_cast %scan3A_524 : i32 to index
      %get3A_740 = arith.index_cast %get3A_738 : i32 to index
      %get3A_741 = arith.constant 80 : index
      %get3A_742 = tpu.vector_load %arg7[%get3A_739, %get3A_740, %get3A_741] {strides = array<i32>} : memref<40x8x128xf32, #tpu.memory_space<vmem>>, vector<1x1x16xf32>,
      %get3A_743 = vector.shape_cast %get3A_742 : vector<1x1x16xf32> to vector<16xf32>
      %mul3A_744 = vector.broadcast %squeeze3A_731 : f32 to vector<16xf32>
      %mul3A_745 = arith.mulf %mul3A_744, %get3A_737 : vector<16xf32>
      %add3A_746 = arith.addf %add3A_706, %mul3A_745 : vector<16xf32>
      %mul3A_747 = vector.broadcast %squeeze3A_731 : f32 to vector<16xf32>
      %mul3A_748 = arith.mulf %mul3A_747, %get3A_743 : vector<16xf32>
      %add3A_749 = arith.addf %add3A_709, %mul3A_748 : vector<16xf32>
      %slice3A_750 = vector.extract_strided_slice %get3A_527 {offsets = [11], sizes = [1], strides = [1]} : vector<16xf32> to vector<1xf32>
      %squeeze3A_751 = vector.extract %slice3A_750[0] : f32 from vector<1xf32>
      %get3A_752 = arith.constant 2 : i32
      %get3A_753 = arith.index_cast %scan3A_524 : i32 to index
      %get3A_754 = arith.index_cast %get3A_752 : i32 to index
      %get3A_755 = arith.constant 96 : index
      %get3A_756 = tpu.vector_load %arg7[%get3A_753, %get3A_754, %get3A_755] {strides = array<i32>} : memref<40x8x128xf32, #tpu.memory_space<vmem>>, vector<1x1x16xf32>,
      %get3A_757 = vector.shape_cast %get3A_756 : vector<1x1x16xf32> to vector<16xf32>
      %get3A_758 = arith.constant 2 : i32
      %get3A_759 = arith.index_cast %scan3A_524 : i32 to index
      %get3A_760 = arith.index_cast %get3A_758 : i32 to index
      %get3A_761 = arith.constant 112 : index
      %get3A_762 = tpu.vector_load %arg7[%get3A_759, %get3A_760, %get3A_761] {strides = array<i32>} : memref<40x8x128xf32, #tpu.memory_space<vmem>>, vector<1x1x16xf32>,
      %get3A_763 = vector.shape_cast %get3A_762 : vector<1x1x16xf32> to vector<16xf32>
      %mul3A_764 = vector.broadcast %squeeze3A_751 : f32 to vector<16xf32>
      %mul3A_765 = arith.mulf %mul3A_764, %get3A_757 : vector<16xf32>
      %add3A_766 = arith.addf %add3A_726, %mul3A_765 : vector<16xf32>
      %mul3A_767 = vector.broadcast %squeeze3A_751 : f32 to vector<16xf32>
      %mul3A_768 = arith.mulf %mul3A_767, %get3A_763 : vector<16xf32>
      %add3A_769 = arith.addf %add3A_729, %mul3A_768 : vector<16xf32>
      %slice3A_770 = vector.extract_strided_slice %get3A_527 {offsets = [12], sizes = [1], strides = [1]} : vector<16xf32> to vector<1xf32>
      %squeeze3A_771 = vector.extract %slice3A_770[0] : f32 from vector<1xf32>
      %get3A_772 = arith.constant 3 : i32
      %get3A_773 = arith.index_cast %scan3A_524 : i32 to index
      %get3A_774 = arith.index_cast %get3A_772 : i32 to index
      %get3A_775 = arith.constant 0 : index
      %get3A_776 = tpu.vector_load %arg7[%get3A_773, %get3A_774, %get3A_775] {strides = array<i32>} : memref<40x8x128xf32, #tpu.memory_space<vmem>>, vector<1x1x16xf32>,
      %get3A_777 = vector.shape_cast %get3A_776 : vector<1x1x16xf32> to vector<16xf32>
      %get3A_778 = arith.constant 3 : i32
      %get3A_779 = arith.index_cast %scan3A_524 : i32 to index
      %get3A_780 = arith.index_cast %get3A_778 : i32 to index
      %get3A_781 = arith.constant 16 : index
      %get3A_782 = tpu.vector_load %arg7[%get3A_779, %get3A_780, %get3A_781] {strides = array<i32>} : memref<40x8x128xf32, #tpu.memory_space<vmem>>, vector<1x1x16xf32>,
      %get3A_783 = vector.shape_cast %get3A_782 : vector<1x1x16xf32> to vector<16xf32>
      %mul3A_784 = vector.broadcast %squeeze3A_771 : f32 to vector<16xf32>
      %mul3A_785 = arith.mulf %mul3A_784, %get3A_777 : vector<16xf32>
      %add3A_786 = arith.addf %add3A_746, %mul3A_785 : vector<16xf32>
      %mul3A_787 = vector.broadcast %squeeze3A_771 : f32 to vector<16xf32>
      %mul3A_788 = arith.mulf %mul3A_787, %get3A_783 : vector<16xf32>
      %add3A_789 = arith.addf %add3A_749, %mul3A_788 : vector<16xf32>
      %slice3A_790 = vector.extract_strided_slice %get3A_527 {offsets = [13], sizes = [1], strides = [1]} : vector<16xf32> to vector<1xf32>
      %squeeze3A_791 = vector.extract %slice3A_790[0] : f32 from vector<1xf32>
      %get3A_792 = arith.constant 3 : i32
      %get3A_793 = arith.index_cast %scan3A_524 : i32 to index
      %get3A_794 = arith.index_cast %get3A_792 : i32 to index
      %get3A_795 = arith.constant 32 : index
      %get3A_796 = tpu.vector_load %arg7[%get3A_793, %get3A_794, %get3A_795] {strides = array<i32>} : memref<40x8x128xf32, #tpu.memory_space<vmem>>, vector<1x1x16xf32>,
      %get3A_797 = vector.shape_cast %get3A_796 : vector<1x1x16xf32> to vector<16xf32>
      %get3A_798 = arith.constant 3 : i32
      %get3A_799 = arith.index_cast %scan3A_524 : i32 to index
      %get3A_800 = arith.index_cast %get3A_798 : i32 to index
      %get3A_801 = arith.constant 48 : index
      %get3A_802 = tpu.vector_load %arg7[%get3A_799, %get3A_800, %get3A_801] {strides = array<i32>} : memref<40x8x128xf32, #tpu.memory_space<vmem>>, vector<1x1x16xf32>,
      %get3A_803 = vector.shape_cast %get3A_802 : vector<1x1x16xf32> to vector<16xf32>
      %mul3A_804 = vector.broadcast %squeeze3A_791 : f32 to vector<16xf32>
      %mul3A_805 = arith.mulf %mul3A_804, %get3A_797 : vector<16xf32>
      %add3A_806 = arith.addf %add3A_766, %mul3A_805 : vector<16xf32>
      %mul3A_807 = vector.broadcast %squeeze3A_791 : f32 to vector<16xf32>
      %mul3A_808 = arith.mulf %mul3A_807, %get3A_803 : vector<16xf32>
      %add3A_809 = arith.addf %add3A_769, %mul3A_808 : vector<16xf32>
      %slice3A_810 = vector.extract_strided_slice %get3A_527 {offsets = [14], sizes = [1], strides = [1]} : vector<16xf32> to vector<1xf32>
      %squeeze3A_811 = vector.extract %slice3A_810[0] : f32 from vector<1xf32>
      %get3A_812 = arith.constant 3 : i32
      %get3A_813 = arith.index_cast %scan3A_524 : i32 to index
      %get3A_814 = arith.index_cast %get3A_812 : i32 to index
      %get3A_815 = arith.constant 64 : index
      %get3A_816 = tpu.vector_load %arg7[%get3A_813, %get3A_814, %get3A_815] {strides = array<i32>} : memref<40x8x128xf32, #tpu.memory_space<vmem>>, vector<1x1x16xf32>,
      %get3A_817 = vector.shape_cast %get3A_816 : vector<1x1x16xf32> to vector<16xf32>
      %get3A_818 = arith.constant 3 : i32
      %get3A_819 = arith.index_cast %scan3A_524 : i32 to index
      %get3A_820 = arith.index_cast %get3A_818 : i32 to index
      %get3A_821 = arith.constant 80 : index
      %get3A_822 = tpu.vector_load %arg7[%get3A_819, %get3A_820, %get3A_821] {strides = array<i32>} : memref<40x8x128xf32, #tpu.memory_space<vmem>>, vector<1x1x16xf32>,
      %get3A_823 = vector.shape_cast %get3A_822 : vector<1x1x16xf32> to vector<16xf32>
      %mul3A_824 = vector.broadcast %squeeze3A_811 : f32 to vector<16xf32>
      %mul3A_825 = arith.mulf %mul3A_824, %get3A_817 : vector<16xf32>
      %add3A_826 = arith.addf %add3A_786, %mul3A_825 : vector<16xf32>
      %mul3A_827 = vector.broadcast %squeeze3A_811 : f32 to vector<16xf32>
      %mul3A_828 = arith.mulf %mul3A_827, %get3A_823 : vector<16xf32>
      %add3A_829 = arith.addf %add3A_789, %mul3A_828 : vector<16xf32>
      %slice3A_830 = vector.extract_strided_slice %get3A_527 {offsets = [15], sizes = [1], strides = [1]} : vector<16xf32> to vector<1xf32>
      %squeeze3A_831 = vector.extract %slice3A_830[0] : f32 from vector<1xf32>
      %get3A_832 = arith.constant 3 : i32
      %get3A_833 = arith.index_cast %scan3A_524 : i32 to index
      %get3A_834 = arith.index_cast %get3A_832 : i32 to index
      %get3A_835 = arith.constant 96 : index
      %get3A_836 = tpu.vector_load %arg7[%get3A_833, %get3A_834, %get3A_835] {strides = array<i32>} : memref<40x8x128xf32, #tpu.memory_space<vmem>>, vector<1x1x16xf32>,
      %get3A_837 = vector.shape_cast %get3A_836 : vector<1x1x16xf32> to vector<16xf32>
      %get3A_838 = arith.constant 3 : i32
      %get3A_839 = arith.index_cast %scan3A_524 : i32 to index
      %get3A_840 = arith.index_cast %get3A_838 : i32 to index
      %get3A_841 = arith.constant 112 : index
      %get3A_842 = tpu.vector_load %arg7[%get3A_839, %get3A_840, %get3A_841] {strides = array<i32>} : memref<40x8x128xf32, #tpu.memory_space<vmem>>, vector<1x1x16xf32>,
      %get3A_843 = vector.shape_cast %get3A_842 : vector<1x1x16xf32> to vector<16xf32>
      %mul3A_844 = vector.broadcast %squeeze3A_831 : f32 to vector<16xf32>
      %mul3A_845 = arith.mulf %mul3A_844, %get3A_837 : vector<16xf32>
      %add3A_846 = arith.addf %add3A_806, %mul3A_845 : vector<16xf32>
      %mul3A_847 = vector.broadcast %squeeze3A_831 : f32 to vector<16xf32>
      %mul3A_848 = arith.mulf %mul3A_847, %get3A_843 : vector<16xf32>
      %add3A_849 = arith.addf %add3A_809, %mul3A_848 : vector<16xf32>
      %slice3A_850 = vector.extract_strided_slice %get3A_531 {offsets = [0], sizes = [1], strides = [1]} : vector<16xf32> to vector<1xf32>
      %squeeze3A_851 = vector.extract %slice3A_850[0] : f32 from vector<1xf32>
      %get3A_852 = arith.constant 4 : i32
      %get3A_853 = arith.index_cast %scan3A_524 : i32 to index
      %get3A_854 = arith.index_cast %get3A_852 : i32 to index
      %get3A_855 = arith.constant 0 : index
      %get3A_856 = tpu.vector_load %arg7[%get3A_853, %get3A_854, %get3A_855] {strides = array<i32>} : memref<40x8x128xf32, #tpu.memory_space<vmem>>, vector<1x1x16xf32>,
      %get3A_857 = vector.shape_cast %get3A_856 : vector<1x1x16xf32> to vector<16xf32>
      %get3A_858 = arith.constant 4 : i32
      %get3A_859 = arith.index_cast %scan3A_524 : i32 to index
      %get3A_860 = arith.index_cast %get3A_858 : i32 to index
      %get3A_861 = arith.constant 16 : index
      %get3A_862 = tpu.vector_load %arg7[%get3A_859, %get3A_860, %get3A_861] {strides = array<i32>} : memref<40x8x128xf32, #tpu.memory_space<vmem>>, vector<1x1x16xf32>,
      %get3A_863 = vector.shape_cast %get3A_862 : vector<1x1x16xf32> to vector<16xf32>
      %mul3A_864 = vector.broadcast %squeeze3A_851 : f32 to vector<16xf32>
      %mul3A_865 = arith.mulf %mul3A_864, %get3A_857 : vector<16xf32>
      %add3A_866 = arith.addf %add3A_826, %mul3A_865 : vector<16xf32>
      %mul3A_867 = vector.broadcast %squeeze3A_851 : f32 to vector<16xf32>
      %mul3A_868 = arith.mulf %mul3A_867, %get3A_863 : vector<16xf32>
      %add3A_869 = arith.addf %add3A_829, %mul3A_868 : vector<16xf32>
      %slice3A_870 = vector.extract_strided_slice %get3A_531 {offsets = [1], sizes = [1], strides = [1]} : vector<16xf32> to vector<1xf32>
      %squeeze3A_871 = vector.extract %slice3A_870[0] : f32 from vector<1xf32>
      %get3A_872 = arith.constant 4 : i32
      %get3A_873 = arith.index_cast %scan3A_524 : i32 to index
      %get3A_874 = arith.index_cast %get3A_872 : i32 to index
      %get3A_875 = arith.constant 32 : index
      %get3A_876 = tpu.vector_load %arg7[%get3A_873, %get3A_874, %get3A_875] {strides = array<i32>} : memref<40x8x128xf32, #tpu.memory_space<vmem>>, vector<1x1x16xf32>,
      %get3A_877 = vector.shape_cast %get3A_876 : vector<1x1x16xf32> to vector<16xf32>
      %get3A_878 = arith.constant 4 : i32
      %get3A_879 = arith.index_cast %scan3A_524 : i32 to index
      %get3A_880 = arith.index_cast %get3A_878 : i32 to index
      %get3A_881 = arith.constant 48 : index
      %get3A_882 = tpu.vector_load %arg7[%get3A_879, %get3A_880, %get3A_881] {strides = array<i32>} : memref<40x8x128xf32, #tpu.memory_space<vmem>>, vector<1x1x16xf32>,
      %get3A_883 = vector.shape_cast %get3A_882 : vector<1x1x16xf32> to vector<16xf32>
      %mul3A_884 = vector.broadcast %squeeze3A_871 : f32 to vector<16xf32>
      %mul3A_885 = arith.mulf %mul3A_884, %get3A_877 : vector<16xf32>
      %add3A_886 = arith.addf %add3A_846, %mul3A_885 : vector<16xf32>
      %mul3A_887 = vector.broadcast %squeeze3A_871 : f32 to vector<16xf32>
      %mul3A_888 = arith.mulf %mul3A_887, %get3A_883 : vector<16xf32>
      %add3A_889 = arith.addf %add3A_849, %mul3A_888 : vector<16xf32>
      %slice3A_890 = vector.extract_strided_slice %get3A_531 {offsets = [2], sizes = [1], strides = [1]} : vector<16xf32> to vector<1xf32>
      %squeeze3A_891 = vector.extract %slice3A_890[0] : f32 from vector<1xf32>
      %get3A_892 = arith.constant 4 : i32
      %get3A_893 = arith.index_cast %scan3A_524 : i32 to index
      %get3A_894 = arith.index_cast %get3A_892 : i32 to index
      %get3A_895 = arith.constant 64 : index
      %get3A_896 = tpu.vector_load %arg7[%get3A_893, %get3A_894, %get3A_895] {strides = array<i32>} : memref<40x8x128xf32, #tpu.memory_space<vmem>>, vector<1x1x16xf32>,
      %get3A_897 = vector.shape_cast %get3A_896 : vector<1x1x16xf32> to vector<16xf32>
      %get3A_898 = arith.constant 4 : i32
      %get3A_899 = arith.index_cast %scan3A_524 : i32 to index
      %get3A_900 = arith.index_cast %get3A_898 : i32 to index
      %get3A_901 = arith.constant 80 : index
      %get3A_902 = tpu.vector_load %arg7[%get3A_899, %get3A_900, %get3A_901] {strides = array<i32>} : memref<40x8x128xf32, #tpu.memory_space<vmem>>, vector<1x1x16xf32>,
      %get3A_903 = vector.shape_cast %get3A_902 : vector<1x1x16xf32> to vector<16xf32>
      %mul3A_904 = vector.broadcast %squeeze3A_891 : f32 to vector<16xf32>
      %mul3A_905 = arith.mulf %mul3A_904, %get3A_897 : vector<16xf32>
      %add3A_906 = arith.addf %add3A_866, %mul3A_905 : vector<16xf32>
      %mul3A_907 = vector.broadcast %squeeze3A_891 : f32 to vector<16xf32>
      %mul3A_908 = arith.mulf %mul3A_907, %get3A_903 : vector<16xf32>
      %add3A_909 = arith.addf %add3A_869, %mul3A_908 : vector<16xf32>
      %slice3A_910 = vector.extract_strided_slice %get3A_531 {offsets = [3], sizes = [1], strides = [1]} : vector<16xf32> to vector<1xf32>
      %squeeze3A_911 = vector.extract %slice3A_910[0] : f32 from vector<1xf32>
      %get3A_912 = arith.constant 4 : i32
      %get3A_913 = arith.index_cast %scan3A_524 : i32 to index
      %get3A_914 = arith.index_cast %get3A_912 : i32 to index
      %get3A_915 = arith.constant 96 : index
      %get3A_916 = tpu.vector_load %arg7[%get3A_913, %get3A_914, %get3A_915] {strides = array<i32>} : memref<40x8x128xf32, #tpu.memory_space<vmem>>, vector<1x1x16xf32>,
      %get3A_917 = vector.shape_cast %get3A_916 : vector<1x1x16xf32> to vector<16xf32>
      %get3A_918 = arith.constant 4 : i32
      %get3A_919 = arith.index_cast %scan3A_524 : i32 to index
      %get3A_920 = arith.index_cast %get3A_918 : i32 to index
      %get3A_921 = arith.constant 112 : index
      %get3A_922 = tpu.vector_load %arg7[%get3A_919, %get3A_920, %get3A_921] {strides = array<i32>} : memref<40x8x128xf32, #tpu.memory_space<vmem>>, vector<1x1x16xf32>,
      %get3A_923 = vector.shape_cast %get3A_922 : vector<1x1x16xf32> to vector<16xf32>
      %mul3A_924 = vector.broadcast %squeeze3A_911 : f32 to vector<16xf32>
      %mul3A_925 = arith.mulf %mul3A_924, %get3A_917 : vector<16xf32>
      %add3A_926 = arith.addf %add3A_886, %mul3A_925 : vector<16xf32>
      %mul3A_927 = vector.broadcast %squeeze3A_911 : f32 to vector<16xf32>
      %mul3A_928 = arith.mulf %mul3A_927, %get3A_923 : vector<16xf32>
      %add3A_929 = arith.addf %add3A_889, %mul3A_928 : vector<16xf32>
      %slice3A_930 = vector.extract_strided_slice %get3A_531 {offsets = [4], sizes = [1], strides = [1]} : vector<16xf32> to vector<1xf32>
      %squeeze3A_931 = vector.extract %slice3A_930[0] : f32 from vector<1xf32>
      %get3A_932 = arith.constant 5 : i32
      %get3A_933 = arith.index_cast %scan3A_524 : i32 to index
      %get3A_934 = arith.index_cast %get3A_932 : i32 to index
      %get3A_935 = arith.constant 0 : index
      %get3A_936 = tpu.vector_load %arg7[%get3A_933, %get3A_934, %get3A_935] {strides = array<i32>} : memref<40x8x128xf32, #tpu.memory_space<vmem>>, vector<1x1x16xf32>,
      %get3A_937 = vector.shape_cast %get3A_936 : vector<1x1x16xf32> to vector<16xf32>
      %get3A_938 = arith.constant 5 : i32
      %get3A_939 = arith.index_cast %scan3A_524 : i32 to index
      %get3A_940 = arith.index_cast %get3A_938 : i32 to index
      %get3A_941 = arith.constant 16 : index
      %get3A_942 = tpu.vector_load %arg7[%get3A_939, %get3A_940, %get3A_941] {strides = array<i32>} : memref<40x8x128xf32, #tpu.memory_space<vmem>>, vector<1x1x16xf32>,
      %get3A_943 = vector.shape_cast %get3A_942 : vector<1x1x16xf32> to vector<16xf32>
      %mul3A_944 = vector.broadcast %squeeze3A_931 : f32 to vector<16xf32>
      %mul3A_945 = arith.mulf %mul3A_944, %get3A_937 : vector<16xf32>
      %add3A_946 = arith.addf %add3A_906, %mul3A_945 : vector<16xf32>
      %mul3A_947 = vector.broadcast %squeeze3A_931 : f32 to vector<16xf32>
      %mul3A_948 = arith.mulf %mul3A_947, %get3A_943 : vector<16xf32>
      %add3A_949 = arith.addf %add3A_909, %mul3A_948 : vector<16xf32>
      %slice3A_950 = vector.extract_strided_slice %get3A_531 {offsets = [5], sizes = [1], strides = [1]} : vector<16xf32> to vector<1xf32>
      %squeeze3A_951 = vector.extract %slice3A_950[0] : f32 from vector<1xf32>
      %get3A_952 = arith.constant 5 : i32
      %get3A_953 = arith.index_cast %scan3A_524 : i32 to index
      %get3A_954 = arith.index_cast %get3A_952 : i32 to index
      %get3A_955 = arith.constant 32 : index
      %get3A_956 = tpu.vector_load %arg7[%get3A_953, %get3A_954, %get3A_955] {strides = array<i32>} : memref<40x8x128xf32, #tpu.memory_space<vmem>>, vector<1x1x16xf32>,
      %get3A_957 = vector.shape_cast %get3A_956 : vector<1x1x16xf32> to vector<16xf32>
      %get3A_958 = arith.constant 5 : i32
      %get3A_959 = arith.index_cast %scan3A_524 : i32 to index
      %get3A_960 = arith.index_cast %get3A_958 : i32 to index
      %get3A_961 = arith.constant 48 : index
      %get3A_962 = tpu.vector_load %arg7[%get3A_959, %get3A_960, %get3A_961] {strides = array<i32>} : memref<40x8x128xf32, #tpu.memory_space<vmem>>, vector<1x1x16xf32>,
      %get3A_963 = vector.shape_cast %get3A_962 : vector<1x1x16xf32> to vector<16xf32>
      %mul3A_964 = vector.broadcast %squeeze3A_951 : f32 to vector<16xf32>
      %mul3A_965 = arith.mulf %mul3A_964, %get3A_957 : vector<16xf32>
      %add3A_966 = arith.addf %add3A_926, %mul3A_965 : vector<16xf32>
      %mul3A_967 = vector.broadcast %squeeze3A_951 : f32 to vector<16xf32>
      %mul3A_968 = arith.mulf %mul3A_967, %get3A_963 : vector<16xf32>
      %add3A_969 = arith.addf %add3A_929, %mul3A_968 : vector<16xf32>
      %slice3A_970 = vector.extract_strided_slice %get3A_531 {offsets = [6], sizes = [1], strides = [1]} : vector<16xf32> to vector<1xf32>
      %squeeze3A_971 = vector.extract %slice3A_970[0] : f32 from vector<1xf32>
      %get3A_972 = arith.constant 5 : i32
      %get3A_973 = arith.index_cast %scan3A_524 : i32 to index
      %get3A_974 = arith.index_cast %get3A_972 : i32 to index
      %get3A_975 = arith.constant 64 : index
      %get3A_976 = tpu.vector_load %arg7[%get3A_973, %get3A_974, %get3A_975] {strides = array<i32>} : memref<40x8x128xf32, #tpu.memory_space<vmem>>, vector<1x1x16xf32>,
      %get3A_977 = vector.shape_cast %get3A_976 : vector<1x1x16xf32> to vector<16xf32>
      %get3A_978 = arith.constant 5 : i32
      %get3A_979 = arith.index_cast %scan3A_524 : i32 to index
      %get3A_980 = arith.index_cast %get3A_978 : i32 to index
      %get3A_981 = arith.constant 80 : index
      %get3A_982 = tpu.vector_load %arg7[%get3A_979, %get3A_980, %get3A_981] {strides = array<i32>} : memref<40x8x128xf32, #tpu.memory_space<vmem>>, vector<1x1x16xf32>,
      %get3A_983 = vector.shape_cast %get3A_982 : vector<1x1x16xf32> to vector<16xf32>
      %mul3A_984 = vector.broadcast %squeeze3A_971 : f32 to vector<16xf32>
      %mul3A_985 = arith.mulf %mul3A_984, %get3A_977 : vector<16xf32>
      %add3A_986 = arith.addf %add3A_946, %mul3A_985 : vector<16xf32>
      %mul3A_987 = vector.broadcast %squeeze3A_971 : f32 to vector<16xf32>
      %mul3A_988 = arith.mulf %mul3A_987, %get3A_983 : vector<16xf32>
      %add3A_989 = arith.addf %add3A_949, %mul3A_988 : vector<16xf32>
      %slice3A_990 = vector.extract_strided_slice %get3A_531 {offsets = [7], sizes = [1], strides = [1]} : vector<16xf32> to vector<1xf32>
      %squeeze3A_991 = vector.extract %slice3A_990[0] : f32 from vector<1xf32>
      %get3A_992 = arith.constant 5 : i32
      %get3A_993 = arith.index_cast %scan3A_524 : i32 to index
      %get3A_994 = arith.index_cast %get3A_992 : i32 to index
      %get3A_995 = arith.constant 96 : index
      %get3A_996 = tpu.vector_load %arg7[%get3A_993, %get3A_994, %get3A_995] {strides = array<i32>} : memref<40x8x128xf32, #tpu.memory_space<vmem>>, vector<1x1x16xf32>,
      %get3A_997 = vector.shape_cast %get3A_996 : vector<1x1x16xf32> to vector<16xf32>
      %get3A_998 = arith.constant 5 : i32
      %get3A_999 = arith.index_cast %scan3A_524 : i32 to index
      %get3A_1000 = arith.index_cast %get3A_998 : i32 to index
      %get3A_1001 = arith.constant 112 : index
      %get3A_1002 = tpu.vector_load %arg7[%get3A_999, %get3A_1000, %get3A_1001] {strides = array<i32>} : memref<40x8x128xf32, #tpu.memory_space<vmem>>, vector<1x1x16xf32>,
      %get3A_1003 = vector.shape_cast %get3A_1002 : vector<1x1x16xf32> to vector<16xf32>
      %mul3A_1004 = vector.broadcast %squeeze3A_991 : f32 to vector<16xf32>
      %mul3A_1005 = arith.mulf %mul3A_1004, %get3A_997 : vector<16xf32>
      %add3A_1006 = arith.addf %add3A_966, %mul3A_1005 : vector<16xf32>
      %mul3A_1007 = vector.broadcast %squeeze3A_991 : f32 to vector<16xf32>
      %mul3A_1008 = arith.mulf %mul3A_1007, %get3A_1003 : vector<16xf32>
      %add3A_1009 = arith.addf %add3A_969, %mul3A_1008 : vector<16xf32>
      %slice3A_1010 = vector.extract_strided_slice %get3A_531 {offsets = [8], sizes = [1], strides = [1]} : vector<16xf32> to vector<1xf32>
      %squeeze3A_1011 = vector.extract %slice3A_1010[0] : f32 from vector<1xf32>
      %get3A_1012 = arith.constant 6 : i32
      %get3A_1013 = arith.index_cast %scan3A_524 : i32 to index
      %get3A_1014 = arith.index_cast %get3A_1012 : i32 to index
      %get3A_1015 = arith.constant 0 : index
      %get3A_1016 = tpu.vector_load %arg7[%get3A_1013, %get3A_1014, %get3A_1015] {strides = array<i32>} : memref<40x8x128xf32, #tpu.memory_space<vmem>>, vector<1x1x16xf32>,
      %get3A_1017 = vector.shape_cast %get3A_1016 : vector<1x1x16xf32> to vector<16xf32>
      %get3A_1018 = arith.constant 6 : i32
      %get3A_1019 = arith.index_cast %scan3A_524 : i32 to index
      %get3A_1020 = arith.index_cast %get3A_1018 : i32 to index
      %get3A_1021 = arith.constant 16 : index
      %get3A_1022 = tpu.vector_load %arg7[%get3A_1019, %get3A_1020, %get3A_1021] {strides = array<i32>} : memref<40x8x128xf32, #tpu.memory_space<vmem>>, vector<1x1x16xf32>,
      %get3A_1023 = vector.shape_cast %get3A_1022 : vector<1x1x16xf32> to vector<16xf32>
      %mul3A_1024 = vector.broadcast %squeeze3A_1011 : f32 to vector<16xf32>
      %mul3A_1025 = arith.mulf %mul3A_1024, %get3A_1017 : vector<16xf32>
      %add3A_1026 = arith.addf %add3A_986, %mul3A_1025 : vector<16xf32>
      %mul3A_1027 = vector.broadcast %squeeze3A_1011 : f32 to vector<16xf32>
      %mul3A_1028 = arith.mulf %mul3A_1027, %get3A_1023 : vector<16xf32>
      %add3A_1029 = arith.addf %add3A_989, %mul3A_1028 : vector<16xf32>
      %slice3A_1030 = vector.extract_strided_slice %get3A_531 {offsets = [9], sizes = [1], strides = [1]} : vector<16xf32> to vector<1xf32>
      %squeeze3A_1031 = vector.extract %slice3A_1030[0] : f32 from vector<1xf32>
      %get3A_1032 = arith.constant 6 : i32
      %get3A_1033 = arith.index_cast %scan3A_524 : i32 to index
      %get3A_1034 = arith.index_cast %get3A_1032 : i32 to index
      %get3A_1035 = arith.constant 32 : index
      %get3A_1036 = tpu.vector_load %arg7[%get3A_1033, %get3A_1034, %get3A_1035] {strides = array<i32>} : memref<40x8x128xf32, #tpu.memory_space<vmem>>, vector<1x1x16xf32>,
      %get3A_1037 = vector.shape_cast %get3A_1036 : vector<1x1x16xf32> to vector<16xf32>
      %get3A_1038 = arith.constant 6 : i32
      %get3A_1039 = arith.index_cast %scan3A_524 : i32 to index
      %get3A_1040 = arith.index_cast %get3A_1038 : i32 to index
      %get3A_1041 = arith.constant 48 : index
      %get3A_1042 = tpu.vector_load %arg7[%get3A_1039, %get3A_1040, %get3A_1041] {strides = array<i32>} : memref<40x8x128xf32, #tpu.memory_space<vmem>>, vector<1x1x16xf32>,
      %get3A_1043 = vector.shape_cast %get3A_1042 : vector<1x1x16xf32> to vector<16xf32>
      %mul3A_1044 = vector.broadcast %squeeze3A_1031 : f32 to vector<16xf32>
      %mul3A_1045 = arith.mulf %mul3A_1044, %get3A_1037 : vector<16xf32>
      %add3A_1046 = arith.addf %add3A_1006, %mul3A_1045 : vector<16xf32>
      %mul3A_1047 = vector.broadcast %squeeze3A_1031 : f32 to vector<16xf32>
      %mul3A_1048 = arith.mulf %mul3A_1047, %get3A_1043 : vector<16xf32>
      %add3A_1049 = arith.addf %add3A_1009, %mul3A_1048 : vector<16xf32>
      %slice3A_1050 = vector.extract_strided_slice %get3A_531 {offsets = [10], sizes = [1], strides = [1]} : vector<16xf32> to vector<1xf32>
      %squeeze3A_1051 = vector.extract %slice3A_1050[0] : f32 from vector<1xf32>
      %get3A_1052 = arith.constant 6 : i32
      %get3A_1053 = arith.index_cast %scan3A_524 : i32 to index
      %get3A_1054 = arith.index_cast %get3A_1052 : i32 to index
      %get3A_1055 = arith.constant 64 : index
      %get3A_1056 = tpu.vector_load %arg7[%get3A_1053, %get3A_1054, %get3A_1055] {strides = array<i32>} : memref<40x8x128xf32, #tpu.memory_space<vmem>>, vector<1x1x16xf32>,
      %get3A_1057 = vector.shape_cast %get3A_1056 : vector<1x1x16xf32> to vector<16xf32>
      %get3A_1058 = arith.constant 6 : i32
      %get3A_1059 = arith.index_cast %scan3A_524 : i32 to index
      %get3A_1060 = arith.index_cast %get3A_1058 : i32 to index
      %get3A_1061 = arith.constant 80 : index
      %get3A_1062 = tpu.vector_load %arg7[%get3A_1059, %get3A_1060, %get3A_1061] {strides = array<i32>} : memref<40x8x128xf32, #tpu.memory_space<vmem>>, vector<1x1x16xf32>,
      %get3A_1063 = vector.shape_cast %get3A_1062 : vector<1x1x16xf32> to vector<16xf32>
      %mul3A_1064 = vector.broadcast %squeeze3A_1051 : f32 to vector<16xf32>
      %mul3A_1065 = arith.mulf %mul3A_1064, %get3A_1057 : vector<16xf32>
      %add3A_1066 = arith.addf %add3A_1026, %mul3A_1065 : vector<16xf32>
      %mul3A_1067 = vector.broadcast %squeeze3A_1051 : f32 to vector<16xf32>
      %mul3A_1068 = arith.mulf %mul3A_1067, %get3A_1063 : vector<16xf32>
      %add3A_1069 = arith.addf %add3A_1029, %mul3A_1068 : vector<16xf32>
      %slice3A_1070 = vector.extract_strided_slice %get3A_531 {offsets = [11], sizes = [1], strides = [1]} : vector<16xf32> to vector<1xf32>
      %squeeze3A_1071 = vector.extract %slice3A_1070[0] : f32 from vector<1xf32>
      %get3A_1072 = arith.constant 6 : i32
      %get3A_1073 = arith.index_cast %scan3A_524 : i32 to index
      %get3A_1074 = arith.index_cast %get3A_1072 : i32 to index
      %get3A_1075 = arith.constant 96 : index
      %get3A_1076 = tpu.vector_load %arg7[%get3A_1073, %get3A_1074, %get3A_1075] {strides = array<i32>} : memref<40x8x128xf32, #tpu.memory_space<vmem>>, vector<1x1x16xf32>,
      %get3A_1077 = vector.shape_cast %get3A_1076 : vector<1x1x16xf32> to vector<16xf32>
      %get3A_1078 = arith.constant 6 : i32
      %get3A_1079 = arith.index_cast %scan3A_524 : i32 to index
      %get3A_1080 = arith.index_cast %get3A_1078 : i32 to index
      %get3A_1081 = arith.constant 112 : index
      %get3A_1082 = tpu.vector_load %arg7[%get3A_1079, %get3A_1080, %get3A_1081] {strides = array<i32>} : memref<40x8x128xf32, #tpu.memory_space<vmem>>, vector<1x1x16xf32>,
      %get3A_1083 = vector.shape_cast %get3A_1082 : vector<1x1x16xf32> to vector<16xf32>
      %mul3A_1084 = vector.broadcast %squeeze3A_1071 : f32 to vector<16xf32>
      %mul3A_1085 = arith.mulf %mul3A_1084, %get3A_1077 : vector<16xf32>
      %add3A_1086 = arith.addf %add3A_1046, %mul3A_1085 : vector<16xf32>
      %mul3A_1087 = vector.broadcast %squeeze3A_1071 : f32 to vector<16xf32>
      %mul3A_1088 = arith.mulf %mul3A_1087, %get3A_1083 : vector<16xf32>
      %add3A_1089 = arith.addf %add3A_1049, %mul3A_1088 : vector<16xf32>
      %slice3A_1090 = vector.extract_strided_slice %get3A_531 {offsets = [12], sizes = [1], strides = [1]} : vector<16xf32> to vector<1xf32>
      %squeeze3A_1091 = vector.extract %slice3A_1090[0] : f32 from vector<1xf32>
      %get3A_1092 = arith.constant 7 : i32
      %get3A_1093 = arith.index_cast %scan3A_524 : i32 to index
      %get3A_1094 = arith.index_cast %get3A_1092 : i32 to index
      %get3A_1095 = arith.constant 0 : index
      %get3A_1096 = tpu.vector_load %arg7[%get3A_1093, %get3A_1094, %get3A_1095] {strides = array<i32>} : memref<40x8x128xf32, #tpu.memory_space<vmem>>, vector<1x1x16xf32>,
      %get3A_1097 = vector.shape_cast %get3A_1096 : vector<1x1x16xf32> to vector<16xf32>
      %get3A_1098 = arith.constant 7 : i32
      %get3A_1099 = arith.index_cast %scan3A_524 : i32 to index
      %get3A_1100 = arith.index_cast %get3A_1098 : i32 to index
      %get3A_1101 = arith.constant 16 : index
      %get3A_1102 = tpu.vector_load %arg7[%get3A_1099, %get3A_1100, %get3A_1101] {strides = array<i32>} : memref<40x8x128xf32, #tpu.memory_space<vmem>>, vector<1x1x16xf32>,
      %get3A_1103 = vector.shape_cast %get3A_1102 : vector<1x1x16xf32> to vector<16xf32>
      %mul3A_1104 = vector.broadcast %squeeze3A_1091 : f32 to vector<16xf32>
      %mul3A_1105 = arith.mulf %mul3A_1104, %get3A_1097 : vector<16xf32>
      %add3A_1106 = arith.addf %add3A_1066, %mul3A_1105 : vector<16xf32>
      %mul3A_1107 = vector.broadcast %squeeze3A_1091 : f32 to vector<16xf32>
      %mul3A_1108 = arith.mulf %mul3A_1107, %get3A_1103 : vector<16xf32>
      %add3A_1109 = arith.addf %add3A_1069, %mul3A_1108 : vector<16xf32>
      %slice3A_1110 = vector.extract_strided_slice %get3A_531 {offsets = [13], sizes = [1], strides = [1]} : vector<16xf32> to vector<1xf32>
      %squeeze3A_1111 = vector.extract %slice3A_1110[0] : f32 from vector<1xf32>
      %get3A_1112 = arith.constant 7 : i32
      %get3A_1113 = arith.index_cast %scan3A_524 : i32 to index
      %get3A_1114 = arith.index_cast %get3A_1112 : i32 to index
      %get3A_1115 = arith.constant 32 : index
      %get3A_1116 = tpu.vector_load %arg7[%get3A_1113, %get3A_1114, %get3A_1115] {strides = array<i32>} : memref<40x8x128xf32, #tpu.memory_space<vmem>>, vector<1x1x16xf32>,
      %get3A_1117 = vector.shape_cast %get3A_1116 : vector<1x1x16xf32> to vector<16xf32>
      %get3A_1118 = arith.constant 7 : i32
      %get3A_1119 = arith.index_cast %scan3A_524 : i32 to index
      %get3A_1120 = arith.index_cast %get3A_1118 : i32 to index
      %get3A_1121 = arith.constant 48 : index
      %get3A_1122 = tpu.vector_load %arg7[%get3A_1119, %get3A_1120, %get3A_1121] {strides = array<i32>} : memref<40x8x128xf32, #tpu.memory_space<vmem>>, vector<1x1x16xf32>,
      %get3A_1123 = vector.shape_cast %get3A_1122 : vector<1x1x16xf32> to vector<16xf32>
      %mul3A_1124 = vector.broadcast %squeeze3A_1111 : f32 to vector<16xf32>
      %mul3A_1125 = arith.mulf %mul3A_1124, %get3A_1117 : vector<16xf32>
      %add3A_1126 = arith.addf %add3A_1086, %mul3A_1125 : vector<16xf32>
      %mul3A_1127 = vector.broadcast %squeeze3A_1111 : f32 to vector<16xf32>
      %mul3A_1128 = arith.mulf %mul3A_1127, %get3A_1123 : vector<16xf32>
      %add3A_1129 = arith.addf %add3A_1089, %mul3A_1128 : vector<16xf32>
      %slice3A_1130 = vector.extract_strided_slice %get3A_531 {offsets = [14], sizes = [1], strides = [1]} : vector<16xf32> to vector<1xf32>
      %squeeze3A_1131 = vector.extract %slice3A_1130[0] : f32 from vector<1xf32>
      %get3A_1132 = arith.constant 7 : i32
      %get3A_1133 = arith.index_cast %scan3A_524 : i32 to index
      %get3A_1134 = arith.index_cast %get3A_1132 : i32 to index
      %get3A_1135 = arith.constant 64 : index
      %get3A_1136 = tpu.vector_load %arg7[%get3A_1133, %get3A_1134, %get3A_1135] {strides = array<i32>} : memref<40x8x128xf32, #tpu.memory_space<vmem>>, vector<1x1x16xf32>,
      %get3A_1137 = vector.shape_cast %get3A_1136 : vector<1x1x16xf32> to vector<16xf32>
      %get3A_1138 = arith.constant 7 : i32
      %get3A_1139 = arith.index_cast %scan3A_524 : i32 to index
      %get3A_1140 = arith.index_cast %get3A_1138 : i32 to index
      %get3A_1141 = arith.constant 80 : index
      %get3A_1142 = tpu.vector_load %arg7[%get3A_1139, %get3A_1140, %get3A_1141] {strides = array<i32>} : memref<40x8x128xf32, #tpu.memory_space<vmem>>, vector<1x1x16xf32>,
      %get3A_1143 = vector.shape_cast %get3A_1142 : vector<1x1x16xf32> to vector<16xf32>
      %mul3A_1144 = vector.broadcast %squeeze3A_1131 : f32 to vector<16xf32>
      %mul3A_1145 = arith.mulf %mul3A_1144, %get3A_1137 : vector<16xf32>
      %add3A_1146 = arith.addf %add3A_1106, %mul3A_1145 : vector<16xf32>
      %mul3A_1147 = vector.broadcast %squeeze3A_1131 : f32 to vector<16xf32>
      %mul3A_1148 = arith.mulf %mul3A_1147, %get3A_1143 : vector<16xf32>
      %add3A_1149 = arith.addf %add3A_1109, %mul3A_1148 : vector<16xf32>
      %slice3A_1150 = vector.extract_strided_slice %get3A_531 {offsets = [15], sizes = [1], strides = [1]} : vector<16xf32> to vector<1xf32>
      %squeeze3A_1151 = vector.extract %slice3A_1150[0] : f32 from vector<1xf32>
      %get3A_1152 = arith.constant 7 : i32
      %get3A_1153 = arith.index_cast %scan3A_524 : i32 to index
      %get3A_1154 = arith.index_cast %get3A_1152 : i32 to index
      %get3A_1155 = arith.constant 96 : index
      %get3A_1156 = tpu.vector_load %arg7[%get3A_1153, %get3A_1154, %get3A_1155] {strides = array<i32>} : memref<40x8x128xf32, #tpu.memory_space<vmem>>, vector<1x1x16xf32>,
      %get3A_1157 = vector.shape_cast %get3A_1156 : vector<1x1x16xf32> to vector<16xf32>
      %get3A_1158 = arith.constant 7 : i32
      %get3A_1159 = arith.index_cast %scan3A_524 : i32 to index
      %get3A_1160 = arith.index_cast %get3A_1158 : i32 to index
      %get3A_1161 = arith.constant 112 : index
      %get3A_1162 = tpu.vector_load %arg7[%get3A_1159, %get3A_1160, %get3A_1161] {strides = array<i32>} : memref<40x8x128xf32, #tpu.memory_space<vmem>>, vector<1x1x16xf32>,
      %get3A_1163 = vector.shape_cast %get3A_1162 : vector<1x1x16xf32> to vector<16xf32>
      %mul3A_1164 = vector.broadcast %squeeze3A_1151 : f32 to vector<16xf32>
      %mul3A_1165 = arith.mulf %mul3A_1164, %get3A_1157 : vector<16xf32>
      %add3A_1166 = arith.addf %add3A_1126, %mul3A_1165 : vector<16xf32>
      %mul3A_1167 = vector.broadcast %squeeze3A_1151 : f32 to vector<16xf32>
      %mul3A_1168 = arith.mulf %mul3A_1167, %get3A_1163 : vector<16xf32>
      %add3A_1169 = arith.addf %add3A_1129, %mul3A_1168 : vector<16xf32>
      %add3A_1170 = arith.addf %add3A_1146, %add3A_1166 : vector<16xf32>
      %swap3A = arith.index_cast %scan3A_524 : i32 to index
      %swap3A_1171 = arith.constant 0 : index
      %swap3A_1172 = tpu.vector_load %arg11[%swap3A, %swap3A_1171] {strides = array<i32>} : memref<40x32xf32, #tpu.memory_space<vmem>>, vector<1x16xf32>,
      %swap3A_1173 = vector.shape_cast %swap3A_1172 : vector<1x16xf32> to vector<16xf32>
      %swap3A_1174 = vector.shape_cast %add3A_1170 : vector<16xf32> to vector<1x16xf32>
      tpu.vector_store %arg11[%swap3A, %swap3A_1171], %swap3A_1174 {strides = array<i32>} : memref<40x32xf32, #tpu.memory_space<vmem>>, vector<1x16xf32>,
      %add3A_1175 = arith.addf %add3A_1149, %add3A_1169 : vector<16xf32>
      %swap3A_1176 = arith.index_cast %scan3A_524 : i32 to index
      %swap3A_1177 = arith.constant 16 : index
      %swap3A_1178 = tpu.vector_load %arg11[%swap3A_1176, %swap3A_1177] {strides = array<i32>} : memref<40x32xf32, #tpu.memory_space<vmem>>, vector<1x16xf32>,
      %swap3A_1179 = vector.shape_cast %swap3A_1178 : vector<1x16xf32> to vector<16xf32>
      %swap3A_1180 = vector.shape_cast %add3A_1175 : vector<16xf32> to vector<1x16xf32>
      tpu.vector_store %arg11[%swap3A_1176, %swap3A_1177], %swap3A_1180 {strides = array<i32>} : memref<40x32xf32, #tpu.memory_space<vmem>>, vector<1x16xf32>,
    }
    %scan3A_130 = arith.constant 40 : i32
    %mul3A_131 = arith.constant 125 : i32
    %mul3A_132 = arith.muli %add3A, %mul3A_131 : i32
    %add3A_133 = arith.constant 124 : i32
    %add3A_134 = arith.addi %mul3A_132, %add3A_133 : i32
    %dma_wait3A_135 = arith.constant 0 : i32
    %dma_wait3A_136 = tpu.memref_slice %arg4[%add3A_134, %dma_wait3A_135] : memref<4000x128xi32, #tpu.memory_space<hbm>> -> memref<1x40xi32, #tpu.memory_space<hbm>>
    %dma_wait3A_137 = tpu.memref_squeeze %dma_wait3A_136 : memref<1x40xi32, #tpu.memory_space<hbm>> -> memref<40xi32, #tpu.memory_space<hbm>>
    %dma_wait3A_138 = arith.constant 0 : i32
    %dma_wait3A_139 = tpu.memref_slice %arg4[%add3A_134, %dma_wait3A_138] : memref<4000x128xi32, #tpu.memory_space<hbm>> -> memref<1x40xi32, #tpu.memory_space<hbm>>
    %dma_wait3A_140 = tpu.memref_squeeze %dma_wait3A_139 : memref<1x40xi32, #tpu.memory_space<hbm>> -> memref<40xi32, #tpu.memory_space<hbm>>
    tpu.wait_dma2 semaphore(%arg22 : memref<!tpu.dma_semaphore, #tpu.memory_space<semaphore_mem>>) src(%dma_wait3A_140 : memref<40xi32, #tpu.memory_space<hbm>>) dst(%arg13 : memref<40xi32, #tpu.memory_space<vmem>>)
    "tpu.region"() ({
      %run_scoped3A = tpu.sem_alloc : memref<!tpu.dma_semaphore, #tpu.memory_space<semaphore_mem>>
      %dma_start3A_524 = arith.constant 0 : i32
      %dma_start3A_525 = arith.constant 0 : i32
      %dma_start3A_526 = tpu.memref_slice %arg17[%dma_start3A_524, %dma_start3A_525] : memref<10240x32xf32, #tpu.memory_space<vmem_shared>> -> memref<10240x32xf32, #tpu.memory_space<vmem_shared>>
      tpu.enqueue_indirect_dma source(%arg11 : memref<40x32xf32, #tpu.memory_space<vmem>>) target(%dma_start3A_526 : memref<10240x32xf32, #tpu.memory_space<vmem_shared>>) offsets(%arg13 : memref<40xi32, #tpu.memory_space<vmem>>) semaphore(%run_scoped3A : memref<!tpu.dma_semaphore, #tpu.memory_space<semaphore_mem>>) {add = true}
      %dma_wait3A_527 = arith.constant 0 : i32
      %dma_wait3A_528 = arith.constant 0 : i32
      %dma_wait3A_529 = tpu.memref_slice %arg17[%dma_wait3A_527, %dma_wait3A_528] : memref<10240x32xf32, #tpu.memory_space<vmem_shared>> -> memref<10240x32xf32, #tpu.memory_space<vmem_shared>>
      tpu.wait_indirect_dma semaphore(%run_scoped3A : memref<!tpu.dma_semaphore, #tpu.memory_space<semaphore_mem>>) src(%arg11 : memref<40x32xf32, #tpu.memory_space<vmem>>) dst(%dma_wait3A_529 : memref<10240x32xf32, #tpu.memory_space<vmem_shared>>)
      tpu.yield
    }) : () -> ()
    %barrier3A_141 = arith.constant 0 : index
    tpu.barrier barrier_id(%barrier3A_141)
    %mul3A_142 = arith.constant 640 : i32
    %mul3A_143 = arith.muli %arg1, %mul3A_142 : i32
    %add3A_144 = arith.constant 0 : i32
    %add3A_145 = arith.addi %mul3A_143, %add3A_144 : i32
    "tpu.region"() ({
      %run_scoped3A = tpu.sem_alloc : memref<!tpu.dma_semaphore, #tpu.memory_space<semaphore_mem>>
      %dma_start3A_524 = arith.constant 0 : i32
      %dma_start3A_525 = tpu.memref_slice %arg17[%add3A_145, %dma_start3A_524] : memref<10240x32xf32, #tpu.memory_space<vmem_shared>> -> memref<64x32xf32, #tpu.memory_space<vmem_shared>>
      %dma_start3A_526 = arith.constant 0 : i32
      %dma_start3A_527 = tpu.memref_slice %arg17[%add3A_145, %dma_start3A_526] : memref<10240x32xf32, #tpu.memory_space<vmem_shared>> -> memref<64x32xf32, #tpu.memory_space<vmem_shared>>
      tpu.enqueue_dma source(%dma_start3A_527 : memref<64x32xf32, #tpu.memory_space<vmem_shared>>) target(%arg15 : memref<64x32xf32, #tpu.memory_space<vmem>>) target_semaphore(%run_scoped3A : memref<!tpu.dma_semaphore, #tpu.memory_space<semaphore_mem>>)
      %dma_wait3A_528 = arith.constant 0 : i32
      %dma_wait3A_529 = tpu.memref_slice %arg17[%add3A_145, %dma_wait3A_528] : memref<10240x32xf32, #tpu.memory_space<vmem_shared>> -> memref<64x32xf32, #tpu.memory_space<vmem_shared>>
      %dma_wait3A_530 = arith.constant 0 : i32
      %dma_wait3A_531 = tpu.memref_slice %arg17[%add3A_145, %dma_wait3A_530] : memref<10240x32xf32, #tpu.memory_space<vmem_shared>> -> memref<64x32xf32, #tpu.memory_space<vmem_shared>>
      tpu.wait_dma2 semaphore(%run_scoped3A : memref<!tpu.dma_semaphore, #tpu.memory_space<semaphore_mem>>) src(%dma_wait3A_531 : memref<64x32xf32, #tpu.memory_space<vmem_shared>>) dst(%arg15 : memref<64x32xf32, #tpu.memory_space<vmem>>)
      tpu.yield
    }) : () -> ()
    %scan3A_146 = arith.constant 0 : i32
    %scan3A_147 = arith.constant 0 : i32
    %scan3A_148 = arith.constant 64 : i32
    %scan3A_149 = arith.addi %scan3A_147, %scan3A_148 : i32
    %scan3A_150 = arith.constant 1 : i32
    scf.for %scan3A_524 = %scan3A_147 to %scan3A_149 step %scan3A_150  : i32 {
      %get3A = arith.index_cast %scan3A_524 : i32 to index
      %get3A_525 = arith.constant 0 : index
      %get3A_526 = tpu.vector_load %arg15[%get3A, %get3A_525] {strides = array<i32>} : memref<64x32xf32, #tpu.memory_space<vmem>>, vector<1x16xf32>,
      %get3A_527 = vector.shape_cast %get3A_526 : vector<1x16xf32> to vector<16xf32>
      %get3A_528 = arith.index_cast %scan3A_524 : i32 to index
      %get3A_529 = arith.constant 16 : index
      %get3A_530 = tpu.vector_load %arg15[%get3A_528, %get3A_529] {strides = array<i32>} : memref<64x32xf32, #tpu.memory_space<vmem>>, vector<1x16xf32>,
      %get3A_531 = vector.shape_cast %get3A_530 : vector<1x16xf32> to vector<16xf32>
      %jit3A_532 = arith.constant 4 : i32
      %div3A_533 = arith.divsi %scan3A_524, %jit3A_532 : i32
      %sign3A_534 = arith.constant 0 : i32
      %sign3A_535 = arith.cmpi sgt, %scan3A_524, %sign3A_534 : i32
      %sign3A_536 = arith.extui %sign3A_535 : i1 to i32
      %sign3A_537 = arith.constant 0 : i32
      %sign3A_538 = arith.cmpi slt, %scan3A_524, %sign3A_537 : i32
      %sign3A_539 = arith.extui %sign3A_538 : i1 to i32
      %sign3A_540 = arith.subi %sign3A_536, %sign3A_539 : i32
      %sign3A_541 = arith.constant 0 : i32
      %sign3A_542 = arith.cmpi sgt, %jit3A_532, %sign3A_541 : i32
      %sign3A_543 = arith.extui %sign3A_542 : i1 to i32
      %sign3A_544 = arith.constant 0 : i32
      %sign3A_545 = arith.cmpi slt, %jit3A_532, %sign3A_544 : i32
      %sign3A_546 = arith.extui %sign3A_545 : i1 to i32
      %sign3A_547 = arith.subi %sign3A_543, %sign3A_546 : i32
      %ne3A_548 = arith.cmpi ne, %sign3A_540, %sign3A_547 : i32
      %rem3A_549 = arith.remsi %scan3A_524, %jit3A_532 : i32
      %ne3A_550 = arith.constant 0 : i32
      %ne3A_551 = arith.cmpi ne, %rem3A_549, %ne3A_550 : i32
      %and3A_552 = arith.andi %ne3A_548, %ne3A_551 : i1
      %sub3A_553 = arith.constant 1 : i32
      %sub3A_554 = arith.subi %div3A_533, %sub3A_553 : i32
      %select_n3A_555 = arith.select %and3A_552, %sub3A_554, %div3A_533 : i32
      %jit3A_556 = arith.constant 4 : i32
      %eq3A = arith.constant 0 : i32
      %eq3A_557 = arith.cmpi eq, %jit3A_556, %eq3A : i32
      %jit3A_558 = arith.constant 1 : i32
      %select_n3A_559 = arith.select %eq3A_557, %jit3A_558, %jit3A_556 : i32
      %rem3A_560 = arith.remsi %scan3A_524, %select_n3A_559 : i32
      %ne3A_561 = arith.constant 0 : i32
      %ne3A_562 = arith.cmpi ne, %rem3A_560, %ne3A_561 : i32
      %lt3A = arith.constant 0 : i32
      %lt3A_563 = arith.cmpi slt, %rem3A_560, %lt3A : i32
      %lt3A_564 = arith.constant 0 : i32
      %lt3A_565 = arith.cmpi slt, %select_n3A_559, %lt3A_564 : i32
      %ne3A_566 = arith.xori %lt3A_563, %lt3A_565 : i1
      %and3A_567 = arith.andi %ne3A_566, %ne3A_562 : i1
      %add3A_568 = arith.addi %rem3A_560, %select_n3A_559 : i32
      %select_n3A_569 = arith.select %and3A_567, %add3A_568, %rem3A_560 : i32
      %mul3A_570 = arith.constant 32 : i32
      %mul3A_571 = arith.muli %select_n3A_569, %mul3A_570 : i32
      %swap3A = arith.index_cast %select_n3A_555 : i32 to index
      %swap3A_572 = arith.index_cast %mul3A_571 : i32 to index
      %swap3A_573 = tpu.vector_load %arg16[%swap3A, %swap3A_572] {strides = array<i32>} : memref<16x128xf32, #tpu.memory_space<vmem>>, vector<1x16xf32>,
      %swap3A_574 = vector.shape_cast %swap3A_573 : vector<1x16xf32> to vector<16xf32>
      %swap3A_575 = vector.shape_cast %get3A_527 : vector<16xf32> to vector<1x16xf32>
      tpu.vector_store %arg16[%swap3A, %swap3A_572], %swap3A_575 {strides = array<i32>} : memref<16x128xf32, #tpu.memory_space<vmem>>, vector<1x16xf32>,
      %jit3A_576 = arith.constant 4 : i32
      %div3A_577 = arith.divsi %scan3A_524, %jit3A_576 : i32
      %sign3A_578 = arith.constant 0 : i32
      %sign3A_579 = arith.cmpi sgt, %scan3A_524, %sign3A_578 : i32
      %sign3A_580 = arith.extui %sign3A_579 : i1 to i32
      %sign3A_581 = arith.constant 0 : i32
      %sign3A_582 = arith.cmpi slt, %scan3A_524, %sign3A_581 : i32
      %sign3A_583 = arith.extui %sign3A_582 : i1 to i32
      %sign3A_584 = arith.subi %sign3A_580, %sign3A_583 : i32
      %sign3A_585 = arith.constant 0 : i32
      %sign3A_586 = arith.cmpi sgt, %jit3A_576, %sign3A_585 : i32
      %sign3A_587 = arith.extui %sign3A_586 : i1 to i32
      %sign3A_588 = arith.constant 0 : i32
      %sign3A_589 = arith.cmpi slt, %jit3A_576, %sign3A_588 : i32
      %sign3A_590 = arith.extui %sign3A_589 : i1 to i32
      %sign3A_591 = arith.subi %sign3A_587, %sign3A_590 : i32
      %ne3A_592 = arith.cmpi ne, %sign3A_584, %sign3A_591 : i32
      %rem3A_593 = arith.remsi %scan3A_524, %jit3A_576 : i32
      %ne3A_594 = arith.constant 0 : i32
      %ne3A_595 = arith.cmpi ne, %rem3A_593, %ne3A_594 : i32
      %and3A_596 = arith.andi %ne3A_592, %ne3A_595 : i1
      %sub3A_597 = arith.constant 1 : i32
      %sub3A_598 = arith.subi %div3A_577, %sub3A_597 : i32
      %select_n3A_599 = arith.select %and3A_596, %sub3A_598, %div3A_577 : i32
      %jit3A_600 = arith.constant 4 : i32
      %eq3A_601 = arith.constant 0 : i32
      %eq3A_602 = arith.cmpi eq, %jit3A_600, %eq3A_601 : i32
      %jit3A_603 = arith.constant 1 : i32
      %select_n3A_604 = arith.select %eq3A_602, %jit3A_603, %jit3A_600 : i32
      %rem3A_605 = arith.remsi %scan3A_524, %select_n3A_604 : i32
      %ne3A_606 = arith.constant 0 : i32
      %ne3A_607 = arith.cmpi ne, %rem3A_605, %ne3A_606 : i32
      %lt3A_608 = arith.constant 0 : i32
      %lt3A_609 = arith.cmpi slt, %rem3A_605, %lt3A_608 : i32
      %lt3A_610 = arith.constant 0 : i32
      %lt3A_611 = arith.cmpi slt, %select_n3A_604, %lt3A_610 : i32
      %ne3A_612 = arith.xori %lt3A_609, %lt3A_611 : i1
      %and3A_613 = arith.andi %ne3A_612, %ne3A_607 : i1
      %add3A_614 = arith.addi %rem3A_605, %select_n3A_604 : i32
      %select_n3A_615 = arith.select %and3A_613, %add3A_614, %rem3A_605 : i32
      %mul3A_616 = arith.constant 32 : i32
      %mul3A_617 = arith.muli %select_n3A_615, %mul3A_616 : i32
      %add3A_618 = arith.constant 16 : i32
      %add3A_619 = arith.addi %mul3A_617, %add3A_618 : i32
      %swap3A_620 = arith.index_cast %select_n3A_599 : i32 to index
      %swap3A_621 = arith.index_cast %add3A_619 : i32 to index
      %swap3A_622 = tpu.vector_load %arg16[%swap3A_620, %swap3A_621] {strides = array<i32>} : memref<16x128xf32, #tpu.memory_space<vmem>>, vector<1x16xf32>,
      %swap3A_623 = vector.shape_cast %swap3A_622 : vector<1x16xf32> to vector<16xf32>
      %swap3A_624 = vector.shape_cast %get3A_531 : vector<16xf32> to vector<1x16xf32>
      tpu.vector_store %arg16[%swap3A_620, %swap3A_621], %swap3A_624 {strides = array<i32>} : memref<16x128xf32, #tpu.memory_space<vmem>>, vector<1x16xf32>,
    }
    %scan3A_151 = arith.constant 64 : i32
    %mul3A_152 = arith.constant 10240 : i32
    %mul3A_153 = arith.muli %arg0, %mul3A_152 : i32
    %add3A_154 = arith.addi %mul3A_153, %add3A_145 : i32
    %mul3A_155 = arith.constant 32 : i32
    %mul3A_156 = arith.muli %add3A_154, %mul3A_155 : i32
    %jit3A = arith.constant 128 : i32
    %div3A = arith.divsi %mul3A_156, %jit3A : i32
    %sign3A = arith.constant 0 : i32
    %sign3A_157 = arith.cmpi sgt, %mul3A_156, %sign3A : i32
    %sign3A_158 = arith.extui %sign3A_157 : i1 to i32
    %sign3A_159 = arith.constant 0 : i32
    %sign3A_160 = arith.cmpi slt, %mul3A_156, %sign3A_159 : i32
    %sign3A_161 = arith.extui %sign3A_160 : i1 to i32
    %sign3A_162 = arith.subi %sign3A_158, %sign3A_161 : i32
    %sign3A_163 = arith.constant 0 : i32
    %sign3A_164 = arith.cmpi sgt, %jit3A, %sign3A_163 : i32
    %sign3A_165 = arith.extui %sign3A_164 : i1 to i32
    %sign3A_166 = arith.constant 0 : i32
    %sign3A_167 = arith.cmpi slt, %jit3A, %sign3A_166 : i32
    %sign3A_168 = arith.extui %sign3A_167 : i1 to i32
    %sign3A_169 = arith.subi %sign3A_165, %sign3A_168 : i32
    %ne3A = arith.cmpi ne, %sign3A_162, %sign3A_169 : i32
    %rem3A = arith.remsi %mul3A_156, %jit3A : i32
    %ne3A_170 = arith.constant 0 : i32
    %ne3A_171 = arith.cmpi ne, %rem3A, %ne3A_170 : i32
    %and3A = arith.andi %ne3A, %ne3A_171 : i1
    %sub3A = arith.constant 1 : i32
    %sub3A_172 = arith.subi %div3A, %sub3A : i32
    %select_n3A = arith.select %and3A, %sub3A_172, %div3A : i32
    "tpu.region"() ({
      %run_scoped3A = tpu.sem_alloc : memref<!tpu.dma_semaphore, #tpu.memory_space<semaphore_mem>>
      %dma_start3A_524 = arith.constant 0 : i32
      %dma_start3A_525 = tpu.memref_slice %arg6[%select_n3A, %dma_start3A_524] : memref<5120x128xf32, #tpu.memory_space<hbm>> -> memref<16x128xf32, #tpu.memory_space<hbm>>
      %dma_start3A_526 = arith.constant 0 : i32
      %dma_start3A_527 = tpu.memref_slice %arg6[%select_n3A, %dma_start3A_526] : memref<5120x128xf32, #tpu.memory_space<hbm>> -> memref<16x128xf32, #tpu.memory_space<hbm>>
      tpu.enqueue_dma source(%arg16 : memref<16x128xf32, #tpu.memory_space<vmem>>) target(%dma_start3A_527 : memref<16x128xf32, #tpu.memory_space<hbm>>) target_semaphore(%run_scoped3A : memref<!tpu.dma_semaphore, #tpu.memory_space<semaphore_mem>>)
      %dma_wait3A_528 = arith.constant 0 : i32
      %dma_wait3A_529 = tpu.memref_slice %arg6[%select_n3A, %dma_wait3A_528] : memref<5120x128xf32, #tpu.memory_space<hbm>> -> memref<16x128xf32, #tpu.memory_space<hbm>>
      %dma_wait3A_530 = arith.constant 0 : i32
      %dma_wait3A_531 = tpu.memref_slice %arg6[%select_n3A, %dma_wait3A_530] : memref<5120x128xf32, #tpu.memory_space<hbm>> -> memref<16x128xf32, #tpu.memory_space<hbm>>
      tpu.wait_dma2 semaphore(%run_scoped3A : memref<!tpu.dma_semaphore, #tpu.memory_space<semaphore_mem>>) src(%arg16 : memref<16x128xf32, #tpu.memory_space<vmem>>) dst(%dma_wait3A_531 : memref<16x128xf32, #tpu.memory_space<hbm>>)
      tpu.yield
    }) : () -> ()
    %mul3A_173 = arith.constant 640 : i32
    %mul3A_174 = arith.muli %arg1, %mul3A_173 : i32
    %add3A_175 = arith.constant 64 : i32
    %add3A_176 = arith.addi %mul3A_174, %add3A_175 : i32
    "tpu.region"() ({
      %run_scoped3A = tpu.sem_alloc : memref<!tpu.dma_semaphore, #tpu.memory_space<semaphore_mem>>
      %dma_start3A_524 = arith.constant 0 : i32
      %dma_start3A_525 = tpu.memref_slice %arg17[%add3A_176, %dma_start3A_524] : memref<10240x32xf32, #tpu.memory_space<vmem_shared>> -> memref<64x32xf32, #tpu.memory_space<vmem_shared>>
      %dma_start3A_526 = arith.constant 0 : i32
      %dma_start3A_527 = tpu.memref_slice %arg17[%add3A_176, %dma_start3A_526] : memref<10240x32xf32, #tpu.memory_space<vmem_shared>> -> memref<64x32xf32, #tpu.memory_space<vmem_shared>>
      tpu.enqueue_dma source(%dma_start3A_527 : memref<64x32xf32, #tpu.memory_space<vmem_shared>>) target(%arg15 : memref<64x32xf32, #tpu.memory_space<vmem>>) target_semaphore(%run_scoped3A : memref<!tpu.dma_semaphore, #tpu.memory_space<semaphore_mem>>)
      %dma_wait3A_528 = arith.constant 0 : i32
      %dma_wait3A_529 = tpu.memref_slice %arg17[%add3A_176, %dma_wait3A_528] : memref<10240x32xf32, #tpu.memory_space<vmem_shared>> -> memref<64x32xf32, #tpu.memory_space<vmem_shared>>
      %dma_wait3A_530 = arith.constant 0 : i32
      %dma_wait3A_531 = tpu.memref_slice %arg17[%add3A_176, %dma_wait3A_530] : memref<10240x32xf32, #tpu.memory_space<vmem_shared>> -> memref<64x32xf32, #tpu.memory_space<vmem_shared>>
      tpu.wait_dma2 semaphore(%run_scoped3A : memref<!tpu.dma_semaphore, #tpu.memory_space<semaphore_mem>>) src(%dma_wait3A_531 : memref<64x32xf32, #tpu.memory_space<vmem_shared>>) dst(%arg15 : memref<64x32xf32, #tpu.memory_space<vmem>>)
      tpu.yield
    }) : () -> ()
    %scan3A_177 = arith.constant 0 : i32
    %scan3A_178 = arith.constant 0 : i32
    %scan3A_179 = arith.constant 64 : i32
    %scan3A_180 = arith.addi %scan3A_178, %scan3A_179 : i32
    %scan3A_181 = arith.constant 1 : i32
    scf.for %scan3A_524 = %scan3A_178 to %scan3A_180 step %scan3A_181  : i32 {
      %get3A = arith.index_cast %scan3A_524 : i32 to index
      %get3A_525 = arith.constant 0 : index
      %get3A_526 = tpu.vector_load %arg15[%get3A, %get3A_525] {strides = array<i32>} : memref<64x32xf32, #tpu.memory_space<vmem>>, vector<1x16xf32>,
      %get3A_527 = vector.shape_cast %get3A_526 : vector<1x16xf32> to vector<16xf32>
      %get3A_528 = arith.index_cast %scan3A_524 : i32 to index
      %get3A_529 = arith.constant 16 : index
      %get3A_530 = tpu.vector_load %arg15[%get3A_528, %get3A_529] {strides = array<i32>} : memref<64x32xf32, #tpu.memory_space<vmem>>, vector<1x16xf32>,
      %get3A_531 = vector.shape_cast %get3A_530 : vector<1x16xf32> to vector<16xf32>
      %jit3A_532 = arith.constant 4 : i32
      %div3A_533 = arith.divsi %scan3A_524, %jit3A_532 : i32
      %sign3A_534 = arith.constant 0 : i32
      %sign3A_535 = arith.cmpi sgt, %scan3A_524, %sign3A_534 : i32
      %sign3A_536 = arith.extui %sign3A_535 : i1 to i32
      %sign3A_537 = arith.constant 0 : i32
      %sign3A_538 = arith.cmpi slt, %scan3A_524, %sign3A_537 : i32
      %sign3A_539 = arith.extui %sign3A_538 : i1 to i32
      %sign3A_540 = arith.subi %sign3A_536, %sign3A_539 : i32
      %sign3A_541 = arith.constant 0 : i32
      %sign3A_542 = arith.cmpi sgt, %jit3A_532, %sign3A_541 : i32
      %sign3A_543 = arith.extui %sign3A_542 : i1 to i32
      %sign3A_544 = arith.constant 0 : i32
      %sign3A_545 = arith.cmpi slt, %jit3A_532, %sign3A_544 : i32
      %sign3A_546 = arith.extui %sign3A_545 : i1 to i32
      %sign3A_547 = arith.subi %sign3A_543, %sign3A_546 : i32
      %ne3A_548 = arith.cmpi ne, %sign3A_540, %sign3A_547 : i32
      %rem3A_549 = arith.remsi %scan3A_524, %jit3A_532 : i32
      %ne3A_550 = arith.constant 0 : i32
      %ne3A_551 = arith.cmpi ne, %rem3A_549, %ne3A_550 : i32
      %and3A_552 = arith.andi %ne3A_548, %ne3A_551 : i1
      %sub3A_553 = arith.constant 1 : i32
      %sub3A_554 = arith.subi %div3A_533, %sub3A_553 : i32
      %select_n3A_555 = arith.select %and3A_552, %sub3A_554, %div3A_533 : i32
      %jit3A_556 = arith.constant 4 : i32
      %eq3A = arith.constant 0 : i32
      %eq3A_557 = arith.cmpi eq, %jit3A_556, %eq3A : i32
      %jit3A_558 = arith.constant 1 : i32
      %select_n3A_559 = arith.select %eq3A_557, %jit3A_558, %jit3A_556 : i32
      %rem3A_560 = arith.remsi %scan3A_524, %select_n3A_559 : i32
      %ne3A_561 = arith.constant 0 : i32
      %ne3A_562 = arith.cmpi ne, %rem3A_560, %ne3A_561 : i32
      %lt3A = arith.constant 0 : i32
      %lt3A_563 = arith.cmpi slt, %rem3A_560, %lt3A : i32
      %lt3A_564 = arith.constant 0 : i32
      %lt3A_565 = arith.cmpi slt, %select_n3A_559, %lt3A_564 : i32
      %ne3A_566 = arith.xori %lt3A_563, %lt3A_565 : i1
      %and3A_567 = arith.andi %ne3A_566, %ne3A_562 : i1
      %add3A_568 = arith.addi %rem3A_560, %select_n3A_559 : i32
      %select_n3A_569 = arith.select %and3A_567, %add3A_568, %rem3A_560 : i32
      %mul3A_570 = arith.constant 32 : i32
      %mul3A_571 = arith.muli %select_n3A_569, %mul3A_570 : i32
      %swap3A = arith.index_cast %select_n3A_555 : i32 to index
      %swap3A_572 = arith.index_cast %mul3A_571 : i32 to index
      %swap3A_573 = tpu.vector_load %arg16[%swap3A, %swap3A_572] {strides = array<i32>} : memref<16x128xf32, #tpu.memory_space<vmem>>, vector<1x16xf32>,
      %swap3A_574 = vector.shape_cast %swap3A_573 : vector<1x16xf32> to vector<16xf32>
      %swap3A_575 = vector.shape_cast %get3A_527 : vector<16xf32> to vector<1x16xf32>
      tpu.vector_store %arg16[%swap3A, %swap3A_572], %swap3A_575 {strides = array<i32>} : memref<16x128xf32, #tpu.memory_space<vmem>>, vector<1x16xf32>,
      %jit3A_576 = arith.constant 4 : i32
      %div3A_577 = arith.divsi %scan3A_524, %jit3A_576 : i32
      %sign3A_578 = arith.constant 0 : i32
      %sign3A_579 = arith.cmpi sgt, %scan3A_524, %sign3A_578 : i32
      %sign3A_580 = arith.extui %sign3A_579 : i1 to i32
      %sign3A_581 = arith.constant 0 : i32
      %sign3A_582 = arith.cmpi slt, %scan3A_524, %sign3A_581 : i32
      %sign3A_583 = arith.extui %sign3A_582 : i1 to i32
      %sign3A_584 = arith.subi %sign3A_580, %sign3A_583 : i32
      %sign3A_585 = arith.constant 0 : i32
      %sign3A_586 = arith.cmpi sgt, %jit3A_576, %sign3A_585 : i32
      %sign3A_587 = arith.extui %sign3A_586 : i1 to i32
      %sign3A_588 = arith.constant 0 : i32
      %sign3A_589 = arith.cmpi slt, %jit3A_576, %sign3A_588 : i32
      %sign3A_590 = arith.extui %sign3A_589 : i1 to i32
      %sign3A_591 = arith.subi %sign3A_587, %sign3A_590 : i32
      %ne3A_592 = arith.cmpi ne, %sign3A_584, %sign3A_591 : i32
      %rem3A_593 = arith.remsi %scan3A_524, %jit3A_576 : i32
      %ne3A_594 = arith.constant 0 : i32
      %ne3A_595 = arith.cmpi ne, %rem3A_593, %ne3A_594 : i32
      %and3A_596 = arith.andi %ne3A_592, %ne3A_595 : i1
      %sub3A_597 = arith.constant 1 : i32
      %sub3A_598 = arith.subi %div3A_577, %sub3A_597 : i32
      %select_n3A_599 = arith.select %and3A_596, %sub3A_598, %div3A_577 : i32
      %jit3A_600 = arith.constant 4 : i32
      %eq3A_601 = arith.constant 0 : i32
      %eq3A_602 = arith.cmpi eq, %jit3A_600, %eq3A_601 : i32
      %jit3A_603 = arith.constant 1 : i32
      %select_n3A_604 = arith.select %eq3A_602, %jit3A_603, %jit3A_600 : i32
      %rem3A_605 = arith.remsi %scan3A_524, %select_n3A_604 : i32
      %ne3A_606 = arith.constant 0 : i32
      %ne3A_607 = arith.cmpi ne, %rem3A_605, %ne3A_606 : i32
      %lt3A_608 = arith.constant 0 : i32
      %lt3A_609 = arith.cmpi slt, %rem3A_605, %lt3A_608 : i32
      %lt3A_610 = arith.constant 0 : i32
      %lt3A_611 = arith.cmpi slt, %select_n3A_604, %lt3A_610 : i32
      %ne3A_612 = arith.xori %lt3A_609, %lt3A_611 : i1
      %and3A_613 = arith.andi %ne3A_612, %ne3A_607 : i1
      %add3A_614 = arith.addi %rem3A_605, %select_n3A_604 : i32
      %select_n3A_615 = arith.select %and3A_613, %add3A_614, %rem3A_605 : i32
      %mul3A_616 = arith.constant 32 : i32
      %mul3A_617 = arith.muli %select_n3A_615, %mul3A_616 : i32
      %add3A_618 = arith.constant 16 : i32
      %add3A_619 = arith.addi %mul3A_617, %add3A_618 : i32
      %swap3A_620 = arith.index_cast %select_n3A_599 : i32 to index
      %swap3A_621 = arith.index_cast %add3A_619 : i32 to index
      %swap3A_622 = tpu.vector_load %arg16[%swap3A_620, %swap3A_621] {strides = array<i32>} : memref<16x128xf32, #tpu.memory_space<vmem>>, vector<1x16xf32>,
      %swap3A_623 = vector.shape_cast %swap3A_622 : vector<1x16xf32> to vector<16xf32>
      %swap3A_624 = vector.shape_cast %get3A_531 : vector<16xf32> to vector<1x16xf32>
      tpu.vector_store %arg16[%swap3A_620, %swap3A_621], %swap3A_624 {strides = array<i32>} : memref<16x128xf32, #tpu.memory_space<vmem>>, vector<1x16xf32>,
    }
    %scan3A_182 = arith.constant 64 : i32
    %mul3A_183 = arith.constant 10240 : i32
    %mul3A_184 = arith.muli %arg0, %mul3A_183 : i32
    %add3A_185 = arith.addi %mul3A_184, %add3A_176 : i32
    %mul3A_186 = arith.constant 32 : i32
    %mul3A_187 = arith.muli %add3A_185, %mul3A_186 : i32
    %jit3A_188 = arith.constant 128 : i32
    %div3A_189 = arith.divsi %mul3A_187, %jit3A_188 : i32
    %sign3A_190 = arith.constant 0 : i32
    %sign3A_191 = arith.cmpi sgt, %mul3A_187, %sign3A_190 : i32
    %sign3A_192 = arith.extui %sign3A_191 : i1 to i32
    %sign3A_193 = arith.constant 0 : i32
    %sign3A_194 = arith.cmpi slt, %mul3A_187, %sign3A_193 : i32
    %sign3A_195 = arith.extui %sign3A_194 : i1 to i32
    %sign3A_196 = arith.subi %sign3A_192, %sign3A_195 : i32
    %sign3A_197 = arith.constant 0 : i32
    %sign3A_198 = arith.cmpi sgt, %jit3A_188, %sign3A_197 : i32
    %sign3A_199 = arith.extui %sign3A_198 : i1 to i32
    %sign3A_200 = arith.constant 0 : i32
    %sign3A_201 = arith.cmpi slt, %jit3A_188, %sign3A_200 : i32
    %sign3A_202 = arith.extui %sign3A_201 : i1 to i32
    %sign3A_203 = arith.subi %sign3A_199, %sign3A_202 : i32
    %ne3A_204 = arith.cmpi ne, %sign3A_196, %sign3A_203 : i32
    %rem3A_205 = arith.remsi %mul3A_187, %jit3A_188 : i32
    %ne3A_206 = arith.constant 0 : i32
    %ne3A_207 = arith.cmpi ne, %rem3A_205, %ne3A_206 : i32
    %and3A_208 = arith.andi %ne3A_204, %ne3A_207 : i1
    %sub3A_209 = arith.constant 1 : i32
    %sub3A_210 = arith.subi %div3A_189, %sub3A_209 : i32
    %select_n3A_211 = arith.select %and3A_208, %sub3A_210, %div3A_189 : i32
    "tpu.region"() ({
      %run_scoped3A = tpu.sem_alloc : memref<!tpu.dma_semaphore, #tpu.memory_space<semaphore_mem>>
      %dma_start3A_524 = arith.constant 0 : i32
      %dma_start3A_525 = tpu.memref_slice %arg6[%select_n3A_211, %dma_start3A_524] : memref<5120x128xf32, #tpu.memory_space<hbm>> -> memref<16x128xf32, #tpu.memory_space<hbm>>
      %dma_start3A_526 = arith.constant 0 : i32
      %dma_start3A_527 = tpu.memref_slice %arg6[%select_n3A_211, %dma_start3A_526] : memref<5120x128xf32, #tpu.memory_space<hbm>> -> memref<16x128xf32, #tpu.memory_space<hbm>>
      tpu.enqueue_dma source(%arg16 : memref<16x128xf32, #tpu.memory_space<vmem>>) target(%dma_start3A_527 : memref<16x128xf32, #tpu.memory_space<hbm>>) target_semaphore(%run_scoped3A : memref<!tpu.dma_semaphore, #tpu.memory_space<semaphore_mem>>)
      %dma_wait3A_528 = arith.constant 0 : i32
      %dma_wait3A_529 = tpu.memref_slice %arg6[%select_n3A_211, %dma_wait3A_528] : memref<5120x128xf32, #tpu.memory_space<hbm>> -> memref<16x128xf32, #tpu.memory_space<hbm>>
      %dma_wait3A_530 = arith.constant 0 : i32
      %dma_wait3A_531 = tpu.memref_slice %arg6[%select_n3A_211, %dma_wait3A_530] : memref<5120x128xf32, #tpu.memory_space<hbm>> -> memref<16x128xf32, #tpu.memory_space<hbm>>
      tpu.wait_dma2 semaphore(%run_scoped3A : memref<!tpu.dma_semaphore, #tpu.memory_space<semaphore_mem>>) src(%arg16 : memref<16x128xf32, #tpu.memory_space<vmem>>) dst(%dma_wait3A_531 : memref<16x128xf32, #tpu.memory_space<hbm>>)
      tpu.yield
    }) : () -> ()
    %mul3A_212 = arith.constant 640 : i32
    %mul3A_213 = arith.muli %arg1, %mul3A_212 : i32
    %add3A_214 = arith.constant 128 : i32
    %add3A_215 = arith.addi %mul3A_213, %add3A_214 : i32
    "tpu.region"() ({
      %run_scoped3A = tpu.sem_alloc : memref<!tpu.dma_semaphore, #tpu.memory_space<semaphore_mem>>
      %dma_start3A_524 = arith.constant 0 : i32
      %dma_start3A_525 = tpu.memref_slice %arg17[%add3A_215, %dma_start3A_524] : memref<10240x32xf32, #tpu.memory_space<vmem_shared>> -> memref<64x32xf32, #tpu.memory_space<vmem_shared>>
      %dma_start3A_526 = arith.constant 0 : i32
      %dma_start3A_527 = tpu.memref_slice %arg17[%add3A_215, %dma_start3A_526] : memref<10240x32xf32, #tpu.memory_space<vmem_shared>> -> memref<64x32xf32, #tpu.memory_space<vmem_shared>>
      tpu.enqueue_dma source(%dma_start3A_527 : memref<64x32xf32, #tpu.memory_space<vmem_shared>>) target(%arg15 : memref<64x32xf32, #tpu.memory_space<vmem>>) target_semaphore(%run_scoped3A : memref<!tpu.dma_semaphore, #tpu.memory_space<semaphore_mem>>)
      %dma_wait3A_528 = arith.constant 0 : i32
      %dma_wait3A_529 = tpu.memref_slice %arg17[%add3A_215, %dma_wait3A_528] : memref<10240x32xf32, #tpu.memory_space<vmem_shared>> -> memref<64x32xf32, #tpu.memory_space<vmem_shared>>
      %dma_wait3A_530 = arith.constant 0 : i32
      %dma_wait3A_531 = tpu.memref_slice %arg17[%add3A_215, %dma_wait3A_530] : memref<10240x32xf32, #tpu.memory_space<vmem_shared>> -> memref<64x32xf32, #tpu.memory_space<vmem_shared>>
      tpu.wait_dma2 semaphore(%run_scoped3A : memref<!tpu.dma_semaphore, #tpu.memory_space<semaphore_mem>>) src(%dma_wait3A_531 : memref<64x32xf32, #tpu.memory_space<vmem_shared>>) dst(%arg15 : memref<64x32xf32, #tpu.memory_space<vmem>>)
      tpu.yield
    }) : () -> ()
    %scan3A_216 = arith.constant 0 : i32
    %scan3A_217 = arith.constant 0 : i32
    %scan3A_218 = arith.constant 64 : i32
    %scan3A_219 = arith.addi %scan3A_217, %scan3A_218 : i32
    %scan3A_220 = arith.constant 1 : i32
    scf.for %scan3A_524 = %scan3A_217 to %scan3A_219 step %scan3A_220  : i32 {
      %get3A = arith.index_cast %scan3A_524 : i32 to index
      %get3A_525 = arith.constant 0 : index
      %get3A_526 = tpu.vector_load %arg15[%get3A, %get3A_525] {strides = array<i32>} : memref<64x32xf32, #tpu.memory_space<vmem>>, vector<1x16xf32>,
      %get3A_527 = vector.shape_cast %get3A_526 : vector<1x16xf32> to vector<16xf32>
      %get3A_528 = arith.index_cast %scan3A_524 : i32 to index
      %get3A_529 = arith.constant 16 : index
      %get3A_530 = tpu.vector_load %arg15[%get3A_528, %get3A_529] {strides = array<i32>} : memref<64x32xf32, #tpu.memory_space<vmem>>, vector<1x16xf32>,
      %get3A_531 = vector.shape_cast %get3A_530 : vector<1x16xf32> to vector<16xf32>
      %jit3A_532 = arith.constant 4 : i32
      %div3A_533 = arith.divsi %scan3A_524, %jit3A_532 : i32
      %sign3A_534 = arith.constant 0 : i32
      %sign3A_535 = arith.cmpi sgt, %scan3A_524, %sign3A_534 : i32
      %sign3A_536 = arith.extui %sign3A_535 : i1 to i32
      %sign3A_537 = arith.constant 0 : i32
      %sign3A_538 = arith.cmpi slt, %scan3A_524, %sign3A_537 : i32
      %sign3A_539 = arith.extui %sign3A_538 : i1 to i32
      %sign3A_540 = arith.subi %sign3A_536, %sign3A_539 : i32
      %sign3A_541 = arith.constant 0 : i32
      %sign3A_542 = arith.cmpi sgt, %jit3A_532, %sign3A_541 : i32
      %sign3A_543 = arith.extui %sign3A_542 : i1 to i32
      %sign3A_544 = arith.constant 0 : i32
      %sign3A_545 = arith.cmpi slt, %jit3A_532, %sign3A_544 : i32
      %sign3A_546 = arith.extui %sign3A_545 : i1 to i32
      %sign3A_547 = arith.subi %sign3A_543, %sign3A_546 : i32
      %ne3A_548 = arith.cmpi ne, %sign3A_540, %sign3A_547 : i32
      %rem3A_549 = arith.remsi %scan3A_524, %jit3A_532 : i32
      %ne3A_550 = arith.constant 0 : i32
      %ne3A_551 = arith.cmpi ne, %rem3A_549, %ne3A_550 : i32
      %and3A_552 = arith.andi %ne3A_548, %ne3A_551 : i1
      %sub3A_553 = arith.constant 1 : i32
      %sub3A_554 = arith.subi %div3A_533, %sub3A_553 : i32
      %select_n3A_555 = arith.select %and3A_552, %sub3A_554, %div3A_533 : i32
      %jit3A_556 = arith.constant 4 : i32
      %eq3A = arith.constant 0 : i32
      %eq3A_557 = arith.cmpi eq, %jit3A_556, %eq3A : i32
      %jit3A_558 = arith.constant 1 : i32
      %select_n3A_559 = arith.select %eq3A_557, %jit3A_558, %jit3A_556 : i32
      %rem3A_560 = arith.remsi %scan3A_524, %select_n3A_559 : i32
      %ne3A_561 = arith.constant 0 : i32
      %ne3A_562 = arith.cmpi ne, %rem3A_560, %ne3A_561 : i32
      %lt3A = arith.constant 0 : i32
      %lt3A_563 = arith.cmpi slt, %rem3A_560, %lt3A : i32
      %lt3A_564 = arith.constant 0 : i32
      %lt3A_565 = arith.cmpi slt, %select_n3A_559, %lt3A_564 : i32
      %ne3A_566 = arith.xori %lt3A_563, %lt3A_565 : i1
      %and3A_567 = arith.andi %ne3A_566, %ne3A_562 : i1
      %add3A_568 = arith.addi %rem3A_560, %select_n3A_559 : i32
      %select_n3A_569 = arith.select %and3A_567, %add3A_568, %rem3A_560 : i32
      %mul3A_570 = arith.constant 32 : i32
      %mul3A_571 = arith.muli %select_n3A_569, %mul3A_570 : i32
      %swap3A = arith.index_cast %select_n3A_555 : i32 to index
      %swap3A_572 = arith.index_cast %mul3A_571 : i32 to index
      %swap3A_573 = tpu.vector_load %arg16[%swap3A, %swap3A_572] {strides = array<i32>} : memref<16x128xf32, #tpu.memory_space<vmem>>, vector<1x16xf32>,
      %swap3A_574 = vector.shape_cast %swap3A_573 : vector<1x16xf32> to vector<16xf32>
      %swap3A_575 = vector.shape_cast %get3A_527 : vector<16xf32> to vector<1x16xf32>
      tpu.vector_store %arg16[%swap3A, %swap3A_572], %swap3A_575 {strides = array<i32>} : memref<16x128xf32, #tpu.memory_space<vmem>>, vector<1x16xf32>,
      %jit3A_576 = arith.constant 4 : i32
      %div3A_577 = arith.divsi %scan3A_524, %jit3A_576 : i32
      %sign3A_578 = arith.constant 0 : i32
      %sign3A_579 = arith.cmpi sgt, %scan3A_524, %sign3A_578 : i32
      %sign3A_580 = arith.extui %sign3A_579 : i1 to i32
      %sign3A_581 = arith.constant 0 : i32
      %sign3A_582 = arith.cmpi slt, %scan3A_524, %sign3A_581 : i32
      %sign3A_583 = arith.extui %sign3A_582 : i1 to i32
      %sign3A_584 = arith.subi %sign3A_580, %sign3A_583 : i32
      %sign3A_585 = arith.constant 0 : i32
      %sign3A_586 = arith.cmpi sgt, %jit3A_576, %sign3A_585 : i32
      %sign3A_587 = arith.extui %sign3A_586 : i1 to i32
      %sign3A_588 = arith.constant 0 : i32
      %sign3A_589 = arith.cmpi slt, %jit3A_576, %sign3A_588 : i32
      %sign3A_590 = arith.extui %sign3A_589 : i1 to i32
      %sign3A_591 = arith.subi %sign3A_587, %sign3A_590 : i32
      %ne3A_592 = arith.cmpi ne, %sign3A_584, %sign3A_591 : i32
      %rem3A_593 = arith.remsi %scan3A_524, %jit3A_576 : i32
      %ne3A_594 = arith.constant 0 : i32
      %ne3A_595 = arith.cmpi ne, %rem3A_593, %ne3A_594 : i32
      %and3A_596 = arith.andi %ne3A_592, %ne3A_595 : i1
      %sub3A_597 = arith.constant 1 : i32
      %sub3A_598 = arith.subi %div3A_577, %sub3A_597 : i32
      %select_n3A_599 = arith.select %and3A_596, %sub3A_598, %div3A_577 : i32
      %jit3A_600 = arith.constant 4 : i32
      %eq3A_601 = arith.constant 0 : i32
      %eq3A_602 = arith.cmpi eq, %jit3A_600, %eq3A_601 : i32
      %jit3A_603 = arith.constant 1 : i32
      %select_n3A_604 = arith.select %eq3A_602, %jit3A_603, %jit3A_600 : i32
      %rem3A_605 = arith.remsi %scan3A_524, %select_n3A_604 : i32
      %ne3A_606 = arith.constant 0 : i32
      %ne3A_607 = arith.cmpi ne, %rem3A_605, %ne3A_606 : i32
      %lt3A_608 = arith.constant 0 : i32
      %lt3A_609 = arith.cmpi slt, %rem3A_605, %lt3A_608 : i32
      %lt3A_610 = arith.constant 0 : i32
      %lt3A_611 = arith.cmpi slt, %select_n3A_604, %lt3A_610 : i32
      %ne3A_612 = arith.xori %lt3A_609, %lt3A_611 : i1
      %and3A_613 = arith.andi %ne3A_612, %ne3A_607 : i1
      %add3A_614 = arith.addi %rem3A_605, %select_n3A_604 : i32
      %select_n3A_615 = arith.select %and3A_613, %add3A_614, %rem3A_605 : i32
      %mul3A_616 = arith.constant 32 : i32
      %mul3A_617 = arith.muli %select_n3A_615, %mul3A_616 : i32
      %add3A_618 = arith.constant 16 : i32
      %add3A_619 = arith.addi %mul3A_617, %add3A_618 : i32
      %swap3A_620 = arith.index_cast %select_n3A_599 : i32 to index
      %swap3A_621 = arith.index_cast %add3A_619 : i32 to index
      %swap3A_622 = tpu.vector_load %arg16[%swap3A_620, %swap3A_621] {strides = array<i32>} : memref<16x128xf32, #tpu.memory_space<vmem>>, vector<1x16xf32>,
      %swap3A_623 = vector.shape_cast %swap3A_622 : vector<1x16xf32> to vector<16xf32>
      %swap3A_624 = vector.shape_cast %get3A_531 : vector<16xf32> to vector<1x16xf32>
      tpu.vector_store %arg16[%swap3A_620, %swap3A_621], %swap3A_624 {strides = array<i32>} : memref<16x128xf32, #tpu.memory_space<vmem>>, vector<1x16xf32>,
    }
    %scan3A_221 = arith.constant 64 : i32
    %mul3A_222 = arith.constant 10240 : i32
    %mul3A_223 = arith.muli %arg0, %mul3A_222 : i32
    %add3A_224 = arith.addi %mul3A_223, %add3A_215 : i32
    %mul3A_225 = arith.constant 32 : i32
    %mul3A_226 = arith.muli %add3A_224, %mul3A_225 : i32
    %jit3A_227 = arith.constant 128 : i32
    %div3A_228 = arith.divsi %mul3A_226, %jit3A_227 : i32
    %sign3A_229 = arith.constant 0 : i32
    %sign3A_230 = arith.cmpi sgt, %mul3A_226, %sign3A_229 : i32
    %sign3A_231 = arith.extui %sign3A_230 : i1 to i32
    %sign3A_232 = arith.constant 0 : i32
    %sign3A_233 = arith.cmpi slt, %mul3A_226, %sign3A_232 : i32
    %sign3A_234 = arith.extui %sign3A_233 : i1 to i32
    %sign3A_235 = arith.subi %sign3A_231, %sign3A_234 : i32
    %sign3A_236 = arith.constant 0 : i32
    %sign3A_237 = arith.cmpi sgt, %jit3A_227, %sign3A_236 : i32
    %sign3A_238 = arith.extui %sign3A_237 : i1 to i32
    %sign3A_239 = arith.constant 0 : i32
    %sign3A_240 = arith.cmpi slt, %jit3A_227, %sign3A_239 : i32
    %sign3A_241 = arith.extui %sign3A_240 : i1 to i32
    %sign3A_242 = arith.subi %sign3A_238, %sign3A_241 : i32
    %ne3A_243 = arith.cmpi ne, %sign3A_235, %sign3A_242 : i32
    %rem3A_244 = arith.remsi %mul3A_226, %jit3A_227 : i32
    %ne3A_245 = arith.constant 0 : i32
    %ne3A_246 = arith.cmpi ne, %rem3A_244, %ne3A_245 : i32
    %and3A_247 = arith.andi %ne3A_243, %ne3A_246 : i1
    %sub3A_248 = arith.constant 1 : i32
    %sub3A_249 = arith.subi %div3A_228, %sub3A_248 : i32
    %select_n3A_250 = arith.select %and3A_247, %sub3A_249, %div3A_228 : i32
    "tpu.region"() ({
      %run_scoped3A = tpu.sem_alloc : memref<!tpu.dma_semaphore, #tpu.memory_space<semaphore_mem>>
      %dma_start3A_524 = arith.constant 0 : i32
      %dma_start3A_525 = tpu.memref_slice %arg6[%select_n3A_250, %dma_start3A_524] : memref<5120x128xf32, #tpu.memory_space<hbm>> -> memref<16x128xf32, #tpu.memory_space<hbm>>
      %dma_start3A_526 = arith.constant 0 : i32
      %dma_start3A_527 = tpu.memref_slice %arg6[%select_n3A_250, %dma_start3A_526] : memref<5120x128xf32, #tpu.memory_space<hbm>> -> memref<16x128xf32, #tpu.memory_space<hbm>>
      tpu.enqueue_dma source(%arg16 : memref<16x128xf32, #tpu.memory_space<vmem>>) target(%dma_start3A_527 : memref<16x128xf32, #tpu.memory_space<hbm>>) target_semaphore(%run_scoped3A : memref<!tpu.dma_semaphore, #tpu.memory_space<semaphore_mem>>)
      %dma_wait3A_528 = arith.constant 0 : i32
      %dma_wait3A_529 = tpu.memref_slice %arg6[%select_n3A_250, %dma_wait3A_528] : memref<5120x128xf32, #tpu.memory_space<hbm>> -> memref<16x128xf32, #tpu.memory_space<hbm>>
      %dma_wait3A_530 = arith.constant 0 : i32
      %dma_wait3A_531 = tpu.memref_slice %arg6[%select_n3A_250, %dma_wait3A_530] : memref<5120x128xf32, #tpu.memory_space<hbm>> -> memref<16x128xf32, #tpu.memory_space<hbm>>
      tpu.wait_dma2 semaphore(%run_scoped3A : memref<!tpu.dma_semaphore, #tpu.memory_space<semaphore_mem>>) src(%arg16 : memref<16x128xf32, #tpu.memory_space<vmem>>) dst(%dma_wait3A_531 : memref<16x128xf32, #tpu.memory_space<hbm>>)
      tpu.yield
    }) : () -> ()
    %mul3A_251 = arith.constant 640 : i32
    %mul3A_252 = arith.muli %arg1, %mul3A_251 : i32
    %add3A_253 = arith.constant 192 : i32
    %add3A_254 = arith.addi %mul3A_252, %add3A_253 : i32
    "tpu.region"() ({
      %run_scoped3A = tpu.sem_alloc : memref<!tpu.dma_semaphore, #tpu.memory_space<semaphore_mem>>
      %dma_start3A_524 = arith.constant 0 : i32
      %dma_start3A_525 = tpu.memref_slice %arg17[%add3A_254, %dma_start3A_524] : memref<10240x32xf32, #tpu.memory_space<vmem_shared>> -> memref<64x32xf32, #tpu.memory_space<vmem_shared>>
      %dma_start3A_526 = arith.constant 0 : i32
      %dma_start3A_527 = tpu.memref_slice %arg17[%add3A_254, %dma_start3A_526] : memref<10240x32xf32, #tpu.memory_space<vmem_shared>> -> memref<64x32xf32, #tpu.memory_space<vmem_shared>>
      tpu.enqueue_dma source(%dma_start3A_527 : memref<64x32xf32, #tpu.memory_space<vmem_shared>>) target(%arg15 : memref<64x32xf32, #tpu.memory_space<vmem>>) target_semaphore(%run_scoped3A : memref<!tpu.dma_semaphore, #tpu.memory_space<semaphore_mem>>)
      %dma_wait3A_528 = arith.constant 0 : i32
      %dma_wait3A_529 = tpu.memref_slice %arg17[%add3A_254, %dma_wait3A_528] : memref<10240x32xf32, #tpu.memory_space<vmem_shared>> -> memref<64x32xf32, #tpu.memory_space<vmem_shared>>
      %dma_wait3A_530 = arith.constant 0 : i32
      %dma_wait3A_531 = tpu.memref_slice %arg17[%add3A_254, %dma_wait3A_530] : memref<10240x32xf32, #tpu.memory_space<vmem_shared>> -> memref<64x32xf32, #tpu.memory_space<vmem_shared>>
      tpu.wait_dma2 semaphore(%run_scoped3A : memref<!tpu.dma_semaphore, #tpu.memory_space<semaphore_mem>>) src(%dma_wait3A_531 : memref<64x32xf32, #tpu.memory_space<vmem_shared>>) dst(%arg15 : memref<64x32xf32, #tpu.memory_space<vmem>>)
      tpu.yield
    }) : () -> ()
    %scan3A_255 = arith.constant 0 : i32
    %scan3A_256 = arith.constant 0 : i32
    %scan3A_257 = arith.constant 64 : i32
    %scan3A_258 = arith.addi %scan3A_256, %scan3A_257 : i32
    %scan3A_259 = arith.constant 1 : i32
    scf.for %scan3A_524 = %scan3A_256 to %scan3A_258 step %scan3A_259  : i32 {
      %get3A = arith.index_cast %scan3A_524 : i32 to index
      %get3A_525 = arith.constant 0 : index
      %get3A_526 = tpu.vector_load %arg15[%get3A, %get3A_525] {strides = array<i32>} : memref<64x32xf32, #tpu.memory_space<vmem>>, vector<1x16xf32>,
      %get3A_527 = vector.shape_cast %get3A_526 : vector<1x16xf32> to vector<16xf32>
      %get3A_528 = arith.index_cast %scan3A_524 : i32 to index
      %get3A_529 = arith.constant 16 : index
      %get3A_530 = tpu.vector_load %arg15[%get3A_528, %get3A_529] {strides = array<i32>} : memref<64x32xf32, #tpu.memory_space<vmem>>, vector<1x16xf32>,
      %get3A_531 = vector.shape_cast %get3A_530 : vector<1x16xf32> to vector<16xf32>
      %jit3A_532 = arith.constant 4 : i32
      %div3A_533 = arith.divsi %scan3A_524, %jit3A_532 : i32
      %sign3A_534 = arith.constant 0 : i32
      %sign3A_535 = arith.cmpi sgt, %scan3A_524, %sign3A_534 : i32
      %sign3A_536 = arith.extui %sign3A_535 : i1 to i32
      %sign3A_537 = arith.constant 0 : i32
      %sign3A_538 = arith.cmpi slt, %scan3A_524, %sign3A_537 : i32
      %sign3A_539 = arith.extui %sign3A_538 : i1 to i32
      %sign3A_540 = arith.subi %sign3A_536, %sign3A_539 : i32
      %sign3A_541 = arith.constant 0 : i32
      %sign3A_542 = arith.cmpi sgt, %jit3A_532, %sign3A_541 : i32
      %sign3A_543 = arith.extui %sign3A_542 : i1 to i32
      %sign3A_544 = arith.constant 0 : i32
      %sign3A_545 = arith.cmpi slt, %jit3A_532, %sign3A_544 : i32
      %sign3A_546 = arith.extui %sign3A_545 : i1 to i32
      %sign3A_547 = arith.subi %sign3A_543, %sign3A_546 : i32
      %ne3A_548 = arith.cmpi ne, %sign3A_540, %sign3A_547 : i32
      %rem3A_549 = arith.remsi %scan3A_524, %jit3A_532 : i32
      %ne3A_550 = arith.constant 0 : i32
      %ne3A_551 = arith.cmpi ne, %rem3A_549, %ne3A_550 : i32
      %and3A_552 = arith.andi %ne3A_548, %ne3A_551 : i1
      %sub3A_553 = arith.constant 1 : i32
      %sub3A_554 = arith.subi %div3A_533, %sub3A_553 : i32
      %select_n3A_555 = arith.select %and3A_552, %sub3A_554, %div3A_533 : i32
      %jit3A_556 = arith.constant 4 : i32
      %eq3A = arith.constant 0 : i32
      %eq3A_557 = arith.cmpi eq, %jit3A_556, %eq3A : i32
      %jit3A_558 = arith.constant 1 : i32
      %select_n3A_559 = arith.select %eq3A_557, %jit3A_558, %jit3A_556 : i32
      %rem3A_560 = arith.remsi %scan3A_524, %select_n3A_559 : i32
      %ne3A_561 = arith.constant 0 : i32
      %ne3A_562 = arith.cmpi ne, %rem3A_560, %ne3A_561 : i32
      %lt3A = arith.constant 0 : i32
      %lt3A_563 = arith.cmpi slt, %rem3A_560, %lt3A : i32
      %lt3A_564 = arith.constant 0 : i32
      %lt3A_565 = arith.cmpi slt, %select_n3A_559, %lt3A_564 : i32
      %ne3A_566 = arith.xori %lt3A_563, %lt3A_565 : i1
      %and3A_567 = arith.andi %ne3A_566, %ne3A_562 : i1
      %add3A_568 = arith.addi %rem3A_560, %select_n3A_559 : i32
      %select_n3A_569 = arith.select %and3A_567, %add3A_568, %rem3A_560 : i32
      %mul3A_570 = arith.constant 32 : i32
      %mul3A_571 = arith.muli %select_n3A_569, %mul3A_570 : i32
      %swap3A = arith.index_cast %select_n3A_555 : i32 to index
      %swap3A_572 = arith.index_cast %mul3A_571 : i32 to index
      %swap3A_573 = tpu.vector_load %arg16[%swap3A, %swap3A_572] {strides = array<i32>} : memref<16x128xf32, #tpu.memory_space<vmem>>, vector<1x16xf32>,
      %swap3A_574 = vector.shape_cast %swap3A_573 : vector<1x16xf32> to vector<16xf32>
      %swap3A_575 = vector.shape_cast %get3A_527 : vector<16xf32> to vector<1x16xf32>
      tpu.vector_store %arg16[%swap3A, %swap3A_572], %swap3A_575 {strides = array<i32>} : memref<16x128xf32, #tpu.memory_space<vmem>>, vector<1x16xf32>,
      %jit3A_576 = arith.constant 4 : i32
      %div3A_577 = arith.divsi %scan3A_524, %jit3A_576 : i32
      %sign3A_578 = arith.constant 0 : i32
      %sign3A_579 = arith.cmpi sgt, %scan3A_524, %sign3A_578 : i32
      %sign3A_580 = arith.extui %sign3A_579 : i1 to i32
      %sign3A_581 = arith.constant 0 : i32
      %sign3A_582 = arith.cmpi slt, %scan3A_524, %sign3A_581 : i32
      %sign3A_583 = arith.extui %sign3A_582 : i1 to i32
      %sign3A_584 = arith.subi %sign3A_580, %sign3A_583 : i32
      %sign3A_585 = arith.constant 0 : i32
      %sign3A_586 = arith.cmpi sgt, %jit3A_576, %sign3A_585 : i32
      %sign3A_587 = arith.extui %sign3A_586 : i1 to i32
      %sign3A_588 = arith.constant 0 : i32
      %sign3A_589 = arith.cmpi slt, %jit3A_576, %sign3A_588 : i32
      %sign3A_590 = arith.extui %sign3A_589 : i1 to i32
      %sign3A_591 = arith.subi %sign3A_587, %sign3A_590 : i32
      %ne3A_592 = arith.cmpi ne, %sign3A_584, %sign3A_591 : i32
      %rem3A_593 = arith.remsi %scan3A_524, %jit3A_576 : i32
      %ne3A_594 = arith.constant 0 : i32
      %ne3A_595 = arith.cmpi ne, %rem3A_593, %ne3A_594 : i32
      %and3A_596 = arith.andi %ne3A_592, %ne3A_595 : i1
      %sub3A_597 = arith.constant 1 : i32
      %sub3A_598 = arith.subi %div3A_577, %sub3A_597 : i32
      %select_n3A_599 = arith.select %and3A_596, %sub3A_598, %div3A_577 : i32
      %jit3A_600 = arith.constant 4 : i32
      %eq3A_601 = arith.constant 0 : i32
      %eq3A_602 = arith.cmpi eq, %jit3A_600, %eq3A_601 : i32
      %jit3A_603 = arith.constant 1 : i32
      %select_n3A_604 = arith.select %eq3A_602, %jit3A_603, %jit3A_600 : i32
      %rem3A_605 = arith.remsi %scan3A_524, %select_n3A_604 : i32
      %ne3A_606 = arith.constant 0 : i32
      %ne3A_607 = arith.cmpi ne, %rem3A_605, %ne3A_606 : i32
      %lt3A_608 = arith.constant 0 : i32
      %lt3A_609 = arith.cmpi slt, %rem3A_605, %lt3A_608 : i32
      %lt3A_610 = arith.constant 0 : i32
      %lt3A_611 = arith.cmpi slt, %select_n3A_604, %lt3A_610 : i32
      %ne3A_612 = arith.xori %lt3A_609, %lt3A_611 : i1
      %and3A_613 = arith.andi %ne3A_612, %ne3A_607 : i1
      %add3A_614 = arith.addi %rem3A_605, %select_n3A_604 : i32
      %select_n3A_615 = arith.select %and3A_613, %add3A_614, %rem3A_605 : i32
      %mul3A_616 = arith.constant 32 : i32
      %mul3A_617 = arith.muli %select_n3A_615, %mul3A_616 : i32
      %add3A_618 = arith.constant 16 : i32
      %add3A_619 = arith.addi %mul3A_617, %add3A_618 : i32
      %swap3A_620 = arith.index_cast %select_n3A_599 : i32 to index
      %swap3A_621 = arith.index_cast %add3A_619 : i32 to index
      %swap3A_622 = tpu.vector_load %arg16[%swap3A_620, %swap3A_621] {strides = array<i32>} : memref<16x128xf32, #tpu.memory_space<vmem>>, vector<1x16xf32>,
      %swap3A_623 = vector.shape_cast %swap3A_622 : vector<1x16xf32> to vector<16xf32>
      %swap3A_624 = vector.shape_cast %get3A_531 : vector<16xf32> to vector<1x16xf32>
      tpu.vector_store %arg16[%swap3A_620, %swap3A_621], %swap3A_624 {strides = array<i32>} : memref<16x128xf32, #tpu.memory_space<vmem>>, vector<1x16xf32>,
    }
    %scan3A_260 = arith.constant 64 : i32
    %mul3A_261 = arith.constant 10240 : i32
    %mul3A_262 = arith.muli %arg0, %mul3A_261 : i32
    %add3A_263 = arith.addi %mul3A_262, %add3A_254 : i32
    %mul3A_264 = arith.constant 32 : i32
    %mul3A_265 = arith.muli %add3A_263, %mul3A_264 : i32
    %jit3A_266 = arith.constant 128 : i32
    %div3A_267 = arith.divsi %mul3A_265, %jit3A_266 : i32
    %sign3A_268 = arith.constant 0 : i32
    %sign3A_269 = arith.cmpi sgt, %mul3A_265, %sign3A_268 : i32
    %sign3A_270 = arith.extui %sign3A_269 : i1 to i32
    %sign3A_271 = arith.constant 0 : i32
    %sign3A_272 = arith.cmpi slt, %mul3A_265, %sign3A_271 : i32
    %sign3A_273 = arith.extui %sign3A_272 : i1 to i32
    %sign3A_274 = arith.subi %sign3A_270, %sign3A_273 : i32
    %sign3A_275 = arith.constant 0 : i32
    %sign3A_276 = arith.cmpi sgt, %jit3A_266, %sign3A_275 : i32
    %sign3A_277 = arith.extui %sign3A_276 : i1 to i32
    %sign3A_278 = arith.constant 0 : i32
    %sign3A_279 = arith.cmpi slt, %jit3A_266, %sign3A_278 : i32
    %sign3A_280 = arith.extui %sign3A_279 : i1 to i32
    %sign3A_281 = arith.subi %sign3A_277, %sign3A_280 : i32
    %ne3A_282 = arith.cmpi ne, %sign3A_274, %sign3A_281 : i32
    %rem3A_283 = arith.remsi %mul3A_265, %jit3A_266 : i32
    %ne3A_284 = arith.constant 0 : i32
    %ne3A_285 = arith.cmpi ne, %rem3A_283, %ne3A_284 : i32
    %and3A_286 = arith.andi %ne3A_282, %ne3A_285 : i1
    %sub3A_287 = arith.constant 1 : i32
    %sub3A_288 = arith.subi %div3A_267, %sub3A_287 : i32
    %select_n3A_289 = arith.select %and3A_286, %sub3A_288, %div3A_267 : i32
    "tpu.region"() ({
      %run_scoped3A = tpu.sem_alloc : memref<!tpu.dma_semaphore, #tpu.memory_space<semaphore_mem>>
      %dma_start3A_524 = arith.constant 0 : i32
      %dma_start3A_525 = tpu.memref_slice %arg6[%select_n3A_289, %dma_start3A_524] : memref<5120x128xf32, #tpu.memory_space<hbm>> -> memref<16x128xf32, #tpu.memory_space<hbm>>
      %dma_start3A_526 = arith.constant 0 : i32
      %dma_start3A_527 = tpu.memref_slice %arg6[%select_n3A_289, %dma_start3A_526] : memref<5120x128xf32, #tpu.memory_space<hbm>> -> memref<16x128xf32, #tpu.memory_space<hbm>>
      tpu.enqueue_dma source(%arg16 : memref<16x128xf32, #tpu.memory_space<vmem>>) target(%dma_start3A_527 : memref<16x128xf32, #tpu.memory_space<hbm>>) target_semaphore(%run_scoped3A : memref<!tpu.dma_semaphore, #tpu.memory_space<semaphore_mem>>)
      %dma_wait3A_528 = arith.constant 0 : i32
      %dma_wait3A_529 = tpu.memref_slice %arg6[%select_n3A_289, %dma_wait3A_528] : memref<5120x128xf32, #tpu.memory_space<hbm>> -> memref<16x128xf32, #tpu.memory_space<hbm>>
      %dma_wait3A_530 = arith.constant 0 : i32
      %dma_wait3A_531 = tpu.memref_slice %arg6[%select_n3A_289, %dma_wait3A_530] : memref<5120x128xf32, #tpu.memory_space<hbm>> -> memref<16x128xf32, #tpu.memory_space<hbm>>
      tpu.wait_dma2 semaphore(%run_scoped3A : memref<!tpu.dma_semaphore, #tpu.memory_space<semaphore_mem>>) src(%arg16 : memref<16x128xf32, #tpu.memory_space<vmem>>) dst(%dma_wait3A_531 : memref<16x128xf32, #tpu.memory_space<hbm>>)
      tpu.yield
    }) : () -> ()
    %mul3A_290 = arith.constant 640 : i32
    %mul3A_291 = arith.muli %arg1, %mul3A_290 : i32
    %add3A_292 = arith.constant 256 : i32
    %add3A_293 = arith.addi %mul3A_291, %add3A_292 : i32
    "tpu.region"() ({
      %run_scoped3A = tpu.sem_alloc : memref<!tpu.dma_semaphore, #tpu.memory_space<semaphore_mem>>
      %dma_start3A_524 = arith.constant 0 : i32
      %dma_start3A_525 = tpu.memref_slice %arg17[%add3A_293, %dma_start3A_524] : memref<10240x32xf32, #tpu.memory_space<vmem_shared>> -> memref<64x32xf32, #tpu.memory_space<vmem_shared>>
      %dma_start3A_526 = arith.constant 0 : i32
      %dma_start3A_527 = tpu.memref_slice %arg17[%add3A_293, %dma_start3A_526] : memref<10240x32xf32, #tpu.memory_space<vmem_shared>> -> memref<64x32xf32, #tpu.memory_space<vmem_shared>>
      tpu.enqueue_dma source(%dma_start3A_527 : memref<64x32xf32, #tpu.memory_space<vmem_shared>>) target(%arg15 : memref<64x32xf32, #tpu.memory_space<vmem>>) target_semaphore(%run_scoped3A : memref<!tpu.dma_semaphore, #tpu.memory_space<semaphore_mem>>)
      %dma_wait3A_528 = arith.constant 0 : i32
      %dma_wait3A_529 = tpu.memref_slice %arg17[%add3A_293, %dma_wait3A_528] : memref<10240x32xf32, #tpu.memory_space<vmem_shared>> -> memref<64x32xf32, #tpu.memory_space<vmem_shared>>
      %dma_wait3A_530 = arith.constant 0 : i32
      %dma_wait3A_531 = tpu.memref_slice %arg17[%add3A_293, %dma_wait3A_530] : memref<10240x32xf32, #tpu.memory_space<vmem_shared>> -> memref<64x32xf32, #tpu.memory_space<vmem_shared>>
      tpu.wait_dma2 semaphore(%run_scoped3A : memref<!tpu.dma_semaphore, #tpu.memory_space<semaphore_mem>>) src(%dma_wait3A_531 : memref<64x32xf32, #tpu.memory_space<vmem_shared>>) dst(%arg15 : memref<64x32xf32, #tpu.memory_space<vmem>>)
      tpu.yield
    }) : () -> ()
    %scan3A_294 = arith.constant 0 : i32
    %scan3A_295 = arith.constant 0 : i32
    %scan3A_296 = arith.constant 64 : i32
    %scan3A_297 = arith.addi %scan3A_295, %scan3A_296 : i32
    %scan3A_298 = arith.constant 1 : i32
    scf.for %scan3A_524 = %scan3A_295 to %scan3A_297 step %scan3A_298  : i32 {
      %get3A = arith.index_cast %scan3A_524 : i32 to index
      %get3A_525 = arith.constant 0 : index
      %get3A_526 = tpu.vector_load %arg15[%get3A, %get3A_525] {strides = array<i32>} : memref<64x32xf32, #tpu.memory_space<vmem>>, vector<1x16xf32>,
      %get3A_527 = vector.shape_cast %get3A_526 : vector<1x16xf32> to vector<16xf32>
      %get3A_528 = arith.index_cast %scan3A_524 : i32 to index
      %get3A_529 = arith.constant 16 : index
      %get3A_530 = tpu.vector_load %arg15[%get3A_528, %get3A_529] {strides = array<i32>} : memref<64x32xf32, #tpu.memory_space<vmem>>, vector<1x16xf32>,
      %get3A_531 = vector.shape_cast %get3A_530 : vector<1x16xf32> to vector<16xf32>
      %jit3A_532 = arith.constant 4 : i32
      %div3A_533 = arith.divsi %scan3A_524, %jit3A_532 : i32
      %sign3A_534 = arith.constant 0 : i32
      %sign3A_535 = arith.cmpi sgt, %scan3A_524, %sign3A_534 : i32
      %sign3A_536 = arith.extui %sign3A_535 : i1 to i32
      %sign3A_537 = arith.constant 0 : i32
      %sign3A_538 = arith.cmpi slt, %scan3A_524, %sign3A_537 : i32
      %sign3A_539 = arith.extui %sign3A_538 : i1 to i32
      %sign3A_540 = arith.subi %sign3A_536, %sign3A_539 : i32
      %sign3A_541 = arith.constant 0 : i32
      %sign3A_542 = arith.cmpi sgt, %jit3A_532, %sign3A_541 : i32
      %sign3A_543 = arith.extui %sign3A_542 : i1 to i32
      %sign3A_544 = arith.constant 0 : i32
      %sign3A_545 = arith.cmpi slt, %jit3A_532, %sign3A_544 : i32
      %sign3A_546 = arith.extui %sign3A_545 : i1 to i32
      %sign3A_547 = arith.subi %sign3A_543, %sign3A_546 : i32
      %ne3A_548 = arith.cmpi ne, %sign3A_540, %sign3A_547 : i32
      %rem3A_549 = arith.remsi %scan3A_524, %jit3A_532 : i32
      %ne3A_550 = arith.constant 0 : i32
      %ne3A_551 = arith.cmpi ne, %rem3A_549, %ne3A_550 : i32
      %and3A_552 = arith.andi %ne3A_548, %ne3A_551 : i1
      %sub3A_553 = arith.constant 1 : i32
      %sub3A_554 = arith.subi %div3A_533, %sub3A_553 : i32
      %select_n3A_555 = arith.select %and3A_552, %sub3A_554, %div3A_533 : i32
      %jit3A_556 = arith.constant 4 : i32
      %eq3A = arith.constant 0 : i32
      %eq3A_557 = arith.cmpi eq, %jit3A_556, %eq3A : i32
      %jit3A_558 = arith.constant 1 : i32
      %select_n3A_559 = arith.select %eq3A_557, %jit3A_558, %jit3A_556 : i32
      %rem3A_560 = arith.remsi %scan3A_524, %select_n3A_559 : i32
      %ne3A_561 = arith.constant 0 : i32
      %ne3A_562 = arith.cmpi ne, %rem3A_560, %ne3A_561 : i32
      %lt3A = arith.constant 0 : i32
      %lt3A_563 = arith.cmpi slt, %rem3A_560, %lt3A : i32
      %lt3A_564 = arith.constant 0 : i32
      %lt3A_565 = arith.cmpi slt, %select_n3A_559, %lt3A_564 : i32
      %ne3A_566 = arith.xori %lt3A_563, %lt3A_565 : i1
      %and3A_567 = arith.andi %ne3A_566, %ne3A_562 : i1
      %add3A_568 = arith.addi %rem3A_560, %select_n3A_559 : i32
      %select_n3A_569 = arith.select %and3A_567, %add3A_568, %rem3A_560 : i32
      %mul3A_570 = arith.constant 32 : i32
      %mul3A_571 = arith.muli %select_n3A_569, %mul3A_570 : i32
      %swap3A = arith.index_cast %select_n3A_555 : i32 to index
      %swap3A_572 = arith.index_cast %mul3A_571 : i32 to index
      %swap3A_573 = tpu.vector_load %arg16[%swap3A, %swap3A_572] {strides = array<i32>} : memref<16x128xf32, #tpu.memory_space<vmem>>, vector<1x16xf32>,
      %swap3A_574 = vector.shape_cast %swap3A_573 : vector<1x16xf32> to vector<16xf32>
      %swap3A_575 = vector.shape_cast %get3A_527 : vector<16xf32> to vector<1x16xf32>
      tpu.vector_store %arg16[%swap3A, %swap3A_572], %swap3A_575 {strides = array<i32>} : memref<16x128xf32, #tpu.memory_space<vmem>>, vector<1x16xf32>,
      %jit3A_576 = arith.constant 4 : i32
      %div3A_577 = arith.divsi %scan3A_524, %jit3A_576 : i32
      %sign3A_578 = arith.constant 0 : i32
      %sign3A_579 = arith.cmpi sgt, %scan3A_524, %sign3A_578 : i32
      %sign3A_580 = arith.extui %sign3A_579 : i1 to i32
      %sign3A_581 = arith.constant 0 : i32
      %sign3A_582 = arith.cmpi slt, %scan3A_524, %sign3A_581 : i32
      %sign3A_583 = arith.extui %sign3A_582 : i1 to i32
      %sign3A_584 = arith.subi %sign3A_580, %sign3A_583 : i32
      %sign3A_585 = arith.constant 0 : i32
      %sign3A_586 = arith.cmpi sgt, %jit3A_576, %sign3A_585 : i32
      %sign3A_587 = arith.extui %sign3A_586 : i1 to i32
      %sign3A_588 = arith.constant 0 : i32
      %sign3A_589 = arith.cmpi slt, %jit3A_576, %sign3A_588 : i32
      %sign3A_590 = arith.extui %sign3A_589 : i1 to i32
      %sign3A_591 = arith.subi %sign3A_587, %sign3A_590 : i32
      %ne3A_592 = arith.cmpi ne, %sign3A_584, %sign3A_591 : i32
      %rem3A_593 = arith.remsi %scan3A_524, %jit3A_576 : i32
      %ne3A_594 = arith.constant 0 : i32
      %ne3A_595 = arith.cmpi ne, %rem3A_593, %ne3A_594 : i32
      %and3A_596 = arith.andi %ne3A_592, %ne3A_595 : i1
      %sub3A_597 = arith.constant 1 : i32
      %sub3A_598 = arith.subi %div3A_577, %sub3A_597 : i32
      %select_n3A_599 = arith.select %and3A_596, %sub3A_598, %div3A_577 : i32
      %jit3A_600 = arith.constant 4 : i32
      %eq3A_601 = arith.constant 0 : i32
      %eq3A_602 = arith.cmpi eq, %jit3A_600, %eq3A_601 : i32
      %jit3A_603 = arith.constant 1 : i32
      %select_n3A_604 = arith.select %eq3A_602, %jit3A_603, %jit3A_600 : i32
      %rem3A_605 = arith.remsi %scan3A_524, %select_n3A_604 : i32
      %ne3A_606 = arith.constant 0 : i32
      %ne3A_607 = arith.cmpi ne, %rem3A_605, %ne3A_606 : i32
      %lt3A_608 = arith.constant 0 : i32
      %lt3A_609 = arith.cmpi slt, %rem3A_605, %lt3A_608 : i32
      %lt3A_610 = arith.constant 0 : i32
      %lt3A_611 = arith.cmpi slt, %select_n3A_604, %lt3A_610 : i32
      %ne3A_612 = arith.xori %lt3A_609, %lt3A_611 : i1
      %and3A_613 = arith.andi %ne3A_612, %ne3A_607 : i1
      %add3A_614 = arith.addi %rem3A_605, %select_n3A_604 : i32
      %select_n3A_615 = arith.select %and3A_613, %add3A_614, %rem3A_605 : i32
      %mul3A_616 = arith.constant 32 : i32
      %mul3A_617 = arith.muli %select_n3A_615, %mul3A_616 : i32
      %add3A_618 = arith.constant 16 : i32
      %add3A_619 = arith.addi %mul3A_617, %add3A_618 : i32
      %swap3A_620 = arith.index_cast %select_n3A_599 : i32 to index
      %swap3A_621 = arith.index_cast %add3A_619 : i32 to index
      %swap3A_622 = tpu.vector_load %arg16[%swap3A_620, %swap3A_621] {strides = array<i32>} : memref<16x128xf32, #tpu.memory_space<vmem>>, vector<1x16xf32>,
      %swap3A_623 = vector.shape_cast %swap3A_622 : vector<1x16xf32> to vector<16xf32>
      %swap3A_624 = vector.shape_cast %get3A_531 : vector<16xf32> to vector<1x16xf32>
      tpu.vector_store %arg16[%swap3A_620, %swap3A_621], %swap3A_624 {strides = array<i32>} : memref<16x128xf32, #tpu.memory_space<vmem>>, vector<1x16xf32>,
    }
    %scan3A_299 = arith.constant 64 : i32
    %mul3A_300 = arith.constant 10240 : i32
    %mul3A_301 = arith.muli %arg0, %mul3A_300 : i32
    %add3A_302 = arith.addi %mul3A_301, %add3A_293 : i32
    %mul3A_303 = arith.constant 32 : i32
    %mul3A_304 = arith.muli %add3A_302, %mul3A_303 : i32
    %jit3A_305 = arith.constant 128 : i32
    %div3A_306 = arith.divsi %mul3A_304, %jit3A_305 : i32
    %sign3A_307 = arith.constant 0 : i32
    %sign3A_308 = arith.cmpi sgt, %mul3A_304, %sign3A_307 : i32
    %sign3A_309 = arith.extui %sign3A_308 : i1 to i32
    %sign3A_310 = arith.constant 0 : i32
    %sign3A_311 = arith.cmpi slt, %mul3A_304, %sign3A_310 : i32
    %sign3A_312 = arith.extui %sign3A_311 : i1 to i32
    %sign3A_313 = arith.subi %sign3A_309, %sign3A_312 : i32
    %sign3A_314 = arith.constant 0 : i32
    %sign3A_315 = arith.cmpi sgt, %jit3A_305, %sign3A_314 : i32
    %sign3A_316 = arith.extui %sign3A_315 : i1 to i32
    %sign3A_317 = arith.constant 0 : i32
    %sign3A_318 = arith.cmpi slt, %jit3A_305, %sign3A_317 : i32
    %sign3A_319 = arith.extui %sign3A_318 : i1 to i32
    %sign3A_320 = arith.subi %sign3A_316, %sign3A_319 : i32
    %ne3A_321 = arith.cmpi ne, %sign3A_313, %sign3A_320 : i32
    %rem3A_322 = arith.remsi %mul3A_304, %jit3A_305 : i32
    %ne3A_323 = arith.constant 0 : i32
    %ne3A_324 = arith.cmpi ne, %rem3A_322, %ne3A_323 : i32
    %and3A_325 = arith.andi %ne3A_321, %ne3A_324 : i1
    %sub3A_326 = arith.constant 1 : i32
    %sub3A_327 = arith.subi %div3A_306, %sub3A_326 : i32
    %select_n3A_328 = arith.select %and3A_325, %sub3A_327, %div3A_306 : i32
    "tpu.region"() ({
      %run_scoped3A = tpu.sem_alloc : memref<!tpu.dma_semaphore, #tpu.memory_space<semaphore_mem>>
      %dma_start3A_524 = arith.constant 0 : i32
      %dma_start3A_525 = tpu.memref_slice %arg6[%select_n3A_328, %dma_start3A_524] : memref<5120x128xf32, #tpu.memory_space<hbm>> -> memref<16x128xf32, #tpu.memory_space<hbm>>
      %dma_start3A_526 = arith.constant 0 : i32
      %dma_start3A_527 = tpu.memref_slice %arg6[%select_n3A_328, %dma_start3A_526] : memref<5120x128xf32, #tpu.memory_space<hbm>> -> memref<16x128xf32, #tpu.memory_space<hbm>>
      tpu.enqueue_dma source(%arg16 : memref<16x128xf32, #tpu.memory_space<vmem>>) target(%dma_start3A_527 : memref<16x128xf32, #tpu.memory_space<hbm>>) target_semaphore(%run_scoped3A : memref<!tpu.dma_semaphore, #tpu.memory_space<semaphore_mem>>)
      %dma_wait3A_528 = arith.constant 0 : i32
      %dma_wait3A_529 = tpu.memref_slice %arg6[%select_n3A_328, %dma_wait3A_528] : memref<5120x128xf32, #tpu.memory_space<hbm>> -> memref<16x128xf32, #tpu.memory_space<hbm>>
      %dma_wait3A_530 = arith.constant 0 : i32
      %dma_wait3A_531 = tpu.memref_slice %arg6[%select_n3A_328, %dma_wait3A_530] : memref<5120x128xf32, #tpu.memory_space<hbm>> -> memref<16x128xf32, #tpu.memory_space<hbm>>
      tpu.wait_dma2 semaphore(%run_scoped3A : memref<!tpu.dma_semaphore, #tpu.memory_space<semaphore_mem>>) src(%arg16 : memref<16x128xf32, #tpu.memory_space<vmem>>) dst(%dma_wait3A_531 : memref<16x128xf32, #tpu.memory_space<hbm>>)
      tpu.yield
    }) : () -> ()
    %mul3A_329 = arith.constant 640 : i32
    %mul3A_330 = arith.muli %arg1, %mul3A_329 : i32
    %add3A_331 = arith.constant 320 : i32
    %add3A_332 = arith.addi %mul3A_330, %add3A_331 : i32
    "tpu.region"() ({
      %run_scoped3A = tpu.sem_alloc : memref<!tpu.dma_semaphore, #tpu.memory_space<semaphore_mem>>
      %dma_start3A_524 = arith.constant 0 : i32
      %dma_start3A_525 = tpu.memref_slice %arg17[%add3A_332, %dma_start3A_524] : memref<10240x32xf32, #tpu.memory_space<vmem_shared>> -> memref<64x32xf32, #tpu.memory_space<vmem_shared>>
      %dma_start3A_526 = arith.constant 0 : i32
      %dma_start3A_527 = tpu.memref_slice %arg17[%add3A_332, %dma_start3A_526] : memref<10240x32xf32, #tpu.memory_space<vmem_shared>> -> memref<64x32xf32, #tpu.memory_space<vmem_shared>>
      tpu.enqueue_dma source(%dma_start3A_527 : memref<64x32xf32, #tpu.memory_space<vmem_shared>>) target(%arg15 : memref<64x32xf32, #tpu.memory_space<vmem>>) target_semaphore(%run_scoped3A : memref<!tpu.dma_semaphore, #tpu.memory_space<semaphore_mem>>)
      %dma_wait3A_528 = arith.constant 0 : i32
      %dma_wait3A_529 = tpu.memref_slice %arg17[%add3A_332, %dma_wait3A_528] : memref<10240x32xf32, #tpu.memory_space<vmem_shared>> -> memref<64x32xf32, #tpu.memory_space<vmem_shared>>
      %dma_wait3A_530 = arith.constant 0 : i32
      %dma_wait3A_531 = tpu.memref_slice %arg17[%add3A_332, %dma_wait3A_530] : memref<10240x32xf32, #tpu.memory_space<vmem_shared>> -> memref<64x32xf32, #tpu.memory_space<vmem_shared>>
      tpu.wait_dma2 semaphore(%run_scoped3A : memref<!tpu.dma_semaphore, #tpu.memory_space<semaphore_mem>>) src(%dma_wait3A_531 : memref<64x32xf32, #tpu.memory_space<vmem_shared>>) dst(%arg15 : memref<64x32xf32, #tpu.memory_space<vmem>>)
      tpu.yield
    }) : () -> ()
    %scan3A_333 = arith.constant 0 : i32
    %scan3A_334 = arith.constant 0 : i32
    %scan3A_335 = arith.constant 64 : i32
    %scan3A_336 = arith.addi %scan3A_334, %scan3A_335 : i32
    %scan3A_337 = arith.constant 1 : i32
    scf.for %scan3A_524 = %scan3A_334 to %scan3A_336 step %scan3A_337  : i32 {
      %get3A = arith.index_cast %scan3A_524 : i32 to index
      %get3A_525 = arith.constant 0 : index
      %get3A_526 = tpu.vector_load %arg15[%get3A, %get3A_525] {strides = array<i32>} : memref<64x32xf32, #tpu.memory_space<vmem>>, vector<1x16xf32>,
      %get3A_527 = vector.shape_cast %get3A_526 : vector<1x16xf32> to vector<16xf32>
      %get3A_528 = arith.index_cast %scan3A_524 : i32 to index
      %get3A_529 = arith.constant 16 : index
      %get3A_530 = tpu.vector_load %arg15[%get3A_528, %get3A_529] {strides = array<i32>} : memref<64x32xf32, #tpu.memory_space<vmem>>, vector<1x16xf32>,
      %get3A_531 = vector.shape_cast %get3A_530 : vector<1x16xf32> to vector<16xf32>
      %jit3A_532 = arith.constant 4 : i32
      %div3A_533 = arith.divsi %scan3A_524, %jit3A_532 : i32
      %sign3A_534 = arith.constant 0 : i32
      %sign3A_535 = arith.cmpi sgt, %scan3A_524, %sign3A_534 : i32
      %sign3A_536 = arith.extui %sign3A_535 : i1 to i32
      %sign3A_537 = arith.constant 0 : i32
      %sign3A_538 = arith.cmpi slt, %scan3A_524, %sign3A_537 : i32
      %sign3A_539 = arith.extui %sign3A_538 : i1 to i32
      %sign3A_540 = arith.subi %sign3A_536, %sign3A_539 : i32
      %sign3A_541 = arith.constant 0 : i32
      %sign3A_542 = arith.cmpi sgt, %jit3A_532, %sign3A_541 : i32
      %sign3A_543 = arith.extui %sign3A_542 : i1 to i32
      %sign3A_544 = arith.constant 0 : i32
      %sign3A_545 = arith.cmpi slt, %jit3A_532, %sign3A_544 : i32
      %sign3A_546 = arith.extui %sign3A_545 : i1 to i32
      %sign3A_547 = arith.subi %sign3A_543, %sign3A_546 : i32
      %ne3A_548 = arith.cmpi ne, %sign3A_540, %sign3A_547 : i32
      %rem3A_549 = arith.remsi %scan3A_524, %jit3A_532 : i32
      %ne3A_550 = arith.constant 0 : i32
      %ne3A_551 = arith.cmpi ne, %rem3A_549, %ne3A_550 : i32
      %and3A_552 = arith.andi %ne3A_548, %ne3A_551 : i1
      %sub3A_553 = arith.constant 1 : i32
      %sub3A_554 = arith.subi %div3A_533, %sub3A_553 : i32
      %select_n3A_555 = arith.select %and3A_552, %sub3A_554, %div3A_533 : i32
      %jit3A_556 = arith.constant 4 : i32
      %eq3A = arith.constant 0 : i32
      %eq3A_557 = arith.cmpi eq, %jit3A_556, %eq3A : i32
      %jit3A_558 = arith.constant 1 : i32
      %select_n3A_559 = arith.select %eq3A_557, %jit3A_558, %jit3A_556 : i32
      %rem3A_560 = arith.remsi %scan3A_524, %select_n3A_559 : i32
      %ne3A_561 = arith.constant 0 : i32
      %ne3A_562 = arith.cmpi ne, %rem3A_560, %ne3A_561 : i32
      %lt3A = arith.constant 0 : i32
      %lt3A_563 = arith.cmpi slt, %rem3A_560, %lt3A : i32
      %lt3A_564 = arith.constant 0 : i32
      %lt3A_565 = arith.cmpi slt, %select_n3A_559, %lt3A_564 : i32
      %ne3A_566 = arith.xori %lt3A_563, %lt3A_565 : i1
      %and3A_567 = arith.andi %ne3A_566, %ne3A_562 : i1
      %add3A_568 = arith.addi %rem3A_560, %select_n3A_559 : i32
      %select_n3A_569 = arith.select %and3A_567, %add3A_568, %rem3A_560 : i32
      %mul3A_570 = arith.constant 32 : i32
      %mul3A_571 = arith.muli %select_n3A_569, %mul3A_570 : i32
      %swap3A = arith.index_cast %select_n3A_555 : i32 to index
      %swap3A_572 = arith.index_cast %mul3A_571 : i32 to index
      %swap3A_573 = tpu.vector_load %arg16[%swap3A, %swap3A_572] {strides = array<i32>} : memref<16x128xf32, #tpu.memory_space<vmem>>, vector<1x16xf32>,
      %swap3A_574 = vector.shape_cast %swap3A_573 : vector<1x16xf32> to vector<16xf32>
      %swap3A_575 = vector.shape_cast %get3A_527 : vector<16xf32> to vector<1x16xf32>
      tpu.vector_store %arg16[%swap3A, %swap3A_572], %swap3A_575 {strides = array<i32>} : memref<16x128xf32, #tpu.memory_space<vmem>>, vector<1x16xf32>,
      %jit3A_576 = arith.constant 4 : i32
      %div3A_577 = arith.divsi %scan3A_524, %jit3A_576 : i32
      %sign3A_578 = arith.constant 0 : i32
      %sign3A_579 = arith.cmpi sgt, %scan3A_524, %sign3A_578 : i32
      %sign3A_580 = arith.extui %sign3A_579 : i1 to i32
      %sign3A_581 = arith.constant 0 : i32
      %sign3A_582 = arith.cmpi slt, %scan3A_524, %sign3A_581 : i32
      %sign3A_583 = arith.extui %sign3A_582 : i1 to i32
      %sign3A_584 = arith.subi %sign3A_580, %sign3A_583 : i32
      %sign3A_585 = arith.constant 0 : i32
      %sign3A_586 = arith.cmpi sgt, %jit3A_576, %sign3A_585 : i32
      %sign3A_587 = arith.extui %sign3A_586 : i1 to i32
      %sign3A_588 = arith.constant 0 : i32
      %sign3A_589 = arith.cmpi slt, %jit3A_576, %sign3A_588 : i32
      %sign3A_590 = arith.extui %sign3A_589 : i1 to i32
      %sign3A_591 = arith.subi %sign3A_587, %sign3A_590 : i32
      %ne3A_592 = arith.cmpi ne, %sign3A_584, %sign3A_591 : i32
      %rem3A_593 = arith.remsi %scan3A_524, %jit3A_576 : i32
      %ne3A_594 = arith.constant 0 : i32
      %ne3A_595 = arith.cmpi ne, %rem3A_593, %ne3A_594 : i32
      %and3A_596 = arith.andi %ne3A_592, %ne3A_595 : i1
      %sub3A_597 = arith.constant 1 : i32
      %sub3A_598 = arith.subi %div3A_577, %sub3A_597 : i32
      %select_n3A_599 = arith.select %and3A_596, %sub3A_598, %div3A_577 : i32
      %jit3A_600 = arith.constant 4 : i32
      %eq3A_601 = arith.constant 0 : i32
      %eq3A_602 = arith.cmpi eq, %jit3A_600, %eq3A_601 : i32
      %jit3A_603 = arith.constant 1 : i32
      %select_n3A_604 = arith.select %eq3A_602, %jit3A_603, %jit3A_600 : i32
      %rem3A_605 = arith.remsi %scan3A_524, %select_n3A_604 : i32
      %ne3A_606 = arith.constant 0 : i32
      %ne3A_607 = arith.cmpi ne, %rem3A_605, %ne3A_606 : i32
      %lt3A_608 = arith.constant 0 : i32
      %lt3A_609 = arith.cmpi slt, %rem3A_605, %lt3A_608 : i32
      %lt3A_610 = arith.constant 0 : i32
      %lt3A_611 = arith.cmpi slt, %select_n3A_604, %lt3A_610 : i32
      %ne3A_612 = arith.xori %lt3A_609, %lt3A_611 : i1
      %and3A_613 = arith.andi %ne3A_612, %ne3A_607 : i1
      %add3A_614 = arith.addi %rem3A_605, %select_n3A_604 : i32
      %select_n3A_615 = arith.select %and3A_613, %add3A_614, %rem3A_605 : i32
      %mul3A_616 = arith.constant 32 : i32
      %mul3A_617 = arith.muli %select_n3A_615, %mul3A_616 : i32
      %add3A_618 = arith.constant 16 : i32
      %add3A_619 = arith.addi %mul3A_617, %add3A_618 : i32
      %swap3A_620 = arith.index_cast %select_n3A_599 : i32 to index
      %swap3A_621 = arith.index_cast %add3A_619 : i32 to index
      %swap3A_622 = tpu.vector_load %arg16[%swap3A_620, %swap3A_621] {strides = array<i32>} : memref<16x128xf32, #tpu.memory_space<vmem>>, vector<1x16xf32>,
      %swap3A_623 = vector.shape_cast %swap3A_622 : vector<1x16xf32> to vector<16xf32>
      %swap3A_624 = vector.shape_cast %get3A_531 : vector<16xf32> to vector<1x16xf32>
      tpu.vector_store %arg16[%swap3A_620, %swap3A_621], %swap3A_624 {strides = array<i32>} : memref<16x128xf32, #tpu.memory_space<vmem>>, vector<1x16xf32>,
    }
    %scan3A_338 = arith.constant 64 : i32
    %mul3A_339 = arith.constant 10240 : i32
    %mul3A_340 = arith.muli %arg0, %mul3A_339 : i32
    %add3A_341 = arith.addi %mul3A_340, %add3A_332 : i32
    %mul3A_342 = arith.constant 32 : i32
    %mul3A_343 = arith.muli %add3A_341, %mul3A_342 : i32
    %jit3A_344 = arith.constant 128 : i32
    %div3A_345 = arith.divsi %mul3A_343, %jit3A_344 : i32
    %sign3A_346 = arith.constant 0 : i32
    %sign3A_347 = arith.cmpi sgt, %mul3A_343, %sign3A_346 : i32
    %sign3A_348 = arith.extui %sign3A_347 : i1 to i32
    %sign3A_349 = arith.constant 0 : i32
    %sign3A_350 = arith.cmpi slt, %mul3A_343, %sign3A_349 : i32
    %sign3A_351 = arith.extui %sign3A_350 : i1 to i32
    %sign3A_352 = arith.subi %sign3A_348, %sign3A_351 : i32
    %sign3A_353 = arith.constant 0 : i32
    %sign3A_354 = arith.cmpi sgt, %jit3A_344, %sign3A_353 : i32
    %sign3A_355 = arith.extui %sign3A_354 : i1 to i32
    %sign3A_356 = arith.constant 0 : i32
    %sign3A_357 = arith.cmpi slt, %jit3A_344, %sign3A_356 : i32
    %sign3A_358 = arith.extui %sign3A_357 : i1 to i32
    %sign3A_359 = arith.subi %sign3A_355, %sign3A_358 : i32
    %ne3A_360 = arith.cmpi ne, %sign3A_352, %sign3A_359 : i32
    %rem3A_361 = arith.remsi %mul3A_343, %jit3A_344 : i32
    %ne3A_362 = arith.constant 0 : i32
    %ne3A_363 = arith.cmpi ne, %rem3A_361, %ne3A_362 : i32
    %and3A_364 = arith.andi %ne3A_360, %ne3A_363 : i1
    %sub3A_365 = arith.constant 1 : i32
    %sub3A_366 = arith.subi %div3A_345, %sub3A_365 : i32
    %select_n3A_367 = arith.select %and3A_364, %sub3A_366, %div3A_345 : i32
    "tpu.region"() ({
      %run_scoped3A = tpu.sem_alloc : memref<!tpu.dma_semaphore, #tpu.memory_space<semaphore_mem>>
      %dma_start3A_524 = arith.constant 0 : i32
      %dma_start3A_525 = tpu.memref_slice %arg6[%select_n3A_367, %dma_start3A_524] : memref<5120x128xf32, #tpu.memory_space<hbm>> -> memref<16x128xf32, #tpu.memory_space<hbm>>
      %dma_start3A_526 = arith.constant 0 : i32
      %dma_start3A_527 = tpu.memref_slice %arg6[%select_n3A_367, %dma_start3A_526] : memref<5120x128xf32, #tpu.memory_space<hbm>> -> memref<16x128xf32, #tpu.memory_space<hbm>>
      tpu.enqueue_dma source(%arg16 : memref<16x128xf32, #tpu.memory_space<vmem>>) target(%dma_start3A_527 : memref<16x128xf32, #tpu.memory_space<hbm>>) target_semaphore(%run_scoped3A : memref<!tpu.dma_semaphore, #tpu.memory_space<semaphore_mem>>)
      %dma_wait3A_528 = arith.constant 0 : i32
      %dma_wait3A_529 = tpu.memref_slice %arg6[%select_n3A_367, %dma_wait3A_528] : memref<5120x128xf32, #tpu.memory_space<hbm>> -> memref<16x128xf32, #tpu.memory_space<hbm>>
      %dma_wait3A_530 = arith.constant 0 : i32
      %dma_wait3A_531 = tpu.memref_slice %arg6[%select_n3A_367, %dma_wait3A_530] : memref<5120x128xf32, #tpu.memory_space<hbm>> -> memref<16x128xf32, #tpu.memory_space<hbm>>
      tpu.wait_dma2 semaphore(%run_scoped3A : memref<!tpu.dma_semaphore, #tpu.memory_space<semaphore_mem>>) src(%arg16 : memref<16x128xf32, #tpu.memory_space<vmem>>) dst(%dma_wait3A_531 : memref<16x128xf32, #tpu.memory_space<hbm>>)
      tpu.yield
    }) : () -> ()
    %mul3A_368 = arith.constant 640 : i32
    %mul3A_369 = arith.muli %arg1, %mul3A_368 : i32
    %add3A_370 = arith.constant 384 : i32
    %add3A_371 = arith.addi %mul3A_369, %add3A_370 : i32
    "tpu.region"() ({
      %run_scoped3A = tpu.sem_alloc : memref<!tpu.dma_semaphore, #tpu.memory_space<semaphore_mem>>
      %dma_start3A_524 = arith.constant 0 : i32
      %dma_start3A_525 = tpu.memref_slice %arg17[%add3A_371, %dma_start3A_524] : memref<10240x32xf32, #tpu.memory_space<vmem_shared>> -> memref<64x32xf32, #tpu.memory_space<vmem_shared>>
      %dma_start3A_526 = arith.constant 0 : i32
      %dma_start3A_527 = tpu.memref_slice %arg17[%add3A_371, %dma_start3A_526] : memref<10240x32xf32, #tpu.memory_space<vmem_shared>> -> memref<64x32xf32, #tpu.memory_space<vmem_shared>>
      tpu.enqueue_dma source(%dma_start3A_527 : memref<64x32xf32, #tpu.memory_space<vmem_shared>>) target(%arg15 : memref<64x32xf32, #tpu.memory_space<vmem>>) target_semaphore(%run_scoped3A : memref<!tpu.dma_semaphore, #tpu.memory_space<semaphore_mem>>)
      %dma_wait3A_528 = arith.constant 0 : i32
      %dma_wait3A_529 = tpu.memref_slice %arg17[%add3A_371, %dma_wait3A_528] : memref<10240x32xf32, #tpu.memory_space<vmem_shared>> -> memref<64x32xf32, #tpu.memory_space<vmem_shared>>
      %dma_wait3A_530 = arith.constant 0 : i32
      %dma_wait3A_531 = tpu.memref_slice %arg17[%add3A_371, %dma_wait3A_530] : memref<10240x32xf32, #tpu.memory_space<vmem_shared>> -> memref<64x32xf32, #tpu.memory_space<vmem_shared>>
      tpu.wait_dma2 semaphore(%run_scoped3A : memref<!tpu.dma_semaphore, #tpu.memory_space<semaphore_mem>>) src(%dma_wait3A_531 : memref<64x32xf32, #tpu.memory_space<vmem_shared>>) dst(%arg15 : memref<64x32xf32, #tpu.memory_space<vmem>>)
      tpu.yield
    }) : () -> ()
    %scan3A_372 = arith.constant 0 : i32
    %scan3A_373 = arith.constant 0 : i32
    %scan3A_374 = arith.constant 64 : i32
    %scan3A_375 = arith.addi %scan3A_373, %scan3A_374 : i32
    %scan3A_376 = arith.constant 1 : i32
    scf.for %scan3A_524 = %scan3A_373 to %scan3A_375 step %scan3A_376  : i32 {
      %get3A = arith.index_cast %scan3A_524 : i32 to index
      %get3A_525 = arith.constant 0 : index
      %get3A_526 = tpu.vector_load %arg15[%get3A, %get3A_525] {strides = array<i32>} : memref<64x32xf32, #tpu.memory_space<vmem>>, vector<1x16xf32>,
      %get3A_527 = vector.shape_cast %get3A_526 : vector<1x16xf32> to vector<16xf32>
      %get3A_528 = arith.index_cast %scan3A_524 : i32 to index
      %get3A_529 = arith.constant 16 : index
      %get3A_530 = tpu.vector_load %arg15[%get3A_528, %get3A_529] {strides = array<i32>} : memref<64x32xf32, #tpu.memory_space<vmem>>, vector<1x16xf32>,
      %get3A_531 = vector.shape_cast %get3A_530 : vector<1x16xf32> to vector<16xf32>
      %jit3A_532 = arith.constant 4 : i32
      %div3A_533 = arith.divsi %scan3A_524, %jit3A_532 : i32
      %sign3A_534 = arith.constant 0 : i32
      %sign3A_535 = arith.cmpi sgt, %scan3A_524, %sign3A_534 : i32
      %sign3A_536 = arith.extui %sign3A_535 : i1 to i32
      %sign3A_537 = arith.constant 0 : i32
      %sign3A_538 = arith.cmpi slt, %scan3A_524, %sign3A_537 : i32
      %sign3A_539 = arith.extui %sign3A_538 : i1 to i32
      %sign3A_540 = arith.subi %sign3A_536, %sign3A_539 : i32
      %sign3A_541 = arith.constant 0 : i32
      %sign3A_542 = arith.cmpi sgt, %jit3A_532, %sign3A_541 : i32
      %sign3A_543 = arith.extui %sign3A_542 : i1 to i32
      %sign3A_544 = arith.constant 0 : i32
      %sign3A_545 = arith.cmpi slt, %jit3A_532, %sign3A_544 : i32
      %sign3A_546 = arith.extui %sign3A_545 : i1 to i32
      %sign3A_547 = arith.subi %sign3A_543, %sign3A_546 : i32
      %ne3A_548 = arith.cmpi ne, %sign3A_540, %sign3A_547 : i32
      %rem3A_549 = arith.remsi %scan3A_524, %jit3A_532 : i32
      %ne3A_550 = arith.constant 0 : i32
      %ne3A_551 = arith.cmpi ne, %rem3A_549, %ne3A_550 : i32
      %and3A_552 = arith.andi %ne3A_548, %ne3A_551 : i1
      %sub3A_553 = arith.constant 1 : i32
      %sub3A_554 = arith.subi %div3A_533, %sub3A_553 : i32
      %select_n3A_555 = arith.select %and3A_552, %sub3A_554, %div3A_533 : i32
      %jit3A_556 = arith.constant 4 : i32
      %eq3A = arith.constant 0 : i32
      %eq3A_557 = arith.cmpi eq, %jit3A_556, %eq3A : i32
      %jit3A_558 = arith.constant 1 : i32
      %select_n3A_559 = arith.select %eq3A_557, %jit3A_558, %jit3A_556 : i32
      %rem3A_560 = arith.remsi %scan3A_524, %select_n3A_559 : i32
      %ne3A_561 = arith.constant 0 : i32
      %ne3A_562 = arith.cmpi ne, %rem3A_560, %ne3A_561 : i32
      %lt3A = arith.constant 0 : i32
      %lt3A_563 = arith.cmpi slt, %rem3A_560, %lt3A : i32
      %lt3A_564 = arith.constant 0 : i32
      %lt3A_565 = arith.cmpi slt, %select_n3A_559, %lt3A_564 : i32
      %ne3A_566 = arith.xori %lt3A_563, %lt3A_565 : i1
      %and3A_567 = arith.andi %ne3A_566, %ne3A_562 : i1
      %add3A_568 = arith.addi %rem3A_560, %select_n3A_559 : i32
      %select_n3A_569 = arith.select %and3A_567, %add3A_568, %rem3A_560 : i32
      %mul3A_570 = arith.constant 32 : i32
      %mul3A_571 = arith.muli %select_n3A_569, %mul3A_570 : i32
      %swap3A = arith.index_cast %select_n3A_555 : i32 to index
      %swap3A_572 = arith.index_cast %mul3A_571 : i32 to index
      %swap3A_573 = tpu.vector_load %arg16[%swap3A, %swap3A_572] {strides = array<i32>} : memref<16x128xf32, #tpu.memory_space<vmem>>, vector<1x16xf32>,
      %swap3A_574 = vector.shape_cast %swap3A_573 : vector<1x16xf32> to vector<16xf32>
      %swap3A_575 = vector.shape_cast %get3A_527 : vector<16xf32> to vector<1x16xf32>
      tpu.vector_store %arg16[%swap3A, %swap3A_572], %swap3A_575 {strides = array<i32>} : memref<16x128xf32, #tpu.memory_space<vmem>>, vector<1x16xf32>,
      %jit3A_576 = arith.constant 4 : i32
      %div3A_577 = arith.divsi %scan3A_524, %jit3A_576 : i32
      %sign3A_578 = arith.constant 0 : i32
      %sign3A_579 = arith.cmpi sgt, %scan3A_524, %sign3A_578 : i32
      %sign3A_580 = arith.extui %sign3A_579 : i1 to i32
      %sign3A_581 = arith.constant 0 : i32
      %sign3A_582 = arith.cmpi slt, %scan3A_524, %sign3A_581 : i32
      %sign3A_583 = arith.extui %sign3A_582 : i1 to i32
      %sign3A_584 = arith.subi %sign3A_580, %sign3A_583 : i32
      %sign3A_585 = arith.constant 0 : i32
      %sign3A_586 = arith.cmpi sgt, %jit3A_576, %sign3A_585 : i32
      %sign3A_587 = arith.extui %sign3A_586 : i1 to i32
      %sign3A_588 = arith.constant 0 : i32
      %sign3A_589 = arith.cmpi slt, %jit3A_576, %sign3A_588 : i32
      %sign3A_590 = arith.extui %sign3A_589 : i1 to i32
      %sign3A_591 = arith.subi %sign3A_587, %sign3A_590 : i32
      %ne3A_592 = arith.cmpi ne, %sign3A_584, %sign3A_591 : i32
      %rem3A_593 = arith.remsi %scan3A_524, %jit3A_576 : i32
      %ne3A_594 = arith.constant 0 : i32
      %ne3A_595 = arith.cmpi ne, %rem3A_593, %ne3A_594 : i32
      %and3A_596 = arith.andi %ne3A_592, %ne3A_595 : i1
      %sub3A_597 = arith.constant 1 : i32
      %sub3A_598 = arith.subi %div3A_577, %sub3A_597 : i32
      %select_n3A_599 = arith.select %and3A_596, %sub3A_598, %div3A_577 : i32
      %jit3A_600 = arith.constant 4 : i32
      %eq3A_601 = arith.constant 0 : i32
      %eq3A_602 = arith.cmpi eq, %jit3A_600, %eq3A_601 : i32
      %jit3A_603 = arith.constant 1 : i32
      %select_n3A_604 = arith.select %eq3A_602, %jit3A_603, %jit3A_600 : i32
      %rem3A_605 = arith.remsi %scan3A_524, %select_n3A_604 : i32
      %ne3A_606 = arith.constant 0 : i32
      %ne3A_607 = arith.cmpi ne, %rem3A_605, %ne3A_606 : i32
      %lt3A_608 = arith.constant 0 : i32
      %lt3A_609 = arith.cmpi slt, %rem3A_605, %lt3A_608 : i32
      %lt3A_610 = arith.constant 0 : i32
      %lt3A_611 = arith.cmpi slt, %select_n3A_604, %lt3A_610 : i32
      %ne3A_612 = arith.xori %lt3A_609, %lt3A_611 : i1
      %and3A_613 = arith.andi %ne3A_612, %ne3A_607 : i1
      %add3A_614 = arith.addi %rem3A_605, %select_n3A_604 : i32
      %select_n3A_615 = arith.select %and3A_613, %add3A_614, %rem3A_605 : i32
      %mul3A_616 = arith.constant 32 : i32
      %mul3A_617 = arith.muli %select_n3A_615, %mul3A_616 : i32
      %add3A_618 = arith.constant 16 : i32
      %add3A_619 = arith.addi %mul3A_617, %add3A_618 : i32
      %swap3A_620 = arith.index_cast %select_n3A_599 : i32 to index
      %swap3A_621 = arith.index_cast %add3A_619 : i32 to index
      %swap3A_622 = tpu.vector_load %arg16[%swap3A_620, %swap3A_621] {strides = array<i32>} : memref<16x128xf32, #tpu.memory_space<vmem>>, vector<1x16xf32>,
      %swap3A_623 = vector.shape_cast %swap3A_622 : vector<1x16xf32> to vector<16xf32>
      %swap3A_624 = vector.shape_cast %get3A_531 : vector<16xf32> to vector<1x16xf32>
      tpu.vector_store %arg16[%swap3A_620, %swap3A_621], %swap3A_624 {strides = array<i32>} : memref<16x128xf32, #tpu.memory_space<vmem>>, vector<1x16xf32>,
    }
    %scan3A_377 = arith.constant 64 : i32
    %mul3A_378 = arith.constant 10240 : i32
    %mul3A_379 = arith.muli %arg0, %mul3A_378 : i32
    %add3A_380 = arith.addi %mul3A_379, %add3A_371 : i32
    %mul3A_381 = arith.constant 32 : i32
    %mul3A_382 = arith.muli %add3A_380, %mul3A_381 : i32
    %jit3A_383 = arith.constant 128 : i32
    %div3A_384 = arith.divsi %mul3A_382, %jit3A_383 : i32
    %sign3A_385 = arith.constant 0 : i32
    %sign3A_386 = arith.cmpi sgt, %mul3A_382, %sign3A_385 : i32
    %sign3A_387 = arith.extui %sign3A_386 : i1 to i32
    %sign3A_388 = arith.constant 0 : i32
    %sign3A_389 = arith.cmpi slt, %mul3A_382, %sign3A_388 : i32
    %sign3A_390 = arith.extui %sign3A_389 : i1 to i32
    %sign3A_391 = arith.subi %sign3A_387, %sign3A_390 : i32
    %sign3A_392 = arith.constant 0 : i32
    %sign3A_393 = arith.cmpi sgt, %jit3A_383, %sign3A_392 : i32
    %sign3A_394 = arith.extui %sign3A_393 : i1 to i32
    %sign3A_395 = arith.constant 0 : i32
    %sign3A_396 = arith.cmpi slt, %jit3A_383, %sign3A_395 : i32
    %sign3A_397 = arith.extui %sign3A_396 : i1 to i32
    %sign3A_398 = arith.subi %sign3A_394, %sign3A_397 : i32
    %ne3A_399 = arith.cmpi ne, %sign3A_391, %sign3A_398 : i32
    %rem3A_400 = arith.remsi %mul3A_382, %jit3A_383 : i32
    %ne3A_401 = arith.constant 0 : i32
    %ne3A_402 = arith.cmpi ne, %rem3A_400, %ne3A_401 : i32
    %and3A_403 = arith.andi %ne3A_399, %ne3A_402 : i1
    %sub3A_404 = arith.constant 1 : i32
    %sub3A_405 = arith.subi %div3A_384, %sub3A_404 : i32
    %select_n3A_406 = arith.select %and3A_403, %sub3A_405, %div3A_384 : i32
    "tpu.region"() ({
      %run_scoped3A = tpu.sem_alloc : memref<!tpu.dma_semaphore, #tpu.memory_space<semaphore_mem>>
      %dma_start3A_524 = arith.constant 0 : i32
      %dma_start3A_525 = tpu.memref_slice %arg6[%select_n3A_406, %dma_start3A_524] : memref<5120x128xf32, #tpu.memory_space<hbm>> -> memref<16x128xf32, #tpu.memory_space<hbm>>
      %dma_start3A_526 = arith.constant 0 : i32
      %dma_start3A_527 = tpu.memref_slice %arg6[%select_n3A_406, %dma_start3A_526] : memref<5120x128xf32, #tpu.memory_space<hbm>> -> memref<16x128xf32, #tpu.memory_space<hbm>>
      tpu.enqueue_dma source(%arg16 : memref<16x128xf32, #tpu.memory_space<vmem>>) target(%dma_start3A_527 : memref<16x128xf32, #tpu.memory_space<hbm>>) target_semaphore(%run_scoped3A : memref<!tpu.dma_semaphore, #tpu.memory_space<semaphore_mem>>)
      %dma_wait3A_528 = arith.constant 0 : i32
      %dma_wait3A_529 = tpu.memref_slice %arg6[%select_n3A_406, %dma_wait3A_528] : memref<5120x128xf32, #tpu.memory_space<hbm>> -> memref<16x128xf32, #tpu.memory_space<hbm>>
      %dma_wait3A_530 = arith.constant 0 : i32
      %dma_wait3A_531 = tpu.memref_slice %arg6[%select_n3A_406, %dma_wait3A_530] : memref<5120x128xf32, #tpu.memory_space<hbm>> -> memref<16x128xf32, #tpu.memory_space<hbm>>
      tpu.wait_dma2 semaphore(%run_scoped3A : memref<!tpu.dma_semaphore, #tpu.memory_space<semaphore_mem>>) src(%arg16 : memref<16x128xf32, #tpu.memory_space<vmem>>) dst(%dma_wait3A_531 : memref<16x128xf32, #tpu.memory_space<hbm>>)
      tpu.yield
    }) : () -> ()
    %mul3A_407 = arith.constant 640 : i32
    %mul3A_408 = arith.muli %arg1, %mul3A_407 : i32
    %add3A_409 = arith.constant 448 : i32
    %add3A_410 = arith.addi %mul3A_408, %add3A_409 : i32
    "tpu.region"() ({
      %run_scoped3A = tpu.sem_alloc : memref<!tpu.dma_semaphore, #tpu.memory_space<semaphore_mem>>
      %dma_start3A_524 = arith.constant 0 : i32
      %dma_start3A_525 = tpu.memref_slice %arg17[%add3A_410, %dma_start3A_524] : memref<10240x32xf32, #tpu.memory_space<vmem_shared>> -> memref<64x32xf32, #tpu.memory_space<vmem_shared>>
      %dma_start3A_526 = arith.constant 0 : i32
      %dma_start3A_527 = tpu.memref_slice %arg17[%add3A_410, %dma_start3A_526] : memref<10240x32xf32, #tpu.memory_space<vmem_shared>> -> memref<64x32xf32, #tpu.memory_space<vmem_shared>>
      tpu.enqueue_dma source(%dma_start3A_527 : memref<64x32xf32, #tpu.memory_space<vmem_shared>>) target(%arg15 : memref<64x32xf32, #tpu.memory_space<vmem>>) target_semaphore(%run_scoped3A : memref<!tpu.dma_semaphore, #tpu.memory_space<semaphore_mem>>)
      %dma_wait3A_528 = arith.constant 0 : i32
      %dma_wait3A_529 = tpu.memref_slice %arg17[%add3A_410, %dma_wait3A_528] : memref<10240x32xf32, #tpu.memory_space<vmem_shared>> -> memref<64x32xf32, #tpu.memory_space<vmem_shared>>
      %dma_wait3A_530 = arith.constant 0 : i32
      %dma_wait3A_531 = tpu.memref_slice %arg17[%add3A_410, %dma_wait3A_530] : memref<10240x32xf32, #tpu.memory_space<vmem_shared>> -> memref<64x32xf32, #tpu.memory_space<vmem_shared>>
      tpu.wait_dma2 semaphore(%run_scoped3A : memref<!tpu.dma_semaphore, #tpu.memory_space<semaphore_mem>>) src(%dma_wait3A_531 : memref<64x32xf32, #tpu.memory_space<vmem_shared>>) dst(%arg15 : memref<64x32xf32, #tpu.memory_space<vmem>>)
      tpu.yield
    }) : () -> ()
    %scan3A_411 = arith.constant 0 : i32
    %scan3A_412 = arith.constant 0 : i32
    %scan3A_413 = arith.constant 64 : i32
    %scan3A_414 = arith.addi %scan3A_412, %scan3A_413 : i32
    %scan3A_415 = arith.constant 1 : i32
    scf.for %scan3A_524 = %scan3A_412 to %scan3A_414 step %scan3A_415  : i32 {
      %get3A = arith.index_cast %scan3A_524 : i32 to index
      %get3A_525 = arith.constant 0 : index
      %get3A_526 = tpu.vector_load %arg15[%get3A, %get3A_525] {strides = array<i32>} : memref<64x32xf32, #tpu.memory_space<vmem>>, vector<1x16xf32>,
      %get3A_527 = vector.shape_cast %get3A_526 : vector<1x16xf32> to vector<16xf32>
      %get3A_528 = arith.index_cast %scan3A_524 : i32 to index
      %get3A_529 = arith.constant 16 : index
      %get3A_530 = tpu.vector_load %arg15[%get3A_528, %get3A_529] {strides = array<i32>} : memref<64x32xf32, #tpu.memory_space<vmem>>, vector<1x16xf32>,
      %get3A_531 = vector.shape_cast %get3A_530 : vector<1x16xf32> to vector<16xf32>
      %jit3A_532 = arith.constant 4 : i32
      %div3A_533 = arith.divsi %scan3A_524, %jit3A_532 : i32
      %sign3A_534 = arith.constant 0 : i32
      %sign3A_535 = arith.cmpi sgt, %scan3A_524, %sign3A_534 : i32
      %sign3A_536 = arith.extui %sign3A_535 : i1 to i32
      %sign3A_537 = arith.constant 0 : i32
      %sign3A_538 = arith.cmpi slt, %scan3A_524, %sign3A_537 : i32
      %sign3A_539 = arith.extui %sign3A_538 : i1 to i32
      %sign3A_540 = arith.subi %sign3A_536, %sign3A_539 : i32
      %sign3A_541 = arith.constant 0 : i32
      %sign3A_542 = arith.cmpi sgt, %jit3A_532, %sign3A_541 : i32
      %sign3A_543 = arith.extui %sign3A_542 : i1 to i32
      %sign3A_544 = arith.constant 0 : i32
      %sign3A_545 = arith.cmpi slt, %jit3A_532, %sign3A_544 : i32
      %sign3A_546 = arith.extui %sign3A_545 : i1 to i32
      %sign3A_547 = arith.subi %sign3A_543, %sign3A_546 : i32
      %ne3A_548 = arith.cmpi ne, %sign3A_540, %sign3A_547 : i32
      %rem3A_549 = arith.remsi %scan3A_524, %jit3A_532 : i32
      %ne3A_550 = arith.constant 0 : i32
      %ne3A_551 = arith.cmpi ne, %rem3A_549, %ne3A_550 : i32
      %and3A_552 = arith.andi %ne3A_548, %ne3A_551 : i1
      %sub3A_553 = arith.constant 1 : i32
      %sub3A_554 = arith.subi %div3A_533, %sub3A_553 : i32
      %select_n3A_555 = arith.select %and3A_552, %sub3A_554, %div3A_533 : i32
      %jit3A_556 = arith.constant 4 : i32
      %eq3A = arith.constant 0 : i32
      %eq3A_557 = arith.cmpi eq, %jit3A_556, %eq3A : i32
      %jit3A_558 = arith.constant 1 : i32
      %select_n3A_559 = arith.select %eq3A_557, %jit3A_558, %jit3A_556 : i32
      %rem3A_560 = arith.remsi %scan3A_524, %select_n3A_559 : i32
      %ne3A_561 = arith.constant 0 : i32
      %ne3A_562 = arith.cmpi ne, %rem3A_560, %ne3A_561 : i32
      %lt3A = arith.constant 0 : i32
      %lt3A_563 = arith.cmpi slt, %rem3A_560, %lt3A : i32
      %lt3A_564 = arith.constant 0 : i32
      %lt3A_565 = arith.cmpi slt, %select_n3A_559, %lt3A_564 : i32
      %ne3A_566 = arith.xori %lt3A_563, %lt3A_565 : i1
      %and3A_567 = arith.andi %ne3A_566, %ne3A_562 : i1
      %add3A_568 = arith.addi %rem3A_560, %select_n3A_559 : i32
      %select_n3A_569 = arith.select %and3A_567, %add3A_568, %rem3A_560 : i32
      %mul3A_570 = arith.constant 32 : i32
      %mul3A_571 = arith.muli %select_n3A_569, %mul3A_570 : i32
      %swap3A = arith.index_cast %select_n3A_555 : i32 to index
      %swap3A_572 = arith.index_cast %mul3A_571 : i32 to index
      %swap3A_573 = tpu.vector_load %arg16[%swap3A, %swap3A_572] {strides = array<i32>} : memref<16x128xf32, #tpu.memory_space<vmem>>, vector<1x16xf32>,
      %swap3A_574 = vector.shape_cast %swap3A_573 : vector<1x16xf32> to vector<16xf32>
      %swap3A_575 = vector.shape_cast %get3A_527 : vector<16xf32> to vector<1x16xf32>
      tpu.vector_store %arg16[%swap3A, %swap3A_572], %swap3A_575 {strides = array<i32>} : memref<16x128xf32, #tpu.memory_space<vmem>>, vector<1x16xf32>,
      %jit3A_576 = arith.constant 4 : i32
      %div3A_577 = arith.divsi %scan3A_524, %jit3A_576 : i32
      %sign3A_578 = arith.constant 0 : i32
      %sign3A_579 = arith.cmpi sgt, %scan3A_524, %sign3A_578 : i32
      %sign3A_580 = arith.extui %sign3A_579 : i1 to i32
      %sign3A_581 = arith.constant 0 : i32
      %sign3A_582 = arith.cmpi slt, %scan3A_524, %sign3A_581 : i32
      %sign3A_583 = arith.extui %sign3A_582 : i1 to i32
      %sign3A_584 = arith.subi %sign3A_580, %sign3A_583 : i32
      %sign3A_585 = arith.constant 0 : i32
      %sign3A_586 = arith.cmpi sgt, %jit3A_576, %sign3A_585 : i32
      %sign3A_587 = arith.extui %sign3A_586 : i1 to i32
      %sign3A_588 = arith.constant 0 : i32
      %sign3A_589 = arith.cmpi slt, %jit3A_576, %sign3A_588 : i32
      %sign3A_590 = arith.extui %sign3A_589 : i1 to i32
      %sign3A_591 = arith.subi %sign3A_587, %sign3A_590 : i32
      %ne3A_592 = arith.cmpi ne, %sign3A_584, %sign3A_591 : i32
      %rem3A_593 = arith.remsi %scan3A_524, %jit3A_576 : i32
      %ne3A_594 = arith.constant 0 : i32
      %ne3A_595 = arith.cmpi ne, %rem3A_593, %ne3A_594 : i32
      %and3A_596 = arith.andi %ne3A_592, %ne3A_595 : i1
      %sub3A_597 = arith.constant 1 : i32
      %sub3A_598 = arith.subi %div3A_577, %sub3A_597 : i32
      %select_n3A_599 = arith.select %and3A_596, %sub3A_598, %div3A_577 : i32
      %jit3A_600 = arith.constant 4 : i32
      %eq3A_601 = arith.constant 0 : i32
      %eq3A_602 = arith.cmpi eq, %jit3A_600, %eq3A_601 : i32
      %jit3A_603 = arith.constant 1 : i32
      %select_n3A_604 = arith.select %eq3A_602, %jit3A_603, %jit3A_600 : i32
      %rem3A_605 = arith.remsi %scan3A_524, %select_n3A_604 : i32
      %ne3A_606 = arith.constant 0 : i32
      %ne3A_607 = arith.cmpi ne, %rem3A_605, %ne3A_606 : i32
      %lt3A_608 = arith.constant 0 : i32
      %lt3A_609 = arith.cmpi slt, %rem3A_605, %lt3A_608 : i32
      %lt3A_610 = arith.constant 0 : i32
      %lt3A_611 = arith.cmpi slt, %select_n3A_604, %lt3A_610 : i32
      %ne3A_612 = arith.xori %lt3A_609, %lt3A_611 : i1
      %and3A_613 = arith.andi %ne3A_612, %ne3A_607 : i1
      %add3A_614 = arith.addi %rem3A_605, %select_n3A_604 : i32
      %select_n3A_615 = arith.select %and3A_613, %add3A_614, %rem3A_605 : i32
      %mul3A_616 = arith.constant 32 : i32
      %mul3A_617 = arith.muli %select_n3A_615, %mul3A_616 : i32
      %add3A_618 = arith.constant 16 : i32
      %add3A_619 = arith.addi %mul3A_617, %add3A_618 : i32
      %swap3A_620 = arith.index_cast %select_n3A_599 : i32 to index
      %swap3A_621 = arith.index_cast %add3A_619 : i32 to index
      %swap3A_622 = tpu.vector_load %arg16[%swap3A_620, %swap3A_621] {strides = array<i32>} : memref<16x128xf32, #tpu.memory_space<vmem>>, vector<1x16xf32>,
      %swap3A_623 = vector.shape_cast %swap3A_622 : vector<1x16xf32> to vector<16xf32>
      %swap3A_624 = vector.shape_cast %get3A_531 : vector<16xf32> to vector<1x16xf32>
      tpu.vector_store %arg16[%swap3A_620, %swap3A_621], %swap3A_624 {strides = array<i32>} : memref<16x128xf32, #tpu.memory_space<vmem>>, vector<1x16xf32>,
    }
    %scan3A_416 = arith.constant 64 : i32
    %mul3A_417 = arith.constant 10240 : i32
    %mul3A_418 = arith.muli %arg0, %mul3A_417 : i32
    %add3A_419 = arith.addi %mul3A_418, %add3A_410 : i32
    %mul3A_420 = arith.constant 32 : i32
    %mul3A_421 = arith.muli %add3A_419, %mul3A_420 : i32
    %jit3A_422 = arith.constant 128 : i32
    %div3A_423 = arith.divsi %mul3A_421, %jit3A_422 : i32
    %sign3A_424 = arith.constant 0 : i32
    %sign3A_425 = arith.cmpi sgt, %mul3A_421, %sign3A_424 : i32
    %sign3A_426 = arith.extui %sign3A_425 : i1 to i32
    %sign3A_427 = arith.constant 0 : i32
    %sign3A_428 = arith.cmpi slt, %mul3A_421, %sign3A_427 : i32
    %sign3A_429 = arith.extui %sign3A_428 : i1 to i32
    %sign3A_430 = arith.subi %sign3A_426, %sign3A_429 : i32
    %sign3A_431 = arith.constant 0 : i32
    %sign3A_432 = arith.cmpi sgt, %jit3A_422, %sign3A_431 : i32
    %sign3A_433 = arith.extui %sign3A_432 : i1 to i32
    %sign3A_434 = arith.constant 0 : i32
    %sign3A_435 = arith.cmpi slt, %jit3A_422, %sign3A_434 : i32
    %sign3A_436 = arith.extui %sign3A_435 : i1 to i32
    %sign3A_437 = arith.subi %sign3A_433, %sign3A_436 : i32
    %ne3A_438 = arith.cmpi ne, %sign3A_430, %sign3A_437 : i32
    %rem3A_439 = arith.remsi %mul3A_421, %jit3A_422 : i32
    %ne3A_440 = arith.constant 0 : i32
    %ne3A_441 = arith.cmpi ne, %rem3A_439, %ne3A_440 : i32
    %and3A_442 = arith.andi %ne3A_438, %ne3A_441 : i1
    %sub3A_443 = arith.constant 1 : i32
    %sub3A_444 = arith.subi %div3A_423, %sub3A_443 : i32
    %select_n3A_445 = arith.select %and3A_442, %sub3A_444, %div3A_423 : i32
    "tpu.region"() ({
      %run_scoped3A = tpu.sem_alloc : memref<!tpu.dma_semaphore, #tpu.memory_space<semaphore_mem>>
      %dma_start3A_524 = arith.constant 0 : i32
      %dma_start3A_525 = tpu.memref_slice %arg6[%select_n3A_445, %dma_start3A_524] : memref<5120x128xf32, #tpu.memory_space<hbm>> -> memref<16x128xf32, #tpu.memory_space<hbm>>
      %dma_start3A_526 = arith.constant 0 : i32
      %dma_start3A_527 = tpu.memref_slice %arg6[%select_n3A_445, %dma_start3A_526] : memref<5120x128xf32, #tpu.memory_space<hbm>> -> memref<16x128xf32, #tpu.memory_space<hbm>>
      tpu.enqueue_dma source(%arg16 : memref<16x128xf32, #tpu.memory_space<vmem>>) target(%dma_start3A_527 : memref<16x128xf32, #tpu.memory_space<hbm>>) target_semaphore(%run_scoped3A : memref<!tpu.dma_semaphore, #tpu.memory_space<semaphore_mem>>)
      %dma_wait3A_528 = arith.constant 0 : i32
      %dma_wait3A_529 = tpu.memref_slice %arg6[%select_n3A_445, %dma_wait3A_528] : memref<5120x128xf32, #tpu.memory_space<hbm>> -> memref<16x128xf32, #tpu.memory_space<hbm>>
      %dma_wait3A_530 = arith.constant 0 : i32
      %dma_wait3A_531 = tpu.memref_slice %arg6[%select_n3A_445, %dma_wait3A_530] : memref<5120x128xf32, #tpu.memory_space<hbm>> -> memref<16x128xf32, #tpu.memory_space<hbm>>
      tpu.wait_dma2 semaphore(%run_scoped3A : memref<!tpu.dma_semaphore, #tpu.memory_space<semaphore_mem>>) src(%arg16 : memref<16x128xf32, #tpu.memory_space<vmem>>) dst(%dma_wait3A_531 : memref<16x128xf32, #tpu.memory_space<hbm>>)
      tpu.yield
    }) : () -> ()
    %mul3A_446 = arith.constant 640 : i32
    %mul3A_447 = arith.muli %arg1, %mul3A_446 : i32
    %add3A_448 = arith.constant 512 : i32
    %add3A_449 = arith.addi %mul3A_447, %add3A_448 : i32
    "tpu.region"() ({
      %run_scoped3A = tpu.sem_alloc : memref<!tpu.dma_semaphore, #tpu.memory_space<semaphore_mem>>
      %dma_start3A_524 = arith.constant 0 : i32
      %dma_start3A_525 = tpu.memref_slice %arg17[%add3A_449, %dma_start3A_524] : memref<10240x32xf32, #tpu.memory_space<vmem_shared>> -> memref<64x32xf32, #tpu.memory_space<vmem_shared>>
      %dma_start3A_526 = arith.constant 0 : i32
      %dma_start3A_527 = tpu.memref_slice %arg17[%add3A_449, %dma_start3A_526] : memref<10240x32xf32, #tpu.memory_space<vmem_shared>> -> memref<64x32xf32, #tpu.memory_space<vmem_shared>>
      tpu.enqueue_dma source(%dma_start3A_527 : memref<64x32xf32, #tpu.memory_space<vmem_shared>>) target(%arg15 : memref<64x32xf32, #tpu.memory_space<vmem>>) target_semaphore(%run_scoped3A : memref<!tpu.dma_semaphore, #tpu.memory_space<semaphore_mem>>)
      %dma_wait3A_528 = arith.constant 0 : i32
      %dma_wait3A_529 = tpu.memref_slice %arg17[%add3A_449, %dma_wait3A_528] : memref<10240x32xf32, #tpu.memory_space<vmem_shared>> -> memref<64x32xf32, #tpu.memory_space<vmem_shared>>
      %dma_wait3A_530 = arith.constant 0 : i32
      %dma_wait3A_531 = tpu.memref_slice %arg17[%add3A_449, %dma_wait3A_530] : memref<10240x32xf32, #tpu.memory_space<vmem_shared>> -> memref<64x32xf32, #tpu.memory_space<vmem_shared>>
      tpu.wait_dma2 semaphore(%run_scoped3A : memref<!tpu.dma_semaphore, #tpu.memory_space<semaphore_mem>>) src(%dma_wait3A_531 : memref<64x32xf32, #tpu.memory_space<vmem_shared>>) dst(%arg15 : memref<64x32xf32, #tpu.memory_space<vmem>>)
      tpu.yield
    }) : () -> ()
    %scan3A_450 = arith.constant 0 : i32
    %scan3A_451 = arith.constant 0 : i32
    %scan3A_452 = arith.constant 64 : i32
    %scan3A_453 = arith.addi %scan3A_451, %scan3A_452 : i32
    %scan3A_454 = arith.constant 1 : i32
    scf.for %scan3A_524 = %scan3A_451 to %scan3A_453 step %scan3A_454  : i32 {
      %get3A = arith.index_cast %scan3A_524 : i32 to index
      %get3A_525 = arith.constant 0 : index
      %get3A_526 = tpu.vector_load %arg15[%get3A, %get3A_525] {strides = array<i32>} : memref<64x32xf32, #tpu.memory_space<vmem>>, vector<1x16xf32>,
      %get3A_527 = vector.shape_cast %get3A_526 : vector<1x16xf32> to vector<16xf32>
      %get3A_528 = arith.index_cast %scan3A_524 : i32 to index
      %get3A_529 = arith.constant 16 : index
      %get3A_530 = tpu.vector_load %arg15[%get3A_528, %get3A_529] {strides = array<i32>} : memref<64x32xf32, #tpu.memory_space<vmem>>, vector<1x16xf32>,
      %get3A_531 = vector.shape_cast %get3A_530 : vector<1x16xf32> to vector<16xf32>
      %jit3A_532 = arith.constant 4 : i32
      %div3A_533 = arith.divsi %scan3A_524, %jit3A_532 : i32
      %sign3A_534 = arith.constant 0 : i32
      %sign3A_535 = arith.cmpi sgt, %scan3A_524, %sign3A_534 : i32
      %sign3A_536 = arith.extui %sign3A_535 : i1 to i32
      %sign3A_537 = arith.constant 0 : i32
      %sign3A_538 = arith.cmpi slt, %scan3A_524, %sign3A_537 : i32
      %sign3A_539 = arith.extui %sign3A_538 : i1 to i32
      %sign3A_540 = arith.subi %sign3A_536, %sign3A_539 : i32
      %sign3A_541 = arith.constant 0 : i32
      %sign3A_542 = arith.cmpi sgt, %jit3A_532, %sign3A_541 : i32
      %sign3A_543 = arith.extui %sign3A_542 : i1 to i32
      %sign3A_544 = arith.constant 0 : i32
      %sign3A_545 = arith.cmpi slt, %jit3A_532, %sign3A_544 : i32
      %sign3A_546 = arith.extui %sign3A_545 : i1 to i32
      %sign3A_547 = arith.subi %sign3A_543, %sign3A_546 : i32
      %ne3A_548 = arith.cmpi ne, %sign3A_540, %sign3A_547 : i32
      %rem3A_549 = arith.remsi %scan3A_524, %jit3A_532 : i32
      %ne3A_550 = arith.constant 0 : i32
      %ne3A_551 = arith.cmpi ne, %rem3A_549, %ne3A_550 : i32
      %and3A_552 = arith.andi %ne3A_548, %ne3A_551 : i1
      %sub3A_553 = arith.constant 1 : i32
      %sub3A_554 = arith.subi %div3A_533, %sub3A_553 : i32
      %select_n3A_555 = arith.select %and3A_552, %sub3A_554, %div3A_533 : i32
      %jit3A_556 = arith.constant 4 : i32
      %eq3A = arith.constant 0 : i32
      %eq3A_557 = arith.cmpi eq, %jit3A_556, %eq3A : i32
      %jit3A_558 = arith.constant 1 : i32
      %select_n3A_559 = arith.select %eq3A_557, %jit3A_558, %jit3A_556 : i32
      %rem3A_560 = arith.remsi %scan3A_524, %select_n3A_559 : i32
      %ne3A_561 = arith.constant 0 : i32
      %ne3A_562 = arith.cmpi ne, %rem3A_560, %ne3A_561 : i32
      %lt3A = arith.constant 0 : i32
      %lt3A_563 = arith.cmpi slt, %rem3A_560, %lt3A : i32
      %lt3A_564 = arith.constant 0 : i32
      %lt3A_565 = arith.cmpi slt, %select_n3A_559, %lt3A_564 : i32
      %ne3A_566 = arith.xori %lt3A_563, %lt3A_565 : i1
      %and3A_567 = arith.andi %ne3A_566, %ne3A_562 : i1
      %add3A_568 = arith.addi %rem3A_560, %select_n3A_559 : i32
      %select_n3A_569 = arith.select %and3A_567, %add3A_568, %rem3A_560 : i32
      %mul3A_570 = arith.constant 32 : i32
      %mul3A_571 = arith.muli %select_n3A_569, %mul3A_570 : i32
      %swap3A = arith.index_cast %select_n3A_555 : i32 to index
      %swap3A_572 = arith.index_cast %mul3A_571 : i32 to index
      %swap3A_573 = tpu.vector_load %arg16[%swap3A, %swap3A_572] {strides = array<i32>} : memref<16x128xf32, #tpu.memory_space<vmem>>, vector<1x16xf32>,
      %swap3A_574 = vector.shape_cast %swap3A_573 : vector<1x16xf32> to vector<16xf32>
      %swap3A_575 = vector.shape_cast %get3A_527 : vector<16xf32> to vector<1x16xf32>
      tpu.vector_store %arg16[%swap3A, %swap3A_572], %swap3A_575 {strides = array<i32>} : memref<16x128xf32, #tpu.memory_space<vmem>>, vector<1x16xf32>,
      %jit3A_576 = arith.constant 4 : i32
      %div3A_577 = arith.divsi %scan3A_524, %jit3A_576 : i32
      %sign3A_578 = arith.constant 0 : i32
      %sign3A_579 = arith.cmpi sgt, %scan3A_524, %sign3A_578 : i32
      %sign3A_580 = arith.extui %sign3A_579 : i1 to i32
      %sign3A_581 = arith.constant 0 : i32
      %sign3A_582 = arith.cmpi slt, %scan3A_524, %sign3A_581 : i32
      %sign3A_583 = arith.extui %sign3A_582 : i1 to i32
      %sign3A_584 = arith.subi %sign3A_580, %sign3A_583 : i32
      %sign3A_585 = arith.constant 0 : i32
      %sign3A_586 = arith.cmpi sgt, %jit3A_576, %sign3A_585 : i32
      %sign3A_587 = arith.extui %sign3A_586 : i1 to i32
      %sign3A_588 = arith.constant 0 : i32
      %sign3A_589 = arith.cmpi slt, %jit3A_576, %sign3A_588 : i32
      %sign3A_590 = arith.extui %sign3A_589 : i1 to i32
      %sign3A_591 = arith.subi %sign3A_587, %sign3A_590 : i32
      %ne3A_592 = arith.cmpi ne, %sign3A_584, %sign3A_591 : i32
      %rem3A_593 = arith.remsi %scan3A_524, %jit3A_576 : i32
      %ne3A_594 = arith.constant 0 : i32
      %ne3A_595 = arith.cmpi ne, %rem3A_593, %ne3A_594 : i32
      %and3A_596 = arith.andi %ne3A_592, %ne3A_595 : i1
      %sub3A_597 = arith.constant 1 : i32
      %sub3A_598 = arith.subi %div3A_577, %sub3A_597 : i32
      %select_n3A_599 = arith.select %and3A_596, %sub3A_598, %div3A_577 : i32
      %jit3A_600 = arith.constant 4 : i32
      %eq3A_601 = arith.constant 0 : i32
      %eq3A_602 = arith.cmpi eq, %jit3A_600, %eq3A_601 : i32
      %jit3A_603 = arith.constant 1 : i32
      %select_n3A_604 = arith.select %eq3A_602, %jit3A_603, %jit3A_600 : i32
      %rem3A_605 = arith.remsi %scan3A_524, %select_n3A_604 : i32
      %ne3A_606 = arith.constant 0 : i32
      %ne3A_607 = arith.cmpi ne, %rem3A_605, %ne3A_606 : i32
      %lt3A_608 = arith.constant 0 : i32
      %lt3A_609 = arith.cmpi slt, %rem3A_605, %lt3A_608 : i32
      %lt3A_610 = arith.constant 0 : i32
      %lt3A_611 = arith.cmpi slt, %select_n3A_604, %lt3A_610 : i32
      %ne3A_612 = arith.xori %lt3A_609, %lt3A_611 : i1
      %and3A_613 = arith.andi %ne3A_612, %ne3A_607 : i1
      %add3A_614 = arith.addi %rem3A_605, %select_n3A_604 : i32
      %select_n3A_615 = arith.select %and3A_613, %add3A_614, %rem3A_605 : i32
      %mul3A_616 = arith.constant 32 : i32
      %mul3A_617 = arith.muli %select_n3A_615, %mul3A_616 : i32
      %add3A_618 = arith.constant 16 : i32
      %add3A_619 = arith.addi %mul3A_617, %add3A_618 : i32
      %swap3A_620 = arith.index_cast %select_n3A_599 : i32 to index
      %swap3A_621 = arith.index_cast %add3A_619 : i32 to index
      %swap3A_622 = tpu.vector_load %arg16[%swap3A_620, %swap3A_621] {strides = array<i32>} : memref<16x128xf32, #tpu.memory_space<vmem>>, vector<1x16xf32>,
      %swap3A_623 = vector.shape_cast %swap3A_622 : vector<1x16xf32> to vector<16xf32>
      %swap3A_624 = vector.shape_cast %get3A_531 : vector<16xf32> to vector<1x16xf32>
      tpu.vector_store %arg16[%swap3A_620, %swap3A_621], %swap3A_624 {strides = array<i32>} : memref<16x128xf32, #tpu.memory_space<vmem>>, vector<1x16xf32>,
    }
    %scan3A_455 = arith.constant 64 : i32
    %mul3A_456 = arith.constant 10240 : i32
    %mul3A_457 = arith.muli %arg0, %mul3A_456 : i32
    %add3A_458 = arith.addi %mul3A_457, %add3A_449 : i32
    %mul3A_459 = arith.constant 32 : i32
    %mul3A_460 = arith.muli %add3A_458, %mul3A_459 : i32
    %jit3A_461 = arith.constant 128 : i32
    %div3A_462 = arith.divsi %mul3A_460, %jit3A_461 : i32
    %sign3A_463 = arith.constant 0 : i32
    %sign3A_464 = arith.cmpi sgt, %mul3A_460, %sign3A_463 : i32
    %sign3A_465 = arith.extui %sign3A_464 : i1 to i32
    %sign3A_466 = arith.constant 0 : i32
    %sign3A_467 = arith.cmpi slt, %mul3A_460, %sign3A_466 : i32
    %sign3A_468 = arith.extui %sign3A_467 : i1 to i32
    %sign3A_469 = arith.subi %sign3A_465, %sign3A_468 : i32
    %sign3A_470 = arith.constant 0 : i32
    %sign3A_471 = arith.cmpi sgt, %jit3A_461, %sign3A_470 : i32
    %sign3A_472 = arith.extui %sign3A_471 : i1 to i32
    %sign3A_473 = arith.constant 0 : i32
    %sign3A_474 = arith.cmpi slt, %jit3A_461, %sign3A_473 : i32
    %sign3A_475 = arith.extui %sign3A_474 : i1 to i32
    %sign3A_476 = arith.subi %sign3A_472, %sign3A_475 : i32
    %ne3A_477 = arith.cmpi ne, %sign3A_469, %sign3A_476 : i32
    %rem3A_478 = arith.remsi %mul3A_460, %jit3A_461 : i32
    %ne3A_479 = arith.constant 0 : i32
    %ne3A_480 = arith.cmpi ne, %rem3A_478, %ne3A_479 : i32
    %and3A_481 = arith.andi %ne3A_477, %ne3A_480 : i1
    %sub3A_482 = arith.constant 1 : i32
    %sub3A_483 = arith.subi %div3A_462, %sub3A_482 : i32
    %select_n3A_484 = arith.select %and3A_481, %sub3A_483, %div3A_462 : i32
    "tpu.region"() ({
      %run_scoped3A = tpu.sem_alloc : memref<!tpu.dma_semaphore, #tpu.memory_space<semaphore_mem>>
      %dma_start3A_524 = arith.constant 0 : i32
      %dma_start3A_525 = tpu.memref_slice %arg6[%select_n3A_484, %dma_start3A_524] : memref<5120x128xf32, #tpu.memory_space<hbm>> -> memref<16x128xf32, #tpu.memory_space<hbm>>
      %dma_start3A_526 = arith.constant 0 : i32
      %dma_start3A_527 = tpu.memref_slice %arg6[%select_n3A_484, %dma_start3A_526] : memref<5120x128xf32, #tpu.memory_space<hbm>> -> memref<16x128xf32, #tpu.memory_space<hbm>>
      tpu.enqueue_dma source(%arg16 : memref<16x128xf32, #tpu.memory_space<vmem>>) target(%dma_start3A_527 : memref<16x128xf32, #tpu.memory_space<hbm>>) target_semaphore(%run_scoped3A : memref<!tpu.dma_semaphore, #tpu.memory_space<semaphore_mem>>)
      %dma_wait3A_528 = arith.constant 0 : i32
      %dma_wait3A_529 = tpu.memref_slice %arg6[%select_n3A_484, %dma_wait3A_528] : memref<5120x128xf32, #tpu.memory_space<hbm>> -> memref<16x128xf32, #tpu.memory_space<hbm>>
      %dma_wait3A_530 = arith.constant 0 : i32
      %dma_wait3A_531 = tpu.memref_slice %arg6[%select_n3A_484, %dma_wait3A_530] : memref<5120x128xf32, #tpu.memory_space<hbm>> -> memref<16x128xf32, #tpu.memory_space<hbm>>
      tpu.wait_dma2 semaphore(%run_scoped3A : memref<!tpu.dma_semaphore, #tpu.memory_space<semaphore_mem>>) src(%arg16 : memref<16x128xf32, #tpu.memory_space<vmem>>) dst(%dma_wait3A_531 : memref<16x128xf32, #tpu.memory_space<hbm>>)
      tpu.yield
    }) : () -> ()
    %mul3A_485 = arith.constant 640 : i32
    %mul3A_486 = arith.muli %arg1, %mul3A_485 : i32
    %add3A_487 = arith.constant 576 : i32
    %add3A_488 = arith.addi %mul3A_486, %add3A_487 : i32
    "tpu.region"() ({
      %run_scoped3A = tpu.sem_alloc : memref<!tpu.dma_semaphore, #tpu.memory_space<semaphore_mem>>
      %dma_start3A_524 = arith.constant 0 : i32
      %dma_start3A_525 = tpu.memref_slice %arg17[%add3A_488, %dma_start3A_524] : memref<10240x32xf32, #tpu.memory_space<vmem_shared>> -> memref<64x32xf32, #tpu.memory_space<vmem_shared>>
      %dma_start3A_526 = arith.constant 0 : i32
      %dma_start3A_527 = tpu.memref_slice %arg17[%add3A_488, %dma_start3A_526] : memref<10240x32xf32, #tpu.memory_space<vmem_shared>> -> memref<64x32xf32, #tpu.memory_space<vmem_shared>>
      tpu.enqueue_dma source(%dma_start3A_527 : memref<64x32xf32, #tpu.memory_space<vmem_shared>>) target(%arg15 : memref<64x32xf32, #tpu.memory_space<vmem>>) target_semaphore(%run_scoped3A : memref<!tpu.dma_semaphore, #tpu.memory_space<semaphore_mem>>)
      %dma_wait3A_528 = arith.constant 0 : i32
      %dma_wait3A_529 = tpu.memref_slice %arg17[%add3A_488, %dma_wait3A_528] : memref<10240x32xf32, #tpu.memory_space<vmem_shared>> -> memref<64x32xf32, #tpu.memory_space<vmem_shared>>
      %dma_wait3A_530 = arith.constant 0 : i32
      %dma_wait3A_531 = tpu.memref_slice %arg17[%add3A_488, %dma_wait3A_530] : memref<10240x32xf32, #tpu.memory_space<vmem_shared>> -> memref<64x32xf32, #tpu.memory_space<vmem_shared>>
      tpu.wait_dma2 semaphore(%run_scoped3A : memref<!tpu.dma_semaphore, #tpu.memory_space<semaphore_mem>>) src(%dma_wait3A_531 : memref<64x32xf32, #tpu.memory_space<vmem_shared>>) dst(%arg15 : memref<64x32xf32, #tpu.memory_space<vmem>>)
      tpu.yield
    }) : () -> ()
    %scan3A_489 = arith.constant 0 : i32
    %scan3A_490 = arith.constant 0 : i32
    %scan3A_491 = arith.constant 64 : i32
    %scan3A_492 = arith.addi %scan3A_490, %scan3A_491 : i32
    %scan3A_493 = arith.constant 1 : i32
    scf.for %scan3A_524 = %scan3A_490 to %scan3A_492 step %scan3A_493  : i32 {
      %get3A = arith.index_cast %scan3A_524 : i32 to index
      %get3A_525 = arith.constant 0 : index
      %get3A_526 = tpu.vector_load %arg15[%get3A, %get3A_525] {strides = array<i32>} : memref<64x32xf32, #tpu.memory_space<vmem>>, vector<1x16xf32>,
      %get3A_527 = vector.shape_cast %get3A_526 : vector<1x16xf32> to vector<16xf32>
      %get3A_528 = arith.index_cast %scan3A_524 : i32 to index
      %get3A_529 = arith.constant 16 : index
      %get3A_530 = tpu.vector_load %arg15[%get3A_528, %get3A_529] {strides = array<i32>} : memref<64x32xf32, #tpu.memory_space<vmem>>, vector<1x16xf32>,
      %get3A_531 = vector.shape_cast %get3A_530 : vector<1x16xf32> to vector<16xf32>
      %jit3A_532 = arith.constant 4 : i32
      %div3A_533 = arith.divsi %scan3A_524, %jit3A_532 : i32
      %sign3A_534 = arith.constant 0 : i32
      %sign3A_535 = arith.cmpi sgt, %scan3A_524, %sign3A_534 : i32
      %sign3A_536 = arith.extui %sign3A_535 : i1 to i32
      %sign3A_537 = arith.constant 0 : i32
      %sign3A_538 = arith.cmpi slt, %scan3A_524, %sign3A_537 : i32
      %sign3A_539 = arith.extui %sign3A_538 : i1 to i32
      %sign3A_540 = arith.subi %sign3A_536, %sign3A_539 : i32
      %sign3A_541 = arith.constant 0 : i32
      %sign3A_542 = arith.cmpi sgt, %jit3A_532, %sign3A_541 : i32
      %sign3A_543 = arith.extui %sign3A_542 : i1 to i32
      %sign3A_544 = arith.constant 0 : i32
      %sign3A_545 = arith.cmpi slt, %jit3A_532, %sign3A_544 : i32
      %sign3A_546 = arith.extui %sign3A_545 : i1 to i32
      %sign3A_547 = arith.subi %sign3A_543, %sign3A_546 : i32
      %ne3A_548 = arith.cmpi ne, %sign3A_540, %sign3A_547 : i32
      %rem3A_549 = arith.remsi %scan3A_524, %jit3A_532 : i32
      %ne3A_550 = arith.constant 0 : i32
      %ne3A_551 = arith.cmpi ne, %rem3A_549, %ne3A_550 : i32
      %and3A_552 = arith.andi %ne3A_548, %ne3A_551 : i1
      %sub3A_553 = arith.constant 1 : i32
      %sub3A_554 = arith.subi %div3A_533, %sub3A_553 : i32
      %select_n3A_555 = arith.select %and3A_552, %sub3A_554, %div3A_533 : i32
      %jit3A_556 = arith.constant 4 : i32
      %eq3A = arith.constant 0 : i32
      %eq3A_557 = arith.cmpi eq, %jit3A_556, %eq3A : i32
      %jit3A_558 = arith.constant 1 : i32
      %select_n3A_559 = arith.select %eq3A_557, %jit3A_558, %jit3A_556 : i32
      %rem3A_560 = arith.remsi %scan3A_524, %select_n3A_559 : i32
      %ne3A_561 = arith.constant 0 : i32
      %ne3A_562 = arith.cmpi ne, %rem3A_560, %ne3A_561 : i32
      %lt3A = arith.constant 0 : i32
      %lt3A_563 = arith.cmpi slt, %rem3A_560, %lt3A : i32
      %lt3A_564 = arith.constant 0 : i32
      %lt3A_565 = arith.cmpi slt, %select_n3A_559, %lt3A_564 : i32
      %ne3A_566 = arith.xori %lt3A_563, %lt3A_565 : i1
      %and3A_567 = arith.andi %ne3A_566, %ne3A_562 : i1
      %add3A_568 = arith.addi %rem3A_560, %select_n3A_559 : i32
      %select_n3A_569 = arith.select %and3A_567, %add3A_568, %rem3A_560 : i32
      %mul3A_570 = arith.constant 32 : i32
      %mul3A_571 = arith.muli %select_n3A_569, %mul3A_570 : i32
      %swap3A = arith.index_cast %select_n3A_555 : i32 to index
      %swap3A_572 = arith.index_cast %mul3A_571 : i32 to index
      %swap3A_573 = tpu.vector_load %arg16[%swap3A, %swap3A_572] {strides = array<i32>} : memref<16x128xf32, #tpu.memory_space<vmem>>, vector<1x16xf32>,
      %swap3A_574 = vector.shape_cast %swap3A_573 : vector<1x16xf32> to vector<16xf32>
      %swap3A_575 = vector.shape_cast %get3A_527 : vector<16xf32> to vector<1x16xf32>
      tpu.vector_store %arg16[%swap3A, %swap3A_572], %swap3A_575 {strides = array<i32>} : memref<16x128xf32, #tpu.memory_space<vmem>>, vector<1x16xf32>,
      %jit3A_576 = arith.constant 4 : i32
      %div3A_577 = arith.divsi %scan3A_524, %jit3A_576 : i32
      %sign3A_578 = arith.constant 0 : i32
      %sign3A_579 = arith.cmpi sgt, %scan3A_524, %sign3A_578 : i32
      %sign3A_580 = arith.extui %sign3A_579 : i1 to i32
      %sign3A_581 = arith.constant 0 : i32
      %sign3A_582 = arith.cmpi slt, %scan3A_524, %sign3A_581 : i32
      %sign3A_583 = arith.extui %sign3A_582 : i1 to i32
      %sign3A_584 = arith.subi %sign3A_580, %sign3A_583 : i32
      %sign3A_585 = arith.constant 0 : i32
      %sign3A_586 = arith.cmpi sgt, %jit3A_576, %sign3A_585 : i32
      %sign3A_587 = arith.extui %sign3A_586 : i1 to i32
      %sign3A_588 = arith.constant 0 : i32
      %sign3A_589 = arith.cmpi slt, %jit3A_576, %sign3A_588 : i32
      %sign3A_590 = arith.extui %sign3A_589 : i1 to i32
      %sign3A_591 = arith.subi %sign3A_587, %sign3A_590 : i32
      %ne3A_592 = arith.cmpi ne, %sign3A_584, %sign3A_591 : i32
      %rem3A_593 = arith.remsi %scan3A_524, %jit3A_576 : i32
      %ne3A_594 = arith.constant 0 : i32
      %ne3A_595 = arith.cmpi ne, %rem3A_593, %ne3A_594 : i32
      %and3A_596 = arith.andi %ne3A_592, %ne3A_595 : i1
      %sub3A_597 = arith.constant 1 : i32
      %sub3A_598 = arith.subi %div3A_577, %sub3A_597 : i32
      %select_n3A_599 = arith.select %and3A_596, %sub3A_598, %div3A_577 : i32
      %jit3A_600 = arith.constant 4 : i32
      %eq3A_601 = arith.constant 0 : i32
      %eq3A_602 = arith.cmpi eq, %jit3A_600, %eq3A_601 : i32
      %jit3A_603 = arith.constant 1 : i32
      %select_n3A_604 = arith.select %eq3A_602, %jit3A_603, %jit3A_600 : i32
      %rem3A_605 = arith.remsi %scan3A_524, %select_n3A_604 : i32
      %ne3A_606 = arith.constant 0 : i32
      %ne3A_607 = arith.cmpi ne, %rem3A_605, %ne3A_606 : i32
      %lt3A_608 = arith.constant 0 : i32
      %lt3A_609 = arith.cmpi slt, %rem3A_605, %lt3A_608 : i32
      %lt3A_610 = arith.constant 0 : i32
      %lt3A_611 = arith.cmpi slt, %select_n3A_604, %lt3A_610 : i32
      %ne3A_612 = arith.xori %lt3A_609, %lt3A_611 : i1
      %and3A_613 = arith.andi %ne3A_612, %ne3A_607 : i1
      %add3A_614 = arith.addi %rem3A_605, %select_n3A_604 : i32
      %select_n3A_615 = arith.select %and3A_613, %add3A_614, %rem3A_605 : i32
      %mul3A_616 = arith.constant 32 : i32
      %mul3A_617 = arith.muli %select_n3A_615, %mul3A_616 : i32
      %add3A_618 = arith.constant 16 : i32
      %add3A_619 = arith.addi %mul3A_617, %add3A_618 : i32
      %swap3A_620 = arith.index_cast %select_n3A_599 : i32 to index
      %swap3A_621 = arith.index_cast %add3A_619 : i32 to index
      %swap3A_622 = tpu.vector_load %arg16[%swap3A_620, %swap3A_621] {strides = array<i32>} : memref<16x128xf32, #tpu.memory_space<vmem>>, vector<1x16xf32>,
      %swap3A_623 = vector.shape_cast %swap3A_622 : vector<1x16xf32> to vector<16xf32>
      %swap3A_624 = vector.shape_cast %get3A_531 : vector<16xf32> to vector<1x16xf32>
      tpu.vector_store %arg16[%swap3A_620, %swap3A_621], %swap3A_624 {strides = array<i32>} : memref<16x128xf32, #tpu.memory_space<vmem>>, vector<1x16xf32>,
    }
    %scan3A_494 = arith.constant 64 : i32
    %mul3A_495 = arith.constant 10240 : i32
    %mul3A_496 = arith.muli %arg0, %mul3A_495 : i32
    %add3A_497 = arith.addi %mul3A_496, %add3A_488 : i32
    %mul3A_498 = arith.constant 32 : i32
    %mul3A_499 = arith.muli %add3A_497, %mul3A_498 : i32
    %jit3A_500 = arith.constant 128 : i32
    %div3A_501 = arith.divsi %mul3A_499, %jit3A_500 : i32
    %sign3A_502 = arith.constant 0 : i32
    %sign3A_503 = arith.cmpi sgt, %mul3A_499, %sign3A_502 : i32
    %sign3A_504 = arith.extui %sign3A_503 : i1 to i32
    %sign3A_505 = arith.constant 0 : i32
    %sign3A_506 = arith.cmpi slt, %mul3A_499, %sign3A_505 : i32
    %sign3A_507 = arith.extui %sign3A_506 : i1 to i32
    %sign3A_508 = arith.subi %sign3A_504, %sign3A_507 : i32
    %sign3A_509 = arith.constant 0 : i32
    %sign3A_510 = arith.cmpi sgt, %jit3A_500, %sign3A_509 : i32
    %sign3A_511 = arith.extui %sign3A_510 : i1 to i32
    %sign3A_512 = arith.constant 0 : i32
    %sign3A_513 = arith.cmpi slt, %jit3A_500, %sign3A_512 : i32
    %sign3A_514 = arith.extui %sign3A_513 : i1 to i32
    %sign3A_515 = arith.subi %sign3A_511, %sign3A_514 : i32
    %ne3A_516 = arith.cmpi ne, %sign3A_508, %sign3A_515 : i32
    %rem3A_517 = arith.remsi %mul3A_499, %jit3A_500 : i32
    %ne3A_518 = arith.constant 0 : i32
    %ne3A_519 = arith.cmpi ne, %rem3A_517, %ne3A_518 : i32
    %and3A_520 = arith.andi %ne3A_516, %ne3A_519 : i1
    %sub3A_521 = arith.constant 1 : i32
    %sub3A_522 = arith.subi %div3A_501, %sub3A_521 : i32
    %select_n3A_523 = arith.select %and3A_520, %sub3A_522, %div3A_501 : i32
    "tpu.region"() ({
      %run_scoped3A = tpu.sem_alloc : memref<!tpu.dma_semaphore, #tpu.memory_space<semaphore_mem>>
      %dma_start3A_524 = arith.constant 0 : i32
      %dma_start3A_525 = tpu.memref_slice %arg6[%select_n3A_523, %dma_start3A_524] : memref<5120x128xf32, #tpu.memory_space<hbm>> -> memref<16x128xf32, #tpu.memory_space<hbm>>
      %dma_start3A_526 = arith.constant 0 : i32
      %dma_start3A_527 = tpu.memref_slice %arg6[%select_n3A_523, %dma_start3A_526] : memref<5120x128xf32, #tpu.memory_space<hbm>> -> memref<16x128xf32, #tpu.memory_space<hbm>>
      tpu.enqueue_dma source(%arg16 : memref<16x128xf32, #tpu.memory_space<vmem>>) target(%dma_start3A_527 : memref<16x128xf32, #tpu.memory_space<hbm>>) target_semaphore(%run_scoped3A : memref<!tpu.dma_semaphore, #tpu.memory_space<semaphore_mem>>)
      %dma_wait3A_528 = arith.constant 0 : i32
      %dma_wait3A_529 = tpu.memref_slice %arg6[%select_n3A_523, %dma_wait3A_528] : memref<5120x128xf32, #tpu.memory_space<hbm>> -> memref<16x128xf32, #tpu.memory_space<hbm>>
      %dma_wait3A_530 = arith.constant 0 : i32
      %dma_wait3A_531 = tpu.memref_slice %arg6[%select_n3A_523, %dma_wait3A_530] : memref<5120x128xf32, #tpu.memory_space<hbm>> -> memref<16x128xf32, #tpu.memory_space<hbm>>
      tpu.wait_dma2 semaphore(%run_scoped3A : memref<!tpu.dma_semaphore, #tpu.memory_space<semaphore_mem>>) src(%arg16 : memref<16x128xf32, #tpu.memory_space<vmem>>) dst(%dma_wait3A_531 : memref<16x128xf32, #tpu.memory_space<hbm>>)
      tpu.yield
    }) : () -> ()
    return
  }
}

module attributes {stable_mosaic.version = 14 : i64} {
  func.func @_combine_body(%arg0: memref<2500x128xf32, #tpu.memory_space<vmem>>, %arg1: memref<2x2500x128xf32, #tpu.memory_space<vmem>>, %arg2: memref<2500x128xf32, #tpu.memory_space<vmem>>) attributes {dimension_semantics = [], scalar_prefetch = 0 : i64, scratch_operands = 0 : i64, tpu.core_type = #tpu.core_type<tc>} {
    %get3A = arith.constant 0 : index
    %get3A_0 = arith.constant 0 : index
    %get3A_1 = vector.load %arg0[%get3A, %get3A_0] : memref<2500x128xf32, #tpu.memory_space<vmem>>, vector<2500x128xf32>
    %get3A_2 = arith.constant 0 : index
    %get3A_3 = arith.constant 0 : index
    %get3A_4 = arith.constant 0 : index
    %get3A_5 = vector.load %arg1[%get3A_2, %get3A_3, %get3A_4] : memref<2x2500x128xf32, #tpu.memory_space<vmem>>, vector<1x2500x128xf32>
    %get3A_6 = vector.shape_cast %get3A_5 : vector<1x2500x128xf32> to vector<2500x128xf32>
    %add3A = arith.addf %get3A_1, %get3A_6 : vector<2500x128xf32>
    %get3A_7 = arith.constant 1 : index
    %get3A_8 = arith.constant 0 : index
    %get3A_9 = arith.constant 0 : index
    %get3A_10 = vector.load %arg1[%get3A_7, %get3A_8, %get3A_9] : memref<2x2500x128xf32, #tpu.memory_space<vmem>>, vector<1x2500x128xf32>
    %get3A_11 = vector.shape_cast %get3A_10 : vector<1x2500x128xf32> to vector<2500x128xf32>
    %add3A_12 = arith.addf %add3A, %get3A_11 : vector<2500x128xf32>
    %mul3A = arith.constant 5.000000e-01 : f32
    %mul3A_13 = vector.broadcast %mul3A : f32 to vector<2500x128xf32>
    %mul3A_14 = arith.mulf %add3A_12, %mul3A_13 : vector<2500x128xf32>
    %swap3A = arith.constant 0 : index
    %swap3A_15 = arith.constant 0 : index
    %swap3A_16 = vector.load %arg2[%swap3A, %swap3A_15] : memref<2500x128xf32, #tpu.memory_space<vmem>>, vector<2500x128xf32>
    tpu.vector_store %arg2[%swap3A, %swap3A_15], %mul3A_14 {strides = array<i32>} : memref<2500x128xf32, #tpu.memory_space<vmem>>, vector<2500x128xf32>,
    return
  }
}

</mosaic_0001>

<sc_bundles>
// kernel: kernel.4.cloned.1.call-start
scs
__scs_entry_jumppad:
0x0: {  	(pc) =	sbr.rel $0x88, $3  }
0x1: {  	(tag) =	ssettag $0x0;
	lr =	simm.s32 $0x1  }
0x2: {  	[smem:$0x3F9E] =	sst lr;
	_ =	strace $0xD0000000  }
0x3: {  	_ = 	snop  }
0x4: {  	_ = 	snop  }
0x5: {  	_ = 	snop  }
0x6: {  	_ = 	snop  }
0x7: {  	_ = 	snop  }
__scs_overlays_trampoline_lowered:
0x8: {  	[smem:$0x3FAD] =	sst s0  }
0x9: {  	[smem:$0x3FAE] =	sst s1  }
0xa: {  	[smem:$0x3FAF] =	sst s2  }
0xb: {  	[smem:$0x3FB0] =	sst s3  }
0xc: {  	[smem:$0x3FB1] =	sst s4  }
0xd: {  	[smem:$0x3FB2] =	sst s5  }
0xe: {  	[smem:$0x3FB3] =	sst s6  }
0xf: {  	[smem:$0x3FB4] =	sst s7  }
0x10: {  	[smem:$0x3FB5] =	sst s8  }
0x11: {  	[smem:$0x3FB6] =	sst s9;
	s0 =	simm.s32 @!p0 $0x0  }
0x12: {  	s1 =	sld [smem:$0x3F9C];
	s0 =	simm.s32 @p0 $0x1  }
0x13: {  	[smem:$0x3FB7] =	sst s0;
	s0 =	simm.s32 @!p1 $0x0  }
0x14: {  	s2 =	sld [smem:$0x3F9B];
	s0 =	simm.s32 @p1 $0x1  }
0x15: {  	[smem:$0x3FB8] =	sst s0;
	s0 =	simm.s32 @!p2 $0x0  }
0x16: {  	s3 =	sld [smem:$0x3FDB];
	s0 =	simm.s32 @p2 $0x1  }
0x17: {  	s4 =	simm.s32 $0x1BF5;
	[smem:$0x3FBA] =	sst s0  }
0x18: {  	s0 =	sld [smem:$0x3F9D];
	_ =	swait.ge [sflag:s4], $0x0  }
0x19: {  	s7 =	sld [smem:$0x3F9E]  }
0x1a: {  	s8 =	sadd.s32 $0xFFFFE003, lr  }
0x1b: {  	s9 =	sadd.s32 $0xFFFFFEF7, lr;
	s5 =	simm.s32 $0xFFFFFFFF;
	p2 =	slt.u32 s8, $0xFFFFF086  }
0x1c: {  	p1 =	slt.u32 s9, $0xF7A;
	s5 =	simm.s32 @!p2 $0x0  }
0x1d: {  	s5 =	simm.s32 @p1 $0x1;
	p0 =	seq.s32 s7, s2  }
0x1e: {  	s7 =	smul.u32 @!p0 $0xF7A, s2;
	p2 =	seq.s32 @!p0 s5, $0x0  }
0x1f: {  	s9 =	smul.u32 $0xF7A, s1;
	s8 =	simm.s32 @!p0 $0x1BF5;
	p2 =	por !p2, p0  }
0x20: {  	[sflag:s8] =	ssyncset.s32 @!p0 $0xFFFFF086;
	s6 =	sadd.s32 @!p0 s3, s7;
	s7 =	simm.s32 @!p0 $0x108  }
0x21: {  	s3 =	sadd.s32 s3, s9;
	s6 =	sadd.s32 @!p0 $0x88, s6;
	s7 =	simm.s32 @p2 $0x1082  }
0x22: {  	[simem:s7], [sflag:s8] =	dma.local @!p0 [hbm:s6], $0xF7A  }
0x23: {  	s9 =	sor.u32 $0xD0000000, s2;
	s6 =	simm.s32 $0x108;
	_ =	swait.ge @!p0 [sflag:s8], $0x0  }
0x24: {  	s3 =	sadd.s32 $0x88, s3;
	s6 =	simm.s32 @!p1 $0x1082;
	[sflag:s4] =	ssyncset.s32 $0xFFFFF086  }
0x25: {  	[simem:s6], [sflag:s4] =	dma.local [hbm:s3], $0xF7A  }
0x26: {  	[smem:$0x3F9E] =	sst s1;
	(tag) =	ssettag s2;
	_ =	strace s9  }
0x27: {  	s1 =	sld [smem:$0x3FAE]  }
0x28: {  	s2 =	sld [smem:$0x3FAF]  }
0x29: {  	s4 =	sld [smem:$0x3FB1]  }
0x2a: {  	p0 =	seq.s32 s5, $0x0;
	s5 =	sld [smem:$0x3FB2]  }
0x2b: {  	s6 =	sld [smem:$0x3FB3]  }
0x2c: {  	s7 =	sld [smem:$0x3FB4]  }
0x2d: {  	s3 =	simm.s32 $0x108;
	s8 =	sld [smem:$0x3FB5]  }
0x2e: {  	s3 =	simm.s32 @!p0 $0x1082;
	s9 =	sld [smem:$0x3FB6]  }
0x2f: {  	lr =	sadd.s32 s0, s3;
	s0 =	sld [smem:$0x3FAD]  }
0x30: {  	s3 =	sld [smem:$0x3FB0]  }
0x31: {  	[smem:$0x3FB9] =	sst s10  }
0x32: {  	s10 =	sld [smem:$0x3FB7];
	_ =	sdelay $0x3  }
0x33: {  	p0 =	seq.s32 s10, $0x1;
	s10 =	sld [smem:$0x3FB9];
	_ =	sdelay $0x3  }
0x34: {  	[smem:$0x3FB9] =	sst s10  }
0x35: {  	s10 =	sld [smem:$0x3FB8];
	_ =	sdelay $0x3  }
0x36: {  	p1 =	seq.s32 s10, $0x1;
	s10 =	sld [smem:$0x3FB9];
	_ =	sdelay $0x3  }
0x37: {  	[smem:$0x3FB9] =	sst s10  }
0x38: {  	s10 =	sld [smem:$0x3FBA]  }
0x39: {  	_ = 	snop;
	(pc) =	sbr.ind lr, $3  }
0x3a: {  	_ = 	snop  }
0x3b: {  	_ = 	snop  }
0x3c: {  	p2 =	seq.s32 s10, $0x1;
	s10 =	sld [smem:$0x3FB9]  }
0x3d: {  	_ =	shalt  }
0x3e: {  	_ =	shalt  }
0x3f: {  	_ =	shalt  }
0x40: {  	_ =	shalt  }
0x41: {  	_ =	shalt  }
0x42: {  	_ =	shalt  }
0x43: {  	_ =	shalt  }
0x44: {  	_ =	shalt  }
0x45: {  	_ =	shalt  }
0x46: {  	_ =	shalt  }
0x47: {  	_ =	shalt  }
0x48: {  	_ =	shalt  }
0x49: {  	_ =	shalt  }
0x4a: {  	_ =	shalt  }
0x4b: {  	_ =	shalt  }
0x4c: {  	_ =	shalt  }
0x4d: {  	_ =	shalt  }
0x4e: {  	_ =	shalt  }
0x4f: {  	_ =	shalt  }
0x50: {  	_ =	shalt  }
0x51: {  	_ =	shalt  }
0x52: {  	_ =	shalt  }
0x53: {  	_ =	shalt  }
0x54: {  	_ =	shalt  }
0x55: {  	_ =	shalt  }
0x56: {  	_ =	shalt  }
0x57: {  	_ =	shalt  }
0x58: {  	_ =	shalt  }
0x59: {  	_ =	shalt  }
0x5a: {  	_ =	shalt  }
0x5b: {  	_ =	shalt  }
0x5c: {  	_ =	shalt  }
0x5d: {  	_ =	shalt  }
0x5e: {  	_ =	shalt  }
0x5f: {  	_ =	shalt  }
0x60: {  	_ =	shalt  }
0x61: {  	_ =	shalt  }
0x62: {  	_ =	shalt  }
0x63: {  	_ =	shalt  }
0x64: {  	_ =	shalt  }
0x65: {  	_ =	shalt  }
0x66: {  	_ =	shalt  }
0x67: {  	_ =	shalt  }
0x68: {  	_ =	shalt  }
0x69: {  	_ =	shalt  }
0x6a: {  	_ =	shalt  }
0x6b: {  	_ =	shalt  }
0x6c: {  	_ =	shalt  }
0x6d: {  	_ =	shalt  }
0x6e: {  	_ =	shalt  }
0x6f: {  	_ =	shalt  }
0x70: {  	_ =	shalt  }
0x71: {  	_ =	shalt  }
0x72: {  	_ =	shalt  }
0x73: {  	_ =	shalt  }
0x74: {  	_ =	shalt  }
0x75: {  	_ =	shalt  }
0x76: {  	_ =	shalt  }
0x77: {  	_ =	shalt  }
0x78: {  	_ =	shalt  }
0x79: {  	_ =	shalt  }
0x7a: {  	_ =	shalt  }
0x7b: {  	_ =	shalt  }
0x7c: {  	_ =	shalt  }
0x7d: {  	_ =	shalt  }
0x7e: {  	_ =	shalt  }
0x7f: {  	_ =	shalt  }
0x80: {  	_ =	shalt  }
0x81: {  	_ =	shalt  }
0x82: {  	_ =	shalt  }
0x83: {  	_ =	shalt  }
0x84: {  	_ =	shalt  }
0x85: {  	_ =	shalt  }
0x86: {  	_ =	shalt  }
0x87: {  	_ =	shalt  }
.Lfunc_end0:
.L_simem_size_0:
called_computation.1_lowered:
.L_overlay_start_0:
0x88: {  	s2 =	sld [smem:$0x3FD9]  }
0x89: {  	s3 =	sld [smem:$0x3FFE];
	_ =	sdelay $0x1  }
0x8a: {  	s1 =	srdreg.scid  }
0x8b: {  	s0 =	sand.u32 $0x1, s1  }
0x8c: {  	s16 =	sshll.u32 s0, $0xA;
	s2 =	sadd.s32 s3, s2  }
0x8d: {  	s2 =	sadd.s32 s2, s16  }
0x8e: {  	[smem:$0x3FC5] =	sst s2  }
0x8f: {  	_ = 	snop  }
0x90: {  	(tm) =	ssettm $0x1  }
0x91: {  	s17 =	sld [smem:$0x3FFB];
	_ =	sdelay $0x3  }
0x92: {  	_ =	strace s17  }
0x93: {  	s2 =	sld [smem:$0x3FFC];
	_ =	sdelay $0x3  }
0x94: {  	_ =	strace s2  }
0x95: {  	s2 =	sld [smem:$0x3FFD];
	_ =	sdelay $0x3  }
0x96: {  	_ =	strace s2  }
0x97: {  	_ =	strace $0x8FFFFFFF  }
0x98: {  	s18 =	sld [smem:$0x3FDB];
	_ =	sdelay $0x1  }
0x99: {  	s19 =	simm.s32 $_scs_section_size  }
0x9a: {  	s4 =	simm.s32 $_size__tile_overlayer_lowered;
	s5 =	simm.s32 $_tile_overlayer_lowered  }
0x9b: {  	s22 =	simm.s32 $0x1BFF;
	s21 =	sshll.u32 s5, $0x1;
	s2 =	sadd.s32 s19, s18  }
0x9c: {  	s6 =	simm.s32 $0x0;
	s20 =	sshll.u32 s4, $0x1;
	s4 =	sadd.s32 s21, s2  }
0x9d: {  	[timem:s6], [sflag:s22] =	dma.local [hbm:s4], s20  }
0x9e: {  	_ =	swait.ge [sflag:s22], s20  }
0x9f: {  	s3 =	ssub.s32 $0x0, s20;
	[sflag:s22] =	ssyncset.done $0x0  }
0xa0: {  	[sflag:s22] =	ssyncadd.s32 s3;
	_ =	sdelay $0x1  }
0xa1: {  	s23 =	simm.s32 $0x1B8B  }
0xa2: {  	_ =	swait.ge [sflag:s23], $0x1  }
0xa3: {  	[sflag:s23] =	ssyncset.done $0x0  }
0xa4: {  	s25 =	simm.s32 $0x1B8E;
	s24 =	sld [smem:$0x3FFE];
	[sflag:s23] =	ssyncadd.s32 $0xFFFFFFFF  }
0xa5: {  	s26 =	simm.s32 $execute0_lowered;
	[smem:$0x3FD2] =	sst s25  }
0xa6: {  	s4 =	sshll.u32 s26, $0x1;
	_ =	strace $0x80000049;
	[dreg:$0x1] =	wrdreg $0xFFFFFFFF  }
0xa7: {  	s28 =	simm.s32 $_size_execute0_lowered;
	s2 =	sadd.s32 s2, s4;
	[dreg:$0x0] =	wrdreg $0x0  }
0xa8: {  	s4 =	sshll.u32 s28, $0x1;
	[dreg:$0x2] =	wrdreg s2  }
0xa9: {  	[dreg:$0x3] =	wrdreg s4  }
0xaa: {  	[dreg:$0x4] =	wrdreg $0xC0  }
0xab: {  	_ =	task [dreg:s6], $0x5FFFF  }
0xac: {  	[dreg:$0x1] =	wrdreg $0xFFFFFFFF  }
0xad: {  	[dreg:$0x0] =	wrdreg $0x60  }
0xae: {  	[dreg:$0x2] =	wrdreg s24  }
0xaf: {  	[dreg:$0x3] =	wrdreg $0x190D80  }
0xb0: {  	[dreg:$0x4] =	wrdreg $0x9  }
0xb1: {  	_ =	task.clear_ibuf [dreg:s6], $0x5FFFF;
	_ =	strace $0x90000049  }
0xb2: {  	s29 =	simm.s32 $0x9;
	_ =	strace $0x8000004B  }
0xb3: {  	_ =	swait.ge [sflag:s29], $0x1  }
0xb4: {  	[sflag:s29] =	ssyncadd.s32 $0xFFFFFFFF  }
0xb5: {  	_ =	strace $0x9000004B  }
0xb6: {  	_ =	sfence  }
0xb7: {  	s30 =	sld [smem:$0x0];
	_ =	sdelay $0x2  }
0xb8: {  	s31 =	sshll.u32 s1, $0xD;
	s1 =	sshrl.u32 s1, $0x2  }
0xb9: {  	s3 =	sand.u32 $0x4000, s31;
	s1 =	sadd.s32 s1, s30  }
0xba: {  	s0 =	sor.u32 s3, s0;
	s1 =	sshll.u32 s1, $0x11  }
0xbb: {  	s0 =	sor.u32 s1, s0  }
0xbc: {  	s0 =	sadd.s32 $0x8F2B, s0  }
0xbd: {  	[sflag:s0] =	ssyncadd.remote.s32 $0x1  }
0xbe: {  	_ =	sfence.sel $0xFFFF  }
0xbf: {  	[dreg:$0x0] =	wrdreg $0xFFFFFFFF;
	(pc) =	sbr.abs _section_cstart, $3  }
0xc0: {  	[dreg:$0x1] =	wrdreg $0xFFFFFFFF  }
0xc1: {  	_ =	task.clear_ibuf [dreg:s6], $0x2FFFF;
	_ =	strace $0x9FFFFFFF  }
0xc2: {  	(tm) =	ssettm $0x7FFFFFFF  }
0xc3: {  	_ =	shalt  }
tec
execute0_lowered:
.L_overlay_start_1:
0x0: {  	(tag) =	ssettag $0x1  }
0x1: {  	s2 =	rddreg [dreg:$0x0]  }
0x2: {  	s1 =	rddreg [dreg:$0x1]  }
0x3: {  	s0 =	srdreg.scid;
	s15 =	stileid.u32;
	s21 =	simm.s32 $0x0  }
0x4: {  	s0 =	sand.u32 $0x1, s0;
	s3 =	smul.u32 $0x280, s15;
	s4 =	sshll.u32 s15, $0x1  }
0x5: {  	[smem:$0x7FF] =	sst s21;
	s7 =	sadd.s32 $0x13F5E00, s2;
	s5 =	ssub.s32 $0x2, s0  }
0x6: {  	s6 =	smul.u32 $0x2800, s0;
	s4 =	sor.u32 s0, s4;
	s19 =	sshrl.u32 s5, $0x1  }
0x7: {  	s8 =	sadd.s32 $0x140, s3;
	s9 =	sor.u32 $0x40, s3;
	s10 =	sadd.s32 $0x80, s3  }
0x8: {  	s12 =	sadd.s32 $0xC0, s3;
	s18 =	sadd.s32 $0x180, s3;
	s0 =	ssub.s32 s5, s19  }
0x9: {  	s20 =	sadd.s32 s3, s6;
	s22 =	sadd.s32 s6, s9;
	s11 =	sadd.s32 s6, s10  }
0xa: {  	s24 =	sadd.s32 s6, s12;
	s13 =	sadd.s32 s6, s8;
	s16 =	sadd.s32 s6, s18  }
0xb: {  	s19 =	sadd.s32 $0x200, s3;
	s5 =	sshll.u32 s20, $0x2;
	s23 =	sshll.u32 s11, $0x2  }
0xc: {  	s25 =	sshll.u32 s24, $0x2;
	s11 =	sadd.s32 $0x100, s3;
	s13 =	sshll.u32 s13, $0x2  }
0xd: {  	s24 =	smul.u32 $0x9C400, s4;
	s5 =	sadd.s32 s7, s5;
	s26 =	sadd.s32 s6, s11  }
0xe: {  	s14 =	sadd.s32 s7, s13;
	[dreg:$0x3] =	wrdreg s5;
	s5 =	sshll.u32 s22, $0x2  }
0xf: {  	s13 =	sadd.s32 $0x1C0, s3;
	[dreg:$0x8] =	wrdreg s14;
	s5 =	sadd.s32 s7, s5  }
0x10: {  	s3 =	sadd.s32 $0x240, s3;
	[dreg:$0x4] =	wrdreg s5;
	s5 =	sadd.s32 s7, s23  }
0x11: {  	s17 =	sadd.s32 s6, s13;
	[dreg:$0x5] =	wrdreg s5;
	s5 =	sadd.s32 s7, s25  }
0x12: {  	s14 =	sadd.s32 s6, s19;
	[dreg:$0x6] =	wrdreg s5;
	s5 =	sshll.u32 s26, $0x2  }
0x13: {  	s22 =	sadd.s32 s6, s3;
	s14 =	sshll.u32 s14, $0x2;
	s5 =	sadd.s32 s7, s5  }
0x14: {  	s20 =	sadd.s32 s7, s14;
	[dreg:$0x7] =	wrdreg s5;
	s5 =	sshll.u32 s16, $0x2  }
0x15: {  	s23 =	smul.u32 $0x7D0, s4;
	[dreg:$0xb] =	wrdreg s20;
	s5 =	sadd.s32 s7, s5  }
0x16: {  	s14 =	sadd.s32 $0x13CEC00, s2;
	[dreg:$0x9] =	wrdreg s5;
	s5 =	sshll.u32 s17, $0x2  }
0x17: {  	s20 =	smul.u32 $0x14000, s15;
	s15 =	sadd.s32 $0x1388600, s2;
	s5 =	sadd.s32 s7, s5  }
0x18: {  	s25 =	sadd.s32 s23, s2;
	[dreg:$0xa] =	wrdreg s5;
	s5 =	sshll.u32 s22, $0x2  }
0x19: {  	s6 =	sadd.s32 s15, s23;
	s26 =	sadd.s32 $0x1398000, s25;
	s5 =	sadd.s32 s7, s5  }
0x1a: {  	s16 =	sadd.s32 $0x600, s2;
	s17 =	smul.u32 $0x7D, s4;
	[dreg:$0xc] =	wrdreg s5  }
0x1b: {  	s4 =	sadd.s32 s16, s24;
	_ =	strace $0x8000004A;
	[dreg:$0xd] =	wrdreg s26  }
0x1c: {  	s7 =	sshll.u32 s8, $0x5;
	s8 =	sshll.u32 s9, $0x5;
	[dreg:$0xe] =	wrdreg s4  }
0x1d: {  	s9 =	sshll.u32 s10, $0x5;
	s2 =	sadd.s32 s8, s1;
	[dreg:$0xf] =	wrdreg s6  }
0x1e: {  	s24 =	sshll.u32 s18, $0x5;
	s10 =	sadd.s32 s9, s1;
	[dreg:$0x12] =	wrdreg s2  }
0x1f: {  	s25 =	sadd.s32 s24, s1;
	[dreg:$0x13] =	wrdreg s10  }
0x20: {  	s12 =	sshll.u32 s12, $0x5;
	s0 =	smax.u32 s0, $0x1;
	[dreg:$0x16] =	wrdreg s25  }
0x21: {  	s3 =	sshll.u32 s3, $0x5;
	s22 =	sadd.s32 s7, s1;
	[dreg:$0x1a] =	wrdreg s0  }
0x22: {  	s5 =	sshrl.u32 s20, $0x2;
	s2 =	sadd.s32 s12, s1;
	[dreg:$0x11] =	wrdreg s22  }
0x23: {  	s20 =	sadd.s32 s5, s1;
	s5 =	sadd.s32 s3, s1;
	[dreg:$0x14] =	wrdreg s2  }
0x24: {  	s23 =	sshll.u32 s11, $0x5;
	[dreg:$0x19] =	wrdreg s5  }
0x25: {  	s2 =	sadd.s32 s23, s1;
	[dreg:$0x10] =	wrdreg s20  }
0x26: {  	s6 =	sadd.s32 $0x500, s20;
	[dreg:$0x15] =	wrdreg s2  }
0x27: {  	s7 =	sadd.s32 $0xA00, s20;
	[dreg:$0x1b] =	wrdreg s6  }
0x28: {  	s8 =	sadd.s32 $0xF00, s20;
	[dreg:$0x1c] =	wrdreg s7  }
0x29: {  	s28 =	simm.s32 $0x16800;
	s9 =	sadd.s32 $0x1400, s20;
	[dreg:$0x1d] =	wrdreg s8  }
0x2a: {  	s29 =	simm.s32 $0xA000;
	s10 =	sadd.s32 $0x1900, s20;
	[dreg:$0x1e] =	wrdreg s9  }
0x2b: {  	s30 =	simm.s32 $0x15400;
	s11 =	sadd.s32 $0x1E00, s20;
	[dreg:$0x1f] =	wrdreg s10  }
0x2c: {  	s31 =	simm.s32 $0x180B0;
	s12 =	sadd.s32 $0x2300, s20;
	[smem:$0x7F5] =	sst s11  }
0x2d: {  	s26 =	sshll.u32 s13, $0x5;
	s13 =	sadd.s32 $0x2D00, s20;
	[smem:$0x7F6] =	sst s12  }
0x2e: {  	s4 =	sshll.u32 s19, $0x5;
	s18 =	sadd.s32 $0x3200, s20;
	[smem:$0x7F7] =	sst s13  }
0x2f: {  	s0 =	simm.s32 $0x3;
	s19 =	sadd.s32 $0x3700, s20;
	[smem:$0x7F8] =	sst s18  }
0x30: {  	s3 =	simm.s32 $0x5;
	s23 =	sadd.s32 $0x3C00, s20;
	[smem:$0x7F9] =	sst s19  }
0x31: {  	s24 =	sadd.s32 $0x4100, s20;
	s25 =	sadd.s32 $0x4600, s20;
	[smem:$0x7FA] =	sst s23  }
0x32: {  	s5 =	simm.s32 $0x4;
	s2 =	sadd.s32 s26, s1;
	[smem:$0x7FB] =	sst s24  }
0x33: {  	[smem:$0x7FC] =	sst s25;
	s26 =	sadd.s32 $0x4B00, s20;
	s23 =	simm.s32 $0x28  }
0x34: {  	s24 =	simm.s32 $0x7;
	s25 =	simm.s32 $0x14000;
	s10 =	simm.s32 $0x1  }
0x35: {  	s6 =	simm.s32 $0x6;
	s8 =	simm.s32 $0x188D8;
	[dreg:$0x17] =	wrdreg s2  }
0x36: {  	s9 =	simm.s32 $0x0;
	s2 =	sadd.s32 s4, s1;
	[smem:$0x7FD] =	sst s26  }
0x37: {  	v0 =	vimm.f32 $0.0e+00;
	s26 =	simm.s32 $0x18088;
	s4 =	simm.s32 $0x2;
	[dreg:$0x18] =	wrdreg s2  }
.LBB2_1:
0x38: {  	s2 =	rddreg [dreg:$0xd];
	s7 =	simm.s32 $0x80;
	s11 =	simm.s32 $0x16D00  }
0x39: {  	[tilespmem:s11], [sflag:$0x7] =	stream.strided.gather [hbm4b:s2+s23], $0x1388, s7, s23, $0x38;
	[tilespmem:$0x1E0D8] =	vst v63  }
0x3a: {  	_ =	swait.ge [sflag:s24], $0x1388  }
0x3b: {  	[sflag:s24] =	ssyncset.done $0x0  }
0x3c: {  	s18 =	rddreg [dreg:$0xe];
	[sflag:s24] =	ssyncadd.s32 $0xFFFFEC78  }
0x3d: {  	[tilespmem:s21], [sflag:$0x1] =	stream.linear.gather [hbm4b:s18+s21], $0xA000, $0x38;
	[tilespmem:$0x1E0D8] =	vst v63  }
0x3e: {  	_ = 	snop  }
0x3f: {  	[tilespmem:s25], [sflag:$0x3] =	stream.indirect.gather [hbm4b:s14+s23], $0x80, s11, s23, $0xb8;
	[tilespmem:$0x1E0D8] =	vst v63  }
0x40: {  	s2 =	simm.s32 $0x80;
	s19 =	rddreg [dreg:$0xf];
	s11 =	simm.s32 $0x0  }
0x41: {  	[tilespmem:s26], [sflag:$0x5] =	stream.linear.gather [hbm4b:s19+s21], $0x28, $0x38;
	[tilespmem:$0x1E0D8] =	vst v63  }
.LBB2_2:
0x42: {  	p0 =	sne.s32 s2, $0x1380;
	[tilespmem:s11+$0x16800] =	vst v0;
	s12 =	smov.u32 s2;
	s2 =	sadd.s32 $0x80, s2  }
.Ltmp0:
0x43: {  	[tilespmem:s11+$0x16810] =	vst v0;
	(pc) =	sbr.rel @p0 .LBB2_2-.Ltmp0, $2  }
0x44: {  	_ =	sdelay $0x2  }
0x45: {  	s11 =	sshra.s32 s12, $0x2  }
0x46: {  	[tilespmem:s11+$0x16800] =	vst v0  }
0x47: {  	[tilespmem:s11+$0x16810] =	vst v0  }
0x48: {  	[spmem:s20] =	stream.linear.scatter [tilespmem:s28], [sflag:$0x7], $0x500, $0x38;
	[tilespmem:$0x1E0D8] =	vst v63  }
0x49: {  	_ =	swait.ge [sflag:s24], $0x500  }
0x4a: {  	[sflag:s24] =	ssyncset.done $0x0  }
0x4b: {  	s2 =	rddreg [dreg:$0x1b];
	[sflag:s24] =	ssyncadd.s32 $0xFFFFFB00  }
0x4c: {  	[spmem:s2] =	stream.linear.scatter [tilespmem:s28], [sflag:$0x7], $0x500, $0x38;
	[tilespmem:$0x1E0D8] =	vst v63  }
0x4d: {  	_ =	swait.ge [sflag:s24], $0x500  }
0x4e: {  	[sflag:s24] =	ssyncset.done $0x0  }
0x4f: {  	s18 =	rddreg [dreg:$0x1c];
	[sflag:s24] =	ssyncadd.s32 $0xFFFFFB00  }
0x50: {  	[spmem:s18] =	stream.linear.scatter [tilespmem:s28], [sflag:$0x7], $0x500, $0x38;
	[tilespmem:$0x1E0D8] =	vst v63  }
0x51: {  	_ =	swait.ge [sflag:s24], $0x500  }
0x52: {  	[sflag:s24] =	ssyncset.done $0x0  }
0x53: {  	s19 =	rddreg [dreg:$0x1d];
	[sflag:s24] =	ssyncadd.s32 $0xFFFFFB00  }
0x54: {  	[spmem:s19] =	stream.linear.scatter [tilespmem:s28], [sflag:$0x7], $0x500, $0x38;
	[tilespmem:$0x1E0D8] =	vst v63  }
0x55: {  	_ =	swait.ge [sflag:s24], $0x500  }
0x56: {  	[sflag:s24] =	ssyncset.done $0x0  }
0x57: {  	s20 =	rddreg [dreg:$0x1e];
	[sflag:s24] =	ssyncadd.s32 $0xFFFFFB00  }
0x58: {  	[spmem:s20] =	stream.linear.scatter [tilespmem:s28], [sflag:$0x7], $0x500, $0x38;
	[tilespmem:$0x1E0D8] =	vst v63  }
0x59: {  	_ =	swait.ge [sflag:s24], $0x500  }
0x5a: {  	[sflag:s24] =	ssyncset.done $0x0  }
0x5b: {  	s21 =	rddreg [dreg:$0x1f];
	[sflag:s24] =	ssyncadd.s32 $0xFFFFFB00  }
0x5c: {  	[spmem:s21] =	stream.linear.scatter [tilespmem:s28], [sflag:$0x7], $0x500, $0x38;
	[tilespmem:$0x1E0D8] =	vst v63  }
0x5d: {  	_ =	swait.ge [sflag:s24], $0x500  }
0x5e: {  	s7 =	sld [smem:$0x7F5]  }
0x5f: {  	[sflag:s24] =	ssyncset.done $0x0  }
0x60: {  	[sflag:s24] =	ssyncadd.s32 $0xFFFFFB00  }
0x61: {  	[spmem:s7] =	stream.linear.scatter [tilespmem:s28], [sflag:$0x7], $0x500, $0x38;
	[tilespmem:$0x1E0D8] =	vst v63  }
0x62: {  	_ =	swait.ge [sflag:s24], $0x500  }
0x63: {  	s11 =	sld [smem:$0x7F6]  }
0x64: {  	[sflag:s24] =	ssyncset.done $0x0  }
0x65: {  	[sflag:s24] =	ssyncadd.s32 $0xFFFFFB00  }
0x66: {  	[spmem:s11] =	stream.linear.scatter [tilespmem:s28], [sflag:$0x7], $0x500, $0x38;
	[tilespmem:$0x1E0D8] =	vst v63  }
0x67: {  	_ =	swait.ge [sflag:s24], $0x500  }
0x68: {  	[sflag:s24] =	ssyncset.done $0x0  }
0x69: {  	[sflag:s24] =	ssyncadd.s32 $0xFFFFFB00  }
0x6a: {  	[spmem:s22] =	stream.linear.scatter [tilespmem:s28], [sflag:$0x7], $0x500, $0x38;
	[tilespmem:$0x1E0D8] =	vst v63  }
0x6b: {  	_ =	swait.ge [sflag:s24], $0x500  }
0x6c: {  	s12 =	sld [smem:$0x7F7]  }
0x6d: {  	[sflag:s24] =	ssyncset.done $0x0  }
0x6e: {  	[sflag:s24] =	ssyncadd.s32 $0xFFFFFB00  }
0x6f: {  	[spmem:s12] =	stream.linear.scatter [tilespmem:s28], [sflag:$0x7], $0x500, $0x38;
	[tilespmem:$0x1E0D8] =	vst v63  }
0x70: {  	_ =	swait.ge [sflag:s24], $0x500  }
0x71: {  	s13 =	sld [smem:$0x7F8]  }
0x72: {  	[sflag:s24] =	ssyncset.done $0x0  }
0x73: {  	[sflag:s24] =	ssyncadd.s32 $0xFFFFFB00  }
0x74: {  	[spmem:s13] =	stream.linear.scatter [tilespmem:s28], [sflag:$0x7], $0x500, $0x38;
	[tilespmem:$0x1E0D8] =	vst v63  }
0x75: {  	_ =	swait.ge [sflag:s24], $0x500  }
0x76: {  	s18 =	sld [smem:$0x7F9]  }
0x77: {  	[sflag:s24] =	ssyncset.done $0x0  }
0x78: {  	[sflag:s24] =	ssyncadd.s32 $0xFFFFFB00  }
0x79: {  	[spmem:s18] =	stream.linear.scatter [tilespmem:s28], [sflag:$0x7], $0x500, $0x38;
	[tilespmem:$0x1E0D8] =	vst v63  }
0x7a: {  	_ =	swait.ge [sflag:s24], $0x500  }
0x7b: {  	s19 =	sld [smem:$0x7FA]  }
0x7c: {  	[sflag:s24] =	ssyncset.done $0x0  }
0x7d: {  	[sflag:s24] =	ssyncadd.s32 $0xFFFFFB00  }
0x7e: {  	[spmem:s19] =	stream.linear.scatter [tilespmem:s28], [sflag:$0x7], $0x500, $0x38;
	[tilespmem:$0x1E0D8] =	vst v63  }
0x7f: {  	_ =	swait.ge [sflag:s24], $0x500  }
0x80: {  	s20 =	sld [smem:$0x7FB]  }
0x81: {  	[sflag:s24] =	ssyncset.done $0x0  }
0x82: {  	[sflag:s24] =	ssyncadd.s32 $0xFFFFFB00  }
0x83: {  	[spmem:s20] =	stream.linear.scatter [tilespmem:s28], [sflag:$0x7], $0x500, $0x38;
	[tilespmem:$0x1E0D8] =	vst v63  }
0x84: {  	_ =	swait.ge [sflag:s24], $0x500  }
0x85: {  	s21 =	sld [smem:$0x7FC]  }
0x86: {  	[sflag:s24] =	ssyncset.done $0x0  }
0x87: {  	[sflag:s24] =	ssyncadd.s32 $0xFFFFFB00  }
0x88: {  	[spmem:s21] =	stream.linear.scatter [tilespmem:s28], [sflag:$0x7], $0x500, $0x38;
	[tilespmem:$0x1E0D8] =	vst v63  }
0x89: {  	_ =	swait.ge [sflag:s24], $0x500  }
0x8a: {  	s22 =	sld [smem:$0x7FD]  }
0x8b: {  	[sflag:s24] =	ssyncset.done $0x0  }
0x8c: {  	[sflag:s24] =	ssyncadd.s32 $0xFFFFFB00  }
0x8d: {  	[spmem:s22] =	stream.linear.scatter [tilespmem:s28], [sflag:$0x7], $0x500, $0x38;
	[tilespmem:$0x1E0D8] =	vst v63  }
0x8e: {  	_ =	swait.ge [sflag:s24], $0x500  }
0x8f: {  	[sflag:s24] =	ssyncset.done $0x0  }
0x90: {  	[sflag:s24] =	ssyncadd.s32 $0xFFFFFB00  }
0x91: {  	s11 =	simm.s32 $0x0;
	s12 =	simm.s32 $0x0;
	[bflag:$0x0] =	sbarrier.arrive $0xFFFF  }
.LBB2_4:
0x92: {  	s2 =	sshllo.u32 s12, $0x1  }
0x93: {  	s13 =	sadd.s32 s17, s2;
	s2 =	smul.u32 $0xA0, s2  }
0x94: {  	s18 =	smul.u32 $0x1400, s13;
	_ =	sdelay $0x1  }
0x95: {  	s2 =	sshra.s32 s2, $0x2;
	s18 =	sadd.s32 s16, s18  }
0x96: {  	[tilespmem:s29], [sflag:$0x2] =	stream.linear.gather [hbm4b:s18+s11], $0xA000, $0x38;
	[tilespmem:$0x1E0D8] =	vst v63  }
0x97: {  	s22 =	sshll.u32 s13, $0x4;
	s2 =	sadd.s32 $0x16D00, s2  }
0x98: {  	[tilespmem:s30], [sflag:$0x4] =	stream.indirect.gather [hbm4b:s14+s23], $0x80, s2, s23, $0xb8;
	[tilespmem:$0x1E0D8] =	vst v63  }
0x99: {  	s2 =	sand.u32 $0x1FFFFFF0, s22  }
0x9a: {  	s2 =	sadd.s32 s15, s2  }
0x9b: {  	[tilespmem:s31], [sflag:$0x6] =	stream.linear.gather [hbm4b:s2+s11], $0x28, $0x38;
	[tilespmem:$0x1E0D8] =	vst v63  }
0x9c: {  	_ =	swait.ge [sflag:s10], $0xA000  }
0x9d: {  	[sflag:s10] =	ssyncset.done $0x0  }
0x9e: {  	[sflag:s10] =	ssyncadd.s32 $0xFFFF6000  }
0x9f: {  	_ =	swait.ge [sflag:s0], $0x1400  }
0xa0: {  	[sflag:s0] =	ssyncset.done $0x0  }
0xa1: {  	s13 =	simm.s32 $0x200;
	[sflag:s0] =	ssyncadd.s32 $0xFFFFEC00  }
0xa2: {  	v1 =	vld [tilespmem:s13+$0xF0]  }
0xa3: {  	v2 =	vld [tilespmem:s13+$0xE0]  }
0xa4: {  	v3 =	vld [tilespmem:s13+$0xD0]  }
0xa5: {  	v9 =	vld [tilespmem:s13+$0x80]  }
0xa6: {  	v4 =	vld [tilespmem:s13+$0xFFFFFFC0]  }
0xa7: {  	v5 =	vld [tilespmem:s13+$0xFFFFFF40]  }
0xa8: {  	v6 =	vld [tilespmem:s13+$0xFFFFFEE0]  }
0xa9: {  	v7 =	vld [tilespmem:s13+$0xFFFFFEF0]  }
0xaa: {  	v8 =	vld [tilespmem:s13+$0xFFFFFF10]  }
0xab: {  	s18 =	simm.s32 $0x14010;
	v10 =	vld [tilespmem:s13+$0xFFFFFEB0]  }
0xac: {  	v12 =	vld [tilespmem:s18+$0xFFFFFFF0]  }
0xad: {  	v11 =	vld [tilespmem:s13+$0xFFFFFED0]  }
0xae: {  	v13 =	vld [tilespmem:s13+$0xFFFFFFD0]  }
0xaf: {  	v14 =	vld [tilespmem:s13+$0xFFFFFE00]  }
0xb0: {  	v15 =	vld [tilespmem:s13+$0xFFFFFE40]  }
0xb1: {  	v16 =	vld [tilespmem:s13+$0xFFFFFE10];
	v17 =	vbroadcast v12, $0x0  }
0xb2: {  	v18 =	vld [tilespmem:s13+$0xFFFFFF90];
	v19 =	vbroadcast v12, $0xB;
	v21 =	vbroadcast v12, $0x2  }
0xb3: {  	v20 =	vld [tilespmem:s13+$0xFFFFFE50];
	v22 =	vbroadcast v12, $0xE;
	v24 =	vbroadcast v12, $0xC  }
0xb4: {  	v23 =	vld [tilespmem:s13+$0xFFFFFF50];
	v27 =	vbroadcast v12, $0x4;
	v29 =	vbroadcast v12, $0x8  }
0xb5: {  	v25 =	vld [tilespmem:s13+$0xFFFFFE90];
	v31 =	vbroadcast v12, $0x5;
	v32 =	vbroadcast v12, $0x6  }
0xb6: {  	v28 =	vld [tilespmem:s13+$0xFFFFFEA0];
	v35 =	vbroadcast v12, $0x3;
	v57 =	vbroadcast v12, $0xD  }
0xb7: {  	v30 =	vld [tilespmem:s13+$0xFFFFFE70];
	v38 =	vbroadcast v12, $0xF;
	v14 =	vmul.f32 v14, v17  }
0xb8: {  	v33 =	vld [tilespmem:s13+$0xFFFFFF00];
	v26 =	vmul.f32 v4, v22;
	v4 =	vmul.f32 v16, v17  }
0xb9: {  	v15 =	vmul.f32 v15, v21;
	v16 =	vld [tilespmem:s13+$0xFFFFFE80];
	v17 =	vbroadcast v12, $0xA  }
0xba: {  	v20 =	vmul.f32 v20, v21;
	v21 =	vld [tilespmem:s13+$0xFFFFFE60];
	v18 =	vmul.f32 v18, v24;
	v4 =	vadd.f32 $0.0e+00, v4  }
0xbb: {  	v34 =	vld [tilespmem:s13+$0xFFFFFE20];
	v25 =	vmul.f32 v25, v27;
	v28 =	vmul.f32 v28, v31  }
0xbc: {  	v36 =	vld [tilespmem:s13+$0xFFFFFE30];
	v11 =	vmul.f32 v11, v32;
	v8 =	vmul.f32 v8, v29;
	v4 =	vadd.f32 v20, v4  }
0xbd: {  	v13 =	vmul.f32 v13, v22;
	v23 =	vmul.f32 v23, v17;
	v14 =	vadd.f32 $0.0e+00, v14;
	v20 =	vld [tilespmem:s13+$0xFFFFFEC0]  }
0xbe: {  	v56 =	vld [tilespmem:s13+$0xFFFFFFB0];
	v16 =	vmul.f32 v16, v27;
	v27 =	vbroadcast v12, $0x7;
	v4 =	vadd.f32 v25, v4  }
0xbf: {  	v14 =	vadd.f32 v15, v14;
	v15 =	vmul.f32 v21, v35;
	v21 =	vmul.f32 v30, v35;
	v30 =	vld [tilespmem:s13+$0xFFFFFF80]  }
0xc0: {  	v5 =	vmul.f32 v5, v17;
	v25 =	vmul.f32 v10, v31;
	v10 =	vld [tilespmem:s13+$0xFFFFFF20];
	v11 =	vadd.f32 v11, v4  }
0xc1: {  	v14 =	vadd.f32 v16, v14;
	v16 =	vmul.f32 v33, v29;
	v29 =	vmul.f32 v7, v27;
	v4 =	vld [tilespmem:s18+$0x0]  }
0xc2: {  	v7 =	vbroadcast v12, $0x1;
	v20 =	vmul.f32 v20, v32;
	v8 =	vadd.f32 v8, v11;
	v11 =	vld [tilespmem:s13+$0xFFFFFF30]  }
0xc3: {  	v39 =	vld [tilespmem:s13+$0xFFFFFFF0];
	v17 =	vbroadcast v12, $0x9;
	v27 =	vmul.f32 v6, v27  }
0xc4: {  	v59 =	vld [tilespmem:s13+$0x90];
	v22 =	vmul.f32 v34, v7;
	v24 =	vmul.f32 v30, v24;
	v6 =	vadd.f32 v20, v14  }
0xc5: {  	v14 =	vld [tilespmem:s13+$0x1F0];
	v30 =	vmul.f32 v10, v17;
	v8 =	vadd.f32 v23, v8;
	v23 =	vmul.f32 v36, v7  }
0xc6: {  	v31 =	vld [tilespmem:s13+$0x0];
	v6 =	vadd.f32 v16, v6;
	v7 =	vbroadcast v4, $0xF;
	v10 =	vbroadcast v4, $0x3  }
0xc7: {  	v54 =	vbroadcast v4, $0x0;
	v53 =	vmul.f32 v11, v17;
	v17 =	vadd.f32 $0.0e+00, v23;
	v23 =	vld [tilespmem:s13+$0xFFFFFF70]  }
0xc8: {  	v20 =	vld [tilespmem:s13+$0x50];
	v55 =	vbroadcast v4, $0x4;
	v18 =	vadd.f32 v18, v8;
	v6 =	vadd.f32 v5, v6  }
0xc9: {  	v22 =	vadd.f32 $0.0e+00, v22;
	v12 =	vbroadcast v4, $0x8;
	v40 =	vbroadcast v4, $0x1;
	v11 =	vld [tilespmem:s13+$0xFFFFFF60]  }
0xca: {  	v5 =	vmul.f32 v14, v7;
	v37 =	vadd.f32 v13, v18;
	v13 =	vld [tilespmem:s13+$0xFFFFFFE0];
	v14 =	vadd.f32 v24, v6  }
0xcb: {  	v16 =	vld [tilespmem:s13+$0xC0];
	v15 =	vadd.f32 v15, v22;
	v8 =	vbroadcast v4, $0x9;
	v63 =	vmul.f32 v59, v55  }
0xcc: {  	v9 =	vmul.f32 v9, v55;
	v14 =	vadd.f32 v26, v14;
	v26 =	vmul.f32 v23, v19;
	v23 =	vld [tilespmem:s13+$0x10]  }
0xcd: {  	v6 =	vbroadcast v4, $0xC;
	v17 =	vadd.f32 v21, v17;
	v21 =	vmul.f32 v31, v54;
	v31 =	vld [tilespmem:s13+$0x40]  }
0xce: {  	v22 =	vmul.f32 v11, v19;
	v11 =	vadd.f32 v28, v15;
	v15 =	vbroadcast v4, $0x6;
	v28 =	vld [tilespmem:s13+$0x100]  }
0xcf: {  	v58 =	vld [tilespmem:s13+$0x140];
	v19 =	vmul.f32 v56, v57;
	v18 =	vmul.f32 v13, v38;
	v13 =	vadd.f32 v25, v17  }
0xd0: {  	v24 =	vld [tilespmem:s13+$0xFFFFFFA0];
	v17 =	vmul.f32 v39, v38;
	v25 =	vbroadcast v4, $0x2;
	v27 =	vadd.f32 v27, v11  }
0xd1: {  	v60 =	vld [tilespmem:s13+$0x20];
	v21 =	vadd.f32 v21, v14;
	v11 =	vmul.f32 v16, v15;
	v14 =	vmul.f32 v23, v54  }
0xd2: {  	v61 =	vld [tilespmem:s13+$0x30];
	v27 =	vadd.f32 v30, v27;
	v30 =	vmul.f32 v31, v25;
	v23 =	vadd.f32 v29, v13  }
0xd3: {  	v25 =	vmul.f32 v20, v25;
	v13 =	vmul.f32 v28, v12;
	v28 =	vld [tilespmem:s13+$0x60];
	v29 =	vadd.f32 v14, v37  }
0xd4: {  	v16 =	vbroadcast v4, $0xA;
	v62 =	vadd.f32 v22, v27;
	v22 =	vld [tilespmem:s13+$0x70];
	v31 =	vadd.f32 v53, v23  }
0xd5: {  	v24 =	vmul.f32 v24, v57;
	v20 =	vadd.f32 v30, v21;
	v23 =	vld [tilespmem:s13+$0xA0];
	v25 =	vadd.f32 v25, v29  }
0xd6: {  	s19 =	sshll.u32 s12, $0x1;
	v21 =	vmul.f32 v60, v40;
	v27 =	vld [tilespmem:s13+$0xB0];
	v14 =	vmul.f32 v58, v16;
	v30 =	vadd.f32 v26, v31  }
0xd7: {  	s20 =	simm.s32 $0x0;
	s22 =	simm.s32 $0x200;
	s2 =	simm.s32 $0x80;
	v29 =	vadd.f32 v24, v62;
	v24 =	vmul.f32 v61, v40;
	v26 =	vld [tilespmem:s13+$0x110];
	v25 =	vadd.f32 v63, v25  }
.LBB2_5:
0xd8: {  	p0 =	sne.s32 s2, $0x1380;
	v19 =	vadd.f32 v19, v30;
	v28 =	vmul.f32 v28, v10;
	v30 =	vbroadcast v4, $0x5;
	v31 =	vld [tilespmem:s13+$0x180];
	s18 =	sadd.s32 $0x80, s18;
	s22 =	sadd.s32 $0x400, s22  }
0xd9: {  	s21 =	smov.u32 s2;
	s2 =	sadd.s32 $0x80, s2;
	v18 =	vadd.f32 v18, v29;
	v10 =	vmul.f32 v22, v10;
	v22 =	vbroadcast v4, $0x7;
	v29 =	vld [tilespmem:s13+$0x150]  }
0xda: {  	v3 =	vmul.f32 v3, v15;
	v17 =	vadd.f32 v17, v19;
	v19 =	vmul.f32 v23, v30;
	v15 =	vld [tilespmem:s13+$0x120]  }
0xdb: {  	v18 =	vadd.f32 v21, v18;
	v21 =	vmul.f32 v27, v30;
	v2 =	vmul.f32 v2, v22;
	v23 =	vld [tilespmem:s13+$0x1E0]  }
0xdc: {  	v3 =	vadd.f32 v3, v25;
	v17 =	vadd.f32 v24, v17;
	v12 =	vmul.f32 v26, v12;
	v24 =	vld [tilespmem:s13+$0x160]  }
0xdd: {  	v9 =	vadd.f32 v9, v20;
	v1 =	vmul.f32 v1, v22;
	v18 =	vadd.f32 v28, v18;
	v20 =	vld [tilespmem:s13+$0x130]  }
0xde: {  	v10 =	vadd.f32 v10, v17;
	v3 =	vadd.f32 v12, v3;
	v12 =	vmul.f32 v29, v16;
	v16 =	vld [tilespmem:s13+$0x1A0]  }
0xdf: {  	v17 =	vadd.f32 v19, v18;
	v15 =	vmul.f32 v15, v8;
	v18 =	vld [tilespmem:s13+$0x170];
	v19 =	vbroadcast v4, $0xB  }
0xe0: {  	v9 =	vadd.f32 v11, v9;
	v10 =	vadd.f32 v21, v10;
	v11 =	vld [tilespmem:s13+$0x1B0];
	v7 =	vmul.f32 v23, v7  }
0xe1: {  	v22 =	vbroadcast v4, $0xD;
	v2 =	vadd.f32 v2, v17;
	v17 =	vmul.f32 v24, v19;
	v21 =	vld [tilespmem:s13+$0x190]  }
0xe2: {  	v3 =	vadd.f32 v12, v3;
	v1 =	vadd.f32 v1, v10;
	v8 =	vmul.f32 v20, v8;
	v10 =	vld [tilespmem:s13+$0x1C0]  }
0xe3: {  	v9 =	vadd.f32 v13, v9;
	v2 =	vadd.f32 v15, v2;
	v12 =	vmul.f32 v16, v22;
	v13 =	vld [tilespmem:s13+$0x1D0];
	s13 =	smov.u32 s22  }
0xe4: {  	v15 =	vmul.f32 v31, v6;
	v1 =	vadd.f32 v8, v1;
	v8 =	vmul.f32 v18, v19  }
0xe5: {  	v9 =	vadd.f32 v14, v9;
	v4 =	vbroadcast v4, $0xE;
	v2 =	vadd.f32 v17, v2  }
0xe6: {  	v1 =	vadd.f32 v8, v1;
	v6 =	vmul.f32 v21, v6;
	v8 =	vmul.f32 v11, v22  }
0xe7: {  	v9 =	vadd.f32 v15, v9;
	v2 =	vadd.f32 v12, v2;
	v10 =	vmul.f32 v10, v4  }
0xe8: {  	v3 =	vadd.f32 v6, v3;
	v1 =	vadd.f32 v8, v1;
	v4 =	vmul.f32 v13, v4  }
0xe9: {  	v6 =	vadd.f32 v10, v9;
	v2 =	vadd.f32 v7, v2  }
0xea: {  	v3 =	vadd.f32 v4, v3;
	v1 =	vadd.f32 v5, v1  }
0xeb: {  	v2 =	vadd.f32 v2, v6  }
0xec: {  	s7 =	sshra.s32 s20, $0x2;
	s20 =	smov.u32 s21;
	v1 =	vadd.f32 v1, v3  }
0xed: {  	[tilespmem:s7+$0x16800] =	vst v2  }
0xee: {  	[tilespmem:s7+$0x16810] =	vst v1  }
0xef: {  	v1 =	vld [tilespmem:s22+$0xF0]  }
0xf0: {  	v2 =	vld [tilespmem:s22+$0xE0]  }
0xf1: {  	v3 =	vld [tilespmem:s22+$0xD0]  }
0xf2: {  	v9 =	vld [tilespmem:s22+$0x80]  }
0xf3: {  	v4 =	vld [tilespmem:s22+$0xFFFFFFC0]  }
0xf4: {  	v5 =	vld [tilespmem:s22+$0xFFFFFF40]  }
0xf5: {  	v6 =	vld [tilespmem:s22+$0xFFFFFEE0]  }
0xf6: {  	v7 =	vld [tilespmem:s22+$0xFFFFFEF0]  }
0xf7: {  	v8 =	vld [tilespmem:s22+$0xFFFFFF10]  }
0xf8: {  	v10 =	vld [tilespmem:s22+$0xFFFFFEB0]  }
0xf9: {  	v11 =	vld [tilespmem:s22+$0xFFFFFED0]  }
0xfa: {  	v12 =	vld [tilespmem:s18+$0xFFFFFFF0]  }
0xfb: {  	v13 =	vld [tilespmem:s22+$0xFFFFFFD0]  }
0xfc: {  	v14 =	vld [tilespmem:s22+$0xFFFFFE00]  }
0xfd: {  	v15 =	vld [tilespmem:s22+$0xFFFFFE40]  }
0xfe: {  	v16 =	vld [tilespmem:s22+$0xFFFFFE10]  }
0xff: {  	v17 =	vbroadcast v12, $0x0;
	v18 =	vbroadcast v12, $0xB;
	v19 =	vld [tilespmem:s22+$0xFFFFFF90]  }
0x100: {  	v21 =	vbroadcast v12, $0x2;
	v22 =	vbroadcast v12, $0xE;
	v20 =	vld [tilespmem:s22+$0xFFFFFE50]  }
0x101: {  	v24 =	vbroadcast v12, $0xC;
	v14 =	vmul.f32 v14, v17;
	v23 =	vld [tilespmem:s22+$0xFFFFFF50]  }
0x102: {  	v26 =	vmul.f32 v4, v22;
	v15 =	vmul.f32 v15, v21;
	v25 =	vld [tilespmem:s22+$0xFFFFFE90]  }
0x103: {  	v4 =	vadd.f32 $0.0e+00, v14;
	v14 =	vmul.f32 v16, v17;
	v16 =	vld [tilespmem:s22+$0xFFFFFE80];
	v17 =	vbroadcast v12, $0xA  }
0x104: {  	v27 =	vbroadcast v12, $0x4;
	v29 =	vbroadcast v12, $0x8;
	v28 =	vld [tilespmem:s22+$0xFFFFFEA0]  }
0x105: {  	v19 =	vmul.f32 v19, v24;
	v4 =	vadd.f32 v15, v4;
	v15 =	vmul.f32 v20, v21;
	v20 =	vld [tilespmem:s22+$0xFFFFFE60]  }
0x106: {  	v30 =	vbroadcast v12, $0x5;
	v31 =	vbroadcast v12, $0x6;
	v14 =	vadd.f32 $0.0e+00, v14;
	v21 =	vld [tilespmem:s22+$0xFFFFFE70]  }
0x107: {  	v23 =	vmul.f32 v23, v17;
	v25 =	vmul.f32 v25, v27;
	v32 =	vld [tilespmem:s22+$0xFFFFFF00]  }
0x108: {  	v14 =	vadd.f32 v15, v14;
	v15 =	vmul.f32 v16, v27;
	v16 =	vld [tilespmem:s22+$0xFFFFFEC0];
	v27 =	vbroadcast v12, $0x7  }
0x109: {  	v34 =	vbroadcast v12, $0x3;
	v33 =	vld [tilespmem:s22+$0xFFFFFE20];
	v28 =	vmul.f32 v28, v30  }
0x10a: {  	v14 =	vadd.f32 v25, v14;
	v25 =	vmul.f32 v10, v30;
	v10 =	vmul.f32 v11, v31;
	v35 =	vld [tilespmem:s22+$0xFFFFFE30]  }
0x10b: {  	v8 =	vmul.f32 v8, v29;
	v11 =	vmul.f32 v20, v34;
	v15 =	vadd.f32 v15, v4;
	v20 =	vld [tilespmem:s22+$0xFFFFFF20]  }
0x10c: {  	v21 =	vmul.f32 v21, v34;
	v10 =	vadd.f32 v10, v14;
	v14 =	vmul.f32 v32, v29;
	v29 =	vld [tilespmem:s22+$0xFFFFFF80]  }
0x10d: {  	v30 =	vmul.f32 v7, v27;
	v4 =	vld [tilespmem:s18+$0x0];
	v16 =	vmul.f32 v16, v31  }
0x10e: {  	v7 =	vbroadcast v12, $0x1;
	v27 =	vmul.f32 v6, v27;
	v6 =	vadd.f32 v8, v10;
	v8 =	vld [tilespmem:s22+$0xFFFFFF30]  }
0x10f: {  	v13 =	vmul.f32 v13, v22;
	v5 =	vmul.f32 v5, v17;
	v10 =	vadd.f32 v16, v15;
	v15 =	vld [tilespmem:s22+$0x1F0]  }
0x110: {  	v17 =	vbroadcast v12, $0x9;
	v16 =	vmul.f32 v33, v7;
	v6 =	vadd.f32 v23, v6;
	v22 =	vld [tilespmem:s22+$0x50]  }
0x111: {  	v23 =	vmul.f32 v35, v7;
	v10 =	vadd.f32 v14, v10;
	v14 =	vmul.f32 v29, v24;
	v24 =	vld [tilespmem:s22+$0xC0]  }
0x112: {  	v20 =	vmul.f32 v20, v17;
	v6 =	vadd.f32 v19, v6;
	v29 =	vld [tilespmem:s22+$0x0];
	v7 =	vbroadcast v4, $0xF  }
0x113: {  	v31 =	vmul.f32 v8, v17;
	v8 =	vadd.f32 v5, v10;
	v17 =	vld [tilespmem:s22+$0xFFFFFF60];
	v10 =	vbroadcast v4, $0x3  }
0x114: {  	v19 =	vadd.f32 $0.0e+00, v23;
	v32 =	vbroadcast v4, $0x0;
	v23 =	vld [tilespmem:s22+$0xFFFFFF70];
	v5 =	vmul.f32 v15, v7  }
0x115: {  	v33 =	vbroadcast v4, $0x4;
	v14 =	vadd.f32 v14, v8;
	v15 =	vld [tilespmem:s22+$0xFFFFFFA0];
	v8 =	vbroadcast v4, $0x9  }
0x116: {  	v35 =	vbroadcast v12, $0xD;
	v16 =	vadd.f32 $0.0e+00, v16;
	v36 =	vadd.f32 v13, v6;
	v34 =	vld [tilespmem:s22+$0xFFFFFFB0]  }
0x117: {  	v6 =	vbroadcast v4, $0xC;
	v13 =	vadd.f32 v26, v14;
	v14 =	vld [tilespmem:s22+$0xFFFFFFE0];
	v26 =	vbroadcast v12, $0xF  }
0x118: {  	v11 =	vadd.f32 v11, v16;
	v12 =	vbroadcast v4, $0x8;
	v37 =	vmul.f32 v17, v18;
	v16 =	vld [tilespmem:s22+$0xFFFFFFF0]  }
0x119: {  	v38 =	vbroadcast v4, $0x1;
	v17 =	vadd.f32 v21, v19;
	v21 =	vmul.f32 v23, v18;
	v23 =	vld [tilespmem:s22+$0x10]  }
0x11a: {  	v11 =	vadd.f32 v28, v11;
	v39 =	vmul.f32 v15, v35;
	v15 =	vbroadcast v4, $0x6;
	v28 =	vld [tilespmem:s22+$0x100]  }
0x11b: {  	v29 =	vmul.f32 v29, v32;
	v19 =	vmul.f32 v34, v35;
	v34 =	vld [tilespmem:s22+$0x40]  }
0x11c: {  	v27 =	vadd.f32 v27, v11;
	v18 =	vmul.f32 v14, v26;
	v11 =	vmul.f32 v24, v15;
	v14 =	vld [tilespmem:s22+$0x140]  }
0x11d: {  	v24 =	vadd.f32 v25, v17;
	v25 =	vbroadcast v4, $0x2;
	v17 =	vmul.f32 v16, v26;
	v26 =	vld [tilespmem:s22+$0x90]  }
0x11e: {  	v29 =	vadd.f32 v29, v13;
	v16 =	vbroadcast v4, $0xA;
	v23 =	vmul.f32 v23, v32;
	v32 =	vld [tilespmem:s22+$0x20]  }
0x11f: {  	v20 =	vadd.f32 v20, v27;
	v24 =	vadd.f32 v30, v24;
	v35 =	vld [tilespmem:s22+$0x30];
	v13 =	vmul.f32 v28, v12  }
.Ltmp1:
0x120: {  	v23 =	vadd.f32 v23, v36;
	v27 =	vmul.f32 v34, v25;
	v25 =	vmul.f32 v22, v25;
	v28 =	vld [tilespmem:s22+$0x60];
	(pc) =	sbr.rel @p0 .LBB2_5-.Ltmp1, $4  }
0x121: {  	v24 =	vadd.f32 v31, v24;
	v31 =	vadd.f32 v37, v20;
	v22 =	vld [tilespmem:s22+$0x70];
	v14 =	vmul.f32 v14, v16  }
0x122: {  	v20 =	vadd.f32 v27, v29;
	v25 =	vadd.f32 v25, v23;
	v26 =	vmul.f32 v26, v33;
	v23 =	vld [tilespmem:s22+$0xA0]  }
0x123: {  	v9 =	vmul.f32 v9, v33;
	v30 =	vadd.f32 v21, v24;
	v21 =	vmul.f32 v32, v38;
	v27 =	vld [tilespmem:s22+$0xB0]  }
0x124: {  	v29 =	vadd.f32 v39, v31;
	v24 =	vmul.f32 v35, v38;
	v25 =	vadd.f32 v26, v25;
	v26 =	vld [tilespmem:s22+$0x110]  }
0x125: {  	v19 =	vadd.f32 v19, v30;
	v28 =	vmul.f32 v28, v10;
	v30 =	vbroadcast v4, $0x5;
	v31 =	vld [tilespmem:s13+$0x180]  }
0x126: {  	v3 =	vmul.f32 v3, v15;
	v15 =	vld [tilespmem:s13+$0x120];
	v9 =	vadd.f32 v9, v20;
	v18 =	vadd.f32 v18, v29  }
0x127: {  	v20 =	vld [tilespmem:s13+$0x130];
	v10 =	vmul.f32 v22, v10;
	v22 =	vbroadcast v4, $0x7;
	v17 =	vadd.f32 v17, v19  }
0x128: {  	v29 =	vld [tilespmem:s13+$0x150];
	v19 =	vmul.f32 v23, v30;
	v3 =	vadd.f32 v3, v25;
	v18 =	vadd.f32 v21, v18  }
0x129: {  	v23 =	vld [tilespmem:s13+$0x1E0];
	v9 =	vadd.f32 v11, v9;
	v21 =	vmul.f32 v27, v30;
	v17 =	vadd.f32 v24, v17  }
0x12a: {  	v11 =	vld [tilespmem:s13+$0x1B0];
	v2 =	vmul.f32 v2, v22;
	v1 =	vmul.f32 v1, v22;
	v18 =	vadd.f32 v28, v18  }
0x12b: {  	v22 =	vbroadcast v4, $0xD;
	v12 =	vmul.f32 v26, v12;
	v24 =	vld [tilespmem:s13+$0x160];
	v10 =	vadd.f32 v10, v17  }
0x12c: {  	v9 =	vadd.f32 v13, v9;
	v15 =	vmul.f32 v15, v8;
	v17 =	vadd.f32 v19, v18;
	v18 =	vld [tilespmem:s13+$0x170]  }
0x12d: {  	v3 =	vadd.f32 v12, v3;
	v12 =	vmul.f32 v29, v16;
	v16 =	vld [tilespmem:s13+$0x1A0];
	v10 =	vadd.f32 v21, v10  }
0x12e: {  	v8 =	vmul.f32 v20, v8;
	v19 =	vbroadcast v4, $0xB;
	v21 =	vld [tilespmem:s13+$0x190];
	v2 =	vadd.f32 v2, v17  }
0x12f: {  	v9 =	vadd.f32 v14, v9;
	v7 =	vmul.f32 v23, v7;
	v1 =	vadd.f32 v1, v10;
	v10 =	vld [tilespmem:s13+$0x1C0]  }
0x130: {  	v13 =	vld [tilespmem:s13+$0x1D0];
	v4 =	vbroadcast v4, $0xE;
	v17 =	vmul.f32 v24, v19;
	v2 =	vadd.f32 v15, v2  }
0x131: {  	v3 =	vadd.f32 v12, v3;
	v1 =	vadd.f32 v8, v1;
	v8 =	vmul.f32 v18, v19  }
0x132: {  	v12 =	vmul.f32 v16, v22;
	v15 =	vmul.f32 v31, v6;
	v2 =	vadd.f32 v17, v2  }
0x133: {  	v6 =	vmul.f32 v21, v6;
	v1 =	vadd.f32 v8, v1;
	v8 =	vmul.f32 v11, v22  }
0x134: {  	v9 =	vadd.f32 v15, v9;
	v2 =	vadd.f32 v12, v2;
	v10 =	vmul.f32 v10, v4  }
0x135: {  	v3 =	vadd.f32 v6, v3;
	v4 =	vmul.f32 v13, v4;
	v1 =	vadd.f32 v8, v1  }
0x136: {  	v6 =	vadd.f32 v10, v9;
	v2 =	vadd.f32 v7, v2  }
0x137: {  	v3 =	vadd.f32 v4, v3;
	v1 =	vadd.f32 v5, v1  }
0x138: {  	v2 =	vadd.f32 v2, v6  }
0x139: {  	s2 =	sshra.s32 s20, $0x2;
	v1 =	vadd.f32 v1, v3  }
0x13a: {  	[tilespmem:s2+$0x16800] =	vst v2  }
0x13b: {  	[tilespmem:s2+$0x16810] =	vst v1  }
0x13c: {  	s20 =	sadd.s32 $0x2, s19;
	_ =	swait.ge [sflag:s3], $0x28  }
0x13d: {  	s7 =	sadd.s32 s17, s20;
	[sflag:s3] =	ssyncset.done $0x0  }
0x13e: {  	s21 =	smul.u32 $0x1400, s7;
	[sflag:s3] =	ssyncadd.s32 $0xFFFFFFD8  }
0x13f: {  	[spmem:s1] =	stream.indirect.scatter.add.f32 [tilespmem:s28], [sflag:$0x7], $0x20, s26, s23, $0xb8;
	[tilespmem:$0x1E0D8] =	vst v63  }
0x140: {  	s2 =	smul.u32 $0xA0, s20;
	_ =	swait.ge [sflag:s24], $0x500  }
0x141: {  	s18 =	sadd.s32 s16, s21;
	[sflag:s24] =	ssyncset.done $0x0  }
0x142: {  	s13 =	simm.s32 $0x0;
	s2 =	sshra.s32 s2, $0x2;
	[sflag:s24] =	ssyncadd.s32 $0xFFFFFB00  }
0x143: {  	[tilespmem:s13], [sflag:$0x1] =	stream.linear.gather [hbm4b:s18+s13], $0xA000, $0x38;
	[tilespmem:$0x1E0D8] =	vst v63  }
0x144: {  	s22 =	sshll.u32 s7, $0x4;
	s2 =	sadd.s32 $0x16D00, s2  }
0x145: {  	[tilespmem:s25], [sflag:$0x3] =	stream.indirect.gather [hbm4b:s14+s23], $0x80, s2, s23, $0xb8;
	[tilespmem:$0x1E0D8] =	vst v63  }
0x146: {  	s2 =	sand.u32 $0x1FFFFFF0, s22  }
0x147: {  	s2 =	sadd.s32 s15, s2  }
0x148: {  	[tilespmem:s26], [sflag:$0x5] =	stream.linear.gather [hbm4b:s2+s13], $0x28, $0x38;
	[tilespmem:$0x1E0D8] =	vst v63  }
0x149: {  	_ =	swait.ge [sflag:s4], $0xA000  }
0x14a: {  	[sflag:s4] =	ssyncset.done $0x0  }
0x14b: {  	[sflag:s4] =	ssyncadd.s32 $0xFFFF6000  }
0x14c: {  	_ =	swait.ge [sflag:s5], $0x1400  }
0x14d: {  	[sflag:s5] =	ssyncset.done $0x0  }
0x14e: {  	s18 =	simm.s32 $0xA200;
	[sflag:s5] =	ssyncadd.s32 $0xFFFFEC00  }
0x14f: {  	v1 =	vld [tilespmem:s18+$0xF0]  }
0x150: {  	v2 =	vld [tilespmem:s18+$0xE0]  }
0x151: {  	v3 =	vld [tilespmem:s18+$0xD0]  }
0x152: {  	v9 =	vld [tilespmem:s18+$0x80]  }
0x153: {  	v4 =	vld [tilespmem:s18+$0xFFFFFFC0]  }
0x154: {  	v5 =	vld [tilespmem:s18+$0xFFFFFF40]  }
0x155: {  	v6 =	vld [tilespmem:s18+$0xFFFFFEE0]  }
0x156: {  	v7 =	vld [tilespmem:s18+$0xFFFFFEF0]  }
0x157: {  	v8 =	vld [tilespmem:s18+$0xFFFFFF10]  }
0x158: {  	s19 =	simm.s32 $0x15410;
	v10 =	vld [tilespmem:s18+$0xFFFFFEB0]  }
0x159: {  	v12 =	vld [tilespmem:s19+$0xFFFFFFF0]  }
0x15a: {  	v11 =	vld [tilespmem:s18+$0xFFFFFED0]  }
0x15b: {  	v13 =	vld [tilespmem:s18+$0xFFFFFFD0]  }
0x15c: {  	v14 =	vld [tilespmem:s18+$0xFFFFFE00]  }
0x15d: {  	v15 =	vld [tilespmem:s18+$0xFFFFFE40]  }
0x15e: {  	v16 =	vld [tilespmem:s18+$0xFFFFFE10];
	v17 =	vbroadcast v12, $0x0  }
0x15f: {  	v18 =	vld [tilespmem:s18+$0xFFFFFF90];
	v19 =	vbroadcast v12, $0xB;
	v21 =	vbroadcast v12, $0x2  }
0x160: {  	v20 =	vld [tilespmem:s18+$0xFFFFFE50];
	v22 =	vbroadcast v12, $0xE;
	v24 =	vbroadcast v12, $0xC  }
0x161: {  	v23 =	vld [tilespmem:s18+$0xFFFFFF50];
	v27 =	vbroadcast v12, $0x4;
	v29 =	vbroadcast v12, $0x8  }
0x162: {  	v25 =	vld [tilespmem:s18+$0xFFFFFE90];
	v31 =	vbroadcast v12, $0x5;
	v32 =	vbroadcast v12, $0x6  }
0x163: {  	v28 =	vld [tilespmem:s18+$0xFFFFFEA0];
	v35 =	vbroadcast v12, $0x3;
	v58 =	vbroadcast v12, $0xD  }
0x164: {  	v30 =	vld [tilespmem:s18+$0xFFFFFE70];
	v38 =	vbroadcast v12, $0xF;
	v14 =	vmul.f32 v14, v17  }
0x165: {  	v33 =	vld [tilespmem:s18+$0xFFFFFF00];
	v15 =	vmul.f32 v15, v21;
	v26 =	vmul.f32 v4, v22  }
0x166: {  	v4 =	vmul.f32 v16, v17;
	v16 =	vld [tilespmem:s18+$0xFFFFFE80];
	v17 =	vbroadcast v12, $0xA  }
0x167: {  	v20 =	vmul.f32 v20, v21;
	v21 =	vld [tilespmem:s18+$0xFFFFFE60];
	v18 =	vmul.f32 v18, v24  }
0x168: {  	v34 =	vld [tilespmem:s18+$0xFFFFFE20];
	v25 =	vmul.f32 v25, v27;
	v28 =	vmul.f32 v28, v31;
	v4 =	vadd.f32 $0.0e+00, v4  }
0x169: {  	v36 =	vld [tilespmem:s18+$0xFFFFFE30];
	v11 =	vmul.f32 v11, v32;
	v8 =	vmul.f32 v8, v29;
	v14 =	vadd.f32 $0.0e+00, v14  }
0x16a: {  	v13 =	vmul.f32 v13, v22;
	v23 =	vmul.f32 v23, v17;
	v4 =	vadd.f32 v20, v4;
	v20 =	vld [tilespmem:s18+$0xFFFFFEC0]  }
0x16b: {  	v57 =	vld [tilespmem:s18+$0xFFFFFFB0];
	v14 =	vadd.f32 v15, v14;
	v16 =	vmul.f32 v16, v27;
	v27 =	vbroadcast v12, $0x7  }
0x16c: {  	v15 =	vmul.f32 v21, v35;
	v21 =	vmul.f32 v30, v35;
	v30 =	vld [tilespmem:s18+$0xFFFFFF80];
	v4 =	vadd.f32 v25, v4  }
0x16d: {  	v5 =	vmul.f32 v5, v17;
	v25 =	vmul.f32 v10, v31;
	v10 =	vld [tilespmem:s18+$0xFFFFFF20];
	v14 =	vadd.f32 v16, v14  }
0x16e: {  	v16 =	vmul.f32 v33, v29;
	v29 =	vmul.f32 v7, v27;
	v11 =	vadd.f32 v11, v4;
	v4 =	vld [tilespmem:s19+$0x0]  }
0x16f: {  	v39 =	vld [tilespmem:s18+$0xFFFFFFF0];
	v7 =	vbroadcast v12, $0x1;
	v20 =	vmul.f32 v20, v32  }
0x170: {  	v17 =	vbroadcast v12, $0x9;
	v27 =	vmul.f32 v6, v27;
	v8 =	vadd.f32 v8, v11;
	v11 =	vld [tilespmem:s18+$0xFFFFFF30]  }
0x171: {  	v60 =	vld [tilespmem:s18+$0x90];
	v22 =	vmul.f32 v34, v7;
	v24 =	vmul.f32 v30, v24;
	v6 =	vadd.f32 v20, v14  }
0x172: {  	v14 =	vld [tilespmem:s18+$0x1F0];
	v30 =	vmul.f32 v10, v17;
	v8 =	vadd.f32 v23, v8;
	v23 =	vmul.f32 v36, v7  }
0x173: {  	v31 =	vld [tilespmem:s18+$0x0];
	v6 =	vadd.f32 v16, v6;
	v7 =	vbroadcast v4, $0xF;
	v10 =	vbroadcast v4, $0x3  }
0x174: {  	v20 =	vld [tilespmem:s18+$0x50];
	v22 =	vadd.f32 $0.0e+00, v22;
	v55 =	vbroadcast v4, $0x0;
	v56 =	vbroadcast v4, $0x4  }
0x175: {  	v18 =	vadd.f32 v18, v8;
	v54 =	vmul.f32 v11, v17;
	v6 =	vadd.f32 v5, v6;
	v11 =	vld [tilespmem:s18+$0xFFFFFF60]  }
0x176: {  	v12 =	vbroadcast v4, $0x8;
	v40 =	vbroadcast v4, $0x1;
	v17 =	vadd.f32 $0.0e+00, v23;
	v23 =	vld [tilespmem:s18+$0xFFFFFF70]  }
0x177: {  	v5 =	vmul.f32 v14, v7;
	v37 =	vadd.f32 v13, v18;
	v13 =	vld [tilespmem:s18+$0xFFFFFFE0];
	v14 =	vadd.f32 v24, v6  }
0x178: {  	v16 =	vld [tilespmem:s18+$0xC0];
	v15 =	vadd.f32 v15, v22;
	v8 =	vbroadcast v4, $0x9;
	v63 =	vmul.f32 v60, v56  }
0x179: {  	v9 =	vmul.f32 v9, v56;
	v6 =	vbroadcast v4, $0xC;
	v14 =	vadd.f32 v26, v14;
	v26 =	vld [tilespmem:s18+$0x10]  }
0x17a: {  	v17 =	vadd.f32 v21, v17;
	v21 =	vmul.f32 v31, v55;
	v31 =	vld [tilespmem:s18+$0x40];
	v22 =	vmul.f32 v11, v19  }
0x17b: {  	v23 =	vmul.f32 v23, v19;
	v11 =	vadd.f32 v28, v15;
	v15 =	vbroadcast v4, $0x6;
	v28 =	vld [tilespmem:s18+$0x100]  }
0x17c: {  	v24 =	vld [tilespmem:s18+$0xFFFFFFA0];
	v19 =	vmul.f32 v57, v58;
	v18 =	vmul.f32 v13, v38;
	v13 =	vadd.f32 v25, v17  }
0x17d: {  	v59 =	vld [tilespmem:s18+$0x140];
	v25 =	vbroadcast v4, $0x2;
	v27 =	vadd.f32 v27, v11;
	v11 =	vmul.f32 v16, v15  }
0x17e: {  	v61 =	vld [tilespmem:s18+$0x20];
	v21 =	vadd.f32 v21, v14;
	v16 =	vbroadcast v4, $0xA;
	v14 =	vmul.f32 v26, v55  }
0x17f: {  	v62 =	vld [tilespmem:s18+$0x30];
	v26 =	vadd.f32 v29, v13;
	v27 =	vadd.f32 v30, v27;
	v30 =	vmul.f32 v31, v25  }
0x180: {  	v31 =	vmul.f32 v20, v25;
	v13 =	vmul.f32 v28, v12;
	v28 =	vld [tilespmem:s18+$0x60];
	v29 =	vadd.f32 v14, v37  }
0x181: {  	v17 =	vmul.f32 v39, v38;
	v24 =	vmul.f32 v24, v58;
	v25 =	vld [tilespmem:s18+$0x70];
	v32 =	vadd.f32 v54, v26  }
0x182: {  	v22 =	vadd.f32 v22, v27;
	v14 =	vmul.f32 v59, v16;
	v26 =	vld [tilespmem:s18+$0xA0];
	v31 =	vadd.f32 v31, v29  }
0x183: {  	v20 =	vadd.f32 v30, v21;
	v21 =	vmul.f32 v61, v40;
	v27 =	vld [tilespmem:s18+$0xB0];
	v30 =	vadd.f32 v23, v32  }
0x184: {  	s20 =	simm.s32 $0xA200;
	s2 =	simm.s32 $0x80;
	v29 =	vadd.f32 v24, v22;
	v22 =	vmul.f32 v62, v40;
	v24 =	vld [tilespmem:s18+$0x110];
	v23 =	vadd.f32 v63, v31  }
.LBB2_7:
0x185: {  	p0 =	sne.s32 s2, $0x1380;
	v19 =	vadd.f32 v19, v30;
	v28 =	vmul.f32 v28, v10;
	v30 =	vbroadcast v4, $0x5;
	v31 =	vld [tilespmem:s18+$0x180];
	s19 =	sadd.s32 $0x80, s19;
	s20 =	sadd.s32 $0x400, s20  }
0x186: {  	s21 =	smov.u32 s2;
	s2 =	sadd.s32 $0x80, s2;
	v18 =	vadd.f32 v18, v29;
	v10 =	vmul.f32 v25, v10;
	v25 =	vbroadcast v4, $0x7;
	v29 =	vld [tilespmem:s18+$0x150]  }
0x187: {  	v3 =	vmul.f32 v3, v15;
	v17 =	vadd.f32 v17, v19;
	v19 =	vmul.f32 v26, v30;
	v15 =	vld [tilespmem:s18+$0x120]  }
0x188: {  	v18 =	vadd.f32 v21, v18;
	v21 =	vmul.f32 v27, v30;
	v2 =	vmul.f32 v2, v25;
	v26 =	vld [tilespmem:s18+$0x1E0]  }
0x189: {  	v3 =	vadd.f32 v3, v23;
	v17 =	vadd.f32 v22, v17;
	v12 =	vmul.f32 v24, v12;
	v22 =	vld [tilespmem:s18+$0x160]  }
0x18a: {  	v9 =	vadd.f32 v9, v20;
	v1 =	vmul.f32 v1, v25;
	v18 =	vadd.f32 v28, v18;
	v20 =	vld [tilespmem:s18+$0x130]  }
0x18b: {  	v10 =	vadd.f32 v10, v17;
	v3 =	vadd.f32 v12, v3;
	v12 =	vmul.f32 v29, v16;
	v16 =	vld [tilespmem:s18+$0x1A0]  }
0x18c: {  	v17 =	vadd.f32 v19, v18;
	v15 =	vmul.f32 v15, v8;
	v18 =	vld [tilespmem:s18+$0x170];
	v19 =	vbroadcast v4, $0xB  }
0x18d: {  	v9 =	vadd.f32 v11, v9;
	v10 =	vadd.f32 v21, v10;
	v11 =	vld [tilespmem:s18+$0x1B0];
	v7 =	vmul.f32 v26, v7  }
0x18e: {  	v2 =	vadd.f32 v2, v17;
	v17 =	vmul.f32 v22, v19;
	v21 =	vld [tilespmem:s18+$0x190];
	v22 =	vbroadcast v4, $0xD  }
0x18f: {  	v3 =	vadd.f32 v12, v3;
	v1 =	vadd.f32 v1, v10;
	v8 =	vmul.f32 v20, v8;
	v10 =	vld [tilespmem:s18+$0x1C0]  }
0x190: {  	v9 =	vadd.f32 v13, v9;
	v2 =	vadd.f32 v15, v2;
	v12 =	vmul.f32 v16, v22;
	v13 =	vld [tilespmem:s18+$0x1D0];
	s18 =	smov.u32 s20  }
0x191: {  	v15 =	vmul.f32 v31, v6;
	v1 =	vadd.f32 v8, v1;
	v8 =	vmul.f32 v18, v19  }
0x192: {  	v9 =	vadd.f32 v14, v9;
	v4 =	vbroadcast v4, $0xE;
	v2 =	vadd.f32 v17, v2  }
0x193: {  	v1 =	vadd.f32 v8, v1;
	v6 =	vmul.f32 v21, v6;
	v8 =	vmul.f32 v11, v22  }
0x194: {  	v9 =	vadd.f32 v15, v9;
	v2 =	vadd.f32 v12, v2;
	v10 =	vmul.f32 v10, v4  }
0x195: {  	v3 =	vadd.f32 v6, v3;
	v1 =	vadd.f32 v8, v1;
	v4 =	vmul.f32 v13, v4  }
0x196: {  	v6 =	vadd.f32 v10, v9;
	v2 =	vadd.f32 v7, v2  }
0x197: {  	v3 =	vadd.f32 v4, v3;
	v1 =	vadd.f32 v5, v1  }
0x198: {  	v2 =	vadd.f32 v2, v6  }
0x199: {  	s7 =	sshra.s32 s13, $0x2;
	s13 =	smov.u32 s21;
	v1 =	vadd.f32 v1, v3  }
0x19a: {  	[tilespmem:s7+$0x16800] =	vst v2  }
0x19b: {  	[tilespmem:s7+$0x16810] =	vst v1  }
0x19c: {  	v1 =	vld [tilespmem:s20+$0xF0]  }
0x19d: {  	v2 =	vld [tilespmem:s20+$0xE0]  }
0x19e: {  	v3 =	vld [tilespmem:s20+$0xD0]  }
0x19f: {  	v9 =	vld [tilespmem:s20+$0x80]  }
0x1a0: {  	v4 =	vld [tilespmem:s20+$0xFFFFFFC0]  }
0x1a1: {  	v5 =	vld [tilespmem:s20+$0xFFFFFF40]  }
0x1a2: {  	v6 =	vld [tilespmem:s20+$0xFFFFFEE0]  }
0x1a3: {  	v7 =	vld [tilespmem:s20+$0xFFFFFEF0]  }
0x1a4: {  	v8 =	vld [tilespmem:s20+$0xFFFFFF10]  }
0x1a5: {  	v10 =	vld [tilespmem:s20+$0xFFFFFEB0]  }
0x1a6: {  	v11 =	vld [tilespmem:s20+$0xFFFFFED0]  }
0x1a7: {  	v12 =	vld [tilespmem:s19+$0xFFFFFFF0]  }
0x1a8: {  	v13 =	vld [tilespmem:s20+$0xFFFFFFD0]  }
0x1a9: {  	v14 =	vld [tilespmem:s20+$0xFFFFFE00]  }
0x1aa: {  	v15 =	vld [tilespmem:s20+$0xFFFFFE40]  }
0x1ab: {  	v16 =	vld [tilespmem:s20+$0xFFFFFE10]  }
0x1ac: {  	v17 =	vbroadcast v12, $0x0;
	v18 =	vbroadcast v12, $0xB;
	v19 =	vld [tilespmem:s20+$0xFFFFFF90]  }
0x1ad: {  	v21 =	vbroadcast v12, $0x2;
	v22 =	vbroadcast v12, $0xE;
	v20 =	vld [tilespmem:s20+$0xFFFFFE50]  }
0x1ae: {  	v24 =	vbroadcast v12, $0xC;
	v14 =	vmul.f32 v14, v17;
	v23 =	vld [tilespmem:s20+$0xFFFFFF50]  }
0x1af: {  	v26 =	vmul.f32 v4, v22;
	v15 =	vmul.f32 v15, v21;
	v25 =	vld [tilespmem:s20+$0xFFFFFE90]  }
0x1b0: {  	v4 =	vadd.f32 $0.0e+00, v14;
	v14 =	vmul.f32 v16, v17;
	v16 =	vld [tilespmem:s20+$0xFFFFFE80];
	v17 =	vbroadcast v12, $0xA  }
0x1b1: {  	v27 =	vbroadcast v12, $0x4;
	v29 =	vbroadcast v12, $0x8;
	v28 =	vld [tilespmem:s20+$0xFFFFFEA0]  }
0x1b2: {  	v19 =	vmul.f32 v19, v24;
	v4 =	vadd.f32 v15, v4;
	v15 =	vmul.f32 v20, v21;
	v20 =	vld [tilespmem:s20+$0xFFFFFE60]  }
0x1b3: {  	v30 =	vbroadcast v12, $0x5;
	v31 =	vbroadcast v12, $0x6;
	v14 =	vadd.f32 $0.0e+00, v14;
	v21 =	vld [tilespmem:s20+$0xFFFFFE70]  }
0x1b4: {  	v23 =	vmul.f32 v23, v17;
	v25 =	vmul.f32 v25, v27;
	v32 =	vld [tilespmem:s20+$0xFFFFFF00]  }
0x1b5: {  	v14 =	vadd.f32 v15, v14;
	v15 =	vmul.f32 v16, v27;
	v16 =	vld [tilespmem:s20+$0xFFFFFEC0];
	v27 =	vbroadcast v12, $0x7  }
0x1b6: {  	v34 =	vbroadcast v12, $0x3;
	v33 =	vld [tilespmem:s20+$0xFFFFFE20];
	v28 =	vmul.f32 v28, v30  }
0x1b7: {  	v14 =	vadd.f32 v25, v14;
	v25 =	vmul.f32 v10, v30;
	v10 =	vmul.f32 v11, v31;
	v35 =	vld [tilespmem:s20+$0xFFFFFE30]  }
0x1b8: {  	v8 =	vmul.f32 v8, v29;
	v11 =	vmul.f32 v20, v34;
	v15 =	vadd.f32 v15, v4;
	v20 =	vld [tilespmem:s20+$0xFFFFFF20]  }
0x1b9: {  	v21 =	vmul.f32 v21, v34;
	v10 =	vadd.f32 v10, v14;
	v14 =	vmul.f32 v32, v29;
	v29 =	vld [tilespmem:s20+$0xFFFFFF80]  }
0x1ba: {  	v30 =	vmul.f32 v7, v27;
	v4 =	vld [tilespmem:s19+$0x0];
	v16 =	vmul.f32 v16, v31  }
0x1bb: {  	v7 =	vbroadcast v12, $0x1;
	v27 =	vmul.f32 v6, v27;
	v6 =	vadd.f32 v8, v10;
	v8 =	vld [tilespmem:s20+$0xFFFFFF30]  }
0x1bc: {  	v13 =	vmul.f32 v13, v22;
	v5 =	vmul.f32 v5, v17;
	v10 =	vadd.f32 v16, v15;
	v15 =	vld [tilespmem:s20+$0x1F0]  }
0x1bd: {  	v17 =	vbroadcast v12, $0x9;
	v16 =	vmul.f32 v33, v7;
	v6 =	vadd.f32 v23, v6;
	v22 =	vld [tilespmem:s20+$0x50]  }
0x1be: {  	v23 =	vmul.f32 v35, v7;
	v10 =	vadd.f32 v14, v10;
	v14 =	vmul.f32 v29, v24;
	v24 =	vld [tilespmem:s20+$0xC0]  }
0x1bf: {  	v20 =	vmul.f32 v20, v17;
	v6 =	vadd.f32 v19, v6;
	v29 =	vld [tilespmem:s20+$0x0];
	v7 =	vbroadcast v4, $0xF  }
0x1c0: {  	v31 =	vmul.f32 v8, v17;
	v8 =	vadd.f32 v5, v10;
	v17 =	vld [tilespmem:s20+$0xFFFFFF60];
	v10 =	vbroadcast v4, $0x3  }
0x1c1: {  	v19 =	vadd.f32 $0.0e+00, v23;
	v32 =	vbroadcast v4, $0x0;
	v23 =	vld [tilespmem:s20+$0xFFFFFF70];
	v5 =	vmul.f32 v15, v7  }
0x1c2: {  	v33 =	vbroadcast v4, $0x4;
	v14 =	vadd.f32 v14, v8;
	v15 =	vld [tilespmem:s20+$0xFFFFFFA0];
	v8 =	vbroadcast v4, $0x9  }
0x1c3: {  	v35 =	vbroadcast v12, $0xD;
	v16 =	vadd.f32 $0.0e+00, v16;
	v36 =	vadd.f32 v13, v6;
	v34 =	vld [tilespmem:s20+$0xFFFFFFB0]  }
0x1c4: {  	v6 =	vbroadcast v4, $0xC;
	v13 =	vadd.f32 v26, v14;
	v14 =	vld [tilespmem:s20+$0xFFFFFFE0];
	v26 =	vbroadcast v12, $0xF  }
0x1c5: {  	v11 =	vadd.f32 v11, v16;
	v12 =	vbroadcast v4, $0x8;
	v37 =	vmul.f32 v17, v18;
	v16 =	vld [tilespmem:s20+$0xFFFFFFF0]  }
0x1c6: {  	v38 =	vbroadcast v4, $0x1;
	v17 =	vadd.f32 v21, v19;
	v21 =	vmul.f32 v23, v18;
	v23 =	vld [tilespmem:s20+$0x10]  }
0x1c7: {  	v11 =	vadd.f32 v28, v11;
	v39 =	vmul.f32 v15, v35;
	v15 =	vbroadcast v4, $0x6;
	v28 =	vld [tilespmem:s20+$0x100]  }
0x1c8: {  	v29 =	vmul.f32 v29, v32;
	v19 =	vmul.f32 v34, v35;
	v34 =	vld [tilespmem:s20+$0x40]  }
0x1c9: {  	v27 =	vadd.f32 v27, v11;
	v18 =	vmul.f32 v14, v26;
	v11 =	vmul.f32 v24, v15;
	v14 =	vld [tilespmem:s20+$0x140]  }
0x1ca: {  	v24 =	vadd.f32 v25, v17;
	v25 =	vbroadcast v4, $0x2;
	v17 =	vmul.f32 v16, v26;
	v26 =	vld [tilespmem:s20+$0x90]  }
0x1cb: {  	v29 =	vadd.f32 v29, v13;
	v16 =	vbroadcast v4, $0xA;
	v23 =	vmul.f32 v23, v32;
	v32 =	vld [tilespmem:s20+$0x20]  }
0x1cc: {  	v20 =	vadd.f32 v20, v27;
	v24 =	vadd.f32 v30, v24;
	v35 =	vld [tilespmem:s20+$0x30];
	v13 =	vmul.f32 v28, v12  }
.Ltmp2:
0x1cd: {  	v22 =	vmul.f32 v22, v25;
	v23 =	vadd.f32 v23, v36;
	v27 =	vmul.f32 v34, v25;
	v28 =	vld [tilespmem:s20+$0x60];
	(pc) =	sbr.rel @p0 .LBB2_7-.Ltmp2, $4  }
0x1ce: {  	v24 =	vadd.f32 v31, v24;
	v31 =	vadd.f32 v37, v20;
	v25 =	vld [tilespmem:s20+$0x70];
	v14 =	vmul.f32 v14, v16  }
0x1cf: {  	v20 =	vadd.f32 v27, v29;
	v23 =	vadd.f32 v22, v23;
	v34 =	vmul.f32 v26, v33;
	v26 =	vld [tilespmem:s20+$0xA0]  }
0x1d0: {  	v9 =	vmul.f32 v9, v33;
	v30 =	vadd.f32 v21, v24;
	v21 =	vmul.f32 v32, v38;
	v27 =	vld [tilespmem:s20+$0xB0]  }
0x1d1: {  	v29 =	vadd.f32 v39, v31;
	v22 =	vmul.f32 v35, v38;
	v23 =	vadd.f32 v34, v23;
	v24 =	vld [tilespmem:s20+$0x110]  }
0x1d2: {  	v19 =	vadd.f32 v19, v30;
	v28 =	vmul.f32 v28, v10;
	v35 =	vbroadcast v4, $0x5;
	v38 =	vld [tilespmem:s18+$0x150]  }
0x1d3: {  	v37 =	vbroadcast v4, $0x7;
	v3 =	vmul.f32 v3, v15;
	v40 =	vld [tilespmem:s18+$0x120];
	v18 =	vadd.f32 v18, v29  }
0x1d4: {  	v42 =	vld [tilespmem:s18+$0x1E0];
	v9 =	vadd.f32 v9, v20;
	v49 =	vbroadcast v4, $0xB;
	v17 =	vadd.f32 v17, v19  }
0x1d5: {  	v43 =	vld [tilespmem:s18+$0x160];
	v53 =	vbroadcast v4, $0xD;
	v60 =	vbroadcast v4, $0xE;
	v18 =	vadd.f32 v21, v18  }
0x1d6: {  	v44 =	vld [tilespmem:s18+$0x130];
	v36 =	vmul.f32 v25, v10;
	v39 =	vmul.f32 v26, v35;
	v17 =	vadd.f32 v22, v17  }
0x1d7: {  	v46 =	vld [tilespmem:s18+$0x1A0];
	v2 =	vmul.f32 v2, v37;
	v3 =	vadd.f32 v3, v23;
	v18 =	vadd.f32 v28, v18  }
0x1d8: {  	v48 =	vld [tilespmem:s18+$0x170];
	v9 =	vadd.f32 v11, v9;
	v41 =	vmul.f32 v27, v35;
	v10 =	vadd.f32 v36, v17  }
0x1d9: {  	v31 =	vld [tilespmem:s18+$0x180];
	v1 =	vmul.f32 v1, v37;
	v12 =	vmul.f32 v24, v12;
	v47 =	vadd.f32 v39, v18  }
0x1da: {  	v52 =	vld [tilespmem:s18+$0x190];
	v9 =	vadd.f32 v13, v9;
	v45 =	vmul.f32 v38, v16;
	v10 =	vadd.f32 v41, v10  }
0x1db: {  	v50 =	vld [tilespmem:s18+$0x1B0];
	v15 =	vmul.f32 v40, v8;
	v7 =	vmul.f32 v42, v7;
	v2 =	vadd.f32 v2, v47  }
0x1dc: {  	v55 =	vld [tilespmem:s18+$0x1C0];
	v51 =	vmul.f32 v43, v49;
	v54 =	vmul.f32 v44, v8;
	v1 =	vadd.f32 v1, v10  }
0x1dd: {  	v57 =	vld [tilespmem:s18+$0x1D0];
	v56 =	vmul.f32 v46, v53;
	v58 =	vmul.f32 v48, v49;
	v2 =	vadd.f32 v15, v2  }
0x1de: {  	v59 =	vmul.f32 v31, v6;
	v3 =	vadd.f32 v12, v3;
	v1 =	vadd.f32 v54, v1  }
0x1df: {  	v61 =	vmul.f32 v52, v6;
	v9 =	vadd.f32 v14, v9;
	v2 =	vadd.f32 v51, v2  }
0x1e0: {  	v62 =	vmul.f32 v50, v53;
	v3 =	vadd.f32 v45, v3;
	v1 =	vadd.f32 v58, v1  }
0x1e1: {  	v9 =	vadd.f32 v59, v9;
	v10 =	vmul.f32 v55, v60;
	v2 =	vadd.f32 v56, v2  }
0x1e2: {  	v4 =	vmul.f32 v57, v60;
	v3 =	vadd.f32 v61, v3;
	v1 =	vadd.f32 v62, v1  }
0x1e3: {  	v63 =	vadd.f32 v10, v9;
	v2 =	vadd.f32 v7, v2  }
0x1e4: {  	v3 =	vadd.f32 v4, v3;
	v1 =	vadd.f32 v5, v1  }
0x1e5: {  	v2 =	vadd.f32 v2, v63  }
0x1e6: {  	s2 =	sshra.s32 s13, $0x2;
	v1 =	vadd.f32 v1, v3  }
0x1e7: {  	[tilespmem:s2+$0x16800] =	vst v2  }
0x1e8: {  	[tilespmem:s2+$0x16810] =	vst v1  }
0x1e9: {  	s12 =	sadd.s32 $0x1, s12;
	_ =	swait.ge [sflag:s6], $0x28  }
0x1ea: {  	p0 =	sne.s32 s12, $0x3E;
	[sflag:s6] =	ssyncset.done $0x0  }
.Ltmp3:
0x1eb: {  	[sflag:s6] =	ssyncadd.s32 $0xFFFFFFD8;
	(pc) =	sbr.rel @p0 .LBB2_4-.Ltmp3, $4  }
0x1ec: {  	[spmem:s1] =	stream.indirect.scatter.add.f32 [tilespmem:s28], [sflag:$0x7], $0x20, s31, s23, $0xb8;
	[tilespmem:$0x1E0D8] =	vst v63  }
0x1ed: {  	_ =	swait.ge [sflag:s24], $0x500  }
0x1ee: {  	[sflag:s24] =	ssyncset.done $0x0  }
0x1ef: {  	[sflag:s24] =	ssyncadd.s32 $0xFFFFFB00  }
0x1f0: {  	_ =	swait.ge [sflag:s10], $0xA000  }
0x1f1: {  	[sflag:s10] =	ssyncset.done $0x0  }
0x1f2: {  	[sflag:s10] =	ssyncadd.s32 $0xFFFF6000  }
0x1f3: {  	_ =	swait.ge [sflag:s0], $0x1400  }
0x1f4: {  	[sflag:s0] =	ssyncset.done $0x0  }
0x1f5: {  	s11 =	simm.s32 $0x200;
	[sflag:s0] =	ssyncadd.s32 $0xFFFFEC00  }
0x1f6: {  	v1 =	vld [tilespmem:s11+$0xF0]  }
0x1f7: {  	v2 =	vld [tilespmem:s11+$0xE0]  }
0x1f8: {  	v3 =	vld [tilespmem:s11+$0xD0]  }
0x1f9: {  	v9 =	vld [tilespmem:s11+$0x80]  }
0x1fa: {  	v4 =	vld [tilespmem:s11+$0xFFFFFFC0]  }
0x1fb: {  	v5 =	vld [tilespmem:s11+$0xFFFFFF40]  }
0x1fc: {  	v6 =	vld [tilespmem:s11+$0xFFFFFEE0]  }
0x1fd: {  	v7 =	vld [tilespmem:s11+$0xFFFFFEF0]  }
0x1fe: {  	v8 =	vld [tilespmem:s11+$0xFFFFFF10]  }
0x1ff: {  	s12 =	simm.s32 $0x14010;
	v10 =	vld [tilespmem:s11+$0xFFFFFEB0]  }
0x200: {  	v12 =	vld [tilespmem:s12+$0xFFFFFFF0]  }
0x201: {  	v11 =	vld [tilespmem:s11+$0xFFFFFED0]  }
0x202: {  	v13 =	vld [tilespmem:s11+$0xFFFFFFD0]  }
0x203: {  	v14 =	vld [tilespmem:s11+$0xFFFFFE00]  }
0x204: {  	v15 =	vld [tilespmem:s11+$0xFFFFFE40]  }
0x205: {  	v16 =	vld [tilespmem:s11+$0xFFFFFE10];
	v17 =	vbroadcast v12, $0x0;
	v19 =	vbroadcast v12, $0xB  }
0x206: {  	v18 =	vld [tilespmem:s11+$0xFFFFFF90];
	v21 =	vbroadcast v12, $0x2;
	v22 =	vbroadcast v12, $0xE  }
0x207: {  	v20 =	vld [tilespmem:s11+$0xFFFFFE50];
	v24 =	vbroadcast v12, $0xC;
	v27 =	vbroadcast v12, $0x4  }
0x208: {  	v23 =	vld [tilespmem:s11+$0xFFFFFF50];
	v29 =	vbroadcast v12, $0x8;
	v31 =	vbroadcast v12, $0x5  }
0x209: {  	v25 =	vld [tilespmem:s11+$0xFFFFFE90];
	v32 =	vbroadcast v12, $0x6;
	v35 =	vbroadcast v12, $0x3  }
0x20a: {  	v28 =	vld [tilespmem:s11+$0xFFFFFEA0];
	v59 =	vbroadcast v12, $0xD;
	v38 =	vbroadcast v12, $0xF  }
0x20b: {  	v30 =	vld [tilespmem:s11+$0xFFFFFE70];
	v14 =	vmul.f32 v14, v17;
	v15 =	vmul.f32 v15, v21  }
0x20c: {  	v26 =	vmul.f32 v4, v22;
	v4 =	vmul.f32 v16, v17;
	v16 =	vld [tilespmem:s11+$0xFFFFFE80]  }
0x20d: {  	v17 =	vbroadcast v12, $0xA;
	v20 =	vmul.f32 v20, v21;
	v21 =	vld [tilespmem:s11+$0xFFFFFE60]  }
0x20e: {  	v33 =	vld [tilespmem:s11+$0xFFFFFF00];
	v18 =	vmul.f32 v18, v24;
	v25 =	vmul.f32 v25, v27;
	v4 =	vadd.f32 $0.0e+00, v4  }
0x20f: {  	v34 =	vld [tilespmem:s11+$0xFFFFFE20];
	v28 =	vmul.f32 v28, v31;
	v11 =	vmul.f32 v11, v32;
	v14 =	vadd.f32 $0.0e+00, v14  }
0x210: {  	v8 =	vmul.f32 v8, v29;
	v13 =	vmul.f32 v13, v22;
	v4 =	vadd.f32 v20, v4;
	v20 =	vld [tilespmem:s11+$0xFFFFFEC0]  }
0x211: {  	v36 =	vld [tilespmem:s11+$0xFFFFFE30];
	v14 =	vadd.f32 v15, v14;
	v16 =	vmul.f32 v16, v27;
	v27 =	vbroadcast v12, $0x7  }
0x212: {  	v15 =	vmul.f32 v21, v35;
	v21 =	vmul.f32 v30, v35;
	v30 =	vld [tilespmem:s11+$0xFFFFFF80];
	v4 =	vadd.f32 v25, v4  }
0x213: {  	v23 =	vmul.f32 v23, v17;
	v25 =	vmul.f32 v10, v31;
	v10 =	vld [tilespmem:s11+$0xFFFFFF20];
	v14 =	vadd.f32 v16, v14  }
0x214: {  	v58 =	vld [tilespmem:s11+$0xFFFFFFB0];
	v16 =	vmul.f32 v33, v29;
	v29 =	vmul.f32 v7, v27;
	v11 =	vadd.f32 v11, v4  }
0x215: {  	v7 =	vbroadcast v12, $0x1;
	v4 =	vld [tilespmem:s12+$0x0];
	v20 =	vmul.f32 v20, v32  }
0x216: {  	v5 =	vmul.f32 v5, v17;
	v17 =	vbroadcast v12, $0x9;
	v8 =	vadd.f32 v8, v11;
	v11 =	vld [tilespmem:s11+$0xFFFFFF30]  }
0x217: {  	v60 =	vld [tilespmem:s11+$0x90];
	v27 =	vmul.f32 v6, v27;
	v22 =	vmul.f32 v34, v7;
	v6 =	vadd.f32 v20, v14  }
0x218: {  	v24 =	vmul.f32 v30, v24;
	v14 =	vld [tilespmem:s11+$0x1F0];
	v30 =	vmul.f32 v10, v17  }
0x219: {  	v31 =	vld [tilespmem:s11+$0x0];
	v8 =	vadd.f32 v23, v8;
	v23 =	vmul.f32 v36, v7;
	v6 =	vadd.f32 v16, v6  }
0x21a: {  	v20 =	vld [tilespmem:s11+$0x50];
	v22 =	vadd.f32 $0.0e+00, v22;
	v7 =	vbroadcast v4, $0xF;
	v10 =	vbroadcast v4, $0x3  }
0x21b: {  	v55 =	vmul.f32 v11, v17;
	v6 =	vadd.f32 v5, v6;
	v17 =	vadd.f32 $0.0e+00, v23;
	v23 =	vld [tilespmem:s11+$0xFFFFFF70]  }
0x21c: {  	v56 =	vbroadcast v4, $0x0;
	v57 =	vbroadcast v4, $0x4;
	v18 =	vadd.f32 v18, v8;
	v11 =	vld [tilespmem:s11+$0xFFFFFF60]  }
0x21d: {  	v12 =	vbroadcast v4, $0x8;
	v5 =	vmul.f32 v14, v7;
	v14 =	vadd.f32 v24, v6;
	v24 =	vld [tilespmem:s11+$0xFFFFFFA0]  }
0x21e: {  	v40 =	vbroadcast v4, $0x1;
	v8 =	vbroadcast v4, $0x9;
	v37 =	vadd.f32 v13, v18;
	v13 =	vld [tilespmem:s11+$0xFFFFFFE0]  }
0x21f: {  	v16 =	vld [tilespmem:s11+$0xC0];
	v15 =	vadd.f32 v15, v22;
	v63 =	vmul.f32 v60, v57;
	v9 =	vmul.f32 v9, v57  }
0x220: {  	v6 =	vbroadcast v4, $0xC;
	v14 =	vadd.f32 v26, v14;
	v26 =	vmul.f32 v23, v19;
	v23 =	vld [tilespmem:s11+$0x10]  }
0x221: {  	v17 =	vadd.f32 v21, v17;
	v22 =	vmul.f32 v11, v19;
	v11 =	vadd.f32 v28, v15;
	v28 =	vld [tilespmem:s11+$0x40]  }
0x222: {  	v15 =	vbroadcast v4, $0x6;
	v41 =	vmul.f32 v24, v59;
	v24 =	vld [tilespmem:s11+$0x100]  }
0x223: {  	v39 =	vld [tilespmem:s11+$0xFFFFFFF0];
	v21 =	vmul.f32 v31, v56;
	v18 =	vmul.f32 v13, v38;
	v13 =	vadd.f32 v25, v17  }
0x224: {  	v31 =	vld [tilespmem:s11+$0x140];
	v25 =	vbroadcast v4, $0x2;
	v27 =	vadd.f32 v27, v11;
	v11 =	vmul.f32 v16, v15  }
0x225: {  	v61 =	vld [tilespmem:s11+$0x20];
	v21 =	vadd.f32 v21, v14;
	v16 =	vbroadcast v4, $0xA;
	v14 =	vmul.f32 v23, v56  }
0x226: {  	v62 =	vld [tilespmem:s11+$0x30];
	v27 =	vadd.f32 v30, v27;
	v23 =	vadd.f32 v29, v13;
	v29 =	vmul.f32 v28, v25  }
0x227: {  	v25 =	vmul.f32 v20, v25;
	v28 =	vld [tilespmem:s11+$0x60];
	v13 =	vmul.f32 v24, v12;
	v24 =	vadd.f32 v14, v37  }
0x228: {  	v19 =	vmul.f32 v58, v59;
	v27 =	vadd.f32 v22, v27;
	v22 =	vld [tilespmem:s11+$0x70];
	v30 =	vadd.f32 v55, v23  }
0x229: {  	v17 =	vmul.f32 v39, v38;
	v14 =	vmul.f32 v31, v16;
	v23 =	vld [tilespmem:s11+$0xA0];
	v31 =	vadd.f32 v25, v24  }
0x22a: {  	v20 =	vadd.f32 v29, v21;
	v21 =	vmul.f32 v61, v40;
	v29 =	vadd.f32 v26, v30;
	v24 =	vld [tilespmem:s11+$0xB0]  }
0x22b: {  	s13 =	simm.s32 $0x0;
	s2 =	simm.s32 $0x80;
	s18 =	simm.s32 $0x200;
	v30 =	vadd.f32 v41, v27;
	v25 =	vmul.f32 v62, v40;
	v27 =	vld [tilespmem:s11+$0x110];
	v26 =	vadd.f32 v63, v31  }
.LBB2_10:
0x22c: {  	p0 =	sne.s32 s2, $0x1380;
	v19 =	vadd.f32 v19, v29;
	v28 =	vmul.f32 v28, v10;
	v29 =	vbroadcast v4, $0x5;
	v31 =	vld [tilespmem:s11+$0x180];
	s12 =	sadd.s32 $0x80, s12;
	s18 =	sadd.s32 $0x400, s18  }
0x22d: {  	s19 =	smov.u32 s2;
	s2 =	sadd.s32 $0x80, s2;
	v18 =	vadd.f32 v18, v30;
	v10 =	vmul.f32 v22, v10;
	v22 =	vbroadcast v4, $0x7;
	v30 =	vld [tilespmem:s11+$0x150]  }
0x22e: {  	v3 =	vmul.f32 v3, v15;
	v17 =	vadd.f32 v17, v19;
	v19 =	vmul.f32 v23, v29;
	v15 =	vld [tilespmem:s11+$0x120]  }
0x22f: {  	v18 =	vadd.f32 v21, v18;
	v21 =	vmul.f32 v24, v29;
	v2 =	vmul.f32 v2, v22;
	v23 =	vld [tilespmem:s11+$0x1E0]  }
0x230: {  	v3 =	vadd.f32 v3, v26;
	v17 =	vadd.f32 v25, v17;
	v12 =	vmul.f32 v27, v12;
	v24 =	vld [tilespmem:s11+$0x160]  }
0x231: {  	v9 =	vadd.f32 v9, v20;
	v1 =	vmul.f32 v1, v22;
	v18 =	vadd.f32 v28, v18;
	v20 =	vld [tilespmem:s11+$0x130]  }
0x232: {  	v10 =	vadd.f32 v10, v17;
	v3 =	vadd.f32 v12, v3;
	v12 =	vmul.f32 v30, v16;
	v16 =	vld [tilespmem:s11+$0x1A0]  }
0x233: {  	v17 =	vadd.f32 v19, v18;
	v15 =	vmul.f32 v15, v8;
	v18 =	vld [tilespmem:s11+$0x170];
	v19 =	vbroadcast v4, $0xB  }
0x234: {  	v9 =	vadd.f32 v11, v9;
	v10 =	vadd.f32 v21, v10;
	v11 =	vld [tilespmem:s11+$0x1B0];
	v7 =	vmul.f32 v23, v7  }
0x235: {  	v22 =	vbroadcast v4, $0xD;
	v2 =	vadd.f32 v2, v17;
	v17 =	vmul.f32 v24, v19;
	v21 =	vld [tilespmem:s11+$0x190]  }
0x236: {  	v3 =	vadd.f32 v12, v3;
	v1 =	vadd.f32 v1, v10;
	v8 =	vmul.f32 v20, v8;
	v10 =	vld [tilespmem:s11+$0x1C0]  }
0x237: {  	v9 =	vadd.f32 v13, v9;
	v2 =	vadd.f32 v15, v2;
	v12 =	vmul.f32 v16, v22;
	v13 =	vld [tilespmem:s11+$0x1D0];
	s11 =	smov.u32 s18  }
0x238: {  	v15 =	vmul.f32 v31, v6;
	v1 =	vadd.f32 v8, v1;
	v8 =	vmul.f32 v18, v19  }
0x239: {  	v9 =	vadd.f32 v14, v9;
	v4 =	vbroadcast v4, $0xE;
	v2 =	vadd.f32 v17, v2  }
0x23a: {  	v1 =	vadd.f32 v8, v1;
	v6 =	vmul.f32 v21, v6;
	v8 =	vmul.f32 v11, v22  }
0x23b: {  	v9 =	vadd.f32 v15, v9;
	v2 =	vadd.f32 v12, v2;
	v10 =	vmul.f32 v10, v4  }
0x23c: {  	v3 =	vadd.f32 v6, v3;
	v1 =	vadd.f32 v8, v1;
	v4 =	vmul.f32 v13, v4  }
0x23d: {  	v6 =	vadd.f32 v10, v9;
	v2 =	vadd.f32 v7, v2  }
0x23e: {  	v3 =	vadd.f32 v4, v3;
	v1 =	vadd.f32 v5, v1  }
0x23f: {  	v2 =	vadd.f32 v2, v6  }
0x240: {  	s7 =	sshra.s32 s13, $0x2;
	s13 =	smov.u32 s19;
	v1 =	vadd.f32 v1, v3  }
0x241: {  	[tilespmem:s7+$0x16800] =	vst v2  }
0x242: {  	[tilespmem:s7+$0x16810] =	vst v1  }
0x243: {  	v1 =	vld [tilespmem:s18+$0xF0]  }
0x244: {  	v2 =	vld [tilespmem:s18+$0xE0]  }
0x245: {  	v3 =	vld [tilespmem:s18+$0xD0]  }
0x246: {  	v9 =	vld [tilespmem:s18+$0x80]  }
0x247: {  	v4 =	vld [tilespmem:s18+$0xFFFFFFC0]  }
0x248: {  	v5 =	vld [tilespmem:s18+$0xFFFFFF40]  }
0x249: {  	v6 =	vld [tilespmem:s18+$0xFFFFFEE0]  }
0x24a: {  	v7 =	vld [tilespmem:s18+$0xFFFFFEF0]  }
0x24b: {  	v8 =	vld [tilespmem:s18+$0xFFFFFF10]  }
0x24c: {  	v10 =	vld [tilespmem:s18+$0xFFFFFEB0]  }
0x24d: {  	v11 =	vld [tilespmem:s18+$0xFFFFFED0]  }
0x24e: {  	v12 =	vld [tilespmem:s12+$0xFFFFFFF0]  }
0x24f: {  	v13 =	vld [tilespmem:s18+$0xFFFFFFD0]  }
0x250: {  	v14 =	vld [tilespmem:s18+$0xFFFFFE00]  }
0x251: {  	v15 =	vld [tilespmem:s18+$0xFFFFFE40]  }
0x252: {  	v16 =	vld [tilespmem:s18+$0xFFFFFE10]  }
0x253: {  	v17 =	vbroadcast v12, $0x0;
	v18 =	vbroadcast v12, $0xB;
	v19 =	vld [tilespmem:s18+$0xFFFFFF90]  }
0x254: {  	v21 =	vbroadcast v12, $0x2;
	v22 =	vbroadcast v12, $0xE;
	v20 =	vld [tilespmem:s18+$0xFFFFFE50]  }
0x255: {  	v24 =	vbroadcast v12, $0xC;
	v14 =	vmul.f32 v14, v17;
	v23 =	vld [tilespmem:s18+$0xFFFFFF50]  }
0x256: {  	v26 =	vmul.f32 v4, v22;
	v15 =	vmul.f32 v15, v21;
	v25 =	vld [tilespmem:s18+$0xFFFFFE90]  }
0x257: {  	v4 =	vadd.f32 $0.0e+00, v14;
	v14 =	vmul.f32 v16, v17;
	v16 =	vld [tilespmem:s18+$0xFFFFFE80];
	v17 =	vbroadcast v12, $0xA  }
0x258: {  	v27 =	vbroadcast v12, $0x4;
	v29 =	vbroadcast v12, $0x8;
	v28 =	vld [tilespmem:s18+$0xFFFFFEA0]  }
0x259: {  	v19 =	vmul.f32 v19, v24;
	v4 =	vadd.f32 v15, v4;
	v15 =	vmul.f32 v20, v21;
	v20 =	vld [tilespmem:s18+$0xFFFFFE60]  }
0x25a: {  	v30 =	vbroadcast v12, $0x5;
	v31 =	vbroadcast v12, $0x6;
	v14 =	vadd.f32 $0.0e+00, v14;
	v21 =	vld [tilespmem:s18+$0xFFFFFE70]  }
0x25b: {  	v23 =	vmul.f32 v23, v17;
	v25 =	vmul.f32 v25, v27;
	v32 =	vld [tilespmem:s18+$0xFFFFFF00]  }
0x25c: {  	v14 =	vadd.f32 v15, v14;
	v15 =	vmul.f32 v16, v27;
	v16 =	vld [tilespmem:s18+$0xFFFFFEC0];
	v27 =	vbroadcast v12, $0x7  }
0x25d: {  	v34 =	vbroadcast v12, $0x3;
	v33 =	vld [tilespmem:s18+$0xFFFFFE20];
	v28 =	vmul.f32 v28, v30  }
0x25e: {  	v14 =	vadd.f32 v25, v14;
	v25 =	vmul.f32 v10, v30;
	v10 =	vmul.f32 v11, v31;
	v35 =	vld [tilespmem:s18+$0xFFFFFE30]  }
0x25f: {  	v8 =	vmul.f32 v8, v29;
	v11 =	vmul.f32 v20, v34;
	v15 =	vadd.f32 v15, v4;
	v20 =	vld [tilespmem:s18+$0xFFFFFF20]  }
0x260: {  	v21 =	vmul.f32 v21, v34;
	v10 =	vadd.f32 v10, v14;
	v14 =	vmul.f32 v32, v29;
	v29 =	vld [tilespmem:s18+$0xFFFFFF80]  }
0x261: {  	v30 =	vmul.f32 v7, v27;
	v4 =	vld [tilespmem:s12+$0x0];
	v16 =	vmul.f32 v16, v31  }
0x262: {  	v7 =	vbroadcast v12, $0x1;
	v27 =	vmul.f32 v6, v27;
	v6 =	vadd.f32 v8, v10;
	v8 =	vld [tilespmem:s18+$0xFFFFFF30]  }
0x263: {  	v13 =	vmul.f32 v13, v22;
	v5 =	vmul.f32 v5, v17;
	v10 =	vadd.f32 v16, v15;
	v15 =	vld [tilespmem:s18+$0x1F0]  }
0x264: {  	v17 =	vbroadcast v12, $0x9;
	v16 =	vmul.f32 v33, v7;
	v6 =	vadd.f32 v23, v6;
	v22 =	vld [tilespmem:s18+$0x50]  }
0x265: {  	v23 =	vmul.f32 v35, v7;
	v10 =	vadd.f32 v14, v10;
	v14 =	vmul.f32 v29, v24;
	v24 =	vld [tilespmem:s18+$0xC0]  }
0x266: {  	v20 =	vmul.f32 v20, v17;
	v6 =	vadd.f32 v19, v6;
	v29 =	vld [tilespmem:s18+$0x0];
	v7 =	vbroadcast v4, $0xF  }
0x267: {  	v31 =	vmul.f32 v8, v17;
	v8 =	vadd.f32 v5, v10;
	v17 =	vld [tilespmem:s18+$0xFFFFFF60];
	v10 =	vbroadcast v4, $0x3  }
0x268: {  	v19 =	vadd.f32 $0.0e+00, v23;
	v32 =	vbroadcast v4, $0x0;
	v23 =	vld [tilespmem:s18+$0xFFFFFF70];
	v5 =	vmul.f32 v15, v7  }
0x269: {  	v33 =	vbroadcast v4, $0x4;
	v14 =	vadd.f32 v14, v8;
	v15 =	vld [tilespmem:s18+$0xFFFFFFA0];
	v8 =	vbroadcast v4, $0x9  }
0x26a: {  	v35 =	vbroadcast v12, $0xD;
	v16 =	vadd.f32 $0.0e+00, v16;
	v36 =	vadd.f32 v13, v6;
	v34 =	vld [tilespmem:s18+$0xFFFFFFB0]  }
0x26b: {  	v6 =	vbroadcast v4, $0xC;
	v13 =	vadd.f32 v26, v14;
	v14 =	vld [tilespmem:s18+$0xFFFFFFE0];
	v26 =	vbroadcast v12, $0xF  }
0x26c: {  	v11 =	vadd.f32 v11, v16;
	v12 =	vbroadcast v4, $0x8;
	v37 =	vmul.f32 v17, v18;
	v16 =	vld [tilespmem:s18+$0xFFFFFFF0]  }
0x26d: {  	v38 =	vbroadcast v4, $0x1;
	v17 =	vadd.f32 v21, v19;
	v21 =	vmul.f32 v23, v18;
	v23 =	vld [tilespmem:s18+$0x10]  }
0x26e: {  	v11 =	vadd.f32 v28, v11;
	v39 =	vmul.f32 v15, v35;
	v15 =	vbroadcast v4, $0x6;
	v28 =	vld [tilespmem:s18+$0x100]  }
0x26f: {  	v29 =	vmul.f32 v29, v32;
	v19 =	vmul.f32 v34, v35;
	v34 =	vld [tilespmem:s18+$0x40]  }
0x270: {  	v27 =	vadd.f32 v27, v11;
	v18 =	vmul.f32 v14, v26;
	v11 =	vmul.f32 v24, v15;
	v14 =	vld [tilespmem:s18+$0x140]  }
0x271: {  	v24 =	vadd.f32 v25, v17;
	v25 =	vbroadcast v4, $0x2;
	v17 =	vmul.f32 v16, v26;
	v26 =	vld [tilespmem:s18+$0x90]  }
0x272: {  	v29 =	vadd.f32 v29, v13;
	v16 =	vbroadcast v4, $0xA;
	v23 =	vmul.f32 v23, v32;
	v32 =	vld [tilespmem:s18+$0x20]  }
0x273: {  	v20 =	vadd.f32 v20, v27;
	v24 =	vadd.f32 v30, v24;
	v27 =	vld [tilespmem:s18+$0x30];
	v13 =	vmul.f32 v28, v12  }
.Ltmp4:
0x274: {  	v23 =	vadd.f32 v23, v36;
	v30 =	vmul.f32 v34, v25;
	v25 =	vmul.f32 v22, v25;
	v28 =	vld [tilespmem:s18+$0x60];
	(pc) =	sbr.rel @p0 .LBB2_10-.Ltmp4, $4  }
0x275: {  	v24 =	vadd.f32 v31, v24;
	v31 =	vadd.f32 v37, v20;
	v22 =	vld [tilespmem:s18+$0x70];
	v14 =	vmul.f32 v14, v16  }
0x276: {  	v20 =	vadd.f32 v30, v29;
	v34 =	vadd.f32 v25, v23;
	v26 =	vmul.f32 v26, v33;
	v23 =	vld [tilespmem:s18+$0xA0]  }
0x277: {  	v9 =	vmul.f32 v9, v33;
	v29 =	vadd.f32 v21, v24;
	v21 =	vmul.f32 v32, v38;
	v24 =	vld [tilespmem:s18+$0xB0]  }
0x278: {  	v30 =	vadd.f32 v39, v31;
	v25 =	vmul.f32 v27, v38;
	v26 =	vadd.f32 v26, v34;
	v27 =	vld [tilespmem:s18+$0x110]  }
0x279: {  	v19 =	vadd.f32 v19, v29;
	v28 =	vmul.f32 v28, v10;
	v35 =	vbroadcast v4, $0x5;
	v38 =	vld [tilespmem:s11+$0x150]  }
0x27a: {  	v37 =	vbroadcast v4, $0x7;
	v3 =	vmul.f32 v3, v15;
	v40 =	vld [tilespmem:s11+$0x120];
	v18 =	vadd.f32 v18, v30  }
0x27b: {  	v42 =	vld [tilespmem:s11+$0x1E0];
	v9 =	vadd.f32 v9, v20;
	v49 =	vbroadcast v4, $0xB;
	v17 =	vadd.f32 v17, v19  }
0x27c: {  	v43 =	vld [tilespmem:s11+$0x160];
	v53 =	vbroadcast v4, $0xD;
	v60 =	vbroadcast v4, $0xE;
	v18 =	vadd.f32 v21, v18  }
0x27d: {  	v44 =	vld [tilespmem:s11+$0x130];
	v36 =	vmul.f32 v22, v10;
	v39 =	vmul.f32 v23, v35;
	v17 =	vadd.f32 v25, v17  }
0x27e: {  	v46 =	vld [tilespmem:s11+$0x1A0];
	v2 =	vmul.f32 v2, v37;
	v3 =	vadd.f32 v3, v26;
	v18 =	vadd.f32 v28, v18  }
0x27f: {  	v48 =	vld [tilespmem:s11+$0x170];
	v9 =	vadd.f32 v11, v9;
	v41 =	vmul.f32 v24, v35;
	v10 =	vadd.f32 v36, v17  }
0x280: {  	v31 =	vld [tilespmem:s11+$0x180];
	v1 =	vmul.f32 v1, v37;
	v12 =	vmul.f32 v27, v12;
	v47 =	vadd.f32 v39, v18  }
0x281: {  	v52 =	vld [tilespmem:s11+$0x190];
	v9 =	vadd.f32 v13, v9;
	v45 =	vmul.f32 v38, v16;
	v10 =	vadd.f32 v41, v10  }
0x282: {  	v50 =	vld [tilespmem:s11+$0x1B0];
	v15 =	vmul.f32 v40, v8;
	v7 =	vmul.f32 v42, v7;
	v2 =	vadd.f32 v2, v47  }
0x283: {  	v55 =	vld [tilespmem:s11+$0x1C0];
	v51 =	vmul.f32 v43, v49;
	v54 =	vmul.f32 v44, v8;
	v1 =	vadd.f32 v1, v10  }
0x284: {  	v57 =	vld [tilespmem:s11+$0x1D0];
	v56 =	vmul.f32 v46, v53;
	v58 =	vmul.f32 v48, v49;
	v2 =	vadd.f32 v15, v2  }
0x285: {  	v59 =	vmul.f32 v31, v6;
	v3 =	vadd.f32 v12, v3;
	v1 =	vadd.f32 v54, v1  }
0x286: {  	v61 =	vmul.f32 v52, v6;
	v9 =	vadd.f32 v14, v9;
	v2 =	vadd.f32 v51, v2  }
0x287: {  	v62 =	vmul.f32 v50, v53;
	v3 =	vadd.f32 v45, v3;
	v1 =	vadd.f32 v58, v1  }
0x288: {  	v9 =	vadd.f32 v59, v9;
	v10 =	vmul.f32 v55, v60;
	v2 =	vadd.f32 v56, v2  }
0x289: {  	v4 =	vmul.f32 v57, v60;
	v3 =	vadd.f32 v61, v3;
	v1 =	vadd.f32 v62, v1  }
0x28a: {  	v63 =	vadd.f32 v10, v9;
	v2 =	vadd.f32 v7, v2  }
0x28b: {  	v3 =	vadd.f32 v4, v3;
	v1 =	vadd.f32 v5, v1  }
0x28c: {  	v2 =	vadd.f32 v2, v63  }
0x28d: {  	s2 =	sshra.s32 s13, $0x2;
	v1 =	vadd.f32 v1, v3  }
0x28e: {  	[tilespmem:s2+$0x16800] =	vst v2  }
0x28f: {  	[tilespmem:s2+$0x16810] =	vst v1  }
0x290: {  	_ =	swait.ge [sflag:s3], $0x28  }
0x291: {  	[sflag:s3] =	ssyncset.done $0x0  }
0x292: {  	[sflag:s3] =	ssyncadd.s32 $0xFFFFFFD8  }
0x293: {  	[spmem:s1] =	stream.indirect.scatter.add.f32 [tilespmem:s28], [sflag:$0x7], $0x20, s26, s23, $0xb8;
	[tilespmem:$0x1E0D8] =	vst v63  }
0x294: {  	_ =	swait.ge [sflag:s24], $0x500  }
0x295: {  	[sflag:s24] =	ssyncset.done $0x0  }
0x296: {  	[sflag:s24] =	ssyncadd.s32 $0xFFFFFB00  }
0x297: {  	[bflag:$0x0] =	sbarrier.arrive $0xFFFF  }
0x298: {  	s18 =	simm.s32 $0x180D8;
	s20 =	rddreg [dreg:$0x10]  }
0x299: {  	[tilespmem:s18], [sflag:$0x7] =	stream.linear.gather [spmem:s20], $0x800, $0x38;
	[tilespmem:$0x1E0D8] =	vst v63  }
0x29a: {  	_ =	swait.ge [sflag:s24], $0x800  }
0x29b: {  	[sflag:s24] =	ssyncset.done $0x0  }
0x29c: {  	s2 =	simm.s32 $0x180E8;
	[sflag:s24] =	ssyncadd.s32 $0xFFFFF800  }
0x29d: {  	s11 =	simm.s32 $0x0;
	v1 =	vld [tilespmem:s2+$0xFFFFFFF0]  }
0x29e: {  	s12 =	simm.s32 $0x20;
	s21 =	simm.s32 $0x0;
	s22 =	rddreg [dreg:$0x11];
	v2 =	vld [tilespmem:s2+$0x0]  }
.LBB2_12:
0x29f: {  	p0 =	sne.s32 s12, $0x7E0;
	_ =	sdelay $0x1  }
.Ltmp5:
0x2a0: {  	s7 =	sand.u32 $0x7E0, s11;
	s11 =	smov.u32 s12;
	(pc) =	sbr.rel @p0 .LBB2_12-.Ltmp5, $4  }
0x2a1: {  	s13 =	sadd.s32 $0x188D8, s7;
	[tilespmem:s7+$0x188D8] =	vst v1  }
0x2a2: {  	s2 =	sadd.s32 $0x20, s2;
	[tilespmem:s13+$0x10] =	vst v2  }
0x2a3: {  	v1 =	vld [tilespmem:s2+$0xFFFFFFF0]  }
0x2a4: {  	s12 =	sadd.s32 $0x20, s12;
	v2 =	vld [tilespmem:s2+$0x0]  }
0x2a5: {  	_ =	sdelay $0x1  }
0x2a6: {  	s2 =	sand.u32 $0x7E0, s11  }
0x2a7: {  	s7 =	sadd.s32 $0x188D8, s2;
	[tilespmem:s2+$0x188D8] =	vst v1  }
0x2a8: {  	s13 =	rddreg [dreg:$0x3];
	s2 =	simm.s32 $0x0;
	[tilespmem:s7+$0x10] =	vst v2  }
0x2a9: {  	[hbm4b:s13+s2] =	stream.linear.scatter [tilespmem:s8], [sflag:$0x7], $0x800, $0x38;
	[tilespmem:$0x1E0D8] =	vst v63  }
0x2aa: {  	_ =	swait.ge [sflag:s24], $0x800  }
0x2ab: {  	[sflag:s24] =	ssyncset.done $0x0  }
0x2ac: {  	s19 =	rddreg [dreg:$0x12];
	[sflag:s24] =	ssyncadd.s32 $0xFFFFF800  }
0x2ad: {  	[tilespmem:s18], [sflag:$0x7] =	stream.linear.gather [spmem:s19], $0x800, $0x38;
	[tilespmem:$0x1E0D8] =	vst v63  }
0x2ae: {  	_ =	swait.ge [sflag:s24], $0x800  }
0x2af: {  	[sflag:s24] =	ssyncset.done $0x0  }
0x2b0: {  	s11 =	simm.s32 $0x180E8;
	[sflag:s24] =	ssyncadd.s32 $0xFFFFF800  }
0x2b1: {  	v1 =	vld [tilespmem:s11+$0xFFFFFFF0]  }
0x2b2: {  	s12 =	simm.s32 $0x20;
	v2 =	vld [tilespmem:s11+$0x0]  }
.LBB2_14:
0x2b3: {  	p0 =	sne.s32 s12, $0x7E0;
	_ =	sdelay $0x1  }
.Ltmp6:
0x2b4: {  	s7 =	sand.u32 $0x7E0, s2;
	s2 =	smov.u32 s12;
	(pc) =	sbr.rel @p0 .LBB2_14-.Ltmp6, $4  }
0x2b5: {  	s13 =	sadd.s32 $0x188D8, s7;
	[tilespmem:s7+$0x188D8] =	vst v1  }
0x2b6: {  	s11 =	sadd.s32 $0x20, s11;
	[tilespmem:s13+$0x10] =	vst v2  }
0x2b7: {  	v1 =	vld [tilespmem:s11+$0xFFFFFFF0]  }
0x2b8: {  	s12 =	sadd.s32 $0x20, s12;
	v2 =	vld [tilespmem:s11+$0x0]  }
0x2b9: {  	_ =	sdelay $0x1  }
0x2ba: {  	s2 =	sand.u32 $0x7E0, s2  }
0x2bb: {  	s7 =	sadd.s32 $0x188D8, s2;
	[tilespmem:s2+$0x188D8] =	vst v1  }
0x2bc: {  	s13 =	rddreg [dreg:$0x4];
	s2 =	simm.s32 $0x0;
	[tilespmem:s7+$0x10] =	vst v2  }
0x2bd: {  	[hbm4b:s13+s2] =	stream.linear.scatter [tilespmem:s8], [sflag:$0x7], $0x800, $0x38;
	[tilespmem:$0x1E0D8] =	vst v63  }
0x2be: {  	_ =	swait.ge [sflag:s24], $0x800  }
0x2bf: {  	[sflag:s24] =	ssyncset.done $0x0  }
0x2c0: {  	s19 =	rddreg [dreg:$0x13];
	[sflag:s24] =	ssyncadd.s32 $0xFFFFF800  }
0x2c1: {  	[tilespmem:s18], [sflag:$0x7] =	stream.linear.gather [spmem:s19], $0x800, $0x38;
	[tilespmem:$0x1E0D8] =	vst v63  }
0x2c2: {  	_ =	swait.ge [sflag:s24], $0x800  }
0x2c3: {  	[sflag:s24] =	ssyncset.done $0x0  }
0x2c4: {  	s11 =	simm.s32 $0x180E8;
	[sflag:s24] =	ssyncadd.s32 $0xFFFFF800  }
0x2c5: {  	v1 =	vld [tilespmem:s11+$0xFFFFFFF0]  }
0x2c6: {  	s12 =	simm.s32 $0x20;
	v2 =	vld [tilespmem:s11+$0x0]  }
.LBB2_16:
0x2c7: {  	p0 =	sne.s32 s12, $0x7E0;
	_ =	sdelay $0x1  }
.Ltmp7:
0x2c8: {  	s7 =	sand.u32 $0x7E0, s2;
	s2 =	smov.u32 s12;
	(pc) =	sbr.rel @p0 .LBB2_16-.Ltmp7, $4  }
0x2c9: {  	s13 =	sadd.s32 $0x188D8, s7;
	[tilespmem:s7+$0x188D8] =	vst v1  }
0x2ca: {  	s11 =	sadd.s32 $0x20, s11;
	[tilespmem:s13+$0x10] =	vst v2  }
0x2cb: {  	v1 =	vld [tilespmem:s11+$0xFFFFFFF0]  }
0x2cc: {  	s12 =	sadd.s32 $0x20, s12;
	v2 =	vld [tilespmem:s11+$0x0]  }
0x2cd: {  	_ =	sdelay $0x1  }
0x2ce: {  	s2 =	sand.u32 $0x7E0, s2  }
0x2cf: {  	s7 =	sadd.s32 $0x188D8, s2;
	[tilespmem:s2+$0x188D8] =	vst v1  }
0x2d0: {  	s13 =	rddreg [dreg:$0x5];
	s2 =	simm.s32 $0x0;
	[tilespmem:s7+$0x10] =	vst v2  }
0x2d1: {  	[hbm4b:s13+s2] =	stream.linear.scatter [tilespmem:s8], [sflag:$0x7], $0x800, $0x38;
	[tilespmem:$0x1E0D8] =	vst v63  }
0x2d2: {  	_ =	swait.ge [sflag:s24], $0x800  }
0x2d3: {  	[sflag:s24] =	ssyncset.done $0x0  }
0x2d4: {  	s19 =	rddreg [dreg:$0x14];
	[sflag:s24] =	ssyncadd.s32 $0xFFFFF800  }
0x2d5: {  	[tilespmem:s18], [sflag:$0x7] =	stream.linear.gather [spmem:s19], $0x800, $0x38;
	[tilespmem:$0x1E0D8] =	vst v63  }
0x2d6: {  	_ =	swait.ge [sflag:s24], $0x800  }
0x2d7: {  	[sflag:s24] =	ssyncset.done $0x0  }
0x2d8: {  	s11 =	simm.s32 $0x180E8;
	[sflag:s24] =	ssyncadd.s32 $0xFFFFF800  }
0x2d9: {  	v1 =	vld [tilespmem:s11+$0xFFFFFFF0]  }
0x2da: {  	s12 =	simm.s32 $0x20;
	v2 =	vld [tilespmem:s11+$0x0]  }
.LBB2_18:
0x2db: {  	p0 =	sne.s32 s12, $0x7E0;
	_ =	sdelay $0x1  }
.Ltmp8:
0x2dc: {  	s7 =	sand.u32 $0x7E0, s2;
	s2 =	smov.u32 s12;
	(pc) =	sbr.rel @p0 .LBB2_18-.Ltmp8, $4  }
0x2dd: {  	s13 =	sadd.s32 $0x188D8, s7;
	[tilespmem:s7+$0x188D8] =	vst v1  }
0x2de: {  	s11 =	sadd.s32 $0x20, s11;
	[tilespmem:s13+$0x10] =	vst v2  }
0x2df: {  	v1 =	vld [tilespmem:s11+$0xFFFFFFF0]  }
0x2e0: {  	s12 =	sadd.s32 $0x20, s12;
	v2 =	vld [tilespmem:s11+$0x0]  }
0x2e1: {  	_ =	sdelay $0x1  }
0x2e2: {  	s2 =	sand.u32 $0x7E0, s2  }
0x2e3: {  	s7 =	sadd.s32 $0x188D8, s2;
	[tilespmem:s2+$0x188D8] =	vst v1  }
0x2e4: {  	s13 =	rddreg [dreg:$0x6];
	s2 =	simm.s32 $0x0;
	[tilespmem:s7+$0x10] =	vst v2  }
0x2e5: {  	[hbm4b:s13+s2] =	stream.linear.scatter [tilespmem:s8], [sflag:$0x7], $0x800, $0x38;
	[tilespmem:$0x1E0D8] =	vst v63  }
0x2e6: {  	_ =	swait.ge [sflag:s24], $0x800  }
0x2e7: {  	[sflag:s24] =	ssyncset.done $0x0  }
0x2e8: {  	s19 =	rddreg [dreg:$0x15];
	[sflag:s24] =	ssyncadd.s32 $0xFFFFF800  }
0x2e9: {  	[tilespmem:s18], [sflag:$0x7] =	stream.linear.gather [spmem:s19], $0x800, $0x38;
	[tilespmem:$0x1E0D8] =	vst v63  }
0x2ea: {  	_ =	swait.ge [sflag:s24], $0x800  }
0x2eb: {  	[sflag:s24] =	ssyncset.done $0x0  }
0x2ec: {  	s11 =	simm.s32 $0x180E8;
	[sflag:s24] =	ssyncadd.s32 $0xFFFFF800  }
0x2ed: {  	v1 =	vld [tilespmem:s11+$0xFFFFFFF0]  }
0x2ee: {  	s12 =	simm.s32 $0x20;
	v2 =	vld [tilespmem:s11+$0x0]  }
.LBB2_20:
0x2ef: {  	p0 =	sne.s32 s12, $0x7E0;
	_ =	sdelay $0x1  }
.Ltmp9:
0x2f0: {  	s7 =	sand.u32 $0x7E0, s2;
	s2 =	smov.u32 s12;
	(pc) =	sbr.rel @p0 .LBB2_20-.Ltmp9, $4  }
0x2f1: {  	s13 =	sadd.s32 $0x188D8, s7;
	[tilespmem:s7+$0x188D8] =	vst v1  }
0x2f2: {  	s11 =	sadd.s32 $0x20, s11;
	[tilespmem:s13+$0x10] =	vst v2  }
0x2f3: {  	v1 =	vld [tilespmem:s11+$0xFFFFFFF0]  }
0x2f4: {  	s12 =	sadd.s32 $0x20, s12;
	v2 =	vld [tilespmem:s11+$0x0]  }
0x2f5: {  	_ =	sdelay $0x1  }
0x2f6: {  	s2 =	sand.u32 $0x7E0, s2  }
0x2f7: {  	s7 =	sadd.s32 $0x188D8, s2;
	[tilespmem:s2+$0x188D8] =	vst v1  }
0x2f8: {  	s19 =	rddreg [dreg:$0x7];
	s2 =	simm.s32 $0x0;
	[tilespmem:s7+$0x10] =	vst v2  }
0x2f9: {  	[hbm4b:s19+s2] =	stream.linear.scatter [tilespmem:s8], [sflag:$0x7], $0x800, $0x38;
	[tilespmem:$0x1E0D8] =	vst v63  }
0x2fa: {  	_ =	swait.ge [sflag:s24], $0x800  }
0x2fb: {  	[sflag:s24] =	ssyncset.done $0x0  }
0x2fc: {  	[sflag:s24] =	ssyncadd.s32 $0xFFFFF800  }
0x2fd: {  	[tilespmem:s18], [sflag:$0x7] =	stream.linear.gather [spmem:s22], $0x800, $0x38;
	[tilespmem:$0x1E0D8] =	vst v63  }
0x2fe: {  	_ =	swait.ge [sflag:s24], $0x800  }
0x2ff: {  	[sflag:s24] =	ssyncset.done $0x0  }
0x300: {  	s11 =	simm.s32 $0x180E8;
	[sflag:s24] =	ssyncadd.s32 $0xFFFFF800  }
0x301: {  	v1 =	vld [tilespmem:s11+$0xFFFFFFF0]  }
0x302: {  	s12 =	simm.s32 $0x20;
	v2 =	vld [tilespmem:s11+$0x0]  }
.LBB2_22:
0x303: {  	p0 =	sne.s32 s12, $0x7E0;
	_ =	sdelay $0x1  }
.Ltmp10:
0x304: {  	s7 =	sand.u32 $0x7E0, s2;
	s2 =	smov.u32 s12;
	(pc) =	sbr.rel @p0 .LBB2_22-.Ltmp10, $4  }
0x305: {  	s13 =	sadd.s32 $0x188D8, s7;
	[tilespmem:s7+$0x188D8] =	vst v1  }
0x306: {  	s11 =	sadd.s32 $0x20, s11;
	[tilespmem:s13+$0x10] =	vst v2  }
0x307: {  	v1 =	vld [tilespmem:s11+$0xFFFFFFF0]  }
0x308: {  	s12 =	sadd.s32 $0x20, s12;
	v2 =	vld [tilespmem:s11+$0x0]  }
0x309: {  	_ =	sdelay $0x1  }
0x30a: {  	s2 =	sand.u32 $0x7E0, s2  }
0x30b: {  	s7 =	sadd.s32 $0x188D8, s2;
	[tilespmem:s2+$0x188D8] =	vst v1  }
0x30c: {  	s13 =	rddreg [dreg:$0x8];
	s2 =	simm.s32 $0x0;
	[tilespmem:s7+$0x10] =	vst v2  }
0x30d: {  	[hbm4b:s13+s2] =	stream.linear.scatter [tilespmem:s8], [sflag:$0x7], $0x800, $0x38;
	[tilespmem:$0x1E0D8] =	vst v63  }
0x30e: {  	_ =	swait.ge [sflag:s24], $0x800  }
0x30f: {  	[sflag:s24] =	ssyncset.done $0x0  }
0x310: {  	s19 =	rddreg [dreg:$0x16];
	[sflag:s24] =	ssyncadd.s32 $0xFFFFF800  }
0x311: {  	[tilespmem:s18], [sflag:$0x7] =	stream.linear.gather [spmem:s19], $0x800, $0x38;
	[tilespmem:$0x1E0D8] =	vst v63  }
0x312: {  	_ =	swait.ge [sflag:s24], $0x800  }
0x313: {  	[sflag:s24] =	ssyncset.done $0x0  }
0x314: {  	s11 =	simm.s32 $0x180E8;
	[sflag:s24] =	ssyncadd.s32 $0xFFFFF800  }
0x315: {  	v1 =	vld [tilespmem:s11+$0xFFFFFFF0]  }
0x316: {  	s12 =	simm.s32 $0x20;
	v2 =	vld [tilespmem:s11+$0x0]  }
.LBB2_24:
0x317: {  	p0 =	sne.s32 s12, $0x7E0;
	_ =	sdelay $0x1  }
.Ltmp11:
0x318: {  	s7 =	sand.u32 $0x7E0, s2;
	s2 =	smov.u32 s12;
	(pc) =	sbr.rel @p0 .LBB2_24-.Ltmp11, $4  }
0x319: {  	s13 =	sadd.s32 $0x188D8, s7;
	[tilespmem:s7+$0x188D8] =	vst v1  }
0x31a: {  	s11 =	sadd.s32 $0x20, s11;
	[tilespmem:s13+$0x10] =	vst v2  }
0x31b: {  	v1 =	vld [tilespmem:s11+$0xFFFFFFF0]  }
0x31c: {  	s12 =	sadd.s32 $0x20, s12;
	v2 =	vld [tilespmem:s11+$0x0]  }
0x31d: {  	_ =	sdelay $0x1  }
0x31e: {  	s2 =	sand.u32 $0x7E0, s2  }
0x31f: {  	s7 =	sadd.s32 $0x188D8, s2;
	[tilespmem:s2+$0x188D8] =	vst v1  }
0x320: {  	s13 =	rddreg [dreg:$0x9];
	s2 =	simm.s32 $0x0;
	[tilespmem:s7+$0x10] =	vst v2  }
0x321: {  	[hbm4b:s13+s2] =	stream.linear.scatter [tilespmem:s8], [sflag:$0x7], $0x800, $0x38;
	[tilespmem:$0x1E0D8] =	vst v63  }
0x322: {  	_ =	swait.ge [sflag:s24], $0x800  }
0x323: {  	[sflag:s24] =	ssyncset.done $0x0  }
0x324: {  	s19 =	rddreg [dreg:$0x17];
	[sflag:s24] =	ssyncadd.s32 $0xFFFFF800  }
0x325: {  	[tilespmem:s18], [sflag:$0x7] =	stream.linear.gather [spmem:s19], $0x800, $0x38;
	[tilespmem:$0x1E0D8] =	vst v63  }
0x326: {  	_ =	swait.ge [sflag:s24], $0x800  }
0x327: {  	[sflag:s24] =	ssyncset.done $0x0  }
0x328: {  	s11 =	simm.s32 $0x180E8;
	[sflag:s24] =	ssyncadd.s32 $0xFFFFF800  }
0x329: {  	v1 =	vld [tilespmem:s11+$0xFFFFFFF0]  }
0x32a: {  	s12 =	simm.s32 $0x20;
	v2 =	vld [tilespmem:s11+$0x0]  }
.LBB2_26:
0x32b: {  	p0 =	sne.s32 s12, $0x7E0;
	_ =	sdelay $0x1  }
.Ltmp12:
0x32c: {  	s7 =	sand.u32 $0x7E0, s2;
	s2 =	smov.u32 s12;
	(pc) =	sbr.rel @p0 .LBB2_26-.Ltmp12, $4  }
0x32d: {  	s13 =	sadd.s32 $0x188D8, s7;
	[tilespmem:s7+$0x188D8] =	vst v1  }
0x32e: {  	s11 =	sadd.s32 $0x20, s11;
	[tilespmem:s13+$0x10] =	vst v2  }
0x32f: {  	v1 =	vld [tilespmem:s11+$0xFFFFFFF0]  }
0x330: {  	s12 =	sadd.s32 $0x20, s12;
	v2 =	vld [tilespmem:s11+$0x0]  }
0x331: {  	_ =	sdelay $0x1  }
0x332: {  	s2 =	sand.u32 $0x7E0, s2  }
0x333: {  	s7 =	sadd.s32 $0x188D8, s2;
	[tilespmem:s2+$0x188D8] =	vst v1  }
0x334: {  	s13 =	rddreg [dreg:$0xa];
	s2 =	simm.s32 $0x0;
	[tilespmem:s7+$0x10] =	vst v2  }
0x335: {  	[hbm4b:s13+s2] =	stream.linear.scatter [tilespmem:s8], [sflag:$0x7], $0x800, $0x38;
	[tilespmem:$0x1E0D8] =	vst v63  }
0x336: {  	_ =	swait.ge [sflag:s24], $0x800  }
0x337: {  	[sflag:s24] =	ssyncset.done $0x0  }
0x338: {  	s19 =	rddreg [dreg:$0x18];
	[sflag:s24] =	ssyncadd.s32 $0xFFFFF800  }
0x339: {  	[tilespmem:s18], [sflag:$0x7] =	stream.linear.gather [spmem:s19], $0x800, $0x38;
	[tilespmem:$0x1E0D8] =	vst v63  }
0x33a: {  	_ =	swait.ge [sflag:s24], $0x800  }
0x33b: {  	[sflag:s24] =	ssyncset.done $0x0  }
0x33c: {  	s11 =	simm.s32 $0x180E8;
	[sflag:s24] =	ssyncadd.s32 $0xFFFFF800  }
0x33d: {  	v1 =	vld [tilespmem:s11+$0xFFFFFFF0]  }
0x33e: {  	s12 =	simm.s32 $0x20;
	v2 =	vld [tilespmem:s11+$0x0]  }
.LBB2_28:
0x33f: {  	p0 =	sne.s32 s12, $0x7E0;
	_ =	sdelay $0x1  }
.Ltmp13:
0x340: {  	s7 =	sand.u32 $0x7E0, s2;
	s2 =	smov.u32 s12;
	(pc) =	sbr.rel @p0 .LBB2_28-.Ltmp13, $4  }
0x341: {  	s13 =	sadd.s32 $0x188D8, s7;
	[tilespmem:s7+$0x188D8] =	vst v1  }
0x342: {  	s11 =	sadd.s32 $0x20, s11;
	[tilespmem:s13+$0x10] =	vst v2  }
0x343: {  	v1 =	vld [tilespmem:s11+$0xFFFFFFF0]  }
0x344: {  	s12 =	sadd.s32 $0x20, s12;
	v2 =	vld [tilespmem:s11+$0x0]  }
0x345: {  	_ =	sdelay $0x1  }
0x346: {  	s2 =	sand.u32 $0x7E0, s2  }
0x347: {  	s7 =	sadd.s32 $0x188D8, s2;
	[tilespmem:s2+$0x188D8] =	vst v1  }
0x348: {  	s13 =	rddreg [dreg:$0xb];
	s2 =	simm.s32 $0x0;
	[tilespmem:s7+$0x10] =	vst v2  }
0x349: {  	[hbm4b:s13+s2] =	stream.linear.scatter [tilespmem:s8], [sflag:$0x7], $0x800, $0x38;
	[tilespmem:$0x1E0D8] =	vst v63  }
0x34a: {  	_ =	swait.ge [sflag:s24], $0x800  }
0x34b: {  	[sflag:s24] =	ssyncset.done $0x0  }
0x34c: {  	s19 =	rddreg [dreg:$0x19];
	[sflag:s24] =	ssyncadd.s32 $0xFFFFF800  }
0x34d: {  	[tilespmem:s18], [sflag:$0x7] =	stream.linear.gather [spmem:s19], $0x800, $0x38;
	[tilespmem:$0x1E0D8] =	vst v63  }
0x34e: {  	_ =	swait.ge [sflag:s24], $0x800  }
0x34f: {  	[sflag:s24] =	ssyncset.done $0x0  }
0x350: {  	s11 =	simm.s32 $0x180E8;
	[sflag:s24] =	ssyncadd.s32 $0xFFFFF800  }
0x351: {  	v1 =	vld [tilespmem:s11+$0xFFFFFFF0]  }
0x352: {  	s12 =	simm.s32 $0x20;
	v2 =	vld [tilespmem:s11+$0x0]  }
.LBB2_30:
0x353: {  	p0 =	sne.s32 s12, $0x7E0;
	_ =	sdelay $0x1  }
.Ltmp14:
0x354: {  	s7 =	sand.u32 $0x7E0, s2;
	s2 =	smov.u32 s12;
	(pc) =	sbr.rel @p0 .LBB2_30-.Ltmp14, $4  }
0x355: {  	s13 =	sadd.s32 $0x188D8, s7;
	[tilespmem:s7+$0x188D8] =	vst v1  }
0x356: {  	s11 =	sadd.s32 $0x20, s11;
	[tilespmem:s13+$0x10] =	vst v2  }
0x357: {  	v1 =	vld [tilespmem:s11+$0xFFFFFFF0]  }
0x358: {  	s12 =	sadd.s32 $0x20, s12;
	v2 =	vld [tilespmem:s11+$0x0]  }
0x359: {  	_ =	sdelay $0x1  }
0x35a: {  	s2 =	sand.u32 $0x7E0, s2  }
0x35b: {  	s7 =	sadd.s32 $0x188D8, s2;
	[tilespmem:s2+$0x188D8] =	vst v1  }
0x35c: {  	s18 =	rddreg [dreg:$0xc];
	[tilespmem:s7+$0x10] =	vst v2  }
0x35d: {  	[hbm4b:s18+s21] =	stream.linear.scatter [tilespmem:s8], [sflag:$0x7], $0x800, $0x38;
	[tilespmem:$0x1E0D8] =	vst v63  }
0x35e: {  	_ =	swait.ge [sflag:s24], $0x800  }
0x35f: {  	s9 =	sadd.s32 $0x1, s9;
	s19 =	rddreg [dreg:$0x1a]  }
0x360: {  	p0 =	sne.s32 s9, s19  }
.Ltmp15:
0x361: {  	_ = 	snop;
	(pc) =	sbr.rel @p0 .LBB2_1-.Ltmp15, $3  }
0x362: {  	_ =	sdelay $0x1  }
0x363: {  	[sflag:s24] =	ssyncset.done $0x0  }
0x364: {  	[sflag:s24] =	ssyncadd.s32 $0xFFFFF800  }
0x365: {  	_ =	sfence.sel $0x180000  }
0x366: {  	[bflag:$0x0] =	sbarrier.arrive $0xFFFF  }
0x367: {  	_ =	strace $0x9000004A  }
0x368: {  	s0 =	stileid.u32;
	[bflag:$0x2] =	sbarrier.arrive $0xFFFF  }
0x369: {  	p0 =	sne.s32 s0, $0x0;
	s0 =	rddreg [dreg:$0x2]  }
0x36a: {  	s0 =	sadd.s32 @!p0 $0x100000, s0  }
0x36b: {  	[sflag:s0] =	ssyncadd.tile.s32 @!p0 $0x1;
	_ =	shalt  }
.Lfunc_end2:
_tile_overlayer_lowered:
.L_overlay_start_2:
0x36c: {  	(tag) =	ssettag $0x2  }
0x36d: {  	s0 =	rddreg [dreg:$0x0];
	s2 =	stileid.u32  }
0x36e: {  	s1 =	rddreg [dreg:$0x1];
	p0 =	sne.s32 s2, $0x0  }
0x36f: {  	s3 =	rddreg [dreg:$0x2];
	[bflag:$0x3] =	sbarrier.arrive $0xFFFF;
	s2 =	simm.s32 @!p0 $0x1C07  }
0x370: {  	[timem:s3], [sflag:s2] =	dma.local @!p0 [hbm:s0], s1  }
0x371: {  	s0 =	simm.s32 @!p0 $0x7  }
0x372: {  	_ =	swait.ge @!p0 [sflag:s0], s1  }
0x373: {  	s1 =	ssub.s32 @!p0 $0x0, s1;
	[sflag:s0] =	ssyncset.done @!p0 $0x0  }
0x374: {  	[sflag:s0] =	ssyncadd.s32 @!p0 s1  }
0x375: {  	[bflag:$0x3] =	sbarrier.arrive $0xFFFF  }
0x376: {  	_ =	shalt  }

// kernel: sparse-core-data-format-call.cloned.1.call-start
scs
called_computation_lowered:
.L_overlay_start_0:
0x0: {  	s2 =	sld [smem:$0x3FD9]  }
0x1: {  	s3 =	sld [smem:$0x3FFE];
	_ =	sdelay $0x1  }
0x2: {  	s1 =	srdreg.scid  }
0x3: {  	s0 =	sand.u32 $0x1, s1  }
0x4: {  	s18 =	sshll.u32 s0, $0xA;
	s2 =	sadd.s32 s3, s2  }
0x5: {  	s2 =	sadd.s32 s2, s18  }
0x6: {  	[smem:$0x3FC5] =	sst s2  }
0x7: {  	_ = 	snop  }
0x8: {  	s2 =	sld [smem:$0x3FC7];
	(tm) =	ssettm $0x1  }
0x9: {  	s19 =	sld [smem:$0x3FFB];
	_ =	sdelay $0x3  }
0xa: {  	_ =	strace s19  }
0xb: {  	s3 =	sld [smem:$0x3FFC];
	_ =	sdelay $0x3  }
0xc: {  	_ =	strace s3  }
0xd: {  	s3 =	sld [smem:$0x3FFD];
	_ =	sdelay $0x3  }
0xe: {  	_ =	strace s3  }
0xf: {  	_ =	strace $0x8FFFFFFF  }
0x10: {  	s20 =	sld [smem:$0x3FDB];
	_ =	sdelay $0x1  }
0x11: {  	s4 =	simm.s32 $_scs_section_size  }
0x12: {  	s5 =	simm.s32 $_size__tile_overlayer_lowered;
	s6 =	simm.s32 $_tile_overlayer_lowered  }
0x13: {  	s23 =	simm.s32 $0x1BFF;
	s22 =	sshll.u32 s6, $0x1;
	s3 =	sadd.s32 s4, s20  }
0x14: {  	s7 =	simm.s32 $0x0;
	s21 =	sshll.u32 s5, $0x1;
	s5 =	sadd.s32 s22, s3  }
0x15: {  	[timem:s7], [sflag:s23] =	dma.local [hbm:s5], s21  }
0x16: {  	_ =	swait.ge [sflag:s23], s21  }
0x17: {  	s4 =	ssub.s32 $0x0, s21;
	[sflag:s23] =	ssyncset.done $0x0  }
0x18: {  	[sflag:s23] =	ssyncadd.s32 s4;
	_ =	sdelay $0x1  }
0x19: {  	s24 =	simm.s32 $0x1B8B  }
0x1a: {  	_ =	swait.ge [sflag:s24], $0x1  }
0x1b: {  	[sflag:s24] =	ssyncset.done $0x0  }
0x1c: {  	s26 =	simm.s32 $0x1B8E;
	s25 =	sld [smem:$0x3FFE];
	[sflag:s24] =	ssyncadd.s32 $0xFFFFFFFF  }
0x1d: {  	s27 =	simm.s32 $execute0_lowered;
	[smem:$0x3FD2] =	sst s26  }
0x1e: {  	s5 =	sshll.u32 s27, $0x1;
	_ =	strace $0x80000046;
	[dreg:$0x1] =	wrdreg $0xFFFFFFFF  }
0x1f: {  	s28 =	simm.s32 $_size_execute0_lowered;
	s3 =	sadd.s32 s3, s5;
	[dreg:$0x0] =	wrdreg $0x0  }
0x20: {  	s5 =	sshll.u32 s28, $0x1;
	[dreg:$0x2] =	wrdreg s3  }
0x21: {  	[dreg:$0x3] =	wrdreg s5  }
0x22: {  	[dreg:$0x4] =	wrdreg $0xC0  }
0x23: {  	_ =	task [dreg:s7], $0x5FFFF  }
0x24: {  	[dreg:$0x1] =	wrdreg $0xFFFFFFFF  }
0x25: {  	[dreg:$0x0] =	wrdreg $0x60  }
0x26: {  	[dreg:$0x2] =	wrdreg s2  }
0x27: {  	[dreg:$0x3] =	wrdreg s25  }
0x28: {  	[dreg:$0x4] =	wrdreg $0x9  }
0x29: {  	_ =	task.clear_ibuf [dreg:s7], $0x5FFFF;
	_ =	strace $0x90000046  }
0x2a: {  	s29 =	simm.s32 $0x9;
	_ =	strace $0x80000048  }
0x2b: {  	_ =	swait.ge [sflag:s29], $0x1  }
0x2c: {  	[sflag:s29] =	ssyncadd.s32 $0xFFFFFFFF  }
0x2d: {  	_ =	strace $0x90000048  }
0x2e: {  	_ =	sfence  }
0x2f: {  	s30 =	sld [smem:$0x0];
	_ =	sdelay $0x2  }
0x30: {  	s31 =	sshll.u32 s1, $0xD;
	s1 =	sshrl.u32 s1, $0x2  }
0x31: {  	s3 =	sand.u32 $0x4000, s31;
	s1 =	sadd.s32 s1, s30  }
0x32: {  	s0 =	sor.u32 s3, s0;
	s1 =	sshll.u32 s1, $0x11  }
0x33: {  	s0 =	sor.u32 s1, s0  }
0x34: {  	s0 =	sadd.s32 $0x8F2B, s0  }
0x35: {  	[sflag:s0] =	ssyncadd.remote.s32 $0x1  }
0x36: {  	_ =	sfence.sel $0xFFFF  }
0x37: {  	[dreg:$0x0] =	wrdreg $0xFFFFFFFF;
	(pc) =	sbr.abs _section_cstart, $3  }
0x38: {  	[dreg:$0x1] =	wrdreg $0xFFFFFFFF  }
0x39: {  	_ =	task.clear_ibuf [dreg:s7], $0x2FFFF;
	_ =	strace $0x9FFFFFFF  }
0x3a: {  	(tm) =	ssettm $0x7FFFFFFF  }
0x3b: {  	_ =	shalt  }
tec
execute0_lowered:
.L_overlay_start_1:
0x0: {  	(tag) =	ssettag $0x1  }
0x1: {  	s0 =	stileid.u32;
	s2 =	rddreg [dreg:$0x0]  }
0x2: {  	s1 =	srdreg.scid;
	s4 =	rddreg [dreg:$0x1]  }
0x3: {  	s8 =	simm.s32 $0x1;
	s9 =	simm.s32 $0x2;
	s15 =	simm.s32 $0x0  }
0x4: {  	s14 =	simm.s32 $0x0;
	s3 =	sshll.u32 s0, $0x4;
	s1 =	sshll.u32 s1, $0x8  }
0x5: {  	s16 =	simm.s32 $0x0;
	s11 =	simm.s32 $0x0;
	s1 =	sor.u32 s3, s1  }
0x6: {  	s13 =	simm.s32 $0x0;
	s5 =	sand.u32 $0x7, s0;
	s3 =	sand.u32 $0x180, s1  }
0x7: {  	s4 =	sadd.s32 $0x600, s4;
	s12 =	smov.u32 s5;
	s7 =	ssub.s32 $0x27100, s3  }
.Ltmp0:
0x8: {  	s1 =	rddreg [dreg:$0x2];
	s6 =	sand.u32 $0x180, s7;
	(pc) =	sbr.rel .LBB1_1-.Ltmp0, $4  }
0x9: {  	_ =	strace $0x80000047;
	s10 =	smov.u32 s3;
	p0 =	sne.s32 s6, $0x0  }
0xa: {  	s7 =	sshrl.u32 s7, $0x9;
	s6 =	simm.s32 $0x1;
	s8 =	simm.s32 @!p0 $0x0  }
0xb: {  	[sflag:s6] =	ssyncpa.u1 $0x0;
	p0 =	por $0x0, $0x0;
	s7 =	sadd.s32 s8, s7  }
0xc: {  	[sflag:s9] =	ssyncpa.u1 $0x0;
	s9 =	simm.s32 $0x400;
	s8 =	sadd.s32 $0x1, s7  }
.LBB1_4:
0xd: {  	v5 =	vld [tilespmem:s20+$0xFFFFFFD0];
	[tilespmem:s19+$0x2040 ss:$0x81] =	vst.msk $0xffff, v1  }
0xe: {  	v58 =	vld [tilespmem:s20+$0xFFFFFFE0];
	[tilespmem:s19+$0x2850 ss:$0x81] =	vst.msk $0xffff, v2  }
0xf: {  	s21 =	sshra.s32 s21, $0x2;
	v59 =	vld [tilespmem:s20+$0xFFFFFFF0];
	[tilespmem:s19+$0x3060 ss:$0x81] =	vst.msk $0xffff, v3  }
0x10: {  	v60 =	vld [tilespmem:s20+$0x0];
	[tilespmem:s19+$0x0 ss:$0x81] =	vst.msk $0xffff, v0;
	s18 =	sadd.s32 s21, s18  }
0x11: {  	v61 =	vld [tilespmem:s20+$0x10];
	[tilespmem:s18+$0x3870 ss:$0x81] =	vst.msk $0xffff, v4  }
0x12: {  	v62 =	vld [tilespmem:s20+$0x20];
	[tilespmem:s18+$0x810 ss:$0x81] =	vst.msk $0xffff, v5  }
0x13: {  	v63 =	vld [tilespmem:s20+$0xFFFFFFC0];
	[tilespmem:s18+$0x1020 ss:$0x81] =	vst.msk $0xffff, v58  }
0x14: {  	s16 =	sshll.u32 s16, $0x4;
	[tilespmem:s18+$0x1830 ss:$0x81] =	vst.msk $0xffff, v59  }
0x15: {  	s15 =	sshll.u32 s15, $0x7;
	s16 =	sand.u32 $0x70, s16;
	[tilespmem:s18+$0x2040 ss:$0x81] =	vst.msk $0xffff, v60  }
0x16: {  	s30 =	sshrl.u32 s14, $0x3;
	s31 =	sand.u32 $0x7, s14;
	s16 =	sadd.s32 s4, s16;
	[tilespmem:s18+$0x2850 ss:$0x81] =	vst.msk $0xffff, v61  }
0x17: {  	s19 =	sand.u32 $0xF, s30;
	s14 =	sshll.u32 s31, $0x12;
	s15 =	sadd.s32 s15, s16;
	[tilespmem:s18+$0x3060 ss:$0x81] =	vst.msk $0xffff, v62  }
0x18: {  	s14 =	sor.u32 $0x80, s14;
	s15 =	sadd.s32 s19, s15;
	[tilespmem:s18+$0x0 ss:$0x81] =	vst.msk $0xffff, v63  }
0x19: {  	[hbm4b:s15+s14] =	stream.strided.scatter [tilespmem:s17], [sflag:$0x2], $0x4000, s9, s14, $0x20;
	[tilespmem:$0x10100] =	vst v63  }
.LBB1_5:
0x1a: {  	s17 =	sadd.s32 $0x200, s10  }
0x1b: {  	s14 =	sadd.s32 $0x80, s11;
	s18 =	smov.u32 s11;
	p2 =	sgt.s32 s17, $0x270FF  }
0x1c: {  	s18 =	smov.u32 @p2 s14  }
0x1d: {  	s20 =	smov.u32 s12;
	s14 =	sadd.s32 $0x8, s12;
	p3 =	sgt.s32 s18, $0x7F  }
0x1e: {  	s20 =	smov.u32 @p3 s14  }
0x1f: {  	s17 =	smov.u32 @p2 s3;
	p2 =	sgt.s32 s20, $0x7  }
0x20: {  	p1 =	slt.u32 s13, $0x2;
	s20 =	smov.u32 @p2 s5;
	p2 =	sne.s32 s13, s8  }
.Ltmp1:
0x21: {  	s19 =	simm.s32 @!p1 $0x2;
	(pc) =	sbr.rel @!p2 .LBB1_6-.Ltmp1, $4  }
0x22: {  	s15 =	smov.u32 s10;
	s16 =	smov.u32 s12;
	_ =	swait.ge @!p1 [sflag:s19], $0x4000  }
0x23: {  	p0 =	por !p0, !p0;
	[sflag:s19] =	ssyncset.done @!p1 $0x0;
	s10 =	smov.u32 s17  }
0x24: {  	s18 =	simm.s32 @p3 $0x0;
	s14 =	smov.u32 s11;
	[sflag:s19] =	ssyncadd.s32 @!p1 $0xFFFFC000  }
0x25: {  	s11 =	smov.u32 s18;
	s13 =	sadd.s32 $0x1, s13;
	s12 =	smov.u32 s20  }
.LBB1_1:
0x26: {  	p1 =	sge.u32 s13, s7  }
0x27: {  	s17 =	sshrl.u32 @!p1 s11, $0x3  }
0x28: {  	s18 =	sshll.u32 @!p1 s10, $0x3;
	s17 =	smul.u32 @!p1 $0x138800, s17  }
0x29: {  	s19 =	sshll.u32 @!p1 s11, $0x7;
	s18 =	sand.u32 @!p1 $0xFFFFFC00, s18  }
0x2a: {  	s17 =	sadd.s32 @!p1 s17, s18;
	s18 =	sand.u32 @!p1 $0x380, s19  }
0x2b: {  	s19 =	sand.u32 @!p1 $0x7F, s10;
	s17 =	sor.u32 @!p1 s18, s17  }
0x2c: {  	s18 =	sor.u32 @!p1 s19, s17  }
0x2d: {  	s19 =	smulhi.u32 @!p1 $0xD1B71759, s18  }
0x2e: {  	s17 =	smulhi.u32 @!p1 $0xD1B71759, s17  }
0x2f: {  	s19 =	sshrl.u32 @!p1 s19, $0x11  }
0x30: {  	s31 =	sadd.s32 $0xFFFFFFFF, s13;
	s17 =	sshrl.u32 @!p1 s17, $0x11;
	s19 =	smul.u32 @!p1 $0x27100, s19  }
0x31: {  	s20 =	sxor.u32 @!p1 $0xFFFFFFFF, s13;
	s21 =	smul.u32 @!p1 $0x271000, s12;
	s17 =	sand.u32 @!p1 $0x7F, s17  }
0x32: {  	s20 =	sshll.u32 @!p1 s20, $0xE;
	s17 =	smul.u32 @!p1 $0x4E20, s17;
	s18 =	ssub.s32 @!p1 s18, s19  }
0x33: {  	s19 =	sand.u32 @!p1 $0x4000, s20;
	s20 =	sadd.s32 @!p1 s2, s21;
	s21 =	sand.u32 @!p1 $0x7, s18  }
0x34: {  	s18 =	sshrl.u32 @!p1 s18, $0x3;
	s17 =	sadd.s32 @!p1 s17, s20;
	s20 =	sshll.u32 @!p1 s21, $0x12  }
0x35: {  	s17 =	sadd.s32 @!p1 s18, s17;
	s18 =	sor.u32 @!p1 $0x400, s20;
	s20 =	simm.s32 @!p1 $0x138800  }
0x36: {  	[tilespmem:s19], [sflag:$0x1] =	stream.strided.gather @!p1 [hbm4b:s17+s18], $0x4000, s20, s18, $0x38;
	[tilespmem:$0x10100] =	vst v63  }
0x37: {  	p1 =	sge.u32 s31, s7  }
.Ltmp2:
0x38: {  	_ = 	snop;
	(pc) =	sbr.rel @p1 .LBB1_5-.Ltmp2, $1  }
0x39: {  	_ =	sdelay $0x3  }
0x3a: {  	s17 =	simm.s32 $0x1  }
0x3b: {  	_ =	swait.ge [sflag:s6], $0x4000;
	s17 =	simm.s32 @!p0 $0x0  }
0x3c: {  	[sflag:s6] =	ssyncset.done $0x0;
	s18 =	sshll.u32 s17, $0xE  }
0x3d: {  	[sflag:s6] =	ssyncadd.s32 $0xFFFFC000;
	s20 =	sor.u32 $0x40, s18  }
0x3e: {  	s17 =	smul.u32 $0x10200, s17;
	v0 =	vld [tilespmem:s20+$0x30]  }
0x3f: {  	v3 =	vld [tilespmem:s20+$0xFFFFFFD0]  }
0x40: {  	s17 =	sshrl.u32 s17, $0x2;
	v4 =	vld [tilespmem:s20+$0xFFFFFFE0]  }
0x41: {  	v5 =	vld [tilespmem:s20+$0xFFFFFFF0];
	s18 =	sor.u32 $0x8000, s17  }
0x42: {  	s31 =	sand.u32 $0x1, s13;
	v1 =	vld [tilespmem:s20+$0x0];
	s19 =	sadd.s32 $0x0, s18  }
0x43: {  	v2 =	vld [tilespmem:s20+$0x10];
	s17 =	smul.u32 $0x10200, s31;
	[tilespmem:s19+$0x3870 ss:$0x81] =	vst.msk $0xffff, v0  }
0x44: {  	[tilespmem:s19+$0x810 ss:$0x81] =	vst.msk $0xffff, v3;
	v3 =	vld [tilespmem:s20+$0x20]  }
0x45: {  	s17 =	sshrl.u32 s17, $0x2;
	v0 =	vld [tilespmem:s20+$0xFFFFFFC0];
	[tilespmem:s19+$0x1020 ss:$0x81] =	vst.msk $0xffff, v4;
	s20 =	sadd.s32 $0x80, s20  }
0x46: {  	s21 =	simm.s32 $0x4;
	s22 =	simm.s32 $0x8;
	s17 =	sor.u32 $0x8000, s17;
	[tilespmem:s19+$0x1830 ss:$0x81] =	vst.msk $0xffff, v5;
	v4 =	vld [tilespmem:s20+$0x30]  }
.LBB1_3:
0x47: {  	p1 =	sne.s32 s22, $0x1FC;
	v5 =	vld [tilespmem:s20+$0xFFFFFFD0];
	[tilespmem:s19+$0x2040 ss:$0x81] =	vst.msk $0xffff, v1  }
0x48: {  	v6 =	vld [tilespmem:s20+$0xFFFFFFE0];
	[tilespmem:s19+$0x2850 ss:$0x81] =	vst.msk $0xffff, v2  }
0x49: {  	s23 =	sshra.s32 s21, $0x2;
	s21 =	smov.u32 s22;
	v7 =	vld [tilespmem:s20+$0xFFFFFFF0];
	[tilespmem:s19+$0x3060 ss:$0x81] =	vst.msk $0xffff, v3  }
.Ltmp3:
0x4a: {  	v1 =	vld [tilespmem:s20+$0x0];
	[tilespmem:s19+$0x0 ss:$0x81] =	vst.msk $0xffff, v0;
	s19 =	sadd.s32 s23, s18;
	(pc) =	sbr.rel @p1 .LBB1_3-.Ltmp3, $4  }
0x4b: {  	v2 =	vld [tilespmem:s20+$0x10];
	[tilespmem:s19+$0x3870 ss:$0x81] =	vst.msk $0xffff, v4  }
0x4c: {  	[tilespmem:s19+$0x810 ss:$0x81] =	vst.msk $0xffff, v5;
	v3 =	vld [tilespmem:s20+$0x20]  }
0x4d: {  	v0 =	vld [tilespmem:s20+$0xFFFFFFC0];
	[tilespmem:s19+$0x1020 ss:$0x81] =	vst.msk $0xffff, v6;
	s20 =	sadd.s32 $0x80, s20  }
0x4e: {  	s22 =	sadd.s32 $0x4, s22;
	v4 =	vld [tilespmem:s20+$0x30];
	[tilespmem:s19+$0x1830 ss:$0x81] =	vst.msk $0xffff, v7  }
.Ltmp4:
0x4f: {  	_ = 	snop;
	(pc) =	sbr.rel .LBB1_4-.Ltmp4, $1  }
0x50: {  	_ =	sdelay $0x3  }
.LBB1_6:
0x51: {  	_ =	sfence.sel $0x180000  }
0x52: {  	s2 =	simm.s32 $0x1;
	[bflag:$0x0] =	sbarrier.arrive $0xFFFF  }
0x53: {  	s31 =	simm.s32 $0x2;
	[sflag:s2] =	ssyncpa.u1 $0x1  }
0x54: {  	[sflag:s31] =	ssyncpa.u1 $0x1  }
0x55: {  	p0 =	sne.s32 s0, $0x0;
	_ =	strace $0x90000047  }
0x56: {  	s0 =	sadd.s32 @!p0 $0x100000, s1;
	[bflag:$0x2] =	sbarrier.arrive $0xFFFF  }
0x57: {  	[sflag:s0] =	ssyncadd.tile.s32 @!p0 $0x1;
	_ =	shalt  }
.Lfunc_end1:
_tile_overlayer_lowered:
.L_overlay_start_2:
0x58: {  	(tag) =	ssettag $0x2  }
0x59: {  	s0 =	rddreg [dreg:$0x0];
	s2 =	stileid.u32  }
0x5a: {  	s1 =	rddreg [dreg:$0x1];
	p0 =	sne.s32 s2, $0x0  }
0x5b: {  	s3 =	rddreg [dreg:$0x2];
	[bflag:$0x3] =	sbarrier.arrive $0xFFFF;
	s2 =	simm.s32 @!p0 $0x1C01  }
0x5c: {  	[timem:s3], [sflag:s2] =	dma.local @!p0 [hbm:s0], s1  }
0x5d: {  	s0 =	simm.s32 @!p0 $0x1  }
0x5e: {  	_ =	swait.ge @!p0 [sflag:s0], s1  }
0x5f: {  	s1 =	ssub.s32 @!p0 $0x0, s1;
	[sflag:s0] =	ssyncset.done @!p0 $0x0  }
0x60: {  	[sflag:s0] =	ssyncadd.s32 @!p0 s1  }
0x61: {  	[bflag:$0x3] =	sbarrier.arrive $0xFFFF  }
0x62: {  	_ =	shalt  }

</sc_bundles>
